<compile_context>
chip_gen: v7x
topology: tpu7x:2x2x1
jax: 0.10.2.dev20260603
libtpu: 0.0.44.dev20260713+nightly
codegen_flags: <defaults>
</compile_context>

<pallas_src>
import functools

import jax
import jax.numpy as jnp
from jax import lax
from jax.experimental import pallas as pl
from jax.experimental.pallas import tpu as pltpu
from jax.experimental.pallas import tpu_sc as plsc

NROWS = 32768
NCOLS = 512
NSEG = 16
CORES = 2
HALF = NCOLS // CORES
NV = HALF // 16
RBLK = 16
NBUF = 8
UNROLL = 4

_NEG_INF = float("-inf")


def _dmax_body(x_hbm, sizes_hbm, out_hbm,
               sv, buf_v, part_v, mbuf_v, res_v, sem, spmem):
    half = lax.axis_index("c")
    tile = lax.axis_index("s")

    pltpu.sync_copy(sizes_hbm, sv)
    sizes_v = sv[...]
    ends_v = plsc.cumsum(sizes_v)
    starts_v = ends_v - sizes_v
    lane = lax.broadcasted_iota(jnp.int32, (16,), 0)

    total = jnp.sum(jnp.where(lane == NSEG - 1, ends_v, 0))
    q = (total + NSEG - 1) // NSEG
    lo = tile * q
    hi = jnp.minimum(lo + q, total)

    col0 = pl.multiple_of(half * HALF, 128)

    def init_body(r, _):
        for c in range(NV):
            part_v[r, pl.ds(c * 16, 16)] = jnp.full((16,), _NEG_INF, jnp.float32)
        return 0

    lax.fori_loop(0, NSEG, init_body, 0)

    sid_lo = jnp.sum((ends_v <= lo).astype(jnp.int32))
    sid_hi = jnp.sum((starts_v < hi).astype(jnp.int32))

    acc0 = tuple(jnp.full((16,), _NEG_INF, jnp.float32) for _ in range(NV))

    def seg_body(i, _):
        selm = lane == i
        ai = jnp.sum(jnp.where(selm, starts_v, 0))
        bi = jnp.sum(jnp.where(selm, ends_v, 0))
        a2 = jnp.maximum(ai, lo)
        b2 = jnp.minimum(bi, hi)
        a8 = (a2 // 8) * 8
        nblk = (b2 - a8 + RBLK - 1) // RBLK

        def row_of(k):
            return pl.multiple_of(jnp.minimum(a8 + k * RBLK, NROWS - RBLK), 8)

        def dma(k):
            return pltpu.make_async_copy(
                x_hbm.at[pl.ds(row_of(k), RBLK), pl.ds(col0, HALF)],
                buf_v.at[k % NBUF],
                sem.at[k % NBUF],
            )

        dma(0).start()
        for p in range(1, NBUF - 1):
            @pl.when(p < nblk)
            def _(p=p):
                dma(p).start()

        def blk_body(k, acc):
            dma(k).wait()

            @pl.when(k + NBUF - 1 < nblk)
            def _():
                dma(k + NBUF - 1).start()

            s = row_of(k)
            k2 = k % NBUF

            def row_body(r0, acc2):
                r = r0 * UNROLL
                cur = list(acc2)
                for j in range(UNROLL):
                    g = s + r + j
                    ok = (g >= a2) & (g < b2)
                    for c in range(NV):
                        v = buf_v[k2, r + j, pl.ds(c * 16, 16)]
                        cur[c] = jnp.maximum(cur[c], jnp.where(ok, v, _NEG_INF))
                return tuple(cur)

            return lax.fori_loop(0, RBLK // UNROLL, row_body, acc)

        acc = lax.fori_loop(0, nblk, blk_body, acc0)
        for c in range(NV):
            part_v[i, pl.ds(c * 16, 16)] = acc[c]
        return 0

    lax.fori_loop(sid_lo, sid_hi, seg_body, 0)

    for i in range(NSEG):
        pltpu.sync_copy(part_v.at[i], spmem.at[half, i, tile])
    plsc.subcore_barrier()

    pltpu.sync_copy(spmem.at[half, tile], mbuf_v)

    def mrg_body(w, acc):
        return tuple(
            jnp.maximum(acc[c], mbuf_v[w, pl.ds(c * 16, 16)]) for c in range(NV)
        )

    macc = lax.fori_loop(0, NSEG, mrg_body, acc0)
    for c in range(NV):
        res_v[pl.ds(c * 16, 16)] = macc[c]
    off = pl.multiple_of(tile * NCOLS + col0, 256)
    pltpu.sync_copy(res_v, out_hbm.at[pl.ds(off, HALF)])


@jax.jit
def _dmax(x, sizes):
    mesh = plsc.VectorSubcoreMesh(
        core_axis_name="c", subcore_axis_name="s", num_cores=CORES)
    return pl.kernel(
        _dmax_body,
        out_type=jax.ShapeDtypeStruct((NSEG * NCOLS,), jnp.float32),
        mesh=mesh,
        compiler_params=pltpu.CompilerParams(needs_layout_passes=False),
        scratch_types=[
            pltpu.VMEM((16,), jnp.int32),
            pltpu.VMEM((NBUF, RBLK, HALF), jnp.float32),
            pltpu.VMEM((NSEG, HALF), jnp.float32),
            pltpu.VMEM((NSEG, HALF), jnp.float32),
            pltpu.VMEM((HALF,), jnp.float32),
            pltpu.SemaphoreType.DMA((NBUF,)),
            pltpu.VMEM_SHARED((CORES, NSEG, NSEG, HALF), jnp.float32),
        ],
    )(x, sizes)


def kernel(input, sizes):
    return _dmax(input, sizes.astype(jnp.int32)).reshape(NSEG, NCOLS)

# --- scband reference (transcript-rebuilt; emitter-appended) ---
"""Pipeline reference for scband-dmax-34187939676516 (READ-ONLY COPY).

The authoritative reference and input builder live on the scoring server;
editing this copy changes nothing except your own understanding.
"""

import jax, jax.numpy as jnp
import numpy as np

WINDOW_SIZE = 1  # init_kwargs windowSize

def setup_inputs(seed: int = 0) -> dict:
    key = jax.random.key(seed)
    k1, k2 = jax.random.split(key)
    x = jax.random.normal(k1, (32768, 512), dtype=jnp.float32)
    sizes = jax.random.randint(k2, (16,), 0, 2048)
    # guard against zero-length segments (torch.max over empty slice is invalid)
    sizes = jnp.clip(sizes, 1, None)
    return {"input": x, "sizes": sizes}

def reference(input, sizes):
    # DMax.forward: for each segment i of length sizes[i] (laid out contiguously
    # in `input`), output[i] = max over rows [start_i : start_i + sizes[i] - windowSize + 1].
    x = input
    B = sizes.shape[0]
    total = x.shape[0]
    offsets = jnp.cumsum(sizes)            # end offsets of each segment
    starts = offsets - sizes               # start offsets
    pos = jnp.arange(total)
    ids = jnp.searchsorted(offsets, pos, side='right')  # segment id per row; == B past the end
    ids_c = jnp.clip(ids, 0, B - 1)
    within = pos - starts[ids_c]
    # row participates in max iff it is within the first (sizes[i]-windowSize+1) rows of segment i
    valid = (ids < B) & (within < (sizes[ids_c] - WINDOW_SIZE + 1))
    xm = jnp.where(valid[:, None], x, jnp.full_like(x, -jnp.inf))
    out = jax.ops.segment_max(xm, ids_c, num_segments=B)
    return out

if __name__ == "__main__":
    import jax
    _d = setup_inputs()
    print(jax.jit(kernel)(*tuple(_d.values())))

</pallas_src>

<mosaic_0001>
#map = affine_map<(d0, d1) -> (0, 0)>
#map1 = affine_map<(d0, d1) -> (0)>
module attributes {stable_mosaic.version = 14 : i64} {
  func.func @_dmax_body(%arg0: i32, %arg1: i32, %arg2: memref<32768x512xf32, #tpu.memory_space<hbm>>, %arg3: memref<16xi32, #tpu.memory_space<hbm>>, %arg4: memref<8192xf32, #tpu.memory_space<hbm>>, %arg5: memref<16xi32, #tpu.memory_space<vmem>>, %arg6: memref<8x16x256xf32, #tpu.memory_space<vmem>>, %arg7: memref<16x256xf32, #tpu.memory_space<vmem>>, %arg8: memref<16x256xf32, #tpu.memory_space<vmem>>, %arg9: memref<256xf32, #tpu.memory_space<vmem>>, %arg10: memref<8x!tpu.dma_semaphore, #tpu.memory_space<semaphore_mem>>, %arg11: memref<2x16x16x256xf32, #tpu.memory_space<vmem_shared>>) attributes {dimension_semantics = [#tpu.dimension_semantics<core_parallel>, #tpu.dimension_semantics<subcore_parallel>], iteration_bounds = array<i64: 2, 16>, scalar_prefetch = 0 : i64, scratch_operands = 7 : i64, tpu.core_type = #tpu.core_type<sc_vector_subcore>, window_params = [{transform_indices = #map}, {transform_indices = #map1}, {transform_indices = #map1}]} {
    "tpu.region"() ({
      %run_scoped3A_164 = tpu.sem_alloc : memref<!tpu.dma_semaphore, #tpu.memory_space<semaphore_mem>>
      tpu.enqueue_dma source(%arg3 : memref<16xi32, #tpu.memory_space<hbm>>) target(%arg5 : memref<16xi32, #tpu.memory_space<vmem>>) target_semaphore(%run_scoped3A_164 : memref<!tpu.dma_semaphore, #tpu.memory_space<semaphore_mem>>)
      tpu.wait_dma2 semaphore(%run_scoped3A_164 : memref<!tpu.dma_semaphore, #tpu.memory_space<semaphore_mem>>) src(%arg3 : memref<16xi32, #tpu.memory_space<hbm>>) dst(%arg5 : memref<16xi32, #tpu.memory_space<vmem>>)
      tpu.yield
    }) : () -> ()
    %get3A = arith.constant 0 : index
    %get3A_0 = tpu.vector_load %arg5[%get3A] {strides = array<i32>} : memref<16xi32, #tpu.memory_space<vmem>>, vector<16xi32>,
    %broadcast_in_dim3A = arith.constant true
    %broadcast_in_dim3A_1 = vector.broadcast %broadcast_in_dim3A : i1 to vector<16xi1>
    %masked_cumsum3A = tpu.scan <sum>, %get3A_0 masked %broadcast_in_dim3A_1 : vector<16xi32>, vector<16xi1> -> vector<16xi32>
    %sub3A = arith.subi %masked_cumsum3A, %get3A_0 : vector<16xi32>
    %iota3A = tpu.iota {dimensions = array<i32: 0>} : vector<16xi32>
    %eq3A = arith.constant 15 : i32
    %eq3A_2 = vector.broadcast %eq3A : i32 to vector<16xi32>
    %eq3A_3 = arith.cmpi eq, %iota3A, %eq3A_2 : vector<16xi32>
    %jit3A = arith.constant 0 : i32
    %broadcast_in_dim3A_4 = vector.broadcast %jit3A : i32 to vector<16xi32>
    %select_n3A = arith.select %eq3A_3, %masked_cumsum3A, %broadcast_in_dim3A_4 : vector<16xi1>, vector<16xi32>
    %reduce_sum3A = arith.constant true
    %reduce_sum3A_5 = vector.broadcast %reduce_sum3A : i1 to vector<16xi1>
    %reduce_sum3A_6 = tpu.scan <sum>, %select_n3A masked %reduce_sum3A_5 : vector<16xi32>, vector<16xi1> -> vector<16xi32>
    %reduce_sum3A_7 = vector.extract %reduce_sum3A_6[15] : i32 from vector<16xi32>
    %add3A = arith.constant 16 : i32
    %add3A_8 = arith.addi %reduce_sum3A_7, %add3A : i32
    %sub3A_9 = arith.constant 1 : i32
    %sub3A_10 = arith.subi %add3A_8, %sub3A_9 : i32
    %jit3A_11 = arith.constant 16 : i32
    %div3A = arith.divsi %sub3A_10, %jit3A_11 : i32
    %sign3A = arith.constant 0 : i32
    %sign3A_12 = arith.cmpi sgt, %sub3A_10, %sign3A : i32
    %sign3A_13 = arith.extui %sign3A_12 : i1 to i32
    %sign3A_14 = arith.constant 0 : i32
    %sign3A_15 = arith.cmpi slt, %sub3A_10, %sign3A_14 : i32
    %sign3A_16 = arith.extui %sign3A_15 : i1 to i32
    %sign3A_17 = arith.subi %sign3A_13, %sign3A_16 : i32
    %sign3A_18 = arith.constant 0 : i32
    %sign3A_19 = arith.cmpi sgt, %jit3A_11, %sign3A_18 : i32
    %sign3A_20 = arith.extui %sign3A_19 : i1 to i32
    %sign3A_21 = arith.constant 0 : i32
    %sign3A_22 = arith.cmpi slt, %jit3A_11, %sign3A_21 : i32
    %sign3A_23 = arith.extui %sign3A_22 : i1 to i32
    %sign3A_24 = arith.subi %sign3A_20, %sign3A_23 : i32
    %ne3A = arith.cmpi ne, %sign3A_17, %sign3A_24 : i32
    %rem3A = arith.remsi %sub3A_10, %jit3A_11 : i32
    %ne3A_25 = arith.constant 0 : i32
    %ne3A_26 = arith.cmpi ne, %rem3A, %ne3A_25 : i32
    %and3A = arith.andi %ne3A, %ne3A_26 : i1
    %sub3A_27 = arith.constant 1 : i32
    %sub3A_28 = arith.subi %div3A, %sub3A_27 : i32
    %select_n3A_29 = arith.select %and3A, %sub3A_28, %div3A : i32
    %mul3A = arith.muli %arg1, %select_n3A_29 : i32
    %add3A_30 = arith.addi %mul3A, %select_n3A_29 : i32
    %min3A = arith.minsi %add3A_30, %reduce_sum3A_7 : i32
    %mul3A_31 = arith.constant 256 : i32
    %mul3A_32 = arith.muli %arg0, %mul3A_31 : i32
    %multiple_of3A = tpu.assume_multiple %mul3A_32, 128 : i32
    %scan3A = arith.constant 0 : i32
    %scan3A_33 = arith.constant 0 : i32
    %scan3A_34 = arith.constant 16 : i32
    %scan3A_35 = arith.addi %scan3A_33, %scan3A_34 : i32
    %scan3A_36 = arith.constant 1 : i32
    %scan3A_37 = scf.for %scan3A_164 = %scan3A_33 to %scan3A_35 step %scan3A_36 iter_args(%scan3A_165 = %scan3A) -> (i32)  : i32 {
      %broadcast_in_dim3A_166 = arith.constant 0xFF800000 : f32
      %broadcast_in_dim3A_167 = vector.broadcast %broadcast_in_dim3A_166 : f32 to vector<16xf32>
      %swap3A_168 = arith.index_cast %scan3A_164 : i32 to index
      %swap3A_169 = arith.constant 0 : index
      %swap3A_170 = tpu.vector_load %arg7[%swap3A_168, %swap3A_169] {strides = array<i32>} : memref<16x256xf32, #tpu.memory_space<vmem>>, vector<16xf32>,
      tpu.vector_store %arg7[%swap3A_168, %swap3A_169], %broadcast_in_dim3A_167 {strides = array<i32>} : memref<16x256xf32, #tpu.memory_space<vmem>>, vector<16xf32>,
      %broadcast_in_dim3A_171 = arith.constant 0xFF800000 : f32
      %broadcast_in_dim3A_172 = vector.broadcast %broadcast_in_dim3A_171 : f32 to vector<16xf32>
      %swap3A_173 = arith.index_cast %scan3A_164 : i32 to index
      %swap3A_174 = arith.constant 16 : index
      %swap3A_175 = tpu.vector_load %arg7[%swap3A_173, %swap3A_174] {strides = array<i32>} : memref<16x256xf32, #tpu.memory_space<vmem>>, vector<16xf32>,
      tpu.vector_store %arg7[%swap3A_173, %swap3A_174], %broadcast_in_dim3A_172 {strides = array<i32>} : memref<16x256xf32, #tpu.memory_space<vmem>>, vector<16xf32>,
      %broadcast_in_dim3A_176 = arith.constant 0xFF800000 : f32
      %broadcast_in_dim3A_177 = vector.broadcast %broadcast_in_dim3A_176 : f32 to vector<16xf32>
      %swap3A_178 = arith.index_cast %scan3A_164 : i32 to index
      %swap3A_179 = arith.constant 32 : index
      %swap3A_180 = tpu.vector_load %arg7[%swap3A_178, %swap3A_179] {strides = array<i32>} : memref<16x256xf32, #tpu.memory_space<vmem>>, vector<16xf32>,
      tpu.vector_store %arg7[%swap3A_178, %swap3A_179], %broadcast_in_dim3A_177 {strides = array<i32>} : memref<16x256xf32, #tpu.memory_space<vmem>>, vector<16xf32>,
      %broadcast_in_dim3A_181 = arith.constant 0xFF800000 : f32
      %broadcast_in_dim3A_182 = vector.broadcast %broadcast_in_dim3A_181 : f32 to vector<16xf32>
      %swap3A_183 = arith.index_cast %scan3A_164 : i32 to index
      %swap3A_184 = arith.constant 48 : index
      %swap3A_185 = tpu.vector_load %arg7[%swap3A_183, %swap3A_184] {strides = array<i32>} : memref<16x256xf32, #tpu.memory_space<vmem>>, vector<16xf32>,
      tpu.vector_store %arg7[%swap3A_183, %swap3A_184], %broadcast_in_dim3A_182 {strides = array<i32>} : memref<16x256xf32, #tpu.memory_space<vmem>>, vector<16xf32>,
      %broadcast_in_dim3A_186 = arith.constant 0xFF800000 : f32
      %broadcast_in_dim3A_187 = vector.broadcast %broadcast_in_dim3A_186 : f32 to vector<16xf32>
      %swap3A_188 = arith.index_cast %scan3A_164 : i32 to index
      %swap3A_189 = arith.constant 64 : index
      %swap3A_190 = tpu.vector_load %arg7[%swap3A_188, %swap3A_189] {strides = array<i32>} : memref<16x256xf32, #tpu.memory_space<vmem>>, vector<16xf32>,
      tpu.vector_store %arg7[%swap3A_188, %swap3A_189], %broadcast_in_dim3A_187 {strides = array<i32>} : memref<16x256xf32, #tpu.memory_space<vmem>>, vector<16xf32>,
      %broadcast_in_dim3A_191 = arith.constant 0xFF800000 : f32
      %broadcast_in_dim3A_192 = vector.broadcast %broadcast_in_dim3A_191 : f32 to vector<16xf32>
      %swap3A_193 = arith.index_cast %scan3A_164 : i32 to index
      %swap3A_194 = arith.constant 80 : index
      %swap3A_195 = tpu.vector_load %arg7[%swap3A_193, %swap3A_194] {strides = array<i32>} : memref<16x256xf32, #tpu.memory_space<vmem>>, vector<16xf32>,
      tpu.vector_store %arg7[%swap3A_193, %swap3A_194], %broadcast_in_dim3A_192 {strides = array<i32>} : memref<16x256xf32, #tpu.memory_space<vmem>>, vector<16xf32>,
      %broadcast_in_dim3A_196 = arith.constant 0xFF800000 : f32
      %broadcast_in_dim3A_197 = vector.broadcast %broadcast_in_dim3A_196 : f32 to vector<16xf32>
      %swap3A_198 = arith.index_cast %scan3A_164 : i32 to index
      %swap3A_199 = arith.constant 96 : index
      %swap3A_200 = tpu.vector_load %arg7[%swap3A_198, %swap3A_199] {strides = array<i32>} : memref<16x256xf32, #tpu.memory_space<vmem>>, vector<16xf32>,
      tpu.vector_store %arg7[%swap3A_198, %swap3A_199], %broadcast_in_dim3A_197 {strides = array<i32>} : memref<16x256xf32, #tpu.memory_space<vmem>>, vector<16xf32>,
      %broadcast_in_dim3A_201 = arith.constant 0xFF800000 : f32
      %broadcast_in_dim3A_202 = vector.broadcast %broadcast_in_dim3A_201 : f32 to vector<16xf32>
      %swap3A_203 = arith.index_cast %scan3A_164 : i32 to index
      %swap3A_204 = arith.constant 112 : index
      %swap3A_205 = tpu.vector_load %arg7[%swap3A_203, %swap3A_204] {strides = array<i32>} : memref<16x256xf32, #tpu.memory_space<vmem>>, vector<16xf32>,
      tpu.vector_store %arg7[%swap3A_203, %swap3A_204], %broadcast_in_dim3A_202 {strides = array<i32>} : memref<16x256xf32, #tpu.memory_space<vmem>>, vector<16xf32>,
      %broadcast_in_dim3A_206 = arith.constant 0xFF800000 : f32
      %broadcast_in_dim3A_207 = vector.broadcast %broadcast_in_dim3A_206 : f32 to vector<16xf32>
      %swap3A_208 = arith.index_cast %scan3A_164 : i32 to index
      %swap3A_209 = arith.constant 128 : index
      %swap3A_210 = tpu.vector_load %arg7[%swap3A_208, %swap3A_209] {strides = array<i32>} : memref<16x256xf32, #tpu.memory_space<vmem>>, vector<16xf32>,
      tpu.vector_store %arg7[%swap3A_208, %swap3A_209], %broadcast_in_dim3A_207 {strides = array<i32>} : memref<16x256xf32, #tpu.memory_space<vmem>>, vector<16xf32>,
      %broadcast_in_dim3A_211 = arith.constant 0xFF800000 : f32
      %broadcast_in_dim3A_212 = vector.broadcast %broadcast_in_dim3A_211 : f32 to vector<16xf32>
      %swap3A_213 = arith.index_cast %scan3A_164 : i32 to index
      %swap3A_214 = arith.constant 144 : index
      %swap3A_215 = tpu.vector_load %arg7[%swap3A_213, %swap3A_214] {strides = array<i32>} : memref<16x256xf32, #tpu.memory_space<vmem>>, vector<16xf32>,
      tpu.vector_store %arg7[%swap3A_213, %swap3A_214], %broadcast_in_dim3A_212 {strides = array<i32>} : memref<16x256xf32, #tpu.memory_space<vmem>>, vector<16xf32>,
      %broadcast_in_dim3A_216 = arith.constant 0xFF800000 : f32
      %broadcast_in_dim3A_217 = vector.broadcast %broadcast_in_dim3A_216 : f32 to vector<16xf32>
      %swap3A_218 = arith.index_cast %scan3A_164 : i32 to index
      %swap3A_219 = arith.constant 160 : index
      %swap3A_220 = tpu.vector_load %arg7[%swap3A_218, %swap3A_219] {strides = array<i32>} : memref<16x256xf32, #tpu.memory_space<vmem>>, vector<16xf32>,
      tpu.vector_store %arg7[%swap3A_218, %swap3A_219], %broadcast_in_dim3A_217 {strides = array<i32>} : memref<16x256xf32, #tpu.memory_space<vmem>>, vector<16xf32>,
      %broadcast_in_dim3A_221 = arith.constant 0xFF800000 : f32
      %broadcast_in_dim3A_222 = vector.broadcast %broadcast_in_dim3A_221 : f32 to vector<16xf32>
      %swap3A_223 = arith.index_cast %scan3A_164 : i32 to index
      %swap3A_224 = arith.constant 176 : index
      %swap3A_225 = tpu.vector_load %arg7[%swap3A_223, %swap3A_224] {strides = array<i32>} : memref<16x256xf32, #tpu.memory_space<vmem>>, vector<16xf32>,
      tpu.vector_store %arg7[%swap3A_223, %swap3A_224], %broadcast_in_dim3A_222 {strides = array<i32>} : memref<16x256xf32, #tpu.memory_space<vmem>>, vector<16xf32>,
      %broadcast_in_dim3A_226 = arith.constant 0xFF800000 : f32
      %broadcast_in_dim3A_227 = vector.broadcast %broadcast_in_dim3A_226 : f32 to vector<16xf32>
      %swap3A_228 = arith.index_cast %scan3A_164 : i32 to index
      %swap3A_229 = arith.constant 192 : index
      %swap3A_230 = tpu.vector_load %arg7[%swap3A_228, %swap3A_229] {strides = array<i32>} : memref<16x256xf32, #tpu.memory_space<vmem>>, vector<16xf32>,
      tpu.vector_store %arg7[%swap3A_228, %swap3A_229], %broadcast_in_dim3A_227 {strides = array<i32>} : memref<16x256xf32, #tpu.memory_space<vmem>>, vector<16xf32>,
      %broadcast_in_dim3A_231 = arith.constant 0xFF800000 : f32
      %broadcast_in_dim3A_232 = vector.broadcast %broadcast_in_dim3A_231 : f32 to vector<16xf32>
      %swap3A_233 = arith.index_cast %scan3A_164 : i32 to index
      %swap3A_234 = arith.constant 208 : index
      %swap3A_235 = tpu.vector_load %arg7[%swap3A_233, %swap3A_234] {strides = array<i32>} : memref<16x256xf32, #tpu.memory_space<vmem>>, vector<16xf32>,
      tpu.vector_store %arg7[%swap3A_233, %swap3A_234], %broadcast_in_dim3A_232 {strides = array<i32>} : memref<16x256xf32, #tpu.memory_space<vmem>>, vector<16xf32>,
      %broadcast_in_dim3A_236 = arith.constant 0xFF800000 : f32
      %broadcast_in_dim3A_237 = vector.broadcast %broadcast_in_dim3A_236 : f32 to vector<16xf32>
      %swap3A_238 = arith.index_cast %scan3A_164 : i32 to index
      %swap3A_239 = arith.constant 224 : index
      %swap3A_240 = tpu.vector_load %arg7[%swap3A_238, %swap3A_239] {strides = array<i32>} : memref<16x256xf32, #tpu.memory_space<vmem>>, vector<16xf32>,
      tpu.vector_store %arg7[%swap3A_238, %swap3A_239], %broadcast_in_dim3A_237 {strides = array<i32>} : memref<16x256xf32, #tpu.memory_space<vmem>>, vector<16xf32>,
      %broadcast_in_dim3A_241 = arith.constant 0xFF800000 : f32
      %broadcast_in_dim3A_242 = vector.broadcast %broadcast_in_dim3A_241 : f32 to vector<16xf32>
      %swap3A_243 = arith.index_cast %scan3A_164 : i32 to index
      %swap3A_244 = arith.constant 240 : index
      %swap3A_245 = tpu.vector_load %arg7[%swap3A_243, %swap3A_244] {strides = array<i32>} : memref<16x256xf32, #tpu.memory_space<vmem>>, vector<16xf32>,
      tpu.vector_store %arg7[%swap3A_243, %swap3A_244], %broadcast_in_dim3A_242 {strides = array<i32>} : memref<16x256xf32, #tpu.memory_space<vmem>>, vector<16xf32>,
      %scan3A_246 = arith.constant 0 : i32
      scf.yield %scan3A_246 : i32
    }
    %scan3A_38 = arith.constant 16 : i32
    %le3A = vector.broadcast %mul3A : i32 to vector<16xi32>
    %le3A_39 = arith.cmpi sle, %masked_cumsum3A, %le3A : vector<16xi32>
    %convert_element_type3A = arith.extui %le3A_39 : vector<16xi1> to vector<16xi32>
    %reduce_sum3A_40 = arith.constant true
    %reduce_sum3A_41 = vector.broadcast %reduce_sum3A_40 : i1 to vector<16xi1>
    %reduce_sum3A_42 = tpu.scan <sum>, %convert_element_type3A masked %reduce_sum3A_41 : vector<16xi32>, vector<16xi1> -> vector<16xi32>
    %reduce_sum3A_43 = vector.extract %reduce_sum3A_42[15] : i32 from vector<16xi32>
    %lt3A = vector.broadcast %min3A : i32 to vector<16xi32>
    %lt3A_44 = arith.cmpi slt, %sub3A, %lt3A : vector<16xi32>
    %convert_element_type3A_45 = arith.extui %lt3A_44 : vector<16xi1> to vector<16xi32>
    %reduce_sum3A_46 = arith.constant true
    %reduce_sum3A_47 = vector.broadcast %reduce_sum3A_46 : i1 to vector<16xi1>
    %reduce_sum3A_48 = tpu.scan <sum>, %convert_element_type3A_45 masked %reduce_sum3A_47 : vector<16xi32>, vector<16xi1> -> vector<16xi32>
    %reduce_sum3A_49 = vector.extract %reduce_sum3A_48[15] : i32 from vector<16xi32>
    %broadcast_in_dim3A_50 = arith.constant 0xFF800000 : f32
    %broadcast_in_dim3A_51 = vector.broadcast %broadcast_in_dim3A_50 : f32 to vector<16xf32>
    %broadcast_in_dim3A_52 = arith.constant 0xFF800000 : f32
    %broadcast_in_dim3A_53 = vector.broadcast %broadcast_in_dim3A_52 : f32 to vector<16xf32>
    %broadcast_in_dim3A_54 = arith.constant 0xFF800000 : f32
    %broadcast_in_dim3A_55 = vector.broadcast %broadcast_in_dim3A_54 : f32 to vector<16xf32>
    %broadcast_in_dim3A_56 = arith.constant 0xFF800000 : f32
    %broadcast_in_dim3A_57 = vector.broadcast %broadcast_in_dim3A_56 : f32 to vector<16xf32>
    %broadcast_in_dim3A_58 = arith.constant 0xFF800000 : f32
    %broadcast_in_dim3A_59 = vector.broadcast %broadcast_in_dim3A_58 : f32 to vector<16xf32>
    %broadcast_in_dim3A_60 = arith.constant 0xFF800000 : f32
    %broadcast_in_dim3A_61 = vector.broadcast %broadcast_in_dim3A_60 : f32 to vector<16xf32>
    %broadcast_in_dim3A_62 = arith.constant 0xFF800000 : f32
    %broadcast_in_dim3A_63 = vector.broadcast %broadcast_in_dim3A_62 : f32 to vector<16xf32>
    %broadcast_in_dim3A_64 = arith.constant 0xFF800000 : f32
    %broadcast_in_dim3A_65 = vector.broadcast %broadcast_in_dim3A_64 : f32 to vector<16xf32>
    %broadcast_in_dim3A_66 = arith.constant 0xFF800000 : f32
    %broadcast_in_dim3A_67 = vector.broadcast %broadcast_in_dim3A_66 : f32 to vector<16xf32>
    %broadcast_in_dim3A_68 = arith.constant 0xFF800000 : f32
    %broadcast_in_dim3A_69 = vector.broadcast %broadcast_in_dim3A_68 : f32 to vector<16xf32>
    %broadcast_in_dim3A_70 = arith.constant 0xFF800000 : f32
    %broadcast_in_dim3A_71 = vector.broadcast %broadcast_in_dim3A_70 : f32 to vector<16xf32>
    %broadcast_in_dim3A_72 = arith.constant 0xFF800000 : f32
    %broadcast_in_dim3A_73 = vector.broadcast %broadcast_in_dim3A_72 : f32 to vector<16xf32>
    %broadcast_in_dim3A_74 = arith.constant 0xFF800000 : f32
    %broadcast_in_dim3A_75 = vector.broadcast %broadcast_in_dim3A_74 : f32 to vector<16xf32>
    %broadcast_in_dim3A_76 = arith.constant 0xFF800000 : f32
    %broadcast_in_dim3A_77 = vector.broadcast %broadcast_in_dim3A_76 : f32 to vector<16xf32>
    %broadcast_in_dim3A_78 = arith.constant 0xFF800000 : f32
    %broadcast_in_dim3A_79 = vector.broadcast %broadcast_in_dim3A_78 : f32 to vector<16xf32>
    %broadcast_in_dim3A_80 = arith.constant 0xFF800000 : f32
    %broadcast_in_dim3A_81 = vector.broadcast %broadcast_in_dim3A_80 : f32 to vector<16xf32>
    %while3A = arith.constant 0 : i32
    %while3A_82 = arith.subi %reduce_sum3A_49, %reduce_sum3A_43 : i32
    %while3A_83 = arith.addi %reduce_sum3A_43, %while3A_82 : i32
    %while3A_84 = arith.constant 1 : i32
    %while3A_85 = arith.divsi %while3A_82, %while3A_84 : i32
    %while3A_86 = arith.muli %while3A_85, %while3A_84 : i32
    %while3A_87 = arith.addi %reduce_sum3A_43, %while3A_86 : i32
    %while3A_88 = arith.constant 1 : i32
    %while3A_89 = scf.for %while3A_164 = %reduce_sum3A_43 to %while3A_87 step %while3A_88 iter_args(%while3A_165 = %while3A) -> (i32)  : i32 {
      %eq3A_166 = vector.broadcast %while3A_164 : i32 to vector<16xi32>
      %eq3A_167 = arith.cmpi eq, %iota3A, %eq3A_166 : vector<16xi32>
      %jit3A_168 = arith.constant 0 : i32
      %broadcast_in_dim3A_169 = vector.broadcast %jit3A_168 : i32 to vector<16xi32>
      %select_n3A_170 = arith.select %eq3A_167, %sub3A, %broadcast_in_dim3A_169 : vector<16xi1>, vector<16xi32>
      %reduce_sum3A_171 = arith.constant true
      %reduce_sum3A_172 = vector.broadcast %reduce_sum3A_171 : i1 to vector<16xi1>
      %reduce_sum3A_173 = tpu.scan <sum>, %select_n3A_170 masked %reduce_sum3A_172 : vector<16xi32>, vector<16xi1> -> vector<16xi32>
      %reduce_sum3A_174 = vector.extract %reduce_sum3A_173[15] : i32 from vector<16xi32>
      %jit3A_175 = arith.constant 0 : i32
      %broadcast_in_dim3A_176 = vector.broadcast %jit3A_175 : i32 to vector<16xi32>
      %select_n3A_177 = arith.select %eq3A_167, %masked_cumsum3A, %broadcast_in_dim3A_176 : vector<16xi1>, vector<16xi32>
      %reduce_sum3A_178 = arith.constant true
      %reduce_sum3A_179 = vector.broadcast %reduce_sum3A_178 : i1 to vector<16xi1>
      %reduce_sum3A_180 = tpu.scan <sum>, %select_n3A_177 masked %reduce_sum3A_179 : vector<16xi32>, vector<16xi1> -> vector<16xi32>
      %reduce_sum3A_181 = vector.extract %reduce_sum3A_180[15] : i32 from vector<16xi32>
      %max3A = arith.maxsi %reduce_sum3A_174, %mul3A : i32
      %min3A_182 = arith.minsi %reduce_sum3A_181, %min3A : i32
      %jit3A_183 = arith.constant 8 : i32
      %div3A_184 = arith.divsi %max3A, %jit3A_183 : i32
      %sign3A_185 = arith.constant 0 : i32
      %sign3A_186 = arith.cmpi sgt, %max3A, %sign3A_185 : i32
      %sign3A_187 = arith.extui %sign3A_186 : i1 to i32
      %sign3A_188 = arith.constant 0 : i32
      %sign3A_189 = arith.cmpi slt, %max3A, %sign3A_188 : i32
      %sign3A_190 = arith.extui %sign3A_189 : i1 to i32
      %sign3A_191 = arith.subi %sign3A_187, %sign3A_190 : i32
      %sign3A_192 = arith.constant 0 : i32
      %sign3A_193 = arith.cmpi sgt, %jit3A_183, %sign3A_192 : i32
      %sign3A_194 = arith.extui %sign3A_193 : i1 to i32
      %sign3A_195 = arith.constant 0 : i32
      %sign3A_196 = arith.cmpi slt, %jit3A_183, %sign3A_195 : i32
      %sign3A_197 = arith.extui %sign3A_196 : i1 to i32
      %sign3A_198 = arith.subi %sign3A_194, %sign3A_197 : i32
      %ne3A_199 = arith.cmpi ne, %sign3A_191, %sign3A_198 : i32
      %rem3A_200 = arith.remsi %max3A, %jit3A_183 : i32
      %ne3A_201 = arith.constant 0 : i32
      %ne3A_202 = arith.cmpi ne, %rem3A_200, %ne3A_201 : i32
      %and3A_203 = arith.andi %ne3A_199, %ne3A_202 : i1
      %sub3A_204 = arith.constant 1 : i32
      %sub3A_205 = arith.subi %div3A_184, %sub3A_204 : i32
      %select_n3A_206 = arith.select %and3A_203, %sub3A_205, %div3A_184 : i32
      %mul3A_207 = arith.constant 8 : i32
      %mul3A_208 = arith.muli %select_n3A_206, %mul3A_207 : i32
      %sub3A_209 = arith.subi %min3A_182, %mul3A_208 : i32
      %add3A_210 = arith.constant 16 : i32
      %add3A_211 = arith.addi %sub3A_209, %add3A_210 : i32
      %sub3A_212 = arith.constant 1 : i32
      %sub3A_213 = arith.subi %add3A_211, %sub3A_212 : i32
      %jit3A_214 = arith.constant 16 : i32
      %div3A_215 = arith.divsi %sub3A_213, %jit3A_214 : i32
      %sign3A_216 = arith.constant 0 : i32
      %sign3A_217 = arith.cmpi sgt, %sub3A_213, %sign3A_216 : i32
      %sign3A_218 = arith.extui %sign3A_217 : i1 to i32
      %sign3A_219 = arith.constant 0 : i32
      %sign3A_220 = arith.cmpi slt, %sub3A_213, %sign3A_219 : i32
      %sign3A_221 = arith.extui %sign3A_220 : i1 to i32
      %sign3A_222 = arith.subi %sign3A_218, %sign3A_221 : i32
      %sign3A_223 = arith.constant 0 : i32
      %sign3A_224 = arith.cmpi sgt, %jit3A_214, %sign3A_223 : i32
      %sign3A_225 = arith.extui %sign3A_224 : i1 to i32
      %sign3A_226 = arith.constant 0 : i32
      %sign3A_227 = arith.cmpi slt, %jit3A_214, %sign3A_226 : i32
      %sign3A_228 = arith.extui %sign3A_227 : i1 to i32
      %sign3A_229 = arith.subi %sign3A_225, %sign3A_228 : i32
      %ne3A_230 = arith.cmpi ne, %sign3A_222, %sign3A_229 : i32
      %rem3A_231 = arith.remsi %sub3A_213, %jit3A_214 : i32
      %ne3A_232 = arith.constant 0 : i32
      %ne3A_233 = arith.cmpi ne, %rem3A_231, %ne3A_232 : i32
      %and3A_234 = arith.andi %ne3A_230, %ne3A_233 : i1
      %sub3A_235 = arith.constant 1 : i32
      %sub3A_236 = arith.subi %div3A_215, %sub3A_235 : i32
      %select_n3A_237 = arith.select %and3A_234, %sub3A_236, %div3A_215 : i32
      %add3A_238 = arith.constant 0 : i32
      %add3A_239 = arith.addi %mul3A_208, %add3A_238 : i32
      %min3A_240 = arith.constant 32752 : i32
      %min3A_241 = arith.minsi %add3A_239, %min3A_240 : i32
      %multiple_of3A_242 = tpu.assume_multiple %min3A_241, 8 : i32
      %dma_start3A = arith.constant 0 : i32
      %dma_start3A_243 = arith.constant 0 : i32
      %dma_start3A_244 = arith.constant 0 : i32
      %dma_start3A_245 = arith.constant 0 : i32
      %dma_start3A_246 = tpu.memref_slice %arg6[%dma_start3A, %dma_start3A_244, %dma_start3A_245] : memref<8x16x256xf32, #tpu.memory_space<vmem>> -> memref<1x16x256xf32, #tpu.memory_space<vmem>>
      %dma_start3A_247 = tpu.memref_squeeze %dma_start3A_246 : memref<1x16x256xf32, #tpu.memory_space<vmem>> -> memref<16x256xf32, #tpu.memory_space<vmem>>
      %dma_start3A_248 = tpu.memref_slice %arg2[%multiple_of3A_242, %multiple_of3A] : memref<32768x512xf32, #tpu.memory_space<hbm>> -> memref<16x256xf32, #tpu.memory_space<hbm>>
      %dma_start3A_249 = tpu.memref_slice %arg10[%dma_start3A_243] : memref<8x!tpu.dma_semaphore, #tpu.memory_space<semaphore_mem>> -> memref<1x!tpu.dma_semaphore, #tpu.memory_space<semaphore_mem>>
      %dma_start3A_250 = tpu.memref_squeeze %dma_start3A_249 : memref<1x!tpu.dma_semaphore, #tpu.memory_space<semaphore_mem>> -> memref<!tpu.dma_semaphore, #tpu.memory_space<semaphore_mem>>
      %dma_start3A_251 = arith.constant 0 : i32
      %dma_start3A_252 = arith.constant 0 : i32
      %dma_start3A_253 = tpu.memref_slice %arg6[%dma_start3A, %dma_start3A_251, %dma_start3A_252] : memref<8x16x256xf32, #tpu.memory_space<vmem>> -> memref<1x16x256xf32, #tpu.memory_space<vmem>>
      %dma_start3A_254 = tpu.memref_squeeze %dma_start3A_253 : memref<1x16x256xf32, #tpu.memory_space<vmem>> -> memref<16x256xf32, #tpu.memory_space<vmem>>
      %dma_start3A_255 = tpu.memref_slice %arg2[%multiple_of3A_242, %multiple_of3A] : memref<32768x512xf32, #tpu.memory_space<hbm>> -> memref<16x256xf32, #tpu.memory_space<hbm>>
      tpu.enqueue_dma source(%dma_start3A_255 : memref<16x256xf32, #tpu.memory_space<hbm>>) target(%dma_start3A_254 : memref<16x256xf32, #tpu.memory_space<vmem>>) target_semaphore(%dma_start3A_250 : memref<!tpu.dma_semaphore, #tpu.memory_space<semaphore_mem>>)
      %gt3A = arith.constant 1 : i32
      %gt3A_256 = arith.cmpi sgt, %select_n3A_237, %gt3A : i32
      %convert_element_type3A_257 = arith.extui %gt3A_256 : i1 to i32
      %cond3A = arith.constant 0 : i32
      %cond3A_258 = arith.cmpi ne, %convert_element_type3A_257, %cond3A : i32
      scf.if %cond3A_258 {
        %add3A_344 = arith.constant 16 : i32
        %add3A_345 = arith.addi %mul3A_208, %add3A_344 : i32
        %min3A_346 = arith.constant 32752 : i32
        %min3A_347 = arith.minsi %add3A_345, %min3A_346 : i32
        %multiple_of3A_348 = tpu.assume_multiple %min3A_347, 8 : i32
        %dma_start3A_349 = arith.constant 1 : i32
        %dma_start3A_350 = arith.constant 1 : i32
        %dma_start3A_351 = arith.constant 0 : i32
        %dma_start3A_352 = arith.constant 0 : i32
        %dma_start3A_353 = tpu.memref_slice %arg6[%dma_start3A_349, %dma_start3A_351, %dma_start3A_352] : memref<8x16x256xf32, #tpu.memory_space<vmem>> -> memref<1x16x256xf32, #tpu.memory_space<vmem>>
        %dma_start3A_354 = tpu.memref_squeeze %dma_start3A_353 : memref<1x16x256xf32, #tpu.memory_space<vmem>> -> memref<16x256xf32, #tpu.memory_space<vmem>>
        %dma_start3A_355 = tpu.memref_slice %arg2[%multiple_of3A_348, %multiple_of3A] : memref<32768x512xf32, #tpu.memory_space<hbm>> -> memref<16x256xf32, #tpu.memory_space<hbm>>
        %dma_start3A_356 = tpu.memref_slice %arg10[%dma_start3A_350] : memref<8x!tpu.dma_semaphore, #tpu.memory_space<semaphore_mem>> -> memref<1x!tpu.dma_semaphore, #tpu.memory_space<semaphore_mem>>
        %dma_start3A_357 = tpu.memref_squeeze %dma_start3A_356 : memref<1x!tpu.dma_semaphore, #tpu.memory_space<semaphore_mem>> -> memref<!tpu.dma_semaphore, #tpu.memory_space<semaphore_mem>>
        %dma_start3A_358 = arith.constant 0 : i32
        %dma_start3A_359 = arith.constant 0 : i32
        %dma_start3A_360 = tpu.memref_slice %arg6[%dma_start3A_349, %dma_start3A_358, %dma_start3A_359] : memref<8x16x256xf32, #tpu.memory_space<vmem>> -> memref<1x16x256xf32, #tpu.memory_space<vmem>>
        %dma_start3A_361 = tpu.memref_squeeze %dma_start3A_360 : memref<1x16x256xf32, #tpu.memory_space<vmem>> -> memref<16x256xf32, #tpu.memory_space<vmem>>
        %dma_start3A_362 = tpu.memref_slice %arg2[%multiple_of3A_348, %multiple_of3A] : memref<32768x512xf32, #tpu.memory_space<hbm>> -> memref<16x256xf32, #tpu.memory_space<hbm>>
        tpu.enqueue_dma source(%dma_start3A_362 : memref<16x256xf32, #tpu.memory_space<hbm>>) target(%dma_start3A_361 : memref<16x256xf32, #tpu.memory_space<vmem>>) target_semaphore(%dma_start3A_357 : memref<!tpu.dma_semaphore, #tpu.memory_space<semaphore_mem>>)
      } else {
      }
      %gt3A_259 = arith.constant 2 : i32
      %gt3A_260 = arith.cmpi sgt, %select_n3A_237, %gt3A_259 : i32
      %convert_element_type3A_261 = arith.extui %gt3A_260 : i1 to i32
      %cond3A_262 = arith.constant 0 : i32
      %cond3A_263 = arith.cmpi ne, %convert_element_type3A_261, %cond3A_262 : i32
      scf.if %cond3A_263 {
        %add3A_344 = arith.constant 32 : i32
        %add3A_345 = arith.addi %mul3A_208, %add3A_344 : i32
        %min3A_346 = arith.constant 32752 : i32
        %min3A_347 = arith.minsi %add3A_345, %min3A_346 : i32
        %multiple_of3A_348 = tpu.assume_multiple %min3A_347, 8 : i32
        %dma_start3A_349 = arith.constant 2 : i32
        %dma_start3A_350 = arith.constant 2 : i32
        %dma_start3A_351 = arith.constant 0 : i32
        %dma_start3A_352 = arith.constant 0 : i32
        %dma_start3A_353 = tpu.memref_slice %arg6[%dma_start3A_349, %dma_start3A_351, %dma_start3A_352] : memref<8x16x256xf32, #tpu.memory_space<vmem>> -> memref<1x16x256xf32, #tpu.memory_space<vmem>>
        %dma_start3A_354 = tpu.memref_squeeze %dma_start3A_353 : memref<1x16x256xf32, #tpu.memory_space<vmem>> -> memref<16x256xf32, #tpu.memory_space<vmem>>
        %dma_start3A_355 = tpu.memref_slice %arg2[%multiple_of3A_348, %multiple_of3A] : memref<32768x512xf32, #tpu.memory_space<hbm>> -> memref<16x256xf32, #tpu.memory_space<hbm>>
        %dma_start3A_356 = tpu.memref_slice %arg10[%dma_start3A_350] : memref<8x!tpu.dma_semaphore, #tpu.memory_space<semaphore_mem>> -> memref<1x!tpu.dma_semaphore, #tpu.memory_space<semaphore_mem>>
        %dma_start3A_357 = tpu.memref_squeeze %dma_start3A_356 : memref<1x!tpu.dma_semaphore, #tpu.memory_space<semaphore_mem>> -> memref<!tpu.dma_semaphore, #tpu.memory_space<semaphore_mem>>
        %dma_start3A_358 = arith.constant 0 : i32
        %dma_start3A_359 = arith.constant 0 : i32
        %dma_start3A_360 = tpu.memref_slice %arg6[%dma_start3A_349, %dma_start3A_358, %dma_start3A_359] : memref<8x16x256xf32, #tpu.memory_space<vmem>> -> memref<1x16x256xf32, #tpu.memory_space<vmem>>
        %dma_start3A_361 = tpu.memref_squeeze %dma_start3A_360 : memref<1x16x256xf32, #tpu.memory_space<vmem>> -> memref<16x256xf32, #tpu.memory_space<vmem>>
        %dma_start3A_362 = tpu.memref_slice %arg2[%multiple_of3A_348, %multiple_of3A] : memref<32768x512xf32, #tpu.memory_space<hbm>> -> memref<16x256xf32, #tpu.memory_space<hbm>>
        tpu.enqueue_dma source(%dma_start3A_362 : memref<16x256xf32, #tpu.memory_space<hbm>>) target(%dma_start3A_361 : memref<16x256xf32, #tpu.memory_space<vmem>>) target_semaphore(%dma_start3A_357 : memref<!tpu.dma_semaphore, #tpu.memory_space<semaphore_mem>>)
      } else {
      }
      %gt3A_264 = arith.constant 3 : i32
      %gt3A_265 = arith.cmpi sgt, %select_n3A_237, %gt3A_264 : i32
      %convert_element_type3A_266 = arith.extui %gt3A_265 : i1 to i32
      %cond3A_267 = arith.constant 0 : i32
      %cond3A_268 = arith.cmpi ne, %convert_element_type3A_266, %cond3A_267 : i32
      scf.if %cond3A_268 {
        %add3A_344 = arith.constant 48 : i32
        %add3A_345 = arith.addi %mul3A_208, %add3A_344 : i32
        %min3A_346 = arith.constant 32752 : i32
        %min3A_347 = arith.minsi %add3A_345, %min3A_346 : i32
        %multiple_of3A_348 = tpu.assume_multiple %min3A_347, 8 : i32
        %dma_start3A_349 = arith.constant 3 : i32
        %dma_start3A_350 = arith.constant 3 : i32
        %dma_start3A_351 = arith.constant 0 : i32
        %dma_start3A_352 = arith.constant 0 : i32
        %dma_start3A_353 = tpu.memref_slice %arg6[%dma_start3A_349, %dma_start3A_351, %dma_start3A_352] : memref<8x16x256xf32, #tpu.memory_space<vmem>> -> memref<1x16x256xf32, #tpu.memory_space<vmem>>
        %dma_start3A_354 = tpu.memref_squeeze %dma_start3A_353 : memref<1x16x256xf32, #tpu.memory_space<vmem>> -> memref<16x256xf32, #tpu.memory_space<vmem>>
        %dma_start3A_355 = tpu.memref_slice %arg2[%multiple_of3A_348, %multiple_of3A] : memref<32768x512xf32, #tpu.memory_space<hbm>> -> memref<16x256xf32, #tpu.memory_space<hbm>>
        %dma_start3A_356 = tpu.memref_slice %arg10[%dma_start3A_350] : memref<8x!tpu.dma_semaphore, #tpu.memory_space<semaphore_mem>> -> memref<1x!tpu.dma_semaphore, #tpu.memory_space<semaphore_mem>>
        %dma_start3A_357 = tpu.memref_squeeze %dma_start3A_356 : memref<1x!tpu.dma_semaphore, #tpu.memory_space<semaphore_mem>> -> memref<!tpu.dma_semaphore, #tpu.memory_space<semaphore_mem>>
        %dma_start3A_358 = arith.constant 0 : i32
        %dma_start3A_359 = arith.constant 0 : i32
        %dma_start3A_360 = tpu.memref_slice %arg6[%dma_start3A_349, %dma_start3A_358, %dma_start3A_359] : memref<8x16x256xf32, #tpu.memory_space<vmem>> -> memref<1x16x256xf32, #tpu.memory_space<vmem>>
        %dma_start3A_361 = tpu.memref_squeeze %dma_start3A_360 : memref<1x16x256xf32, #tpu.memory_space<vmem>> -> memref<16x256xf32, #tpu.memory_space<vmem>>
        %dma_start3A_362 = tpu.memref_slice %arg2[%multiple_of3A_348, %multiple_of3A] : memref<32768x512xf32, #tpu.memory_space<hbm>> -> memref<16x256xf32, #tpu.memory_space<hbm>>
        tpu.enqueue_dma source(%dma_start3A_362 : memref<16x256xf32, #tpu.memory_space<hbm>>) target(%dma_start3A_361 : memref<16x256xf32, #tpu.memory_space<vmem>>) target_semaphore(%dma_start3A_357 : memref<!tpu.dma_semaphore, #tpu.memory_space<semaphore_mem>>)
      } else {
      }
      %gt3A_269 = arith.constant 4 : i32
      %gt3A_270 = arith.cmpi sgt, %select_n3A_237, %gt3A_269 : i32
      %convert_element_type3A_271 = arith.extui %gt3A_270 : i1 to i32
      %cond3A_272 = arith.constant 0 : i32
      %cond3A_273 = arith.cmpi ne, %convert_element_type3A_271, %cond3A_272 : i32
      scf.if %cond3A_273 {
        %add3A_344 = arith.constant 64 : i32
        %add3A_345 = arith.addi %mul3A_208, %add3A_344 : i32
        %min3A_346 = arith.constant 32752 : i32
        %min3A_347 = arith.minsi %add3A_345, %min3A_346 : i32
        %multiple_of3A_348 = tpu.assume_multiple %min3A_347, 8 : i32
        %dma_start3A_349 = arith.constant 4 : i32
        %dma_start3A_350 = arith.constant 4 : i32
        %dma_start3A_351 = arith.constant 0 : i32
        %dma_start3A_352 = arith.constant 0 : i32
        %dma_start3A_353 = tpu.memref_slice %arg6[%dma_start3A_349, %dma_start3A_351, %dma_start3A_352] : memref<8x16x256xf32, #tpu.memory_space<vmem>> -> memref<1x16x256xf32, #tpu.memory_space<vmem>>
        %dma_start3A_354 = tpu.memref_squeeze %dma_start3A_353 : memref<1x16x256xf32, #tpu.memory_space<vmem>> -> memref<16x256xf32, #tpu.memory_space<vmem>>
        %dma_start3A_355 = tpu.memref_slice %arg2[%multiple_of3A_348, %multiple_of3A] : memref<32768x512xf32, #tpu.memory_space<hbm>> -> memref<16x256xf32, #tpu.memory_space<hbm>>
        %dma_start3A_356 = tpu.memref_slice %arg10[%dma_start3A_350] : memref<8x!tpu.dma_semaphore, #tpu.memory_space<semaphore_mem>> -> memref<1x!tpu.dma_semaphore, #tpu.memory_space<semaphore_mem>>
        %dma_start3A_357 = tpu.memref_squeeze %dma_start3A_356 : memref<1x!tpu.dma_semaphore, #tpu.memory_space<semaphore_mem>> -> memref<!tpu.dma_semaphore, #tpu.memory_space<semaphore_mem>>
        %dma_start3A_358 = arith.constant 0 : i32
        %dma_start3A_359 = arith.constant 0 : i32
        %dma_start3A_360 = tpu.memref_slice %arg6[%dma_start3A_349, %dma_start3A_358, %dma_start3A_359] : memref<8x16x256xf32, #tpu.memory_space<vmem>> -> memref<1x16x256xf32, #tpu.memory_space<vmem>>
        %dma_start3A_361 = tpu.memref_squeeze %dma_start3A_360 : memref<1x16x256xf32, #tpu.memory_space<vmem>> -> memref<16x256xf32, #tpu.memory_space<vmem>>
        %dma_start3A_362 = tpu.memref_slice %arg2[%multiple_of3A_348, %multiple_of3A] : memref<32768x512xf32, #tpu.memory_space<hbm>> -> memref<16x256xf32, #tpu.memory_space<hbm>>
        tpu.enqueue_dma source(%dma_start3A_362 : memref<16x256xf32, #tpu.memory_space<hbm>>) target(%dma_start3A_361 : memref<16x256xf32, #tpu.memory_space<vmem>>) target_semaphore(%dma_start3A_357 : memref<!tpu.dma_semaphore, #tpu.memory_space<semaphore_mem>>)
      } else {
      }
      %gt3A_274 = arith.constant 5 : i32
      %gt3A_275 = arith.cmpi sgt, %select_n3A_237, %gt3A_274 : i32
      %convert_element_type3A_276 = arith.extui %gt3A_275 : i1 to i32
      %cond3A_277 = arith.constant 0 : i32
      %cond3A_278 = arith.cmpi ne, %convert_element_type3A_276, %cond3A_277 : i32
      scf.if %cond3A_278 {
        %add3A_344 = arith.constant 80 : i32
        %add3A_345 = arith.addi %mul3A_208, %add3A_344 : i32
        %min3A_346 = arith.constant 32752 : i32
        %min3A_347 = arith.minsi %add3A_345, %min3A_346 : i32
        %multiple_of3A_348 = tpu.assume_multiple %min3A_347, 8 : i32
        %dma_start3A_349 = arith.constant 5 : i32
        %dma_start3A_350 = arith.constant 5 : i32
        %dma_start3A_351 = arith.constant 0 : i32
        %dma_start3A_352 = arith.constant 0 : i32
        %dma_start3A_353 = tpu.memref_slice %arg6[%dma_start3A_349, %dma_start3A_351, %dma_start3A_352] : memref<8x16x256xf32, #tpu.memory_space<vmem>> -> memref<1x16x256xf32, #tpu.memory_space<vmem>>
        %dma_start3A_354 = tpu.memref_squeeze %dma_start3A_353 : memref<1x16x256xf32, #tpu.memory_space<vmem>> -> memref<16x256xf32, #tpu.memory_space<vmem>>
        %dma_start3A_355 = tpu.memref_slice %arg2[%multiple_of3A_348, %multiple_of3A] : memref<32768x512xf32, #tpu.memory_space<hbm>> -> memref<16x256xf32, #tpu.memory_space<hbm>>
        %dma_start3A_356 = tpu.memref_slice %arg10[%dma_start3A_350] : memref<8x!tpu.dma_semaphore, #tpu.memory_space<semaphore_mem>> -> memref<1x!tpu.dma_semaphore, #tpu.memory_space<semaphore_mem>>
        %dma_start3A_357 = tpu.memref_squeeze %dma_start3A_356 : memref<1x!tpu.dma_semaphore, #tpu.memory_space<semaphore_mem>> -> memref<!tpu.dma_semaphore, #tpu.memory_space<semaphore_mem>>
        %dma_start3A_358 = arith.constant 0 : i32
        %dma_start3A_359 = arith.constant 0 : i32
        %dma_start3A_360 = tpu.memref_slice %arg6[%dma_start3A_349, %dma_start3A_358, %dma_start3A_359] : memref<8x16x256xf32, #tpu.memory_space<vmem>> -> memref<1x16x256xf32, #tpu.memory_space<vmem>>
        %dma_start3A_361 = tpu.memref_squeeze %dma_start3A_360 : memref<1x16x256xf32, #tpu.memory_space<vmem>> -> memref<16x256xf32, #tpu.memory_space<vmem>>
        %dma_start3A_362 = tpu.memref_slice %arg2[%multiple_of3A_348, %multiple_of3A] : memref<32768x512xf32, #tpu.memory_space<hbm>> -> memref<16x256xf32, #tpu.memory_space<hbm>>
        tpu.enqueue_dma source(%dma_start3A_362 : memref<16x256xf32, #tpu.memory_space<hbm>>) target(%dma_start3A_361 : memref<16x256xf32, #tpu.memory_space<vmem>>) target_semaphore(%dma_start3A_357 : memref<!tpu.dma_semaphore, #tpu.memory_space<semaphore_mem>>)
      } else {
      }
      %gt3A_279 = arith.constant 6 : i32
      %gt3A_280 = arith.cmpi sgt, %select_n3A_237, %gt3A_279 : i32
      %convert_element_type3A_281 = arith.extui %gt3A_280 : i1 to i32
      %cond3A_282 = arith.constant 0 : i32
      %cond3A_283 = arith.cmpi ne, %convert_element_type3A_281, %cond3A_282 : i32
      scf.if %cond3A_283 {
        %add3A_344 = arith.constant 96 : i32
        %add3A_345 = arith.addi %mul3A_208, %add3A_344 : i32
        %min3A_346 = arith.constant 32752 : i32
        %min3A_347 = arith.minsi %add3A_345, %min3A_346 : i32
        %multiple_of3A_348 = tpu.assume_multiple %min3A_347, 8 : i32
        %dma_start3A_349 = arith.constant 6 : i32
        %dma_start3A_350 = arith.constant 6 : i32
        %dma_start3A_351 = arith.constant 0 : i32
        %dma_start3A_352 = arith.constant 0 : i32
        %dma_start3A_353 = tpu.memref_slice %arg6[%dma_start3A_349, %dma_start3A_351, %dma_start3A_352] : memref<8x16x256xf32, #tpu.memory_space<vmem>> -> memref<1x16x256xf32, #tpu.memory_space<vmem>>
        %dma_start3A_354 = tpu.memref_squeeze %dma_start3A_353 : memref<1x16x256xf32, #tpu.memory_space<vmem>> -> memref<16x256xf32, #tpu.memory_space<vmem>>
        %dma_start3A_355 = tpu.memref_slice %arg2[%multiple_of3A_348, %multiple_of3A] : memref<32768x512xf32, #tpu.memory_space<hbm>> -> memref<16x256xf32, #tpu.memory_space<hbm>>
        %dma_start3A_356 = tpu.memref_slice %arg10[%dma_start3A_350] : memref<8x!tpu.dma_semaphore, #tpu.memory_space<semaphore_mem>> -> memref<1x!tpu.dma_semaphore, #tpu.memory_space<semaphore_mem>>
        %dma_start3A_357 = tpu.memref_squeeze %dma_start3A_356 : memref<1x!tpu.dma_semaphore, #tpu.memory_space<semaphore_mem>> -> memref<!tpu.dma_semaphore, #tpu.memory_space<semaphore_mem>>
        %dma_start3A_358 = arith.constant 0 : i32
        %dma_start3A_359 = arith.constant 0 : i32
        %dma_start3A_360 = tpu.memref_slice %arg6[%dma_start3A_349, %dma_start3A_358, %dma_start3A_359] : memref<8x16x256xf32, #tpu.memory_space<vmem>> -> memref<1x16x256xf32, #tpu.memory_space<vmem>>
        %dma_start3A_361 = tpu.memref_squeeze %dma_start3A_360 : memref<1x16x256xf32, #tpu.memory_space<vmem>> -> memref<16x256xf32, #tpu.memory_space<vmem>>
        %dma_start3A_362 = tpu.memref_slice %arg2[%multiple_of3A_348, %multiple_of3A] : memref<32768x512xf32, #tpu.memory_space<hbm>> -> memref<16x256xf32, #tpu.memory_space<hbm>>
        tpu.enqueue_dma source(%dma_start3A_362 : memref<16x256xf32, #tpu.memory_space<hbm>>) target(%dma_start3A_361 : memref<16x256xf32, #tpu.memory_space<vmem>>) target_semaphore(%dma_start3A_357 : memref<!tpu.dma_semaphore, #tpu.memory_space<semaphore_mem>>)
      } else {
      }
      %while3A_284 = arith.constant 0 : i32
      %while3A_285 = arith.subi %select_n3A_237, %while3A_284 : i32
      %while3A_286 = arith.addi %while3A_284, %while3A_285 : i32
      %while3A_287 = arith.constant 1 : i32
      %while3A_288 = arith.divsi %while3A_285, %while3A_287 : i32
      %while3A_289 = arith.muli %while3A_288, %while3A_287 : i32
      %while3A_290 = arith.addi %while3A_284, %while3A_289 : i32
      %while3A_291 = arith.constant 1 : i32
      %while3A_292:16 = scf.for %while3A_344 = %while3A_284 to %while3A_290 step %while3A_291 iter_args(%while3A_345 = %broadcast_in_dim3A_51, %while3A_346 = %broadcast_in_dim3A_53, %while3A_347 = %broadcast_in_dim3A_55, %while3A_348 = %broadcast_in_dim3A_57, %while3A_349 = %broadcast_in_dim3A_59, %while3A_350 = %broadcast_in_dim3A_61, %while3A_351 = %broadcast_in_dim3A_63, %while3A_352 = %broadcast_in_dim3A_65, %while3A_353 = %broadcast_in_dim3A_67, %while3A_354 = %broadcast_in_dim3A_69, %while3A_355 = %broadcast_in_dim3A_71, %while3A_356 = %broadcast_in_dim3A_73, %while3A_357 = %broadcast_in_dim3A_75, %while3A_358 = %broadcast_in_dim3A_77, %while3A_359 = %broadcast_in_dim3A_79, %while3A_360 = %broadcast_in_dim3A_81) -> (vector<16xf32>, vector<16xf32>, vector<16xf32>, vector<16xf32>, vector<16xf32>, vector<16xf32>, vector<16xf32>, vector<16xf32>, vector<16xf32>, vector<16xf32>, vector<16xf32>, vector<16xf32>, vector<16xf32>, vector<16xf32>, vector<16xf32>, vector<16xf32>)  : i32 {
        %mul3A_361 = arith.constant 16 : i32
        %mul3A_362 = arith.muli %while3A_344, %mul3A_361 : i32
        %add3A_363 = arith.addi %mul3A_208, %mul3A_362 : i32
        %min3A_364 = arith.constant 32752 : i32
        %min3A_365 = arith.minsi %add3A_363, %min3A_364 : i32
        %multiple_of3A_366 = tpu.assume_multiple %min3A_365, 8 : i32
        %jit3A_367 = arith.constant 8 : i32
        %eq3A_368 = arith.constant 0 : i32
        %eq3A_369 = arith.cmpi eq, %jit3A_367, %eq3A_368 : i32
        %jit3A_370 = arith.constant 1 : i32
        %select_n3A_371 = arith.select %eq3A_369, %jit3A_370, %jit3A_367 : i32
        %rem3A_372 = arith.remsi %while3A_344, %select_n3A_371 : i32
        %ne3A_373 = arith.constant 0 : i32
        %ne3A_374 = arith.cmpi ne, %rem3A_372, %ne3A_373 : i32
        %lt3A_375 = arith.constant 0 : i32
        %lt3A_376 = arith.cmpi slt, %rem3A_372, %lt3A_375 : i32
        %lt3A_377 = arith.constant 0 : i32
        %lt3A_378 = arith.cmpi slt, %select_n3A_371, %lt3A_377 : i32
        %ne3A_379 = arith.xori %lt3A_376, %lt3A_378 : i1
        %and3A_380 = arith.andi %ne3A_379, %ne3A_374 : i1
        %add3A_381 = arith.addi %rem3A_372, %select_n3A_371 : i32
        %select_n3A_382 = arith.select %and3A_380, %add3A_381, %rem3A_372 : i32
        %jit3A_383 = arith.constant 8 : i32
        %eq3A_384 = arith.constant 0 : i32
        %eq3A_385 = arith.cmpi eq, %jit3A_383, %eq3A_384 : i32
        %jit3A_386 = arith.constant 1 : i32
        %select_n3A_387 = arith.select %eq3A_385, %jit3A_386, %jit3A_383 : i32
        %rem3A_388 = arith.remsi %while3A_344, %select_n3A_387 : i32
        %ne3A_389 = arith.constant 0 : i32
        %ne3A_390 = arith.cmpi ne, %rem3A_388, %ne3A_389 : i32
        %lt3A_391 = arith.constant 0 : i32
        %lt3A_392 = arith.cmpi slt, %rem3A_388, %lt3A_391 : i32
        %lt3A_393 = arith.constant 0 : i32
        %lt3A_394 = arith.cmpi slt, %select_n3A_387, %lt3A_393 : i32
        %ne3A_395 = arith.xori %lt3A_392, %lt3A_394 : i1
        %and3A_396 = arith.andi %ne3A_395, %ne3A_390 : i1
        %add3A_397 = arith.addi %rem3A_388, %select_n3A_387 : i32
        %select_n3A_398 = arith.select %and3A_396, %add3A_397, %rem3A_388 : i32
        %dma_wait3A = arith.constant 0 : i32
        %dma_wait3A_399 = arith.constant 0 : i32
        %dma_wait3A_400 = tpu.memref_slice %arg6[%select_n3A_382, %dma_wait3A, %dma_wait3A_399] : memref<8x16x256xf32, #tpu.memory_space<vmem>> -> memref<1x16x256xf32, #tpu.memory_space<vmem>>
        %dma_wait3A_401 = tpu.memref_squeeze %dma_wait3A_400 : memref<1x16x256xf32, #tpu.memory_space<vmem>> -> memref<16x256xf32, #tpu.memory_space<vmem>>
        %dma_wait3A_402 = tpu.memref_slice %arg2[%multiple_of3A_366, %multiple_of3A] : memref<32768x512xf32, #tpu.memory_space<hbm>> -> memref<16x256xf32, #tpu.memory_space<hbm>>
        %dma_wait3A_403 = tpu.memref_slice %arg10[%select_n3A_398] : memref<8x!tpu.dma_semaphore, #tpu.memory_space<semaphore_mem>> -> memref<1x!tpu.dma_semaphore, #tpu.memory_space<semaphore_mem>>
        %dma_wait3A_404 = tpu.memref_squeeze %dma_wait3A_403 : memref<1x!tpu.dma_semaphore, #tpu.memory_space<semaphore_mem>> -> memref<!tpu.dma_semaphore, #tpu.memory_space<semaphore_mem>>
        %dma_wait3A_405 = arith.constant 0 : i32
        %dma_wait3A_406 = arith.constant 0 : i32
        %dma_wait3A_407 = tpu.memref_slice %arg6[%select_n3A_382, %dma_wait3A_405, %dma_wait3A_406] : memref<8x16x256xf32, #tpu.memory_space<vmem>> -> memref<1x16x256xf32, #tpu.memory_space<vmem>>
        %dma_wait3A_408 = tpu.memref_squeeze %dma_wait3A_407 : memref<1x16x256xf32, #tpu.memory_space<vmem>> -> memref<16x256xf32, #tpu.memory_space<vmem>>
        %dma_wait3A_409 = tpu.memref_slice %arg2[%multiple_of3A_366, %multiple_of3A] : memref<32768x512xf32, #tpu.memory_space<hbm>> -> memref<16x256xf32, #tpu.memory_space<hbm>>
        tpu.wait_dma2 semaphore(%dma_wait3A_404 : memref<!tpu.dma_semaphore, #tpu.memory_space<semaphore_mem>>) src(%dma_wait3A_409 : memref<16x256xf32, #tpu.memory_space<hbm>>) dst(%dma_wait3A_408 : memref<16x256xf32, #tpu.memory_space<vmem>>)
        %add3A_410 = arith.constant 8 : i32
        %add3A_411 = arith.addi %while3A_344, %add3A_410 : i32
        %sub3A_412 = arith.constant 1 : i32
        %sub3A_413 = arith.subi %add3A_411, %sub3A_412 : i32
        %lt3A_414 = arith.cmpi slt, %sub3A_413, %select_n3A_237 : i32
        %convert_element_type3A_415 = arith.extui %lt3A_414 : i1 to i32
        %cond3A_416 = arith.constant 0 : i32
        %cond3A_417 = arith.cmpi ne, %convert_element_type3A_415, %cond3A_416 : i32
        scf.if %cond3A_417 {
          %add3A_446 = arith.constant 8 : i32
          %add3A_447 = arith.addi %while3A_344, %add3A_446 : i32
          %sub3A_448 = arith.constant 1 : i32
          %sub3A_449 = arith.subi %add3A_447, %sub3A_448 : i32
          %mul3A_450 = arith.constant 16 : i32
          %mul3A_451 = arith.muli %sub3A_449, %mul3A_450 : i32
          %add3A_452 = arith.addi %mul3A_208, %mul3A_451 : i32
          %min3A_453 = arith.constant 32752 : i32
          %min3A_454 = arith.minsi %add3A_452, %min3A_453 : i32
          %multiple_of3A_455 = tpu.assume_multiple %min3A_454, 8 : i32
          %jit3A_456 = arith.constant 8 : i32
          %eq3A_457 = arith.constant 0 : i32
          %eq3A_458 = arith.cmpi eq, %jit3A_456, %eq3A_457 : i32
          %jit3A_459 = arith.constant 1 : i32
          %select_n3A_460 = arith.select %eq3A_458, %jit3A_459, %jit3A_456 : i32
          %rem3A_461 = arith.remsi %sub3A_449, %select_n3A_460 : i32
          %ne3A_462 = arith.constant 0 : i32
          %ne3A_463 = arith.cmpi ne, %rem3A_461, %ne3A_462 : i32
          %lt3A_464 = arith.constant 0 : i32
          %lt3A_465 = arith.cmpi slt, %rem3A_461, %lt3A_464 : i32
          %lt3A_466 = arith.constant 0 : i32
          %lt3A_467 = arith.cmpi slt, %select_n3A_460, %lt3A_466 : i32
          %ne3A_468 = arith.xori %lt3A_465, %lt3A_467 : i1
          %and3A_469 = arith.andi %ne3A_468, %ne3A_463 : i1
          %add3A_470 = arith.addi %rem3A_461, %select_n3A_460 : i32
          %select_n3A_471 = arith.select %and3A_469, %add3A_470, %rem3A_461 : i32
          %jit3A_472 = arith.constant 8 : i32
          %eq3A_473 = arith.constant 0 : i32
          %eq3A_474 = arith.cmpi eq, %jit3A_472, %eq3A_473 : i32
          %jit3A_475 = arith.constant 1 : i32
          %select_n3A_476 = arith.select %eq3A_474, %jit3A_475, %jit3A_472 : i32
          %rem3A_477 = arith.remsi %sub3A_449, %select_n3A_476 : i32
          %ne3A_478 = arith.constant 0 : i32
          %ne3A_479 = arith.cmpi ne, %rem3A_477, %ne3A_478 : i32
          %lt3A_480 = arith.constant 0 : i32
          %lt3A_481 = arith.cmpi slt, %rem3A_477, %lt3A_480 : i32
          %lt3A_482 = arith.constant 0 : i32
          %lt3A_483 = arith.cmpi slt, %select_n3A_476, %lt3A_482 : i32
          %ne3A_484 = arith.xori %lt3A_481, %lt3A_483 : i1
          %and3A_485 = arith.andi %ne3A_484, %ne3A_479 : i1
          %add3A_486 = arith.addi %rem3A_477, %select_n3A_476 : i32
          %select_n3A_487 = arith.select %and3A_485, %add3A_486, %rem3A_477 : i32
          %dma_start3A_488 = arith.constant 0 : i32
          %dma_start3A_489 = arith.constant 0 : i32
          %dma_start3A_490 = tpu.memref_slice %arg6[%select_n3A_471, %dma_start3A_488, %dma_start3A_489] : memref<8x16x256xf32, #tpu.memory_space<vmem>> -> memref<1x16x256xf32, #tpu.memory_space<vmem>>
          %dma_start3A_491 = tpu.memref_squeeze %dma_start3A_490 : memref<1x16x256xf32, #tpu.memory_space<vmem>> -> memref<16x256xf32, #tpu.memory_space<vmem>>
          %dma_start3A_492 = tpu.memref_slice %arg2[%multiple_of3A_455, %multiple_of3A] : memref<32768x512xf32, #tpu.memory_space<hbm>> -> memref<16x256xf32, #tpu.memory_space<hbm>>
          %dma_start3A_493 = tpu.memref_slice %arg10[%select_n3A_487] : memref<8x!tpu.dma_semaphore, #tpu.memory_space<semaphore_mem>> -> memref<1x!tpu.dma_semaphore, #tpu.memory_space<semaphore_mem>>
          %dma_start3A_494 = tpu.memref_squeeze %dma_start3A_493 : memref<1x!tpu.dma_semaphore, #tpu.memory_space<semaphore_mem>> -> memref<!tpu.dma_semaphore, #tpu.memory_space<semaphore_mem>>
          %dma_start3A_495 = arith.constant 0 : i32
          %dma_start3A_496 = arith.constant 0 : i32
          %dma_start3A_497 = tpu.memref_slice %arg6[%select_n3A_471, %dma_start3A_495, %dma_start3A_496] : memref<8x16x256xf32, #tpu.memory_space<vmem>> -> memref<1x16x256xf32, #tpu.memory_space<vmem>>
          %dma_start3A_498 = tpu.memref_squeeze %dma_start3A_497 : memref<1x16x256xf32, #tpu.memory_space<vmem>> -> memref<16x256xf32, #tpu.memory_space<vmem>>
          %dma_start3A_499 = tpu.memref_slice %arg2[%multiple_of3A_455, %multiple_of3A] : memref<32768x512xf32, #tpu.memory_space<hbm>> -> memref<16x256xf32, #tpu.memory_space<hbm>>
          tpu.enqueue_dma source(%dma_start3A_499 : memref<16x256xf32, #tpu.memory_space<hbm>>) target(%dma_start3A_498 : memref<16x256xf32, #tpu.memory_space<vmem>>) target_semaphore(%dma_start3A_494 : memref<!tpu.dma_semaphore, #tpu.memory_space<semaphore_mem>>)
        } else {
        }
        %mul3A_418 = arith.constant 16 : i32
        %mul3A_419 = arith.muli %while3A_344, %mul3A_418 : i32
        %add3A_420 = arith.addi %mul3A_208, %mul3A_419 : i32
        %min3A_421 = arith.constant 32752 : i32
        %min3A_422 = arith.minsi %add3A_420, %min3A_421 : i32
        %multiple_of3A_423 = tpu.assume_multiple %min3A_422, 8 : i32
        %jit3A_424 = arith.constant 8 : i32
        %eq3A_425 = arith.constant 0 : i32
        %eq3A_426 = arith.cmpi eq, %jit3A_424, %eq3A_425 : i32
        %jit3A_427 = arith.constant 1 : i32
        %select_n3A_428 = arith.select %eq3A_426, %jit3A_427, %jit3A_424 : i32
        %rem3A_429 = arith.remsi %while3A_344, %select_n3A_428 : i32
        %ne3A_430 = arith.constant 0 : i32
        %ne3A_431 = arith.cmpi ne, %rem3A_429, %ne3A_430 : i32
        %lt3A_432 = arith.constant 0 : i32
        %lt3A_433 = arith.cmpi slt, %rem3A_429, %lt3A_432 : i32
        %lt3A_434 = arith.constant 0 : i32
        %lt3A_435 = arith.cmpi slt, %select_n3A_428, %lt3A_434 : i32
        %ne3A_436 = arith.xori %lt3A_433, %lt3A_435 : i1
        %and3A_437 = arith.andi %ne3A_436, %ne3A_431 : i1
        %add3A_438 = arith.addi %rem3A_429, %select_n3A_428 : i32
        %select_n3A_439 = arith.select %and3A_437, %add3A_438, %rem3A_429 : i32
        %scan3A_440 = arith.constant 0 : i32
        %scan3A_441 = arith.constant 4 : i32
        %scan3A_442 = arith.addi %scan3A_440, %scan3A_441 : i32
        %scan3A_443 = arith.constant 1 : i32
        %scan3A_444:16 = scf.for %scan3A_446 = %scan3A_440 to %scan3A_442 step %scan3A_443 iter_args(%scan3A_447 = %while3A_345, %scan3A_448 = %while3A_346, %scan3A_449 = %while3A_347, %scan3A_450 = %while3A_348, %scan3A_451 = %while3A_349, %scan3A_452 = %while3A_350, %scan3A_453 = %while3A_351, %scan3A_454 = %while3A_352, %scan3A_455 = %while3A_353, %scan3A_456 = %while3A_354, %scan3A_457 = %while3A_355, %scan3A_458 = %while3A_356, %scan3A_459 = %while3A_357, %scan3A_460 = %while3A_358, %scan3A_461 = %while3A_359, %scan3A_462 = %while3A_360) -> (vector<16xf32>, vector<16xf32>, vector<16xf32>, vector<16xf32>, vector<16xf32>, vector<16xf32>, vector<16xf32>, vector<16xf32>, vector<16xf32>, vector<16xf32>, vector<16xf32>, vector<16xf32>, vector<16xf32>, vector<16xf32>, vector<16xf32>, vector<16xf32>)  : i32 {
          %mul3A_463 = arith.constant 4 : i32
          %mul3A_464 = arith.muli %scan3A_446, %mul3A_463 : i32
          %add3A_465 = arith.addi %multiple_of3A_423, %mul3A_464 : i32
          %add3A_466 = arith.constant 0 : i32
          %add3A_467 = arith.addi %add3A_465, %add3A_466 : i32
          %ge3A = arith.cmpi sge, %add3A_467, %max3A : i32
          %lt3A_468 = arith.cmpi slt, %add3A_467, %min3A_182 : i32
          %and3A_469 = arith.andi %ge3A, %lt3A_468 : i1
          %add3A_470 = arith.constant 0 : i32
          %add3A_471 = arith.addi %mul3A_464, %add3A_470 : i32
          %get3A_472 = arith.index_cast %select_n3A_439 : i32 to index
          %get3A_473 = arith.index_cast %add3A_471 : i32 to index
          %get3A_474 = arith.constant 0 : index
          %get3A_475 = tpu.vector_load %arg6[%get3A_472, %get3A_473, %get3A_474] {strides = array<i32>} : memref<8x16x256xf32, #tpu.memory_space<vmem>>, vector<16xf32>,
          %jit3A_476 = arith.constant 0xFF800000 : f32
          %broadcast_in_dim3A_477 = vector.broadcast %jit3A_476 : f32 to vector<16xf32>
          %select_n3A_478 = arith.select %and3A_469, %get3A_475, %broadcast_in_dim3A_477 : vector<16xf32>
          %max3A_479 = arith.maximumf %scan3A_447, %select_n3A_478 : vector<16xf32>
          %add3A_480 = arith.constant 0 : i32
          %add3A_481 = arith.addi %mul3A_464, %add3A_480 : i32
          %get3A_482 = arith.index_cast %select_n3A_439 : i32 to index
          %get3A_483 = arith.index_cast %add3A_481 : i32 to index
          %get3A_484 = arith.constant 16 : index
          %get3A_485 = tpu.vector_load %arg6[%get3A_482, %get3A_483, %get3A_484] {strides = array<i32>} : memref<8x16x256xf32, #tpu.memory_space<vmem>>, vector<16xf32>,
          %jit3A_486 = arith.constant 0xFF800000 : f32
          %broadcast_in_dim3A_487 = vector.broadcast %jit3A_486 : f32 to vector<16xf32>
          %select_n3A_488 = arith.select %and3A_469, %get3A_485, %broadcast_in_dim3A_487 : vector<16xf32>
          %max3A_489 = arith.maximumf %scan3A_448, %select_n3A_488 : vector<16xf32>
          %add3A_490 = arith.constant 0 : i32
          %add3A_491 = arith.addi %mul3A_464, %add3A_490 : i32
          %get3A_492 = arith.index_cast %select_n3A_439 : i32 to index
          %get3A_493 = arith.index_cast %add3A_491 : i32 to index
          %get3A_494 = arith.constant 32 : index
          %get3A_495 = tpu.vector_load %arg6[%get3A_492, %get3A_493, %get3A_494] {strides = array<i32>} : memref<8x16x256xf32, #tpu.memory_space<vmem>>, vector<16xf32>,
          %jit3A_496 = arith.constant 0xFF800000 : f32
          %broadcast_in_dim3A_497 = vector.broadcast %jit3A_496 : f32 to vector<16xf32>
          %select_n3A_498 = arith.select %and3A_469, %get3A_495, %broadcast_in_dim3A_497 : vector<16xf32>
          %max3A_499 = arith.maximumf %scan3A_449, %select_n3A_498 : vector<16xf32>
          %add3A_500 = arith.constant 0 : i32
          %add3A_501 = arith.addi %mul3A_464, %add3A_500 : i32
          %get3A_502 = arith.index_cast %select_n3A_439 : i32 to index
          %get3A_503 = arith.index_cast %add3A_501 : i32 to index
          %get3A_504 = arith.constant 48 : index
          %get3A_505 = tpu.vector_load %arg6[%get3A_502, %get3A_503, %get3A_504] {strides = array<i32>} : memref<8x16x256xf32, #tpu.memory_space<vmem>>, vector<16xf32>,
          %jit3A_506 = arith.constant 0xFF800000 : f32
          %broadcast_in_dim3A_507 = vector.broadcast %jit3A_506 : f32 to vector<16xf32>
          %select_n3A_508 = arith.select %and3A_469, %get3A_505, %broadcast_in_dim3A_507 : vector<16xf32>
          %max3A_509 = arith.maximumf %scan3A_450, %select_n3A_508 : vector<16xf32>
          %add3A_510 = arith.constant 0 : i32
          %add3A_511 = arith.addi %mul3A_464, %add3A_510 : i32
          %get3A_512 = arith.index_cast %select_n3A_439 : i32 to index
          %get3A_513 = arith.index_cast %add3A_511 : i32 to index
          %get3A_514 = arith.constant 64 : index
          %get3A_515 = tpu.vector_load %arg6[%get3A_512, %get3A_513, %get3A_514] {strides = array<i32>} : memref<8x16x256xf32, #tpu.memory_space<vmem>>, vector<16xf32>,
          %jit3A_516 = arith.constant 0xFF800000 : f32
          %broadcast_in_dim3A_517 = vector.broadcast %jit3A_516 : f32 to vector<16xf32>
          %select_n3A_518 = arith.select %and3A_469, %get3A_515, %broadcast_in_dim3A_517 : vector<16xf32>
          %max3A_519 = arith.maximumf %scan3A_451, %select_n3A_518 : vector<16xf32>
          %add3A_520 = arith.constant 0 : i32
          %add3A_521 = arith.addi %mul3A_464, %add3A_520 : i32
          %get3A_522 = arith.index_cast %select_n3A_439 : i32 to index
          %get3A_523 = arith.index_cast %add3A_521 : i32 to index
          %get3A_524 = arith.constant 80 : index
          %get3A_525 = tpu.vector_load %arg6[%get3A_522, %get3A_523, %get3A_524] {strides = array<i32>} : memref<8x16x256xf32, #tpu.memory_space<vmem>>, vector<16xf32>,
          %jit3A_526 = arith.constant 0xFF800000 : f32
          %broadcast_in_dim3A_527 = vector.broadcast %jit3A_526 : f32 to vector<16xf32>
          %select_n3A_528 = arith.select %and3A_469, %get3A_525, %broadcast_in_dim3A_527 : vector<16xf32>
          %max3A_529 = arith.maximumf %scan3A_452, %select_n3A_528 : vector<16xf32>
          %add3A_530 = arith.constant 0 : i32
          %add3A_531 = arith.addi %mul3A_464, %add3A_530 : i32
          %get3A_532 = arith.index_cast %select_n3A_439 : i32 to index
          %get3A_533 = arith.index_cast %add3A_531 : i32 to index
          %get3A_534 = arith.constant 96 : index
          %get3A_535 = tpu.vector_load %arg6[%get3A_532, %get3A_533, %get3A_534] {strides = array<i32>} : memref<8x16x256xf32, #tpu.memory_space<vmem>>, vector<16xf32>,
          %jit3A_536 = arith.constant 0xFF800000 : f32
          %broadcast_in_dim3A_537 = vector.broadcast %jit3A_536 : f32 to vector<16xf32>
          %select_n3A_538 = arith.select %and3A_469, %get3A_535, %broadcast_in_dim3A_537 : vector<16xf32>
          %max3A_539 = arith.maximumf %scan3A_453, %select_n3A_538 : vector<16xf32>
          %add3A_540 = arith.constant 0 : i32
          %add3A_541 = arith.addi %mul3A_464, %add3A_540 : i32
          %get3A_542 = arith.index_cast %select_n3A_439 : i32 to index
          %get3A_543 = arith.index_cast %add3A_541 : i32 to index
          %get3A_544 = arith.constant 112 : index
          %get3A_545 = tpu.vector_load %arg6[%get3A_542, %get3A_543, %get3A_544] {strides = array<i32>} : memref<8x16x256xf32, #tpu.memory_space<vmem>>, vector<16xf32>,
          %jit3A_546 = arith.constant 0xFF800000 : f32
          %broadcast_in_dim3A_547 = vector.broadcast %jit3A_546 : f32 to vector<16xf32>
          %select_n3A_548 = arith.select %and3A_469, %get3A_545, %broadcast_in_dim3A_547 : vector<16xf32>
          %max3A_549 = arith.maximumf %scan3A_454, %select_n3A_548 : vector<16xf32>
          %add3A_550 = arith.constant 0 : i32
          %add3A_551 = arith.addi %mul3A_464, %add3A_550 : i32
          %get3A_552 = arith.index_cast %select_n3A_439 : i32 to index
          %get3A_553 = arith.index_cast %add3A_551 : i32 to index
          %get3A_554 = arith.constant 128 : index
          %get3A_555 = tpu.vector_load %arg6[%get3A_552, %get3A_553, %get3A_554] {strides = array<i32>} : memref<8x16x256xf32, #tpu.memory_space<vmem>>, vector<16xf32>,
          %jit3A_556 = arith.constant 0xFF800000 : f32
          %broadcast_in_dim3A_557 = vector.broadcast %jit3A_556 : f32 to vector<16xf32>
          %select_n3A_558 = arith.select %and3A_469, %get3A_555, %broadcast_in_dim3A_557 : vector<16xf32>
          %max3A_559 = arith.maximumf %scan3A_455, %select_n3A_558 : vector<16xf32>
          %add3A_560 = arith.constant 0 : i32
          %add3A_561 = arith.addi %mul3A_464, %add3A_560 : i32
          %get3A_562 = arith.index_cast %select_n3A_439 : i32 to index
          %get3A_563 = arith.index_cast %add3A_561 : i32 to index
          %get3A_564 = arith.constant 144 : index
          %get3A_565 = tpu.vector_load %arg6[%get3A_562, %get3A_563, %get3A_564] {strides = array<i32>} : memref<8x16x256xf32, #tpu.memory_space<vmem>>, vector<16xf32>,
          %jit3A_566 = arith.constant 0xFF800000 : f32
          %broadcast_in_dim3A_567 = vector.broadcast %jit3A_566 : f32 to vector<16xf32>
          %select_n3A_568 = arith.select %and3A_469, %get3A_565, %broadcast_in_dim3A_567 : vector<16xf32>
          %max3A_569 = arith.maximumf %scan3A_456, %select_n3A_568 : vector<16xf32>
          %add3A_570 = arith.constant 0 : i32
          %add3A_571 = arith.addi %mul3A_464, %add3A_570 : i32
          %get3A_572 = arith.index_cast %select_n3A_439 : i32 to index
          %get3A_573 = arith.index_cast %add3A_571 : i32 to index
          %get3A_574 = arith.constant 160 : index
          %get3A_575 = tpu.vector_load %arg6[%get3A_572, %get3A_573, %get3A_574] {strides = array<i32>} : memref<8x16x256xf32, #tpu.memory_space<vmem>>, vector<16xf32>,
          %jit3A_576 = arith.constant 0xFF800000 : f32
          %broadcast_in_dim3A_577 = vector.broadcast %jit3A_576 : f32 to vector<16xf32>
          %select_n3A_578 = arith.select %and3A_469, %get3A_575, %broadcast_in_dim3A_577 : vector<16xf32>
          %max3A_579 = arith.maximumf %scan3A_457, %select_n3A_578 : vector<16xf32>
          %add3A_580 = arith.constant 0 : i32
          %add3A_581 = arith.addi %mul3A_464, %add3A_580 : i32
          %get3A_582 = arith.index_cast %select_n3A_439 : i32 to index
          %get3A_583 = arith.index_cast %add3A_581 : i32 to index
          %get3A_584 = arith.constant 176 : index
          %get3A_585 = tpu.vector_load %arg6[%get3A_582, %get3A_583, %get3A_584] {strides = array<i32>} : memref<8x16x256xf32, #tpu.memory_space<vmem>>, vector<16xf32>,
          %jit3A_586 = arith.constant 0xFF800000 : f32
          %broadcast_in_dim3A_587 = vector.broadcast %jit3A_586 : f32 to vector<16xf32>
          %select_n3A_588 = arith.select %and3A_469, %get3A_585, %broadcast_in_dim3A_587 : vector<16xf32>
          %max3A_589 = arith.maximumf %scan3A_458, %select_n3A_588 : vector<16xf32>
          %add3A_590 = arith.constant 0 : i32
          %add3A_591 = arith.addi %mul3A_464, %add3A_590 : i32
          %get3A_592 = arith.index_cast %select_n3A_439 : i32 to index
          %get3A_593 = arith.index_cast %add3A_591 : i32 to index
          %get3A_594 = arith.constant 192 : index
          %get3A_595 = tpu.vector_load %arg6[%get3A_592, %get3A_593, %get3A_594] {strides = array<i32>} : memref<8x16x256xf32, #tpu.memory_space<vmem>>, vector<16xf32>,
          %jit3A_596 = arith.constant 0xFF800000 : f32
          %broadcast_in_dim3A_597 = vector.broadcast %jit3A_596 : f32 to vector<16xf32>
          %select_n3A_598 = arith.select %and3A_469, %get3A_595, %broadcast_in_dim3A_597 : vector<16xf32>
          %max3A_599 = arith.maximumf %scan3A_459, %select_n3A_598 : vector<16xf32>
          %add3A_600 = arith.constant 0 : i32
          %add3A_601 = arith.addi %mul3A_464, %add3A_600 : i32
          %get3A_602 = arith.index_cast %select_n3A_439 : i32 to index
          %get3A_603 = arith.index_cast %add3A_601 : i32 to index
          %get3A_604 = arith.constant 208 : index
          %get3A_605 = tpu.vector_load %arg6[%get3A_602, %get3A_603, %get3A_604] {strides = array<i32>} : memref<8x16x256xf32, #tpu.memory_space<vmem>>, vector<16xf32>,
          %jit3A_606 = arith.constant 0xFF800000 : f32
          %broadcast_in_dim3A_607 = vector.broadcast %jit3A_606 : f32 to vector<16xf32>
          %select_n3A_608 = arith.select %and3A_469, %get3A_605, %broadcast_in_dim3A_607 : vector<16xf32>
          %max3A_609 = arith.maximumf %scan3A_460, %select_n3A_608 : vector<16xf32>
          %add3A_610 = arith.constant 0 : i32
          %add3A_611 = arith.addi %mul3A_464, %add3A_610 : i32
          %get3A_612 = arith.index_cast %select_n3A_439 : i32 to index
          %get3A_613 = arith.index_cast %add3A_611 : i32 to index
          %get3A_614 = arith.constant 224 : index
          %get3A_615 = tpu.vector_load %arg6[%get3A_612, %get3A_613, %get3A_614] {strides = array<i32>} : memref<8x16x256xf32, #tpu.memory_space<vmem>>, vector<16xf32>,
          %jit3A_616 = arith.constant 0xFF800000 : f32
          %broadcast_in_dim3A_617 = vector.broadcast %jit3A_616 : f32 to vector<16xf32>
          %select_n3A_618 = arith.select %and3A_469, %get3A_615, %broadcast_in_dim3A_617 : vector<16xf32>
          %max3A_619 = arith.maximumf %scan3A_461, %select_n3A_618 : vector<16xf32>
          %add3A_620 = arith.constant 0 : i32
          %add3A_621 = arith.addi %mul3A_464, %add3A_620 : i32
          %get3A_622 = arith.index_cast %select_n3A_439 : i32 to index
          %get3A_623 = arith.index_cast %add3A_621 : i32 to index
          %get3A_624 = arith.constant 240 : index
          %get3A_625 = tpu.vector_load %arg6[%get3A_622, %get3A_623, %get3A_624] {strides = array<i32>} : memref<8x16x256xf32, #tpu.memory_space<vmem>>, vector<16xf32>,
          %jit3A_626 = arith.constant 0xFF800000 : f32
          %broadcast_in_dim3A_627 = vector.broadcast %jit3A_626 : f32 to vector<16xf32>
          %select_n3A_628 = arith.select %and3A_469, %get3A_625, %broadcast_in_dim3A_627 : vector<16xf32>
          %max3A_629 = arith.maximumf %scan3A_462, %select_n3A_628 : vector<16xf32>
          %add3A_630 = arith.addi %multiple_of3A_423, %mul3A_464 : i32
          %add3A_631 = arith.constant 1 : i32
          %add3A_632 = arith.addi %add3A_630, %add3A_631 : i32
          %ge3A_633 = arith.cmpi sge, %add3A_632, %max3A : i32
          %lt3A_634 = arith.cmpi slt, %add3A_632, %min3A_182 : i32
          %and3A_635 = arith.andi %ge3A_633, %lt3A_634 : i1
          %add3A_636 = arith.constant 1 : i32
          %add3A_637 = arith.addi %mul3A_464, %add3A_636 : i32
          %get3A_638 = arith.index_cast %select_n3A_439 : i32 to index
          %get3A_639 = arith.index_cast %add3A_637 : i32 to index
          %get3A_640 = arith.constant 0 : index
          %get3A_641 = tpu.vector_load %arg6[%get3A_638, %get3A_639, %get3A_640] {strides = array<i32>} : memref<8x16x256xf32, #tpu.memory_space<vmem>>, vector<16xf32>,
          %jit3A_642 = arith.constant 0xFF800000 : f32
          %broadcast_in_dim3A_643 = vector.broadcast %jit3A_642 : f32 to vector<16xf32>
          %select_n3A_644 = arith.select %and3A_635, %get3A_641, %broadcast_in_dim3A_643 : vector<16xf32>
          %max3A_645 = arith.maximumf %max3A_479, %select_n3A_644 : vector<16xf32>
          %add3A_646 = arith.constant 1 : i32
          %add3A_647 = arith.addi %mul3A_464, %add3A_646 : i32
          %get3A_648 = arith.index_cast %select_n3A_439 : i32 to index
          %get3A_649 = arith.index_cast %add3A_647 : i32 to index
          %get3A_650 = arith.constant 16 : index
          %get3A_651 = tpu.vector_load %arg6[%get3A_648, %get3A_649, %get3A_650] {strides = array<i32>} : memref<8x16x256xf32, #tpu.memory_space<vmem>>, vector<16xf32>,
          %jit3A_652 = arith.constant 0xFF800000 : f32
          %broadcast_in_dim3A_653 = vector.broadcast %jit3A_652 : f32 to vector<16xf32>
          %select_n3A_654 = arith.select %and3A_635, %get3A_651, %broadcast_in_dim3A_653 : vector<16xf32>
          %max3A_655 = arith.maximumf %max3A_489, %select_n3A_654 : vector<16xf32>
          %add3A_656 = arith.constant 1 : i32
          %add3A_657 = arith.addi %mul3A_464, %add3A_656 : i32
          %get3A_658 = arith.index_cast %select_n3A_439 : i32 to index
          %get3A_659 = arith.index_cast %add3A_657 : i32 to index
          %get3A_660 = arith.constant 32 : index
          %get3A_661 = tpu.vector_load %arg6[%get3A_658, %get3A_659, %get3A_660] {strides = array<i32>} : memref<8x16x256xf32, #tpu.memory_space<vmem>>, vector<16xf32>,
          %jit3A_662 = arith.constant 0xFF800000 : f32
          %broadcast_in_dim3A_663 = vector.broadcast %jit3A_662 : f32 to vector<16xf32>
          %select_n3A_664 = arith.select %and3A_635, %get3A_661, %broadcast_in_dim3A_663 : vector<16xf32>
          %max3A_665 = arith.maximumf %max3A_499, %select_n3A_664 : vector<16xf32>
          %add3A_666 = arith.constant 1 : i32
          %add3A_667 = arith.addi %mul3A_464, %add3A_666 : i32
          %get3A_668 = arith.index_cast %select_n3A_439 : i32 to index
          %get3A_669 = arith.index_cast %add3A_667 : i32 to index
          %get3A_670 = arith.constant 48 : index
          %get3A_671 = tpu.vector_load %arg6[%get3A_668, %get3A_669, %get3A_670] {strides = array<i32>} : memref<8x16x256xf32, #tpu.memory_space<vmem>>, vector<16xf32>,
          %jit3A_672 = arith.constant 0xFF800000 : f32
          %broadcast_in_dim3A_673 = vector.broadcast %jit3A_672 : f32 to vector<16xf32>
          %select_n3A_674 = arith.select %and3A_635, %get3A_671, %broadcast_in_dim3A_673 : vector<16xf32>
          %max3A_675 = arith.maximumf %max3A_509, %select_n3A_674 : vector<16xf32>
          %add3A_676 = arith.constant 1 : i32
          %add3A_677 = arith.addi %mul3A_464, %add3A_676 : i32
          %get3A_678 = arith.index_cast %select_n3A_439 : i32 to index
          %get3A_679 = arith.index_cast %add3A_677 : i32 to index
          %get3A_680 = arith.constant 64 : index
          %get3A_681 = tpu.vector_load %arg6[%get3A_678, %get3A_679, %get3A_680] {strides = array<i32>} : memref<8x16x256xf32, #tpu.memory_space<vmem>>, vector<16xf32>,
          %jit3A_682 = arith.constant 0xFF800000 : f32
          %broadcast_in_dim3A_683 = vector.broadcast %jit3A_682 : f32 to vector<16xf32>
          %select_n3A_684 = arith.select %and3A_635, %get3A_681, %broadcast_in_dim3A_683 : vector<16xf32>
          %max3A_685 = arith.maximumf %max3A_519, %select_n3A_684 : vector<16xf32>
          %add3A_686 = arith.constant 1 : i32
          %add3A_687 = arith.addi %mul3A_464, %add3A_686 : i32
          %get3A_688 = arith.index_cast %select_n3A_439 : i32 to index
          %get3A_689 = arith.index_cast %add3A_687 : i32 to index
          %get3A_690 = arith.constant 80 : index
          %get3A_691 = tpu.vector_load %arg6[%get3A_688, %get3A_689, %get3A_690] {strides = array<i32>} : memref<8x16x256xf32, #tpu.memory_space<vmem>>, vector<16xf32>,
          %jit3A_692 = arith.constant 0xFF800000 : f32
          %broadcast_in_dim3A_693 = vector.broadcast %jit3A_692 : f32 to vector<16xf32>
          %select_n3A_694 = arith.select %and3A_635, %get3A_691, %broadcast_in_dim3A_693 : vector<16xf32>
          %max3A_695 = arith.maximumf %max3A_529, %select_n3A_694 : vector<16xf32>
          %add3A_696 = arith.constant 1 : i32
          %add3A_697 = arith.addi %mul3A_464, %add3A_696 : i32
          %get3A_698 = arith.index_cast %select_n3A_439 : i32 to index
          %get3A_699 = arith.index_cast %add3A_697 : i32 to index
          %get3A_700 = arith.constant 96 : index
          %get3A_701 = tpu.vector_load %arg6[%get3A_698, %get3A_699, %get3A_700] {strides = array<i32>} : memref<8x16x256xf32, #tpu.memory_space<vmem>>, vector<16xf32>,
          %jit3A_702 = arith.constant 0xFF800000 : f32
          %broadcast_in_dim3A_703 = vector.broadcast %jit3A_702 : f32 to vector<16xf32>
          %select_n3A_704 = arith.select %and3A_635, %get3A_701, %broadcast_in_dim3A_703 : vector<16xf32>
          %max3A_705 = arith.maximumf %max3A_539, %select_n3A_704 : vector<16xf32>
          %add3A_706 = arith.constant 1 : i32
          %add3A_707 = arith.addi %mul3A_464, %add3A_706 : i32
          %get3A_708 = arith.index_cast %select_n3A_439 : i32 to index
          %get3A_709 = arith.index_cast %add3A_707 : i32 to index
          %get3A_710 = arith.constant 112 : index
          %get3A_711 = tpu.vector_load %arg6[%get3A_708, %get3A_709, %get3A_710] {strides = array<i32>} : memref<8x16x256xf32, #tpu.memory_space<vmem>>, vector<16xf32>,
          %jit3A_712 = arith.constant 0xFF800000 : f32
          %broadcast_in_dim3A_713 = vector.broadcast %jit3A_712 : f32 to vector<16xf32>
          %select_n3A_714 = arith.select %and3A_635, %get3A_711, %broadcast_in_dim3A_713 : vector<16xf32>
          %max3A_715 = arith.maximumf %max3A_549, %select_n3A_714 : vector<16xf32>
          %add3A_716 = arith.constant 1 : i32
          %add3A_717 = arith.addi %mul3A_464, %add3A_716 : i32
          %get3A_718 = arith.index_cast %select_n3A_439 : i32 to index
          %get3A_719 = arith.index_cast %add3A_717 : i32 to index
          %get3A_720 = arith.constant 128 : index
          %get3A_721 = tpu.vector_load %arg6[%get3A_718, %get3A_719, %get3A_720] {strides = array<i32>} : memref<8x16x256xf32, #tpu.memory_space<vmem>>, vector<16xf32>,
          %jit3A_722 = arith.constant 0xFF800000 : f32
          %broadcast_in_dim3A_723 = vector.broadcast %jit3A_722 : f32 to vector<16xf32>
          %select_n3A_724 = arith.select %and3A_635, %get3A_721, %broadcast_in_dim3A_723 : vector<16xf32>
          %max3A_725 = arith.maximumf %max3A_559, %select_n3A_724 : vector<16xf32>
          %add3A_726 = arith.constant 1 : i32
          %add3A_727 = arith.addi %mul3A_464, %add3A_726 : i32
          %get3A_728 = arith.index_cast %select_n3A_439 : i32 to index
          %get3A_729 = arith.index_cast %add3A_727 : i32 to index
          %get3A_730 = arith.constant 144 : index
          %get3A_731 = tpu.vector_load %arg6[%get3A_728, %get3A_729, %get3A_730] {strides = array<i32>} : memref<8x16x256xf32, #tpu.memory_space<vmem>>, vector<16xf32>,
          %jit3A_732 = arith.constant 0xFF800000 : f32
          %broadcast_in_dim3A_733 = vector.broadcast %jit3A_732 : f32 to vector<16xf32>
          %select_n3A_734 = arith.select %and3A_635, %get3A_731, %broadcast_in_dim3A_733 : vector<16xf32>
          %max3A_735 = arith.maximumf %max3A_569, %select_n3A_734 : vector<16xf32>
          %add3A_736 = arith.constant 1 : i32
          %add3A_737 = arith.addi %mul3A_464, %add3A_736 : i32
          %get3A_738 = arith.index_cast %select_n3A_439 : i32 to index
          %get3A_739 = arith.index_cast %add3A_737 : i32 to index
          %get3A_740 = arith.constant 160 : index
          %get3A_741 = tpu.vector_load %arg6[%get3A_738, %get3A_739, %get3A_740] {strides = array<i32>} : memref<8x16x256xf32, #tpu.memory_space<vmem>>, vector<16xf32>,
          %jit3A_742 = arith.constant 0xFF800000 : f32
          %broadcast_in_dim3A_743 = vector.broadcast %jit3A_742 : f32 to vector<16xf32>
          %select_n3A_744 = arith.select %and3A_635, %get3A_741, %broadcast_in_dim3A_743 : vector<16xf32>
          %max3A_745 = arith.maximumf %max3A_579, %select_n3A_744 : vector<16xf32>
          %add3A_746 = arith.constant 1 : i32
          %add3A_747 = arith.addi %mul3A_464, %add3A_746 : i32
          %get3A_748 = arith.index_cast %select_n3A_439 : i32 to index
          %get3A_749 = arith.index_cast %add3A_747 : i32 to index
          %get3A_750 = arith.constant 176 : index
          %get3A_751 = tpu.vector_load %arg6[%get3A_748, %get3A_749, %get3A_750] {strides = array<i32>} : memref<8x16x256xf32, #tpu.memory_space<vmem>>, vector<16xf32>,
          %jit3A_752 = arith.constant 0xFF800000 : f32
          %broadcast_in_dim3A_753 = vector.broadcast %jit3A_752 : f32 to vector<16xf32>
          %select_n3A_754 = arith.select %and3A_635, %get3A_751, %broadcast_in_dim3A_753 : vector<16xf32>
          %max3A_755 = arith.maximumf %max3A_589, %select_n3A_754 : vector<16xf32>
          %add3A_756 = arith.constant 1 : i32
          %add3A_757 = arith.addi %mul3A_464, %add3A_756 : i32
          %get3A_758 = arith.index_cast %select_n3A_439 : i32 to index
          %get3A_759 = arith.index_cast %add3A_757 : i32 to index
          %get3A_760 = arith.constant 192 : index
          %get3A_761 = tpu.vector_load %arg6[%get3A_758, %get3A_759, %get3A_760] {strides = array<i32>} : memref<8x16x256xf32, #tpu.memory_space<vmem>>, vector<16xf32>,
          %jit3A_762 = arith.constant 0xFF800000 : f32
          %broadcast_in_dim3A_763 = vector.broadcast %jit3A_762 : f32 to vector<16xf32>
          %select_n3A_764 = arith.select %and3A_635, %get3A_761, %broadcast_in_dim3A_763 : vector<16xf32>
          %max3A_765 = arith.maximumf %max3A_599, %select_n3A_764 : vector<16xf32>
          %add3A_766 = arith.constant 1 : i32
          %add3A_767 = arith.addi %mul3A_464, %add3A_766 : i32
          %get3A_768 = arith.index_cast %select_n3A_439 : i32 to index
          %get3A_769 = arith.index_cast %add3A_767 : i32 to index
          %get3A_770 = arith.constant 208 : index
          %get3A_771 = tpu.vector_load %arg6[%get3A_768, %get3A_769, %get3A_770] {strides = array<i32>} : memref<8x16x256xf32, #tpu.memory_space<vmem>>, vector<16xf32>,
          %jit3A_772 = arith.constant 0xFF800000 : f32
          %broadcast_in_dim3A_773 = vector.broadcast %jit3A_772 : f32 to vector<16xf32>
          %select_n3A_774 = arith.select %and3A_635, %get3A_771, %broadcast_in_dim3A_773 : vector<16xf32>
          %max3A_775 = arith.maximumf %max3A_609, %select_n3A_774 : vector<16xf32>
          %add3A_776 = arith.constant 1 : i32
          %add3A_777 = arith.addi %mul3A_464, %add3A_776 : i32
          %get3A_778 = arith.index_cast %select_n3A_439 : i32 to index
          %get3A_779 = arith.index_cast %add3A_777 : i32 to index
          %get3A_780 = arith.constant 224 : index
          %get3A_781 = tpu.vector_load %arg6[%get3A_778, %get3A_779, %get3A_780] {strides = array<i32>} : memref<8x16x256xf32, #tpu.memory_space<vmem>>, vector<16xf32>,
          %jit3A_782 = arith.constant 0xFF800000 : f32
          %broadcast_in_dim3A_783 = vector.broadcast %jit3A_782 : f32 to vector<16xf32>
          %select_n3A_784 = arith.select %and3A_635, %get3A_781, %broadcast_in_dim3A_783 : vector<16xf32>
          %max3A_785 = arith.maximumf %max3A_619, %select_n3A_784 : vector<16xf32>
          %add3A_786 = arith.constant 1 : i32
          %add3A_787 = arith.addi %mul3A_464, %add3A_786 : i32
          %get3A_788 = arith.index_cast %select_n3A_439 : i32 to index
          %get3A_789 = arith.index_cast %add3A_787 : i32 to index
          %get3A_790 = arith.constant 240 : index
          %get3A_791 = tpu.vector_load %arg6[%get3A_788, %get3A_789, %get3A_790] {strides = array<i32>} : memref<8x16x256xf32, #tpu.memory_space<vmem>>, vector<16xf32>,
          %jit3A_792 = arith.constant 0xFF800000 : f32
          %broadcast_in_dim3A_793 = vector.broadcast %jit3A_792 : f32 to vector<16xf32>
          %select_n3A_794 = arith.select %and3A_635, %get3A_791, %broadcast_in_dim3A_793 : vector<16xf32>
          %max3A_795 = arith.maximumf %max3A_629, %select_n3A_794 : vector<16xf32>
          %add3A_796 = arith.addi %multiple_of3A_423, %mul3A_464 : i32
          %add3A_797 = arith.constant 2 : i32
          %add3A_798 = arith.addi %add3A_796, %add3A_797 : i32
          %ge3A_799 = arith.cmpi sge, %add3A_798, %max3A : i32
          %lt3A_800 = arith.cmpi slt, %add3A_798, %min3A_182 : i32
          %and3A_801 = arith.andi %ge3A_799, %lt3A_800 : i1
          %add3A_802 = arith.constant 2 : i32
          %add3A_803 = arith.addi %mul3A_464, %add3A_802 : i32
          %get3A_804 = arith.index_cast %select_n3A_439 : i32 to index
          %get3A_805 = arith.index_cast %add3A_803 : i32 to index
          %get3A_806 = arith.constant 0 : index
          %get3A_807 = tpu.vector_load %arg6[%get3A_804, %get3A_805, %get3A_806] {strides = array<i32>} : memref<8x16x256xf32, #tpu.memory_space<vmem>>, vector<16xf32>,
          %jit3A_808 = arith.constant 0xFF800000 : f32
          %broadcast_in_dim3A_809 = vector.broadcast %jit3A_808 : f32 to vector<16xf32>
          %select_n3A_810 = arith.select %and3A_801, %get3A_807, %broadcast_in_dim3A_809 : vector<16xf32>
          %max3A_811 = arith.maximumf %max3A_645, %select_n3A_810 : vector<16xf32>
          %add3A_812 = arith.constant 2 : i32
          %add3A_813 = arith.addi %mul3A_464, %add3A_812 : i32
          %get3A_814 = arith.index_cast %select_n3A_439 : i32 to index
          %get3A_815 = arith.index_cast %add3A_813 : i32 to index
          %get3A_816 = arith.constant 16 : index
          %get3A_817 = tpu.vector_load %arg6[%get3A_814, %get3A_815, %get3A_816] {strides = array<i32>} : memref<8x16x256xf32, #tpu.memory_space<vmem>>, vector<16xf32>,
          %jit3A_818 = arith.constant 0xFF800000 : f32
          %broadcast_in_dim3A_819 = vector.broadcast %jit3A_818 : f32 to vector<16xf32>
          %select_n3A_820 = arith.select %and3A_801, %get3A_817, %broadcast_in_dim3A_819 : vector<16xf32>
          %max3A_821 = arith.maximumf %max3A_655, %select_n3A_820 : vector<16xf32>
          %add3A_822 = arith.constant 2 : i32
          %add3A_823 = arith.addi %mul3A_464, %add3A_822 : i32
          %get3A_824 = arith.index_cast %select_n3A_439 : i32 to index
          %get3A_825 = arith.index_cast %add3A_823 : i32 to index
          %get3A_826 = arith.constant 32 : index
          %get3A_827 = tpu.vector_load %arg6[%get3A_824, %get3A_825, %get3A_826] {strides = array<i32>} : memref<8x16x256xf32, #tpu.memory_space<vmem>>, vector<16xf32>,
          %jit3A_828 = arith.constant 0xFF800000 : f32
          %broadcast_in_dim3A_829 = vector.broadcast %jit3A_828 : f32 to vector<16xf32>
          %select_n3A_830 = arith.select %and3A_801, %get3A_827, %broadcast_in_dim3A_829 : vector<16xf32>
          %max3A_831 = arith.maximumf %max3A_665, %select_n3A_830 : vector<16xf32>
          %add3A_832 = arith.constant 2 : i32
          %add3A_833 = arith.addi %mul3A_464, %add3A_832 : i32
          %get3A_834 = arith.index_cast %select_n3A_439 : i32 to index
          %get3A_835 = arith.index_cast %add3A_833 : i32 to index
          %get3A_836 = arith.constant 48 : index
          %get3A_837 = tpu.vector_load %arg6[%get3A_834, %get3A_835, %get3A_836] {strides = array<i32>} : memref<8x16x256xf32, #tpu.memory_space<vmem>>, vector<16xf32>,
          %jit3A_838 = arith.constant 0xFF800000 : f32
          %broadcast_in_dim3A_839 = vector.broadcast %jit3A_838 : f32 to vector<16xf32>
          %select_n3A_840 = arith.select %and3A_801, %get3A_837, %broadcast_in_dim3A_839 : vector<16xf32>
          %max3A_841 = arith.maximumf %max3A_675, %select_n3A_840 : vector<16xf32>
          %add3A_842 = arith.constant 2 : i32
          %add3A_843 = arith.addi %mul3A_464, %add3A_842 : i32
          %get3A_844 = arith.index_cast %select_n3A_439 : i32 to index
          %get3A_845 = arith.index_cast %add3A_843 : i32 to index
          %get3A_846 = arith.constant 64 : index
          %get3A_847 = tpu.vector_load %arg6[%get3A_844, %get3A_845, %get3A_846] {strides = array<i32>} : memref<8x16x256xf32, #tpu.memory_space<vmem>>, vector<16xf32>,
          %jit3A_848 = arith.constant 0xFF800000 : f32
          %broadcast_in_dim3A_849 = vector.broadcast %jit3A_848 : f32 to vector<16xf32>
          %select_n3A_850 = arith.select %and3A_801, %get3A_847, %broadcast_in_dim3A_849 : vector<16xf32>
          %max3A_851 = arith.maximumf %max3A_685, %select_n3A_850 : vector<16xf32>
          %add3A_852 = arith.constant 2 : i32
          %add3A_853 = arith.addi %mul3A_464, %add3A_852 : i32
          %get3A_854 = arith.index_cast %select_n3A_439 : i32 to index
          %get3A_855 = arith.index_cast %add3A_853 : i32 to index
          %get3A_856 = arith.constant 80 : index
          %get3A_857 = tpu.vector_load %arg6[%get3A_854, %get3A_855, %get3A_856] {strides = array<i32>} : memref<8x16x256xf32, #tpu.memory_space<vmem>>, vector<16xf32>,
          %jit3A_858 = arith.constant 0xFF800000 : f32
          %broadcast_in_dim3A_859 = vector.broadcast %jit3A_858 : f32 to vector<16xf32>
          %select_n3A_860 = arith.select %and3A_801, %get3A_857, %broadcast_in_dim3A_859 : vector<16xf32>
          %max3A_861 = arith.maximumf %max3A_695, %select_n3A_860 : vector<16xf32>
          %add3A_862 = arith.constant 2 : i32
          %add3A_863 = arith.addi %mul3A_464, %add3A_862 : i32
          %get3A_864 = arith.index_cast %select_n3A_439 : i32 to index
          %get3A_865 = arith.index_cast %add3A_863 : i32 to index
          %get3A_866 = arith.constant 96 : index
          %get3A_867 = tpu.vector_load %arg6[%get3A_864, %get3A_865, %get3A_866] {strides = array<i32>} : memref<8x16x256xf32, #tpu.memory_space<vmem>>, vector<16xf32>,
          %jit3A_868 = arith.constant 0xFF800000 : f32
          %broadcast_in_dim3A_869 = vector.broadcast %jit3A_868 : f32 to vector<16xf32>
          %select_n3A_870 = arith.select %and3A_801, %get3A_867, %broadcast_in_dim3A_869 : vector<16xf32>
          %max3A_871 = arith.maximumf %max3A_705, %select_n3A_870 : vector<16xf32>
          %add3A_872 = arith.constant 2 : i32
          %add3A_873 = arith.addi %mul3A_464, %add3A_872 : i32
          %get3A_874 = arith.index_cast %select_n3A_439 : i32 to index
          %get3A_875 = arith.index_cast %add3A_873 : i32 to index
          %get3A_876 = arith.constant 112 : index
          %get3A_877 = tpu.vector_load %arg6[%get3A_874, %get3A_875, %get3A_876] {strides = array<i32>} : memref<8x16x256xf32, #tpu.memory_space<vmem>>, vector<16xf32>,
          %jit3A_878 = arith.constant 0xFF800000 : f32
          %broadcast_in_dim3A_879 = vector.broadcast %jit3A_878 : f32 to vector<16xf32>
          %select_n3A_880 = arith.select %and3A_801, %get3A_877, %broadcast_in_dim3A_879 : vector<16xf32>
          %max3A_881 = arith.maximumf %max3A_715, %select_n3A_880 : vector<16xf32>
          %add3A_882 = arith.constant 2 : i32
          %add3A_883 = arith.addi %mul3A_464, %add3A_882 : i32
          %get3A_884 = arith.index_cast %select_n3A_439 : i32 to index
          %get3A_885 = arith.index_cast %add3A_883 : i32 to index
          %get3A_886 = arith.constant 128 : index
          %get3A_887 = tpu.vector_load %arg6[%get3A_884, %get3A_885, %get3A_886] {strides = array<i32>} : memref<8x16x256xf32, #tpu.memory_space<vmem>>, vector<16xf32>,
          %jit3A_888 = arith.constant 0xFF800000 : f32
          %broadcast_in_dim3A_889 = vector.broadcast %jit3A_888 : f32 to vector<16xf32>
          %select_n3A_890 = arith.select %and3A_801, %get3A_887, %broadcast_in_dim3A_889 : vector<16xf32>
          %max3A_891 = arith.maximumf %max3A_725, %select_n3A_890 : vector<16xf32>
          %add3A_892 = arith.constant 2 : i32
          %add3A_893 = arith.addi %mul3A_464, %add3A_892 : i32
          %get3A_894 = arith.index_cast %select_n3A_439 : i32 to index
          %get3A_895 = arith.index_cast %add3A_893 : i32 to index
          %get3A_896 = arith.constant 144 : index
          %get3A_897 = tpu.vector_load %arg6[%get3A_894, %get3A_895, %get3A_896] {strides = array<i32>} : memref<8x16x256xf32, #tpu.memory_space<vmem>>, vector<16xf32>,
          %jit3A_898 = arith.constant 0xFF800000 : f32
          %broadcast_in_dim3A_899 = vector.broadcast %jit3A_898 : f32 to vector<16xf32>
          %select_n3A_900 = arith.select %and3A_801, %get3A_897, %broadcast_in_dim3A_899 : vector<16xf32>
          %max3A_901 = arith.maximumf %max3A_735, %select_n3A_900 : vector<16xf32>
          %add3A_902 = arith.constant 2 : i32
          %add3A_903 = arith.addi %mul3A_464, %add3A_902 : i32
          %get3A_904 = arith.index_cast %select_n3A_439 : i32 to index
          %get3A_905 = arith.index_cast %add3A_903 : i32 to index
          %get3A_906 = arith.constant 160 : index
          %get3A_907 = tpu.vector_load %arg6[%get3A_904, %get3A_905, %get3A_906] {strides = array<i32>} : memref<8x16x256xf32, #tpu.memory_space<vmem>>, vector<16xf32>,
          %jit3A_908 = arith.constant 0xFF800000 : f32
          %broadcast_in_dim3A_909 = vector.broadcast %jit3A_908 : f32 to vector<16xf32>
          %select_n3A_910 = arith.select %and3A_801, %get3A_907, %broadcast_in_dim3A_909 : vector<16xf32>
          %max3A_911 = arith.maximumf %max3A_745, %select_n3A_910 : vector<16xf32>
          %add3A_912 = arith.constant 2 : i32
          %add3A_913 = arith.addi %mul3A_464, %add3A_912 : i32
          %get3A_914 = arith.index_cast %select_n3A_439 : i32 to index
          %get3A_915 = arith.index_cast %add3A_913 : i32 to index
          %get3A_916 = arith.constant 176 : index
          %get3A_917 = tpu.vector_load %arg6[%get3A_914, %get3A_915, %get3A_916] {strides = array<i32>} : memref<8x16x256xf32, #tpu.memory_space<vmem>>, vector<16xf32>,
          %jit3A_918 = arith.constant 0xFF800000 : f32
          %broadcast_in_dim3A_919 = vector.broadcast %jit3A_918 : f32 to vector<16xf32>
          %select_n3A_920 = arith.select %and3A_801, %get3A_917, %broadcast_in_dim3A_919 : vector<16xf32>
          %max3A_921 = arith.maximumf %max3A_755, %select_n3A_920 : vector<16xf32>
          %add3A_922 = arith.constant 2 : i32
          %add3A_923 = arith.addi %mul3A_464, %add3A_922 : i32
          %get3A_924 = arith.index_cast %select_n3A_439 : i32 to index
          %get3A_925 = arith.index_cast %add3A_923 : i32 to index
          %get3A_926 = arith.constant 192 : index
          %get3A_927 = tpu.vector_load %arg6[%get3A_924, %get3A_925, %get3A_926] {strides = array<i32>} : memref<8x16x256xf32, #tpu.memory_space<vmem>>, vector<16xf32>,
          %jit3A_928 = arith.constant 0xFF800000 : f32
          %broadcast_in_dim3A_929 = vector.broadcast %jit3A_928 : f32 to vector<16xf32>
          %select_n3A_930 = arith.select %and3A_801, %get3A_927, %broadcast_in_dim3A_929 : vector<16xf32>
          %max3A_931 = arith.maximumf %max3A_765, %select_n3A_930 : vector<16xf32>
          %add3A_932 = arith.constant 2 : i32
          %add3A_933 = arith.addi %mul3A_464, %add3A_932 : i32
          %get3A_934 = arith.index_cast %select_n3A_439 : i32 to index
          %get3A_935 = arith.index_cast %add3A_933 : i32 to index
          %get3A_936 = arith.constant 208 : index
          %get3A_937 = tpu.vector_load %arg6[%get3A_934, %get3A_935, %get3A_936] {strides = array<i32>} : memref<8x16x256xf32, #tpu.memory_space<vmem>>, vector<16xf32>,
          %jit3A_938 = arith.constant 0xFF800000 : f32
          %broadcast_in_dim3A_939 = vector.broadcast %jit3A_938 : f32 to vector<16xf32>
          %select_n3A_940 = arith.select %and3A_801, %get3A_937, %broadcast_in_dim3A_939 : vector<16xf32>
          %max3A_941 = arith.maximumf %max3A_775, %select_n3A_940 : vector<16xf32>
          %add3A_942 = arith.constant 2 : i32
          %add3A_943 = arith.addi %mul3A_464, %add3A_942 : i32
          %get3A_944 = arith.index_cast %select_n3A_439 : i32 to index
          %get3A_945 = arith.index_cast %add3A_943 : i32 to index
          %get3A_946 = arith.constant 224 : index
          %get3A_947 = tpu.vector_load %arg6[%get3A_944, %get3A_945, %get3A_946] {strides = array<i32>} : memref<8x16x256xf32, #tpu.memory_space<vmem>>, vector<16xf32>,
          %jit3A_948 = arith.constant 0xFF800000 : f32
          %broadcast_in_dim3A_949 = vector.broadcast %jit3A_948 : f32 to vector<16xf32>
          %select_n3A_950 = arith.select %and3A_801, %get3A_947, %broadcast_in_dim3A_949 : vector<16xf32>
          %max3A_951 = arith.maximumf %max3A_785, %select_n3A_950 : vector<16xf32>
          %add3A_952 = arith.constant 2 : i32
          %add3A_953 = arith.addi %mul3A_464, %add3A_952 : i32
          %get3A_954 = arith.index_cast %select_n3A_439 : i32 to index
          %get3A_955 = arith.index_cast %add3A_953 : i32 to index
          %get3A_956 = arith.constant 240 : index
          %get3A_957 = tpu.vector_load %arg6[%get3A_954, %get3A_955, %get3A_956] {strides = array<i32>} : memref<8x16x256xf32, #tpu.memory_space<vmem>>, vector<16xf32>,
          %jit3A_958 = arith.constant 0xFF800000 : f32
          %broadcast_in_dim3A_959 = vector.broadcast %jit3A_958 : f32 to vector<16xf32>
          %select_n3A_960 = arith.select %and3A_801, %get3A_957, %broadcast_in_dim3A_959 : vector<16xf32>
          %max3A_961 = arith.maximumf %max3A_795, %select_n3A_960 : vector<16xf32>
          %add3A_962 = arith.addi %multiple_of3A_423, %mul3A_464 : i32
          %add3A_963 = arith.constant 3 : i32
          %add3A_964 = arith.addi %add3A_962, %add3A_963 : i32
          %ge3A_965 = arith.cmpi sge, %add3A_964, %max3A : i32
          %lt3A_966 = arith.cmpi slt, %add3A_964, %min3A_182 : i32
          %and3A_967 = arith.andi %ge3A_965, %lt3A_966 : i1
          %add3A_968 = arith.constant 3 : i32
          %add3A_969 = arith.addi %mul3A_464, %add3A_968 : i32
          %get3A_970 = arith.index_cast %select_n3A_439 : i32 to index
          %get3A_971 = arith.index_cast %add3A_969 : i32 to index
          %get3A_972 = arith.constant 0 : index
          %get3A_973 = tpu.vector_load %arg6[%get3A_970, %get3A_971, %get3A_972] {strides = array<i32>} : memref<8x16x256xf32, #tpu.memory_space<vmem>>, vector<16xf32>,
          %jit3A_974 = arith.constant 0xFF800000 : f32
          %broadcast_in_dim3A_975 = vector.broadcast %jit3A_974 : f32 to vector<16xf32>
          %select_n3A_976 = arith.select %and3A_967, %get3A_973, %broadcast_in_dim3A_975 : vector<16xf32>
          %max3A_977 = arith.maximumf %max3A_811, %select_n3A_976 : vector<16xf32>
          %add3A_978 = arith.constant 3 : i32
          %add3A_979 = arith.addi %mul3A_464, %add3A_978 : i32
          %get3A_980 = arith.index_cast %select_n3A_439 : i32 to index
          %get3A_981 = arith.index_cast %add3A_979 : i32 to index
          %get3A_982 = arith.constant 16 : index
          %get3A_983 = tpu.vector_load %arg6[%get3A_980, %get3A_981, %get3A_982] {strides = array<i32>} : memref<8x16x256xf32, #tpu.memory_space<vmem>>, vector<16xf32>,
          %jit3A_984 = arith.constant 0xFF800000 : f32
          %broadcast_in_dim3A_985 = vector.broadcast %jit3A_984 : f32 to vector<16xf32>
          %select_n3A_986 = arith.select %and3A_967, %get3A_983, %broadcast_in_dim3A_985 : vector<16xf32>
          %max3A_987 = arith.maximumf %max3A_821, %select_n3A_986 : vector<16xf32>
          %add3A_988 = arith.constant 3 : i32
          %add3A_989 = arith.addi %mul3A_464, %add3A_988 : i32
          %get3A_990 = arith.index_cast %select_n3A_439 : i32 to index
          %get3A_991 = arith.index_cast %add3A_989 : i32 to index
          %get3A_992 = arith.constant 32 : index
          %get3A_993 = tpu.vector_load %arg6[%get3A_990, %get3A_991, %get3A_992] {strides = array<i32>} : memref<8x16x256xf32, #tpu.memory_space<vmem>>, vector<16xf32>,
          %jit3A_994 = arith.constant 0xFF800000 : f32
          %broadcast_in_dim3A_995 = vector.broadcast %jit3A_994 : f32 to vector<16xf32>
          %select_n3A_996 = arith.select %and3A_967, %get3A_993, %broadcast_in_dim3A_995 : vector<16xf32>
          %max3A_997 = arith.maximumf %max3A_831, %select_n3A_996 : vector<16xf32>
          %add3A_998 = arith.constant 3 : i32
          %add3A_999 = arith.addi %mul3A_464, %add3A_998 : i32
          %get3A_1000 = arith.index_cast %select_n3A_439 : i32 to index
          %get3A_1001 = arith.index_cast %add3A_999 : i32 to index
          %get3A_1002 = arith.constant 48 : index
          %get3A_1003 = tpu.vector_load %arg6[%get3A_1000, %get3A_1001, %get3A_1002] {strides = array<i32>} : memref<8x16x256xf32, #tpu.memory_space<vmem>>, vector<16xf32>,
          %jit3A_1004 = arith.constant 0xFF800000 : f32
          %broadcast_in_dim3A_1005 = vector.broadcast %jit3A_1004 : f32 to vector<16xf32>
          %select_n3A_1006 = arith.select %and3A_967, %get3A_1003, %broadcast_in_dim3A_1005 : vector<16xf32>
          %max3A_1007 = arith.maximumf %max3A_841, %select_n3A_1006 : vector<16xf32>
          %add3A_1008 = arith.constant 3 : i32
          %add3A_1009 = arith.addi %mul3A_464, %add3A_1008 : i32
          %get3A_1010 = arith.index_cast %select_n3A_439 : i32 to index
          %get3A_1011 = arith.index_cast %add3A_1009 : i32 to index
          %get3A_1012 = arith.constant 64 : index
          %get3A_1013 = tpu.vector_load %arg6[%get3A_1010, %get3A_1011, %get3A_1012] {strides = array<i32>} : memref<8x16x256xf32, #tpu.memory_space<vmem>>, vector<16xf32>,
          %jit3A_1014 = arith.constant 0xFF800000 : f32
          %broadcast_in_dim3A_1015 = vector.broadcast %jit3A_1014 : f32 to vector<16xf32>
          %select_n3A_1016 = arith.select %and3A_967, %get3A_1013, %broadcast_in_dim3A_1015 : vector<16xf32>
          %max3A_1017 = arith.maximumf %max3A_851, %select_n3A_1016 : vector<16xf32>
          %add3A_1018 = arith.constant 3 : i32
          %add3A_1019 = arith.addi %mul3A_464, %add3A_1018 : i32
          %get3A_1020 = arith.index_cast %select_n3A_439 : i32 to index
          %get3A_1021 = arith.index_cast %add3A_1019 : i32 to index
          %get3A_1022 = arith.constant 80 : index
          %get3A_1023 = tpu.vector_load %arg6[%get3A_1020, %get3A_1021, %get3A_1022] {strides = array<i32>} : memref<8x16x256xf32, #tpu.memory_space<vmem>>, vector<16xf32>,
          %jit3A_1024 = arith.constant 0xFF800000 : f32
          %broadcast_in_dim3A_1025 = vector.broadcast %jit3A_1024 : f32 to vector<16xf32>
          %select_n3A_1026 = arith.select %and3A_967, %get3A_1023, %broadcast_in_dim3A_1025 : vector<16xf32>
          %max3A_1027 = arith.maximumf %max3A_861, %select_n3A_1026 : vector<16xf32>
          %add3A_1028 = arith.constant 3 : i32
          %add3A_1029 = arith.addi %mul3A_464, %add3A_1028 : i32
          %get3A_1030 = arith.index_cast %select_n3A_439 : i32 to index
          %get3A_1031 = arith.index_cast %add3A_1029 : i32 to index
          %get3A_1032 = arith.constant 96 : index
          %get3A_1033 = tpu.vector_load %arg6[%get3A_1030, %get3A_1031, %get3A_1032] {strides = array<i32>} : memref<8x16x256xf32, #tpu.memory_space<vmem>>, vector<16xf32>,
          %jit3A_1034 = arith.constant 0xFF800000 : f32
          %broadcast_in_dim3A_1035 = vector.broadcast %jit3A_1034 : f32 to vector<16xf32>
          %select_n3A_1036 = arith.select %and3A_967, %get3A_1033, %broadcast_in_dim3A_1035 : vector<16xf32>
          %max3A_1037 = arith.maximumf %max3A_871, %select_n3A_1036 : vector<16xf32>
          %add3A_1038 = arith.constant 3 : i32
          %add3A_1039 = arith.addi %mul3A_464, %add3A_1038 : i32
          %get3A_1040 = arith.index_cast %select_n3A_439 : i32 to index
          %get3A_1041 = arith.index_cast %add3A_1039 : i32 to index
          %get3A_1042 = arith.constant 112 : index
          %get3A_1043 = tpu.vector_load %arg6[%get3A_1040, %get3A_1041, %get3A_1042] {strides = array<i32>} : memref<8x16x256xf32, #tpu.memory_space<vmem>>, vector<16xf32>,
          %jit3A_1044 = arith.constant 0xFF800000 : f32
          %broadcast_in_dim3A_1045 = vector.broadcast %jit3A_1044 : f32 to vector<16xf32>
          %select_n3A_1046 = arith.select %and3A_967, %get3A_1043, %broadcast_in_dim3A_1045 : vector<16xf32>
          %max3A_1047 = arith.maximumf %max3A_881, %select_n3A_1046 : vector<16xf32>
          %add3A_1048 = arith.constant 3 : i32
          %add3A_1049 = arith.addi %mul3A_464, %add3A_1048 : i32
          %get3A_1050 = arith.index_cast %select_n3A_439 : i32 to index
          %get3A_1051 = arith.index_cast %add3A_1049 : i32 to index
          %get3A_1052 = arith.constant 128 : index
          %get3A_1053 = tpu.vector_load %arg6[%get3A_1050, %get3A_1051, %get3A_1052] {strides = array<i32>} : memref<8x16x256xf32, #tpu.memory_space<vmem>>, vector<16xf32>,
          %jit3A_1054 = arith.constant 0xFF800000 : f32
          %broadcast_in_dim3A_1055 = vector.broadcast %jit3A_1054 : f32 to vector<16xf32>
          %select_n3A_1056 = arith.select %and3A_967, %get3A_1053, %broadcast_in_dim3A_1055 : vector<16xf32>
          %max3A_1057 = arith.maximumf %max3A_891, %select_n3A_1056 : vector<16xf32>
          %add3A_1058 = arith.constant 3 : i32
          %add3A_1059 = arith.addi %mul3A_464, %add3A_1058 : i32
          %get3A_1060 = arith.index_cast %select_n3A_439 : i32 to index
          %get3A_1061 = arith.index_cast %add3A_1059 : i32 to index
          %get3A_1062 = arith.constant 144 : index
          %get3A_1063 = tpu.vector_load %arg6[%get3A_1060, %get3A_1061, %get3A_1062] {strides = array<i32>} : memref<8x16x256xf32, #tpu.memory_space<vmem>>, vector<16xf32>,
          %jit3A_1064 = arith.constant 0xFF800000 : f32
          %broadcast_in_dim3A_1065 = vector.broadcast %jit3A_1064 : f32 to vector<16xf32>
          %select_n3A_1066 = arith.select %and3A_967, %get3A_1063, %broadcast_in_dim3A_1065 : vector<16xf32>
          %max3A_1067 = arith.maximumf %max3A_901, %select_n3A_1066 : vector<16xf32>
          %add3A_1068 = arith.constant 3 : i32
          %add3A_1069 = arith.addi %mul3A_464, %add3A_1068 : i32
          %get3A_1070 = arith.index_cast %select_n3A_439 : i32 to index
          %get3A_1071 = arith.index_cast %add3A_1069 : i32 to index
          %get3A_1072 = arith.constant 160 : index
          %get3A_1073 = tpu.vector_load %arg6[%get3A_1070, %get3A_1071, %get3A_1072] {strides = array<i32>} : memref<8x16x256xf32, #tpu.memory_space<vmem>>, vector<16xf32>,
          %jit3A_1074 = arith.constant 0xFF800000 : f32
          %broadcast_in_dim3A_1075 = vector.broadcast %jit3A_1074 : f32 to vector<16xf32>
          %select_n3A_1076 = arith.select %and3A_967, %get3A_1073, %broadcast_in_dim3A_1075 : vector<16xf32>
          %max3A_1077 = arith.maximumf %max3A_911, %select_n3A_1076 : vector<16xf32>
          %add3A_1078 = arith.constant 3 : i32
          %add3A_1079 = arith.addi %mul3A_464, %add3A_1078 : i32
          %get3A_1080 = arith.index_cast %select_n3A_439 : i32 to index
          %get3A_1081 = arith.index_cast %add3A_1079 : i32 to index
          %get3A_1082 = arith.constant 176 : index
          %get3A_1083 = tpu.vector_load %arg6[%get3A_1080, %get3A_1081, %get3A_1082] {strides = array<i32>} : memref<8x16x256xf32, #tpu.memory_space<vmem>>, vector<16xf32>,
          %jit3A_1084 = arith.constant 0xFF800000 : f32
          %broadcast_in_dim3A_1085 = vector.broadcast %jit3A_1084 : f32 to vector<16xf32>
          %select_n3A_1086 = arith.select %and3A_967, %get3A_1083, %broadcast_in_dim3A_1085 : vector<16xf32>
          %max3A_1087 = arith.maximumf %max3A_921, %select_n3A_1086 : vector<16xf32>
          %add3A_1088 = arith.constant 3 : i32
          %add3A_1089 = arith.addi %mul3A_464, %add3A_1088 : i32
          %get3A_1090 = arith.index_cast %select_n3A_439 : i32 to index
          %get3A_1091 = arith.index_cast %add3A_1089 : i32 to index
          %get3A_1092 = arith.constant 192 : index
          %get3A_1093 = tpu.vector_load %arg6[%get3A_1090, %get3A_1091, %get3A_1092] {strides = array<i32>} : memref<8x16x256xf32, #tpu.memory_space<vmem>>, vector<16xf32>,
          %jit3A_1094 = arith.constant 0xFF800000 : f32
          %broadcast_in_dim3A_1095 = vector.broadcast %jit3A_1094 : f32 to vector<16xf32>
          %select_n3A_1096 = arith.select %and3A_967, %get3A_1093, %broadcast_in_dim3A_1095 : vector<16xf32>
          %max3A_1097 = arith.maximumf %max3A_931, %select_n3A_1096 : vector<16xf32>
          %add3A_1098 = arith.constant 3 : i32
          %add3A_1099 = arith.addi %mul3A_464, %add3A_1098 : i32
          %get3A_1100 = arith.index_cast %select_n3A_439 : i32 to index
          %get3A_1101 = arith.index_cast %add3A_1099 : i32 to index
          %get3A_1102 = arith.constant 208 : index
          %get3A_1103 = tpu.vector_load %arg6[%get3A_1100, %get3A_1101, %get3A_1102] {strides = array<i32>} : memref<8x16x256xf32, #tpu.memory_space<vmem>>, vector<16xf32>,
          %jit3A_1104 = arith.constant 0xFF800000 : f32
          %broadcast_in_dim3A_1105 = vector.broadcast %jit3A_1104 : f32 to vector<16xf32>
          %select_n3A_1106 = arith.select %and3A_967, %get3A_1103, %broadcast_in_dim3A_1105 : vector<16xf32>
          %max3A_1107 = arith.maximumf %max3A_941, %select_n3A_1106 : vector<16xf32>
          %add3A_1108 = arith.constant 3 : i32
          %add3A_1109 = arith.addi %mul3A_464, %add3A_1108 : i32
          %get3A_1110 = arith.index_cast %select_n3A_439 : i32 to index
          %get3A_1111 = arith.index_cast %add3A_1109 : i32 to index
          %get3A_1112 = arith.constant 224 : index
          %get3A_1113 = tpu.vector_load %arg6[%get3A_1110, %get3A_1111, %get3A_1112] {strides = array<i32>} : memref<8x16x256xf32, #tpu.memory_space<vmem>>, vector<16xf32>,
          %jit3A_1114 = arith.constant 0xFF800000 : f32
          %broadcast_in_dim3A_1115 = vector.broadcast %jit3A_1114 : f32 to vector<16xf32>
          %select_n3A_1116 = arith.select %and3A_967, %get3A_1113, %broadcast_in_dim3A_1115 : vector<16xf32>
          %max3A_1117 = arith.maximumf %max3A_951, %select_n3A_1116 : vector<16xf32>
          %add3A_1118 = arith.constant 3 : i32
          %add3A_1119 = arith.addi %mul3A_464, %add3A_1118 : i32
          %get3A_1120 = arith.index_cast %select_n3A_439 : i32 to index
          %get3A_1121 = arith.index_cast %add3A_1119 : i32 to index
          %get3A_1122 = arith.constant 240 : index
          %get3A_1123 = tpu.vector_load %arg6[%get3A_1120, %get3A_1121, %get3A_1122] {strides = array<i32>} : memref<8x16x256xf32, #tpu.memory_space<vmem>>, vector<16xf32>,
          %jit3A_1124 = arith.constant 0xFF800000 : f32
          %broadcast_in_dim3A_1125 = vector.broadcast %jit3A_1124 : f32 to vector<16xf32>
          %select_n3A_1126 = arith.select %and3A_967, %get3A_1123, %broadcast_in_dim3A_1125 : vector<16xf32>
          %max3A_1127 = arith.maximumf %max3A_961, %select_n3A_1126 : vector<16xf32>
          scf.yield %max3A_977, %max3A_987, %max3A_997, %max3A_1007, %max3A_1017, %max3A_1027, %max3A_1037, %max3A_1047, %max3A_1057, %max3A_1067, %max3A_1077, %max3A_1087, %max3A_1097, %max3A_1107, %max3A_1117, %max3A_1127 : vector<16xf32>, vector<16xf32>, vector<16xf32>, vector<16xf32>, vector<16xf32>, vector<16xf32>, vector<16xf32>, vector<16xf32>, vector<16xf32>, vector<16xf32>, vector<16xf32>, vector<16xf32>, vector<16xf32>, vector<16xf32>, vector<16xf32>, vector<16xf32>
        }
        %scan3A_445 = arith.constant 4 : i32
        scf.yield %scan3A_444#0, %scan3A_444#1, %scan3A_444#2, %scan3A_444#3, %scan3A_444#4, %scan3A_444#5, %scan3A_444#6, %scan3A_444#7, %scan3A_444#8, %scan3A_444#9, %scan3A_444#10, %scan3A_444#11, %scan3A_444#12, %scan3A_444#13, %scan3A_444#14, %scan3A_444#15 : vector<16xf32>, vector<16xf32>, vector<16xf32>, vector<16xf32>, vector<16xf32>, vector<16xf32>, vector<16xf32>, vector<16xf32>, vector<16xf32>, vector<16xf32>, vector<16xf32>, vector<16xf32>, vector<16xf32>, vector<16xf32>, vector<16xf32>, vector<16xf32>
      }
      %while3A_293 = arith.constant 1 : i32
      %while3A_294:16 = scf.for %while3A_344 = %while3A_290 to %while3A_286 step %while3A_293 iter_args(%while3A_345 = %while3A_292#0, %while3A_346 = %while3A_292#1, %while3A_347 = %while3A_292#2, %while3A_348 = %while3A_292#3, %while3A_349 = %while3A_292#4, %while3A_350 = %while3A_292#5, %while3A_351 = %while3A_292#6, %while3A_352 = %while3A_292#7, %while3A_353 = %while3A_292#8, %while3A_354 = %while3A_292#9, %while3A_355 = %while3A_292#10, %while3A_356 = %while3A_292#11, %while3A_357 = %while3A_292#12, %while3A_358 = %while3A_292#13, %while3A_359 = %while3A_292#14, %while3A_360 = %while3A_292#15) -> (vector<16xf32>, vector<16xf32>, vector<16xf32>, vector<16xf32>, vector<16xf32>, vector<16xf32>, vector<16xf32>, vector<16xf32>, vector<16xf32>, vector<16xf32>, vector<16xf32>, vector<16xf32>, vector<16xf32>, vector<16xf32>, vector<16xf32>, vector<16xf32>)  : i32 {
        %mul3A_361 = arith.constant 16 : i32
        %mul3A_362 = arith.muli %while3A_344, %mul3A_361 : i32
        %add3A_363 = arith.addi %mul3A_208, %mul3A_362 : i32
        %min3A_364 = arith.constant 32752 : i32
        %min3A_365 = arith.minsi %add3A_363, %min3A_364 : i32
        %multiple_of3A_366 = tpu.assume_multiple %min3A_365, 8 : i32
        %jit3A_367 = arith.constant 8 : i32
        %eq3A_368 = arith.constant 0 : i32
        %eq3A_369 = arith.cmpi eq, %jit3A_367, %eq3A_368 : i32
        %jit3A_370 = arith.constant 1 : i32
        %select_n3A_371 = arith.select %eq3A_369, %jit3A_370, %jit3A_367 : i32
        %rem3A_372 = arith.remsi %while3A_344, %select_n3A_371 : i32
        %ne3A_373 = arith.constant 0 : i32
        %ne3A_374 = arith.cmpi ne, %rem3A_372, %ne3A_373 : i32
        %lt3A_375 = arith.constant 0 : i32
        %lt3A_376 = arith.cmpi slt, %rem3A_372, %lt3A_375 : i32
        %lt3A_377 = arith.constant 0 : i32
        %lt3A_378 = arith.cmpi slt, %select_n3A_371, %lt3A_377 : i32
        %ne3A_379 = arith.xori %lt3A_376, %lt3A_378 : i1
        %and3A_380 = arith.andi %ne3A_379, %ne3A_374 : i1
        %add3A_381 = arith.addi %rem3A_372, %select_n3A_371 : i32
        %select_n3A_382 = arith.select %and3A_380, %add3A_381, %rem3A_372 : i32
        %jit3A_383 = arith.constant 8 : i32
        %eq3A_384 = arith.constant 0 : i32
        %eq3A_385 = arith.cmpi eq, %jit3A_383, %eq3A_384 : i32
        %jit3A_386 = arith.constant 1 : i32
        %select_n3A_387 = arith.select %eq3A_385, %jit3A_386, %jit3A_383 : i32
        %rem3A_388 = arith.remsi %while3A_344, %select_n3A_387 : i32
        %ne3A_389 = arith.constant 0 : i32
        %ne3A_390 = arith.cmpi ne, %rem3A_388, %ne3A_389 : i32
        %lt3A_391 = arith.constant 0 : i32
        %lt3A_392 = arith.cmpi slt, %rem3A_388, %lt3A_391 : i32
        %lt3A_393 = arith.constant 0 : i32
        %lt3A_394 = arith.cmpi slt, %select_n3A_387, %lt3A_393 : i32
        %ne3A_395 = arith.xori %lt3A_392, %lt3A_394 : i1
        %and3A_396 = arith.andi %ne3A_395, %ne3A_390 : i1
        %add3A_397 = arith.addi %rem3A_388, %select_n3A_387 : i32
        %select_n3A_398 = arith.select %and3A_396, %add3A_397, %rem3A_388 : i32
        %dma_wait3A = arith.constant 0 : i32
        %dma_wait3A_399 = arith.constant 0 : i32
        %dma_wait3A_400 = tpu.memref_slice %arg6[%select_n3A_382, %dma_wait3A, %dma_wait3A_399] : memref<8x16x256xf32, #tpu.memory_space<vmem>> -> memref<1x16x256xf32, #tpu.memory_space<vmem>>
        %dma_wait3A_401 = tpu.memref_squeeze %dma_wait3A_400 : memref<1x16x256xf32, #tpu.memory_space<vmem>> -> memref<16x256xf32, #tpu.memory_space<vmem>>
        %dma_wait3A_402 = tpu.memref_slice %arg2[%multiple_of3A_366, %multiple_of3A] : memref<32768x512xf32, #tpu.memory_space<hbm>> -> memref<16x256xf32, #tpu.memory_space<hbm>>
        %dma_wait3A_403 = tpu.memref_slice %arg10[%select_n3A_398] : memref<8x!tpu.dma_semaphore, #tpu.memory_space<semaphore_mem>> -> memref<1x!tpu.dma_semaphore, #tpu.memory_space<semaphore_mem>>
        %dma_wait3A_404 = tpu.memref_squeeze %dma_wait3A_403 : memref<1x!tpu.dma_semaphore, #tpu.memory_space<semaphore_mem>> -> memref<!tpu.dma_semaphore, #tpu.memory_space<semaphore_mem>>
        %dma_wait3A_405 = arith.constant 0 : i32
        %dma_wait3A_406 = arith.constant 0 : i32
        %dma_wait3A_407 = tpu.memref_slice %arg6[%select_n3A_382, %dma_wait3A_405, %dma_wait3A_406] : memref<8x16x256xf32, #tpu.memory_space<vmem>> -> memref<1x16x256xf32, #tpu.memory_space<vmem>>
        %dma_wait3A_408 = tpu.memref_squeeze %dma_wait3A_407 : memref<1x16x256xf32, #tpu.memory_space<vmem>> -> memref<16x256xf32, #tpu.memory_space<vmem>>
        %dma_wait3A_409 = tpu.memref_slice %arg2[%multiple_of3A_366, %multiple_of3A] : memref<32768x512xf32, #tpu.memory_space<hbm>> -> memref<16x256xf32, #tpu.memory_space<hbm>>
        tpu.wait_dma2 semaphore(%dma_wait3A_404 : memref<!tpu.dma_semaphore, #tpu.memory_space<semaphore_mem>>) src(%dma_wait3A_409 : memref<16x256xf32, #tpu.memory_space<hbm>>) dst(%dma_wait3A_408 : memref<16x256xf32, #tpu.memory_space<vmem>>)
        %add3A_410 = arith.constant 8 : i32
        %add3A_411 = arith.addi %while3A_344, %add3A_410 : i32
        %sub3A_412 = arith.constant 1 : i32
        %sub3A_413 = arith.subi %add3A_411, %sub3A_412 : i32
        %lt3A_414 = arith.cmpi slt, %sub3A_413, %select_n3A_237 : i32
        %convert_element_type3A_415 = arith.extui %lt3A_414 : i1 to i32
        %cond3A_416 = arith.constant 0 : i32
        %cond3A_417 = arith.cmpi ne, %convert_element_type3A_415, %cond3A_416 : i32
        scf.if %cond3A_417 {
          %add3A_446 = arith.constant 8 : i32
          %add3A_447 = arith.addi %while3A_344, %add3A_446 : i32
          %sub3A_448 = arith.constant 1 : i32
          %sub3A_449 = arith.subi %add3A_447, %sub3A_448 : i32
          %mul3A_450 = arith.constant 16 : i32
          %mul3A_451 = arith.muli %sub3A_449, %mul3A_450 : i32
          %add3A_452 = arith.addi %mul3A_208, %mul3A_451 : i32
          %min3A_453 = arith.constant 32752 : i32
          %min3A_454 = arith.minsi %add3A_452, %min3A_453 : i32
          %multiple_of3A_455 = tpu.assume_multiple %min3A_454, 8 : i32
          %jit3A_456 = arith.constant 8 : i32
          %eq3A_457 = arith.constant 0 : i32
          %eq3A_458 = arith.cmpi eq, %jit3A_456, %eq3A_457 : i32
          %jit3A_459 = arith.constant 1 : i32
          %select_n3A_460 = arith.select %eq3A_458, %jit3A_459, %jit3A_456 : i32
          %rem3A_461 = arith.remsi %sub3A_449, %select_n3A_460 : i32
          %ne3A_462 = arith.constant 0 : i32
          %ne3A_463 = arith.cmpi ne, %rem3A_461, %ne3A_462 : i32
          %lt3A_464 = arith.constant 0 : i32
          %lt3A_465 = arith.cmpi slt, %rem3A_461, %lt3A_464 : i32
          %lt3A_466 = arith.constant 0 : i32
          %lt3A_467 = arith.cmpi slt, %select_n3A_460, %lt3A_466 : i32
          %ne3A_468 = arith.xori %lt3A_465, %lt3A_467 : i1
          %and3A_469 = arith.andi %ne3A_468, %ne3A_463 : i1
          %add3A_470 = arith.addi %rem3A_461, %select_n3A_460 : i32
          %select_n3A_471 = arith.select %and3A_469, %add3A_470, %rem3A_461 : i32
          %jit3A_472 = arith.constant 8 : i32
          %eq3A_473 = arith.constant 0 : i32
          %eq3A_474 = arith.cmpi eq, %jit3A_472, %eq3A_473 : i32
          %jit3A_475 = arith.constant 1 : i32
          %select_n3A_476 = arith.select %eq3A_474, %jit3A_475, %jit3A_472 : i32
          %rem3A_477 = arith.remsi %sub3A_449, %select_n3A_476 : i32
          %ne3A_478 = arith.constant 0 : i32
          %ne3A_479 = arith.cmpi ne, %rem3A_477, %ne3A_478 : i32
          %lt3A_480 = arith.constant 0 : i32
          %lt3A_481 = arith.cmpi slt, %rem3A_477, %lt3A_480 : i32
          %lt3A_482 = arith.constant 0 : i32
          %lt3A_483 = arith.cmpi slt, %select_n3A_476, %lt3A_482 : i32
          %ne3A_484 = arith.xori %lt3A_481, %lt3A_483 : i1
          %and3A_485 = arith.andi %ne3A_484, %ne3A_479 : i1
          %add3A_486 = arith.addi %rem3A_477, %select_n3A_476 : i32
          %select_n3A_487 = arith.select %and3A_485, %add3A_486, %rem3A_477 : i32
          %dma_start3A_488 = arith.constant 0 : i32
          %dma_start3A_489 = arith.constant 0 : i32
          %dma_start3A_490 = tpu.memref_slice %arg6[%select_n3A_471, %dma_start3A_488, %dma_start3A_489] : memref<8x16x256xf32, #tpu.memory_space<vmem>> -> memref<1x16x256xf32, #tpu.memory_space<vmem>>
          %dma_start3A_491 = tpu.memref_squeeze %dma_start3A_490 : memref<1x16x256xf32, #tpu.memory_space<vmem>> -> memref<16x256xf32, #tpu.memory_space<vmem>>
          %dma_start3A_492 = tpu.memref_slice %arg2[%multiple_of3A_455, %multiple_of3A] : memref<32768x512xf32, #tpu.memory_space<hbm>> -> memref<16x256xf32, #tpu.memory_space<hbm>>
          %dma_start3A_493 = tpu.memref_slice %arg10[%select_n3A_487] : memref<8x!tpu.dma_semaphore, #tpu.memory_space<semaphore_mem>> -> memref<1x!tpu.dma_semaphore, #tpu.memory_space<semaphore_mem>>
          %dma_start3A_494 = tpu.memref_squeeze %dma_start3A_493 : memref<1x!tpu.dma_semaphore, #tpu.memory_space<semaphore_mem>> -> memref<!tpu.dma_semaphore, #tpu.memory_space<semaphore_mem>>
          %dma_start3A_495 = arith.constant 0 : i32
          %dma_start3A_496 = arith.constant 0 : i32
          %dma_start3A_497 = tpu.memref_slice %arg6[%select_n3A_471, %dma_start3A_495, %dma_start3A_496] : memref<8x16x256xf32, #tpu.memory_space<vmem>> -> memref<1x16x256xf32, #tpu.memory_space<vmem>>
          %dma_start3A_498 = tpu.memref_squeeze %dma_start3A_497 : memref<1x16x256xf32, #tpu.memory_space<vmem>> -> memref<16x256xf32, #tpu.memory_space<vmem>>
          %dma_start3A_499 = tpu.memref_slice %arg2[%multiple_of3A_455, %multiple_of3A] : memref<32768x512xf32, #tpu.memory_space<hbm>> -> memref<16x256xf32, #tpu.memory_space<hbm>>
          tpu.enqueue_dma source(%dma_start3A_499 : memref<16x256xf32, #tpu.memory_space<hbm>>) target(%dma_start3A_498 : memref<16x256xf32, #tpu.memory_space<vmem>>) target_semaphore(%dma_start3A_494 : memref<!tpu.dma_semaphore, #tpu.memory_space<semaphore_mem>>)
        } else {
        }
        %mul3A_418 = arith.constant 16 : i32
        %mul3A_419 = arith.muli %while3A_344, %mul3A_418 : i32
        %add3A_420 = arith.addi %mul3A_208, %mul3A_419 : i32
        %min3A_421 = arith.constant 32752 : i32
        %min3A_422 = arith.minsi %add3A_420, %min3A_421 : i32
        %multiple_of3A_423 = tpu.assume_multiple %min3A_422, 8 : i32
        %jit3A_424 = arith.constant 8 : i32
        %eq3A_425 = arith.constant 0 : i32
        %eq3A_426 = arith.cmpi eq, %jit3A_424, %eq3A_425 : i32
        %jit3A_427 = arith.constant 1 : i32
        %select_n3A_428 = arith.select %eq3A_426, %jit3A_427, %jit3A_424 : i32
        %rem3A_429 = arith.remsi %while3A_344, %select_n3A_428 : i32
        %ne3A_430 = arith.constant 0 : i32
        %ne3A_431 = arith.cmpi ne, %rem3A_429, %ne3A_430 : i32
        %lt3A_432 = arith.constant 0 : i32
        %lt3A_433 = arith.cmpi slt, %rem3A_429, %lt3A_432 : i32
        %lt3A_434 = arith.constant 0 : i32
        %lt3A_435 = arith.cmpi slt, %select_n3A_428, %lt3A_434 : i32
        %ne3A_436 = arith.xori %lt3A_433, %lt3A_435 : i1
        %and3A_437 = arith.andi %ne3A_436, %ne3A_431 : i1
        %add3A_438 = arith.addi %rem3A_429, %select_n3A_428 : i32
        %select_n3A_439 = arith.select %and3A_437, %add3A_438, %rem3A_429 : i32
        %scan3A_440 = arith.constant 0 : i32
        %scan3A_441 = arith.constant 4 : i32
        %scan3A_442 = arith.addi %scan3A_440, %scan3A_441 : i32
        %scan3A_443 = arith.constant 1 : i32
        %scan3A_444:16 = scf.for %scan3A_446 = %scan3A_440 to %scan3A_442 step %scan3A_443 iter_args(%scan3A_447 = %while3A_345, %scan3A_448 = %while3A_346, %scan3A_449 = %while3A_347, %scan3A_450 = %while3A_348, %scan3A_451 = %while3A_349, %scan3A_452 = %while3A_350, %scan3A_453 = %while3A_351, %scan3A_454 = %while3A_352, %scan3A_455 = %while3A_353, %scan3A_456 = %while3A_354, %scan3A_457 = %while3A_355, %scan3A_458 = %while3A_356, %scan3A_459 = %while3A_357, %scan3A_460 = %while3A_358, %scan3A_461 = %while3A_359, %scan3A_462 = %while3A_360) -> (vector<16xf32>, vector<16xf32>, vector<16xf32>, vector<16xf32>, vector<16xf32>, vector<16xf32>, vector<16xf32>, vector<16xf32>, vector<16xf32>, vector<16xf32>, vector<16xf32>, vector<16xf32>, vector<16xf32>, vector<16xf32>, vector<16xf32>, vector<16xf32>)  : i32 {
          %mul3A_463 = arith.constant 4 : i32
          %mul3A_464 = arith.muli %scan3A_446, %mul3A_463 : i32
          %add3A_465 = arith.addi %multiple_of3A_423, %mul3A_464 : i32
          %add3A_466 = arith.constant 0 : i32
          %add3A_467 = arith.addi %add3A_465, %add3A_466 : i32
          %ge3A = arith.cmpi sge, %add3A_467, %max3A : i32
          %lt3A_468 = arith.cmpi slt, %add3A_467, %min3A_182 : i32
          %and3A_469 = arith.andi %ge3A, %lt3A_468 : i1
          %add3A_470 = arith.constant 0 : i32
          %add3A_471 = arith.addi %mul3A_464, %add3A_470 : i32
          %get3A_472 = arith.index_cast %select_n3A_439 : i32 to index
          %get3A_473 = arith.index_cast %add3A_471 : i32 to index
          %get3A_474 = arith.constant 0 : index
          %get3A_475 = tpu.vector_load %arg6[%get3A_472, %get3A_473, %get3A_474] {strides = array<i32>} : memref<8x16x256xf32, #tpu.memory_space<vmem>>, vector<16xf32>,
          %jit3A_476 = arith.constant 0xFF800000 : f32
          %broadcast_in_dim3A_477 = vector.broadcast %jit3A_476 : f32 to vector<16xf32>
          %select_n3A_478 = arith.select %and3A_469, %get3A_475, %broadcast_in_dim3A_477 : vector<16xf32>
          %max3A_479 = arith.maximumf %scan3A_447, %select_n3A_478 : vector<16xf32>
          %add3A_480 = arith.constant 0 : i32
          %add3A_481 = arith.addi %mul3A_464, %add3A_480 : i32
          %get3A_482 = arith.index_cast %select_n3A_439 : i32 to index
          %get3A_483 = arith.index_cast %add3A_481 : i32 to index
          %get3A_484 = arith.constant 16 : index
          %get3A_485 = tpu.vector_load %arg6[%get3A_482, %get3A_483, %get3A_484] {strides = array<i32>} : memref<8x16x256xf32, #tpu.memory_space<vmem>>, vector<16xf32>,
          %jit3A_486 = arith.constant 0xFF800000 : f32
          %broadcast_in_dim3A_487 = vector.broadcast %jit3A_486 : f32 to vector<16xf32>
          %select_n3A_488 = arith.select %and3A_469, %get3A_485, %broadcast_in_dim3A_487 : vector<16xf32>
          %max3A_489 = arith.maximumf %scan3A_448, %select_n3A_488 : vector<16xf32>
          %add3A_490 = arith.constant 0 : i32
          %add3A_491 = arith.addi %mul3A_464, %add3A_490 : i32
          %get3A_492 = arith.index_cast %select_n3A_439 : i32 to index
          %get3A_493 = arith.index_cast %add3A_491 : i32 to index
          %get3A_494 = arith.constant 32 : index
          %get3A_495 = tpu.vector_load %arg6[%get3A_492, %get3A_493, %get3A_494] {strides = array<i32>} : memref<8x16x256xf32, #tpu.memory_space<vmem>>, vector<16xf32>,
          %jit3A_496 = arith.constant 0xFF800000 : f32
          %broadcast_in_dim3A_497 = vector.broadcast %jit3A_496 : f32 to vector<16xf32>
          %select_n3A_498 = arith.select %and3A_469, %get3A_495, %broadcast_in_dim3A_497 : vector<16xf32>
          %max3A_499 = arith.maximumf %scan3A_449, %select_n3A_498 : vector<16xf32>
          %add3A_500 = arith.constant 0 : i32
          %add3A_501 = arith.addi %mul3A_464, %add3A_500 : i32
          %get3A_502 = arith.index_cast %select_n3A_439 : i32 to index
          %get3A_503 = arith.index_cast %add3A_501 : i32 to index
          %get3A_504 = arith.constant 48 : index
          %get3A_505 = tpu.vector_load %arg6[%get3A_502, %get3A_503, %get3A_504] {strides = array<i32>} : memref<8x16x256xf32, #tpu.memory_space<vmem>>, vector<16xf32>,
          %jit3A_506 = arith.constant 0xFF800000 : f32
          %broadcast_in_dim3A_507 = vector.broadcast %jit3A_506 : f32 to vector<16xf32>
          %select_n3A_508 = arith.select %and3A_469, %get3A_505, %broadcast_in_dim3A_507 : vector<16xf32>
          %max3A_509 = arith.maximumf %scan3A_450, %select_n3A_508 : vector<16xf32>
          %add3A_510 = arith.constant 0 : i32
          %add3A_511 = arith.addi %mul3A_464, %add3A_510 : i32
          %get3A_512 = arith.index_cast %select_n3A_439 : i32 to index
          %get3A_513 = arith.index_cast %add3A_511 : i32 to index
          %get3A_514 = arith.constant 64 : index
          %get3A_515 = tpu.vector_load %arg6[%get3A_512, %get3A_513, %get3A_514] {strides = array<i32>} : memref<8x16x256xf32, #tpu.memory_space<vmem>>, vector<16xf32>,
          %jit3A_516 = arith.constant 0xFF800000 : f32
          %broadcast_in_dim3A_517 = vector.broadcast %jit3A_516 : f32 to vector<16xf32>
          %select_n3A_518 = arith.select %and3A_469, %get3A_515, %broadcast_in_dim3A_517 : vector<16xf32>
          %max3A_519 = arith.maximumf %scan3A_451, %select_n3A_518 : vector<16xf32>
          %add3A_520 = arith.constant 0 : i32
          %add3A_521 = arith.addi %mul3A_464, %add3A_520 : i32
          %get3A_522 = arith.index_cast %select_n3A_439 : i32 to index
          %get3A_523 = arith.index_cast %add3A_521 : i32 to index
          %get3A_524 = arith.constant 80 : index
          %get3A_525 = tpu.vector_load %arg6[%get3A_522, %get3A_523, %get3A_524] {strides = array<i32>} : memref<8x16x256xf32, #tpu.memory_space<vmem>>, vector<16xf32>,
          %jit3A_526 = arith.constant 0xFF800000 : f32
          %broadcast_in_dim3A_527 = vector.broadcast %jit3A_526 : f32 to vector<16xf32>
          %select_n3A_528 = arith.select %and3A_469, %get3A_525, %broadcast_in_dim3A_527 : vector<16xf32>
          %max3A_529 = arith.maximumf %scan3A_452, %select_n3A_528 : vector<16xf32>
          %add3A_530 = arith.constant 0 : i32
          %add3A_531 = arith.addi %mul3A_464, %add3A_530 : i32
          %get3A_532 = arith.index_cast %select_n3A_439 : i32 to index
          %get3A_533 = arith.index_cast %add3A_531 : i32 to index
          %get3A_534 = arith.constant 96 : index
          %get3A_535 = tpu.vector_load %arg6[%get3A_532, %get3A_533, %get3A_534] {strides = array<i32>} : memref<8x16x256xf32, #tpu.memory_space<vmem>>, vector<16xf32>,
          %jit3A_536 = arith.constant 0xFF800000 : f32
          %broadcast_in_dim3A_537 = vector.broadcast %jit3A_536 : f32 to vector<16xf32>
          %select_n3A_538 = arith.select %and3A_469, %get3A_535, %broadcast_in_dim3A_537 : vector<16xf32>
          %max3A_539 = arith.maximumf %scan3A_453, %select_n3A_538 : vector<16xf32>
          %add3A_540 = arith.constant 0 : i32
          %add3A_541 = arith.addi %mul3A_464, %add3A_540 : i32
          %get3A_542 = arith.index_cast %select_n3A_439 : i32 to index
          %get3A_543 = arith.index_cast %add3A_541 : i32 to index
          %get3A_544 = arith.constant 112 : index
          %get3A_545 = tpu.vector_load %arg6[%get3A_542, %get3A_543, %get3A_544] {strides = array<i32>} : memref<8x16x256xf32, #tpu.memory_space<vmem>>, vector<16xf32>,
          %jit3A_546 = arith.constant 0xFF800000 : f32
          %broadcast_in_dim3A_547 = vector.broadcast %jit3A_546 : f32 to vector<16xf32>
          %select_n3A_548 = arith.select %and3A_469, %get3A_545, %broadcast_in_dim3A_547 : vector<16xf32>
          %max3A_549 = arith.maximumf %scan3A_454, %select_n3A_548 : vector<16xf32>
          %add3A_550 = arith.constant 0 : i32
          %add3A_551 = arith.addi %mul3A_464, %add3A_550 : i32
          %get3A_552 = arith.index_cast %select_n3A_439 : i32 to index
          %get3A_553 = arith.index_cast %add3A_551 : i32 to index
          %get3A_554 = arith.constant 128 : index
          %get3A_555 = tpu.vector_load %arg6[%get3A_552, %get3A_553, %get3A_554] {strides = array<i32>} : memref<8x16x256xf32, #tpu.memory_space<vmem>>, vector<16xf32>,
          %jit3A_556 = arith.constant 0xFF800000 : f32
          %broadcast_in_dim3A_557 = vector.broadcast %jit3A_556 : f32 to vector<16xf32>
          %select_n3A_558 = arith.select %and3A_469, %get3A_555, %broadcast_in_dim3A_557 : vector<16xf32>
          %max3A_559 = arith.maximumf %scan3A_455, %select_n3A_558 : vector<16xf32>
          %add3A_560 = arith.constant 0 : i32
          %add3A_561 = arith.addi %mul3A_464, %add3A_560 : i32
          %get3A_562 = arith.index_cast %select_n3A_439 : i32 to index
          %get3A_563 = arith.index_cast %add3A_561 : i32 to index
          %get3A_564 = arith.constant 144 : index
          %get3A_565 = tpu.vector_load %arg6[%get3A_562, %get3A_563, %get3A_564] {strides = array<i32>} : memref<8x16x256xf32, #tpu.memory_space<vmem>>, vector<16xf32>,
          %jit3A_566 = arith.constant 0xFF800000 : f32
          %broadcast_in_dim3A_567 = vector.broadcast %jit3A_566 : f32 to vector<16xf32>
          %select_n3A_568 = arith.select %and3A_469, %get3A_565, %broadcast_in_dim3A_567 : vector<16xf32>
          %max3A_569 = arith.maximumf %scan3A_456, %select_n3A_568 : vector<16xf32>
          %add3A_570 = arith.constant 0 : i32
          %add3A_571 = arith.addi %mul3A_464, %add3A_570 : i32
          %get3A_572 = arith.index_cast %select_n3A_439 : i32 to index
          %get3A_573 = arith.index_cast %add3A_571 : i32 to index
          %get3A_574 = arith.constant 160 : index
          %get3A_575 = tpu.vector_load %arg6[%get3A_572, %get3A_573, %get3A_574] {strides = array<i32>} : memref<8x16x256xf32, #tpu.memory_space<vmem>>, vector<16xf32>,
          %jit3A_576 = arith.constant 0xFF800000 : f32
          %broadcast_in_dim3A_577 = vector.broadcast %jit3A_576 : f32 to vector<16xf32>
          %select_n3A_578 = arith.select %and3A_469, %get3A_575, %broadcast_in_dim3A_577 : vector<16xf32>
          %max3A_579 = arith.maximumf %scan3A_457, %select_n3A_578 : vector<16xf32>
          %add3A_580 = arith.constant 0 : i32
          %add3A_581 = arith.addi %mul3A_464, %add3A_580 : i32
          %get3A_582 = arith.index_cast %select_n3A_439 : i32 to index
          %get3A_583 = arith.index_cast %add3A_581 : i32 to index
          %get3A_584 = arith.constant 176 : index
          %get3A_585 = tpu.vector_load %arg6[%get3A_582, %get3A_583, %get3A_584] {strides = array<i32>} : memref<8x16x256xf32, #tpu.memory_space<vmem>>, vector<16xf32>,
          %jit3A_586 = arith.constant 0xFF800000 : f32
          %broadcast_in_dim3A_587 = vector.broadcast %jit3A_586 : f32 to vector<16xf32>
          %select_n3A_588 = arith.select %and3A_469, %get3A_585, %broadcast_in_dim3A_587 : vector<16xf32>
          %max3A_589 = arith.maximumf %scan3A_458, %select_n3A_588 : vector<16xf32>
          %add3A_590 = arith.constant 0 : i32
          %add3A_591 = arith.addi %mul3A_464, %add3A_590 : i32
          %get3A_592 = arith.index_cast %select_n3A_439 : i32 to index
          %get3A_593 = arith.index_cast %add3A_591 : i32 to index
          %get3A_594 = arith.constant 192 : index
          %get3A_595 = tpu.vector_load %arg6[%get3A_592, %get3A_593, %get3A_594] {strides = array<i32>} : memref<8x16x256xf32, #tpu.memory_space<vmem>>, vector<16xf32>,
          %jit3A_596 = arith.constant 0xFF800000 : f32
          %broadcast_in_dim3A_597 = vector.broadcast %jit3A_596 : f32 to vector<16xf32>
          %select_n3A_598 = arith.select %and3A_469, %get3A_595, %broadcast_in_dim3A_597 : vector<16xf32>
          %max3A_599 = arith.maximumf %scan3A_459, %select_n3A_598 : vector<16xf32>
          %add3A_600 = arith.constant 0 : i32
          %add3A_601 = arith.addi %mul3A_464, %add3A_600 : i32
          %get3A_602 = arith.index_cast %select_n3A_439 : i32 to index
          %get3A_603 = arith.index_cast %add3A_601 : i32 to index
          %get3A_604 = arith.constant 208 : index
          %get3A_605 = tpu.vector_load %arg6[%get3A_602, %get3A_603, %get3A_604] {strides = array<i32>} : memref<8x16x256xf32, #tpu.memory_space<vmem>>, vector<16xf32>,
          %jit3A_606 = arith.constant 0xFF800000 : f32
          %broadcast_in_dim3A_607 = vector.broadcast %jit3A_606 : f32 to vector<16xf32>
          %select_n3A_608 = arith.select %and3A_469, %get3A_605, %broadcast_in_dim3A_607 : vector<16xf32>
          %max3A_609 = arith.maximumf %scan3A_460, %select_n3A_608 : vector<16xf32>
          %add3A_610 = arith.constant 0 : i32
          %add3A_611 = arith.addi %mul3A_464, %add3A_610 : i32
          %get3A_612 = arith.index_cast %select_n3A_439 : i32 to index
          %get3A_613 = arith.index_cast %add3A_611 : i32 to index
          %get3A_614 = arith.constant 224 : index
          %get3A_615 = tpu.vector_load %arg6[%get3A_612, %get3A_613, %get3A_614] {strides = array<i32>} : memref<8x16x256xf32, #tpu.memory_space<vmem>>, vector<16xf32>,
          %jit3A_616 = arith.constant 0xFF800000 : f32
          %broadcast_in_dim3A_617 = vector.broadcast %jit3A_616 : f32 to vector<16xf32>
          %select_n3A_618 = arith.select %and3A_469, %get3A_615, %broadcast_in_dim3A_617 : vector<16xf32>
          %max3A_619 = arith.maximumf %scan3A_461, %select_n3A_618 : vector<16xf32>
          %add3A_620 = arith.constant 0 : i32
          %add3A_621 = arith.addi %mul3A_464, %add3A_620 : i32
          %get3A_622 = arith.index_cast %select_n3A_439 : i32 to index
          %get3A_623 = arith.index_cast %add3A_621 : i32 to index
          %get3A_624 = arith.constant 240 : index
          %get3A_625 = tpu.vector_load %arg6[%get3A_622, %get3A_623, %get3A_624] {strides = array<i32>} : memref<8x16x256xf32, #tpu.memory_space<vmem>>, vector<16xf32>,
          %jit3A_626 = arith.constant 0xFF800000 : f32
          %broadcast_in_dim3A_627 = vector.broadcast %jit3A_626 : f32 to vector<16xf32>
          %select_n3A_628 = arith.select %and3A_469, %get3A_625, %broadcast_in_dim3A_627 : vector<16xf32>
          %max3A_629 = arith.maximumf %scan3A_462, %select_n3A_628 : vector<16xf32>
          %add3A_630 = arith.addi %multiple_of3A_423, %mul3A_464 : i32
          %add3A_631 = arith.constant 1 : i32
          %add3A_632 = arith.addi %add3A_630, %add3A_631 : i32
          %ge3A_633 = arith.cmpi sge, %add3A_632, %max3A : i32
          %lt3A_634 = arith.cmpi slt, %add3A_632, %min3A_182 : i32
          %and3A_635 = arith.andi %ge3A_633, %lt3A_634 : i1
          %add3A_636 = arith.constant 1 : i32
          %add3A_637 = arith.addi %mul3A_464, %add3A_636 : i32
          %get3A_638 = arith.index_cast %select_n3A_439 : i32 to index
          %get3A_639 = arith.index_cast %add3A_637 : i32 to index
          %get3A_640 = arith.constant 0 : index
          %get3A_641 = tpu.vector_load %arg6[%get3A_638, %get3A_639, %get3A_640] {strides = array<i32>} : memref<8x16x256xf32, #tpu.memory_space<vmem>>, vector<16xf32>,
          %jit3A_642 = arith.constant 0xFF800000 : f32
          %broadcast_in_dim3A_643 = vector.broadcast %jit3A_642 : f32 to vector<16xf32>
          %select_n3A_644 = arith.select %and3A_635, %get3A_641, %broadcast_in_dim3A_643 : vector<16xf32>
          %max3A_645 = arith.maximumf %max3A_479, %select_n3A_644 : vector<16xf32>
          %add3A_646 = arith.constant 1 : i32
          %add3A_647 = arith.addi %mul3A_464, %add3A_646 : i32
          %get3A_648 = arith.index_cast %select_n3A_439 : i32 to index
          %get3A_649 = arith.index_cast %add3A_647 : i32 to index
          %get3A_650 = arith.constant 16 : index
          %get3A_651 = tpu.vector_load %arg6[%get3A_648, %get3A_649, %get3A_650] {strides = array<i32>} : memref<8x16x256xf32, #tpu.memory_space<vmem>>, vector<16xf32>,
          %jit3A_652 = arith.constant 0xFF800000 : f32
          %broadcast_in_dim3A_653 = vector.broadcast %jit3A_652 : f32 to vector<16xf32>
          %select_n3A_654 = arith.select %and3A_635, %get3A_651, %broadcast_in_dim3A_653 : vector<16xf32>
          %max3A_655 = arith.maximumf %max3A_489, %select_n3A_654 : vector<16xf32>
          %add3A_656 = arith.constant 1 : i32
          %add3A_657 = arith.addi %mul3A_464, %add3A_656 : i32
          %get3A_658 = arith.index_cast %select_n3A_439 : i32 to index
          %get3A_659 = arith.index_cast %add3A_657 : i32 to index
          %get3A_660 = arith.constant 32 : index
          %get3A_661 = tpu.vector_load %arg6[%get3A_658, %get3A_659, %get3A_660] {strides = array<i32>} : memref<8x16x256xf32, #tpu.memory_space<vmem>>, vector<16xf32>,
          %jit3A_662 = arith.constant 0xFF800000 : f32
          %broadcast_in_dim3A_663 = vector.broadcast %jit3A_662 : f32 to vector<16xf32>
          %select_n3A_664 = arith.select %and3A_635, %get3A_661, %broadcast_in_dim3A_663 : vector<16xf32>
          %max3A_665 = arith.maximumf %max3A_499, %select_n3A_664 : vector<16xf32>
          %add3A_666 = arith.constant 1 : i32
          %add3A_667 = arith.addi %mul3A_464, %add3A_666 : i32
          %get3A_668 = arith.index_cast %select_n3A_439 : i32 to index
          %get3A_669 = arith.index_cast %add3A_667 : i32 to index
          %get3A_670 = arith.constant 48 : index
          %get3A_671 = tpu.vector_load %arg6[%get3A_668, %get3A_669, %get3A_670] {strides = array<i32>} : memref<8x16x256xf32, #tpu.memory_space<vmem>>, vector<16xf32>,
          %jit3A_672 = arith.constant 0xFF800000 : f32
          %broadcast_in_dim3A_673 = vector.broadcast %jit3A_672 : f32 to vector<16xf32>
          %select_n3A_674 = arith.select %and3A_635, %get3A_671, %broadcast_in_dim3A_673 : vector<16xf32>
          %max3A_675 = arith.maximumf %max3A_509, %select_n3A_674 : vector<16xf32>
          %add3A_676 = arith.constant 1 : i32
          %add3A_677 = arith.addi %mul3A_464, %add3A_676 : i32
          %get3A_678 = arith.index_cast %select_n3A_439 : i32 to index
          %get3A_679 = arith.index_cast %add3A_677 : i32 to index
          %get3A_680 = arith.constant 64 : index
          %get3A_681 = tpu.vector_load %arg6[%get3A_678, %get3A_679, %get3A_680] {strides = array<i32>} : memref<8x16x256xf32, #tpu.memory_space<vmem>>, vector<16xf32>,
          %jit3A_682 = arith.constant 0xFF800000 : f32
          %broadcast_in_dim3A_683 = vector.broadcast %jit3A_682 : f32 to vector<16xf32>
          %select_n3A_684 = arith.select %and3A_635, %get3A_681, %broadcast_in_dim3A_683 : vector<16xf32>
          %max3A_685 = arith.maximumf %max3A_519, %select_n3A_684 : vector<16xf32>
          %add3A_686 = arith.constant 1 : i32
          %add3A_687 = arith.addi %mul3A_464, %add3A_686 : i32
          %get3A_688 = arith.index_cast %select_n3A_439 : i32 to index
          %get3A_689 = arith.index_cast %add3A_687 : i32 to index
          %get3A_690 = arith.constant 80 : index
          %get3A_691 = tpu.vector_load %arg6[%get3A_688, %get3A_689, %get3A_690] {strides = array<i32>} : memref<8x16x256xf32, #tpu.memory_space<vmem>>, vector<16xf32>,
          %jit3A_692 = arith.constant 0xFF800000 : f32
          %broadcast_in_dim3A_693 = vector.broadcast %jit3A_692 : f32 to vector<16xf32>
          %select_n3A_694 = arith.select %and3A_635, %get3A_691, %broadcast_in_dim3A_693 : vector<16xf32>
          %max3A_695 = arith.maximumf %max3A_529, %select_n3A_694 : vector<16xf32>
          %add3A_696 = arith.constant 1 : i32
          %add3A_697 = arith.addi %mul3A_464, %add3A_696 : i32
          %get3A_698 = arith.index_cast %select_n3A_439 : i32 to index
          %get3A_699 = arith.index_cast %add3A_697 : i32 to index
          %get3A_700 = arith.constant 96 : index
          %get3A_701 = tpu.vector_load %arg6[%get3A_698, %get3A_699, %get3A_700] {strides = array<i32>} : memref<8x16x256xf32, #tpu.memory_space<vmem>>, vector<16xf32>,
          %jit3A_702 = arith.constant 0xFF800000 : f32
          %broadcast_in_dim3A_703 = vector.broadcast %jit3A_702 : f32 to vector<16xf32>
          %select_n3A_704 = arith.select %and3A_635, %get3A_701, %broadcast_in_dim3A_703 : vector<16xf32>
          %max3A_705 = arith.maximumf %max3A_539, %select_n3A_704 : vector<16xf32>
          %add3A_706 = arith.constant 1 : i32
          %add3A_707 = arith.addi %mul3A_464, %add3A_706 : i32
          %get3A_708 = arith.index_cast %select_n3A_439 : i32 to index
          %get3A_709 = arith.index_cast %add3A_707 : i32 to index
          %get3A_710 = arith.constant 112 : index
          %get3A_711 = tpu.vector_load %arg6[%get3A_708, %get3A_709, %get3A_710] {strides = array<i32>} : memref<8x16x256xf32, #tpu.memory_space<vmem>>, vector<16xf32>,
          %jit3A_712 = arith.constant 0xFF800000 : f32
          %broadcast_in_dim3A_713 = vector.broadcast %jit3A_712 : f32 to vector<16xf32>
          %select_n3A_714 = arith.select %and3A_635, %get3A_711, %broadcast_in_dim3A_713 : vector<16xf32>
          %max3A_715 = arith.maximumf %max3A_549, %select_n3A_714 : vector<16xf32>
          %add3A_716 = arith.constant 1 : i32
          %add3A_717 = arith.addi %mul3A_464, %add3A_716 : i32
          %get3A_718 = arith.index_cast %select_n3A_439 : i32 to index
          %get3A_719 = arith.index_cast %add3A_717 : i32 to index
          %get3A_720 = arith.constant 128 : index
          %get3A_721 = tpu.vector_load %arg6[%get3A_718, %get3A_719, %get3A_720] {strides = array<i32>} : memref<8x16x256xf32, #tpu.memory_space<vmem>>, vector<16xf32>,
          %jit3A_722 = arith.constant 0xFF800000 : f32
          %broadcast_in_dim3A_723 = vector.broadcast %jit3A_722 : f32 to vector<16xf32>
          %select_n3A_724 = arith.select %and3A_635, %get3A_721, %broadcast_in_dim3A_723 : vector<16xf32>
          %max3A_725 = arith.maximumf %max3A_559, %select_n3A_724 : vector<16xf32>
          %add3A_726 = arith.constant 1 : i32
          %add3A_727 = arith.addi %mul3A_464, %add3A_726 : i32
          %get3A_728 = arith.index_cast %select_n3A_439 : i32 to index
          %get3A_729 = arith.index_cast %add3A_727 : i32 to index
          %get3A_730 = arith.constant 144 : index
          %get3A_731 = tpu.vector_load %arg6[%get3A_728, %get3A_729, %get3A_730] {strides = array<i32>} : memref<8x16x256xf32, #tpu.memory_space<vmem>>, vector<16xf32>,
          %jit3A_732 = arith.constant 0xFF800000 : f32
          %broadcast_in_dim3A_733 = vector.broadcast %jit3A_732 : f32 to vector<16xf32>
          %select_n3A_734 = arith.select %and3A_635, %get3A_731, %broadcast_in_dim3A_733 : vector<16xf32>
          %max3A_735 = arith.maximumf %max3A_569, %select_n3A_734 : vector<16xf32>
          %add3A_736 = arith.constant 1 : i32
          %add3A_737 = arith.addi %mul3A_464, %add3A_736 : i32
          %get3A_738 = arith.index_cast %select_n3A_439 : i32 to index
          %get3A_739 = arith.index_cast %add3A_737 : i32 to index
          %get3A_740 = arith.constant 160 : index
          %get3A_741 = tpu.vector_load %arg6[%get3A_738, %get3A_739, %get3A_740] {strides = array<i32>} : memref<8x16x256xf32, #tpu.memory_space<vmem>>, vector<16xf32>,
          %jit3A_742 = arith.constant 0xFF800000 : f32
          %broadcast_in_dim3A_743 = vector.broadcast %jit3A_742 : f32 to vector<16xf32>
          %select_n3A_744 = arith.select %and3A_635, %get3A_741, %broadcast_in_dim3A_743 : vector<16xf32>
          %max3A_745 = arith.maximumf %max3A_579, %select_n3A_744 : vector<16xf32>
          %add3A_746 = arith.constant 1 : i32
          %add3A_747 = arith.addi %mul3A_464, %add3A_746 : i32
          %get3A_748 = arith.index_cast %select_n3A_439 : i32 to index
          %get3A_749 = arith.index_cast %add3A_747 : i32 to index
          %get3A_750 = arith.constant 176 : index
          %get3A_751 = tpu.vector_load %arg6[%get3A_748, %get3A_749, %get3A_750] {strides = array<i32>} : memref<8x16x256xf32, #tpu.memory_space<vmem>>, vector<16xf32>,
          %jit3A_752 = arith.constant 0xFF800000 : f32
          %broadcast_in_dim3A_753 = vector.broadcast %jit3A_752 : f32 to vector<16xf32>
          %select_n3A_754 = arith.select %and3A_635, %get3A_751, %broadcast_in_dim3A_753 : vector<16xf32>
          %max3A_755 = arith.maximumf %max3A_589, %select_n3A_754 : vector<16xf32>
          %add3A_756 = arith.constant 1 : i32
          %add3A_757 = arith.addi %mul3A_464, %add3A_756 : i32
          %get3A_758 = arith.index_cast %select_n3A_439 : i32 to index
          %get3A_759 = arith.index_cast %add3A_757 : i32 to index
          %get3A_760 = arith.constant 192 : index
          %get3A_761 = tpu.vector_load %arg6[%get3A_758, %get3A_759, %get3A_760] {strides = array<i32>} : memref<8x16x256xf32, #tpu.memory_space<vmem>>, vector<16xf32>,
          %jit3A_762 = arith.constant 0xFF800000 : f32
          %broadcast_in_dim3A_763 = vector.broadcast %jit3A_762 : f32 to vector<16xf32>
          %select_n3A_764 = arith.select %and3A_635, %get3A_761, %broadcast_in_dim3A_763 : vector<16xf32>
          %max3A_765 = arith.maximumf %max3A_599, %select_n3A_764 : vector<16xf32>
          %add3A_766 = arith.constant 1 : i32
          %add3A_767 = arith.addi %mul3A_464, %add3A_766 : i32
          %get3A_768 = arith.index_cast %select_n3A_439 : i32 to index
          %get3A_769 = arith.index_cast %add3A_767 : i32 to index
          %get3A_770 = arith.constant 208 : index
          %get3A_771 = tpu.vector_load %arg6[%get3A_768, %get3A_769, %get3A_770] {strides = array<i32>} : memref<8x16x256xf32, #tpu.memory_space<vmem>>, vector<16xf32>,
          %jit3A_772 = arith.constant 0xFF800000 : f32
          %broadcast_in_dim3A_773 = vector.broadcast %jit3A_772 : f32 to vector<16xf32>
          %select_n3A_774 = arith.select %and3A_635, %get3A_771, %broadcast_in_dim3A_773 : vector<16xf32>
          %max3A_775 = arith.maximumf %max3A_609, %select_n3A_774 : vector<16xf32>
          %add3A_776 = arith.constant 1 : i32
          %add3A_777 = arith.addi %mul3A_464, %add3A_776 : i32
          %get3A_778 = arith.index_cast %select_n3A_439 : i32 to index
          %get3A_779 = arith.index_cast %add3A_777 : i32 to index
          %get3A_780 = arith.constant 224 : index
          %get3A_781 = tpu.vector_load %arg6[%get3A_778, %get3A_779, %get3A_780] {strides = array<i32>} : memref<8x16x256xf32, #tpu.memory_space<vmem>>, vector<16xf32>,
          %jit3A_782 = arith.constant 0xFF800000 : f32
          %broadcast_in_dim3A_783 = vector.broadcast %jit3A_782 : f32 to vector<16xf32>
          %select_n3A_784 = arith.select %and3A_635, %get3A_781, %broadcast_in_dim3A_783 : vector<16xf32>
          %max3A_785 = arith.maximumf %max3A_619, %select_n3A_784 : vector<16xf32>
          %add3A_786 = arith.constant 1 : i32
          %add3A_787 = arith.addi %mul3A_464, %add3A_786 : i32
          %get3A_788 = arith.index_cast %select_n3A_439 : i32 to index
          %get3A_789 = arith.index_cast %add3A_787 : i32 to index
          %get3A_790 = arith.constant 240 : index
          %get3A_791 = tpu.vector_load %arg6[%get3A_788, %get3A_789, %get3A_790] {strides = array<i32>} : memref<8x16x256xf32, #tpu.memory_space<vmem>>, vector<16xf32>,
          %jit3A_792 = arith.constant 0xFF800000 : f32
          %broadcast_in_dim3A_793 = vector.broadcast %jit3A_792 : f32 to vector<16xf32>
          %select_n3A_794 = arith.select %and3A_635, %get3A_791, %broadcast_in_dim3A_793 : vector<16xf32>
          %max3A_795 = arith.maximumf %max3A_629, %select_n3A_794 : vector<16xf32>
          %add3A_796 = arith.addi %multiple_of3A_423, %mul3A_464 : i32
          %add3A_797 = arith.constant 2 : i32
          %add3A_798 = arith.addi %add3A_796, %add3A_797 : i32
          %ge3A_799 = arith.cmpi sge, %add3A_798, %max3A : i32
          %lt3A_800 = arith.cmpi slt, %add3A_798, %min3A_182 : i32
          %and3A_801 = arith.andi %ge3A_799, %lt3A_800 : i1
          %add3A_802 = arith.constant 2 : i32
          %add3A_803 = arith.addi %mul3A_464, %add3A_802 : i32
          %get3A_804 = arith.index_cast %select_n3A_439 : i32 to index
          %get3A_805 = arith.index_cast %add3A_803 : i32 to index
          %get3A_806 = arith.constant 0 : index
          %get3A_807 = tpu.vector_load %arg6[%get3A_804, %get3A_805, %get3A_806] {strides = array<i32>} : memref<8x16x256xf32, #tpu.memory_space<vmem>>, vector<16xf32>,
          %jit3A_808 = arith.constant 0xFF800000 : f32
          %broadcast_in_dim3A_809 = vector.broadcast %jit3A_808 : f32 to vector<16xf32>
          %select_n3A_810 = arith.select %and3A_801, %get3A_807, %broadcast_in_dim3A_809 : vector<16xf32>
          %max3A_811 = arith.maximumf %max3A_645, %select_n3A_810 : vector<16xf32>
          %add3A_812 = arith.constant 2 : i32
          %add3A_813 = arith.addi %mul3A_464, %add3A_812 : i32
          %get3A_814 = arith.index_cast %select_n3A_439 : i32 to index
          %get3A_815 = arith.index_cast %add3A_813 : i32 to index
          %get3A_816 = arith.constant 16 : index
          %get3A_817 = tpu.vector_load %arg6[%get3A_814, %get3A_815, %get3A_816] {strides = array<i32>} : memref<8x16x256xf32, #tpu.memory_space<vmem>>, vector<16xf32>,
          %jit3A_818 = arith.constant 0xFF800000 : f32
          %broadcast_in_dim3A_819 = vector.broadcast %jit3A_818 : f32 to vector<16xf32>
          %select_n3A_820 = arith.select %and3A_801, %get3A_817, %broadcast_in_dim3A_819 : vector<16xf32>
          %max3A_821 = arith.maximumf %max3A_655, %select_n3A_820 : vector<16xf32>
          %add3A_822 = arith.constant 2 : i32
          %add3A_823 = arith.addi %mul3A_464, %add3A_822 : i32
          %get3A_824 = arith.index_cast %select_n3A_439 : i32 to index
          %get3A_825 = arith.index_cast %add3A_823 : i32 to index
          %get3A_826 = arith.constant 32 : index
          %get3A_827 = tpu.vector_load %arg6[%get3A_824, %get3A_825, %get3A_826] {strides = array<i32>} : memref<8x16x256xf32, #tpu.memory_space<vmem>>, vector<16xf32>,
          %jit3A_828 = arith.constant 0xFF800000 : f32
          %broadcast_in_dim3A_829 = vector.broadcast %jit3A_828 : f32 to vector<16xf32>
          %select_n3A_830 = arith.select %and3A_801, %get3A_827, %broadcast_in_dim3A_829 : vector<16xf32>
          %max3A_831 = arith.maximumf %max3A_665, %select_n3A_830 : vector<16xf32>
          %add3A_832 = arith.constant 2 : i32
          %add3A_833 = arith.addi %mul3A_464, %add3A_832 : i32
          %get3A_834 = arith.index_cast %select_n3A_439 : i32 to index
          %get3A_835 = arith.index_cast %add3A_833 : i32 to index
          %get3A_836 = arith.constant 48 : index
          %get3A_837 = tpu.vector_load %arg6[%get3A_834, %get3A_835, %get3A_836] {strides = array<i32>} : memref<8x16x256xf32, #tpu.memory_space<vmem>>, vector<16xf32>,
          %jit3A_838 = arith.constant 0xFF800000 : f32
          %broadcast_in_dim3A_839 = vector.broadcast %jit3A_838 : f32 to vector<16xf32>
          %select_n3A_840 = arith.select %and3A_801, %get3A_837, %broadcast_in_dim3A_839 : vector<16xf32>
          %max3A_841 = arith.maximumf %max3A_675, %select_n3A_840 : vector<16xf32>
          %add3A_842 = arith.constant 2 : i32
          %add3A_843 = arith.addi %mul3A_464, %add3A_842 : i32
          %get3A_844 = arith.index_cast %select_n3A_439 : i32 to index
          %get3A_845 = arith.index_cast %add3A_843 : i32 to index
          %get3A_846 = arith.constant 64 : index
          %get3A_847 = tpu.vector_load %arg6[%get3A_844, %get3A_845, %get3A_846] {strides = array<i32>} : memref<8x16x256xf32, #tpu.memory_space<vmem>>, vector<16xf32>,
          %jit3A_848 = arith.constant 0xFF800000 : f32
          %broadcast_in_dim3A_849 = vector.broadcast %jit3A_848 : f32 to vector<16xf32>
          %select_n3A_850 = arith.select %and3A_801, %get3A_847, %broadcast_in_dim3A_849 : vector<16xf32>
          %max3A_851 = arith.maximumf %max3A_685, %select_n3A_850 : vector<16xf32>
          %add3A_852 = arith.constant 2 : i32
          %add3A_853 = arith.addi %mul3A_464, %add3A_852 : i32
          %get3A_854 = arith.index_cast %select_n3A_439 : i32 to index
          %get3A_855 = arith.index_cast %add3A_853 : i32 to index
          %get3A_856 = arith.constant 80 : index
          %get3A_857 = tpu.vector_load %arg6[%get3A_854, %get3A_855, %get3A_856] {strides = array<i32>} : memref<8x16x256xf32, #tpu.memory_space<vmem>>, vector<16xf32>,
          %jit3A_858 = arith.constant 0xFF800000 : f32
          %broadcast_in_dim3A_859 = vector.broadcast %jit3A_858 : f32 to vector<16xf32>
          %select_n3A_860 = arith.select %and3A_801, %get3A_857, %broadcast_in_dim3A_859 : vector<16xf32>
          %max3A_861 = arith.maximumf %max3A_695, %select_n3A_860 : vector<16xf32>
          %add3A_862 = arith.constant 2 : i32
          %add3A_863 = arith.addi %mul3A_464, %add3A_862 : i32
          %get3A_864 = arith.index_cast %select_n3A_439 : i32 to index
          %get3A_865 = arith.index_cast %add3A_863 : i32 to index
          %get3A_866 = arith.constant 96 : index
          %get3A_867 = tpu.vector_load %arg6[%get3A_864, %get3A_865, %get3A_866] {strides = array<i32>} : memref<8x16x256xf32, #tpu.memory_space<vmem>>, vector<16xf32>,
          %jit3A_868 = arith.constant 0xFF800000 : f32
          %broadcast_in_dim3A_869 = vector.broadcast %jit3A_868 : f32 to vector<16xf32>
          %select_n3A_870 = arith.select %and3A_801, %get3A_867, %broadcast_in_dim3A_869 : vector<16xf32>
          %max3A_871 = arith.maximumf %max3A_705, %select_n3A_870 : vector<16xf32>
          %add3A_872 = arith.constant 2 : i32
          %add3A_873 = arith.addi %mul3A_464, %add3A_872 : i32
          %get3A_874 = arith.index_cast %select_n3A_439 : i32 to index
          %get3A_875 = arith.index_cast %add3A_873 : i32 to index
          %get3A_876 = arith.constant 112 : index
          %get3A_877 = tpu.vector_load %arg6[%get3A_874, %get3A_875, %get3A_876] {strides = array<i32>} : memref<8x16x256xf32, #tpu.memory_space<vmem>>, vector<16xf32>,
          %jit3A_878 = arith.constant 0xFF800000 : f32
          %broadcast_in_dim3A_879 = vector.broadcast %jit3A_878 : f32 to vector<16xf32>
          %select_n3A_880 = arith.select %and3A_801, %get3A_877, %broadcast_in_dim3A_879 : vector<16xf32>
          %max3A_881 = arith.maximumf %max3A_715, %select_n3A_880 : vector<16xf32>
          %add3A_882 = arith.constant 2 : i32
          %add3A_883 = arith.addi %mul3A_464, %add3A_882 : i32
          %get3A_884 = arith.index_cast %select_n3A_439 : i32 to index
          %get3A_885 = arith.index_cast %add3A_883 : i32 to index
          %get3A_886 = arith.constant 128 : index
          %get3A_887 = tpu.vector_load %arg6[%get3A_884, %get3A_885, %get3A_886] {strides = array<i32>} : memref<8x16x256xf32, #tpu.memory_space<vmem>>, vector<16xf32>,
          %jit3A_888 = arith.constant 0xFF800000 : f32
          %broadcast_in_dim3A_889 = vector.broadcast %jit3A_888 : f32 to vector<16xf32>
          %select_n3A_890 = arith.select %and3A_801, %get3A_887, %broadcast_in_dim3A_889 : vector<16xf32>
          %max3A_891 = arith.maximumf %max3A_725, %select_n3A_890 : vector<16xf32>
          %add3A_892 = arith.constant 2 : i32
          %add3A_893 = arith.addi %mul3A_464, %add3A_892 : i32
          %get3A_894 = arith.index_cast %select_n3A_439 : i32 to index
          %get3A_895 = arith.index_cast %add3A_893 : i32 to index
          %get3A_896 = arith.constant 144 : index
          %get3A_897 = tpu.vector_load %arg6[%get3A_894, %get3A_895, %get3A_896] {strides = array<i32>} : memref<8x16x256xf32, #tpu.memory_space<vmem>>, vector<16xf32>,
          %jit3A_898 = arith.constant 0xFF800000 : f32
          %broadcast_in_dim3A_899 = vector.broadcast %jit3A_898 : f32 to vector<16xf32>
          %select_n3A_900 = arith.select %and3A_801, %get3A_897, %broadcast_in_dim3A_899 : vector<16xf32>
          %max3A_901 = arith.maximumf %max3A_735, %select_n3A_900 : vector<16xf32>
          %add3A_902 = arith.constant 2 : i32
          %add3A_903 = arith.addi %mul3A_464, %add3A_902 : i32
          %get3A_904 = arith.index_cast %select_n3A_439 : i32 to index
          %get3A_905 = arith.index_cast %add3A_903 : i32 to index
          %get3A_906 = arith.constant 160 : index
          %get3A_907 = tpu.vector_load %arg6[%get3A_904, %get3A_905, %get3A_906] {strides = array<i32>} : memref<8x16x256xf32, #tpu.memory_space<vmem>>, vector<16xf32>,
          %jit3A_908 = arith.constant 0xFF800000 : f32
          %broadcast_in_dim3A_909 = vector.broadcast %jit3A_908 : f32 to vector<16xf32>
          %select_n3A_910 = arith.select %and3A_801, %get3A_907, %broadcast_in_dim3A_909 : vector<16xf32>
          %max3A_911 = arith.maximumf %max3A_745, %select_n3A_910 : vector<16xf32>
          %add3A_912 = arith.constant 2 : i32
          %add3A_913 = arith.addi %mul3A_464, %add3A_912 : i32
          %get3A_914 = arith.index_cast %select_n3A_439 : i32 to index
          %get3A_915 = arith.index_cast %add3A_913 : i32 to index
          %get3A_916 = arith.constant 176 : index
          %get3A_917 = tpu.vector_load %arg6[%get3A_914, %get3A_915, %get3A_916] {strides = array<i32>} : memref<8x16x256xf32, #tpu.memory_space<vmem>>, vector<16xf32>,
          %jit3A_918 = arith.constant 0xFF800000 : f32
          %broadcast_in_dim3A_919 = vector.broadcast %jit3A_918 : f32 to vector<16xf32>
          %select_n3A_920 = arith.select %and3A_801, %get3A_917, %broadcast_in_dim3A_919 : vector<16xf32>
          %max3A_921 = arith.maximumf %max3A_755, %select_n3A_920 : vector<16xf32>
          %add3A_922 = arith.constant 2 : i32
          %add3A_923 = arith.addi %mul3A_464, %add3A_922 : i32
          %get3A_924 = arith.index_cast %select_n3A_439 : i32 to index
          %get3A_925 = arith.index_cast %add3A_923 : i32 to index
          %get3A_926 = arith.constant 192 : index
          %get3A_927 = tpu.vector_load %arg6[%get3A_924, %get3A_925, %get3A_926] {strides = array<i32>} : memref<8x16x256xf32, #tpu.memory_space<vmem>>, vector<16xf32>,
          %jit3A_928 = arith.constant 0xFF800000 : f32
          %broadcast_in_dim3A_929 = vector.broadcast %jit3A_928 : f32 to vector<16xf32>
          %select_n3A_930 = arith.select %and3A_801, %get3A_927, %broadcast_in_dim3A_929 : vector<16xf32>
          %max3A_931 = arith.maximumf %max3A_765, %select_n3A_930 : vector<16xf32>
          %add3A_932 = arith.constant 2 : i32
          %add3A_933 = arith.addi %mul3A_464, %add3A_932 : i32
          %get3A_934 = arith.index_cast %select_n3A_439 : i32 to index
          %get3A_935 = arith.index_cast %add3A_933 : i32 to index
          %get3A_936 = arith.constant 208 : index
          %get3A_937 = tpu.vector_load %arg6[%get3A_934, %get3A_935, %get3A_936] {strides = array<i32>} : memref<8x16x256xf32, #tpu.memory_space<vmem>>, vector<16xf32>,
          %jit3A_938 = arith.constant 0xFF800000 : f32
          %broadcast_in_dim3A_939 = vector.broadcast %jit3A_938 : f32 to vector<16xf32>
          %select_n3A_940 = arith.select %and3A_801, %get3A_937, %broadcast_in_dim3A_939 : vector<16xf32>
          %max3A_941 = arith.maximumf %max3A_775, %select_n3A_940 : vector<16xf32>
          %add3A_942 = arith.constant 2 : i32
          %add3A_943 = arith.addi %mul3A_464, %add3A_942 : i32
          %get3A_944 = arith.index_cast %select_n3A_439 : i32 to index
          %get3A_945 = arith.index_cast %add3A_943 : i32 to index
          %get3A_946 = arith.constant 224 : index
          %get3A_947 = tpu.vector_load %arg6[%get3A_944, %get3A_945, %get3A_946] {strides = array<i32>} : memref<8x16x256xf32, #tpu.memory_space<vmem>>, vector<16xf32>,
          %jit3A_948 = arith.constant 0xFF800000 : f32
          %broadcast_in_dim3A_949 = vector.broadcast %jit3A_948 : f32 to vector<16xf32>
          %select_n3A_950 = arith.select %and3A_801, %get3A_947, %broadcast_in_dim3A_949 : vector<16xf32>
          %max3A_951 = arith.maximumf %max3A_785, %select_n3A_950 : vector<16xf32>
          %add3A_952 = arith.constant 2 : i32
          %add3A_953 = arith.addi %mul3A_464, %add3A_952 : i32
          %get3A_954 = arith.index_cast %select_n3A_439 : i32 to index
          %get3A_955 = arith.index_cast %add3A_953 : i32 to index
          %get3A_956 = arith.constant 240 : index
          %get3A_957 = tpu.vector_load %arg6[%get3A_954, %get3A_955, %get3A_956] {strides = array<i32>} : memref<8x16x256xf32, #tpu.memory_space<vmem>>, vector<16xf32>,
          %jit3A_958 = arith.constant 0xFF800000 : f32
          %broadcast_in_dim3A_959 = vector.broadcast %jit3A_958 : f32 to vector<16xf32>
          %select_n3A_960 = arith.select %and3A_801, %get3A_957, %broadcast_in_dim3A_959 : vector<16xf32>
          %max3A_961 = arith.maximumf %max3A_795, %select_n3A_960 : vector<16xf32>
          %add3A_962 = arith.addi %multiple_of3A_423, %mul3A_464 : i32
          %add3A_963 = arith.constant 3 : i32
          %add3A_964 = arith.addi %add3A_962, %add3A_963 : i32
          %ge3A_965 = arith.cmpi sge, %add3A_964, %max3A : i32
          %lt3A_966 = arith.cmpi slt, %add3A_964, %min3A_182 : i32
          %and3A_967 = arith.andi %ge3A_965, %lt3A_966 : i1
          %add3A_968 = arith.constant 3 : i32
          %add3A_969 = arith.addi %mul3A_464, %add3A_968 : i32
          %get3A_970 = arith.index_cast %select_n3A_439 : i32 to index
          %get3A_971 = arith.index_cast %add3A_969 : i32 to index
          %get3A_972 = arith.constant 0 : index
          %get3A_973 = tpu.vector_load %arg6[%get3A_970, %get3A_971, %get3A_972] {strides = array<i32>} : memref<8x16x256xf32, #tpu.memory_space<vmem>>, vector<16xf32>,
          %jit3A_974 = arith.constant 0xFF800000 : f32
          %broadcast_in_dim3A_975 = vector.broadcast %jit3A_974 : f32 to vector<16xf32>
          %select_n3A_976 = arith.select %and3A_967, %get3A_973, %broadcast_in_dim3A_975 : vector<16xf32>
          %max3A_977 = arith.maximumf %max3A_811, %select_n3A_976 : vector<16xf32>
          %add3A_978 = arith.constant 3 : i32
          %add3A_979 = arith.addi %mul3A_464, %add3A_978 : i32
          %get3A_980 = arith.index_cast %select_n3A_439 : i32 to index
          %get3A_981 = arith.index_cast %add3A_979 : i32 to index
          %get3A_982 = arith.constant 16 : index
          %get3A_983 = tpu.vector_load %arg6[%get3A_980, %get3A_981, %get3A_982] {strides = array<i32>} : memref<8x16x256xf32, #tpu.memory_space<vmem>>, vector<16xf32>,
          %jit3A_984 = arith.constant 0xFF800000 : f32
          %broadcast_in_dim3A_985 = vector.broadcast %jit3A_984 : f32 to vector<16xf32>
          %select_n3A_986 = arith.select %and3A_967, %get3A_983, %broadcast_in_dim3A_985 : vector<16xf32>
          %max3A_987 = arith.maximumf %max3A_821, %select_n3A_986 : vector<16xf32>
          %add3A_988 = arith.constant 3 : i32
          %add3A_989 = arith.addi %mul3A_464, %add3A_988 : i32
          %get3A_990 = arith.index_cast %select_n3A_439 : i32 to index
          %get3A_991 = arith.index_cast %add3A_989 : i32 to index
          %get3A_992 = arith.constant 32 : index
          %get3A_993 = tpu.vector_load %arg6[%get3A_990, %get3A_991, %get3A_992] {strides = array<i32>} : memref<8x16x256xf32, #tpu.memory_space<vmem>>, vector<16xf32>,
          %jit3A_994 = arith.constant 0xFF800000 : f32
          %broadcast_in_dim3A_995 = vector.broadcast %jit3A_994 : f32 to vector<16xf32>
          %select_n3A_996 = arith.select %and3A_967, %get3A_993, %broadcast_in_dim3A_995 : vector<16xf32>
          %max3A_997 = arith.maximumf %max3A_831, %select_n3A_996 : vector<16xf32>
          %add3A_998 = arith.constant 3 : i32
          %add3A_999 = arith.addi %mul3A_464, %add3A_998 : i32
          %get3A_1000 = arith.index_cast %select_n3A_439 : i32 to index
          %get3A_1001 = arith.index_cast %add3A_999 : i32 to index
          %get3A_1002 = arith.constant 48 : index
          %get3A_1003 = tpu.vector_load %arg6[%get3A_1000, %get3A_1001, %get3A_1002] {strides = array<i32>} : memref<8x16x256xf32, #tpu.memory_space<vmem>>, vector<16xf32>,
          %jit3A_1004 = arith.constant 0xFF800000 : f32
          %broadcast_in_dim3A_1005 = vector.broadcast %jit3A_1004 : f32 to vector<16xf32>
          %select_n3A_1006 = arith.select %and3A_967, %get3A_1003, %broadcast_in_dim3A_1005 : vector<16xf32>
          %max3A_1007 = arith.maximumf %max3A_841, %select_n3A_1006 : vector<16xf32>
          %add3A_1008 = arith.constant 3 : i32
          %add3A_1009 = arith.addi %mul3A_464, %add3A_1008 : i32
          %get3A_1010 = arith.index_cast %select_n3A_439 : i32 to index
          %get3A_1011 = arith.index_cast %add3A_1009 : i32 to index
          %get3A_1012 = arith.constant 64 : index
          %get3A_1013 = tpu.vector_load %arg6[%get3A_1010, %get3A_1011, %get3A_1012] {strides = array<i32>} : memref<8x16x256xf32, #tpu.memory_space<vmem>>, vector<16xf32>,
          %jit3A_1014 = arith.constant 0xFF800000 : f32
          %broadcast_in_dim3A_1015 = vector.broadcast %jit3A_1014 : f32 to vector<16xf32>
          %select_n3A_1016 = arith.select %and3A_967, %get3A_1013, %broadcast_in_dim3A_1015 : vector<16xf32>
          %max3A_1017 = arith.maximumf %max3A_851, %select_n3A_1016 : vector<16xf32>
          %add3A_1018 = arith.constant 3 : i32
          %add3A_1019 = arith.addi %mul3A_464, %add3A_1018 : i32
          %get3A_1020 = arith.index_cast %select_n3A_439 : i32 to index
          %get3A_1021 = arith.index_cast %add3A_1019 : i32 to index
          %get3A_1022 = arith.constant 80 : index
          %get3A_1023 = tpu.vector_load %arg6[%get3A_1020, %get3A_1021, %get3A_1022] {strides = array<i32>} : memref<8x16x256xf32, #tpu.memory_space<vmem>>, vector<16xf32>,
          %jit3A_1024 = arith.constant 0xFF800000 : f32
          %broadcast_in_dim3A_1025 = vector.broadcast %jit3A_1024 : f32 to vector<16xf32>
          %select_n3A_1026 = arith.select %and3A_967, %get3A_1023, %broadcast_in_dim3A_1025 : vector<16xf32>
          %max3A_1027 = arith.maximumf %max3A_861, %select_n3A_1026 : vector<16xf32>
          %add3A_1028 = arith.constant 3 : i32
          %add3A_1029 = arith.addi %mul3A_464, %add3A_1028 : i32
          %get3A_1030 = arith.index_cast %select_n3A_439 : i32 to index
          %get3A_1031 = arith.index_cast %add3A_1029 : i32 to index
          %get3A_1032 = arith.constant 96 : index
          %get3A_1033 = tpu.vector_load %arg6[%get3A_1030, %get3A_1031, %get3A_1032] {strides = array<i32>} : memref<8x16x256xf32, #tpu.memory_space<vmem>>, vector<16xf32>,
          %jit3A_1034 = arith.constant 0xFF800000 : f32
          %broadcast_in_dim3A_1035 = vector.broadcast %jit3A_1034 : f32 to vector<16xf32>
          %select_n3A_1036 = arith.select %and3A_967, %get3A_1033, %broadcast_in_dim3A_1035 : vector<16xf32>
          %max3A_1037 = arith.maximumf %max3A_871, %select_n3A_1036 : vector<16xf32>
          %add3A_1038 = arith.constant 3 : i32
          %add3A_1039 = arith.addi %mul3A_464, %add3A_1038 : i32
          %get3A_1040 = arith.index_cast %select_n3A_439 : i32 to index
          %get3A_1041 = arith.index_cast %add3A_1039 : i32 to index
          %get3A_1042 = arith.constant 112 : index
          %get3A_1043 = tpu.vector_load %arg6[%get3A_1040, %get3A_1041, %get3A_1042] {strides = array<i32>} : memref<8x16x256xf32, #tpu.memory_space<vmem>>, vector<16xf32>,
          %jit3A_1044 = arith.constant 0xFF800000 : f32
          %broadcast_in_dim3A_1045 = vector.broadcast %jit3A_1044 : f32 to vector<16xf32>
          %select_n3A_1046 = arith.select %and3A_967, %get3A_1043, %broadcast_in_dim3A_1045 : vector<16xf32>
          %max3A_1047 = arith.maximumf %max3A_881, %select_n3A_1046 : vector<16xf32>
          %add3A_1048 = arith.constant 3 : i32
          %add3A_1049 = arith.addi %mul3A_464, %add3A_1048 : i32
          %get3A_1050 = arith.index_cast %select_n3A_439 : i32 to index
          %get3A_1051 = arith.index_cast %add3A_1049 : i32 to index
          %get3A_1052 = arith.constant 128 : index
          %get3A_1053 = tpu.vector_load %arg6[%get3A_1050, %get3A_1051, %get3A_1052] {strides = array<i32>} : memref<8x16x256xf32, #tpu.memory_space<vmem>>, vector<16xf32>,
          %jit3A_1054 = arith.constant 0xFF800000 : f32
          %broadcast_in_dim3A_1055 = vector.broadcast %jit3A_1054 : f32 to vector<16xf32>
          %select_n3A_1056 = arith.select %and3A_967, %get3A_1053, %broadcast_in_dim3A_1055 : vector<16xf32>
          %max3A_1057 = arith.maximumf %max3A_891, %select_n3A_1056 : vector<16xf32>
          %add3A_1058 = arith.constant 3 : i32
          %add3A_1059 = arith.addi %mul3A_464, %add3A_1058 : i32
          %get3A_1060 = arith.index_cast %select_n3A_439 : i32 to index
          %get3A_1061 = arith.index_cast %add3A_1059 : i32 to index
          %get3A_1062 = arith.constant 144 : index
          %get3A_1063 = tpu.vector_load %arg6[%get3A_1060, %get3A_1061, %get3A_1062] {strides = array<i32>} : memref<8x16x256xf32, #tpu.memory_space<vmem>>, vector<16xf32>,
          %jit3A_1064 = arith.constant 0xFF800000 : f32
          %broadcast_in_dim3A_1065 = vector.broadcast %jit3A_1064 : f32 to vector<16xf32>
          %select_n3A_1066 = arith.select %and3A_967, %get3A_1063, %broadcast_in_dim3A_1065 : vector<16xf32>
          %max3A_1067 = arith.maximumf %max3A_901, %select_n3A_1066 : vector<16xf32>
          %add3A_1068 = arith.constant 3 : i32
          %add3A_1069 = arith.addi %mul3A_464, %add3A_1068 : i32
          %get3A_1070 = arith.index_cast %select_n3A_439 : i32 to index
          %get3A_1071 = arith.index_cast %add3A_1069 : i32 to index
          %get3A_1072 = arith.constant 160 : index
          %get3A_1073 = tpu.vector_load %arg6[%get3A_1070, %get3A_1071, %get3A_1072] {strides = array<i32>} : memref<8x16x256xf32, #tpu.memory_space<vmem>>, vector<16xf32>,
          %jit3A_1074 = arith.constant 0xFF800000 : f32
          %broadcast_in_dim3A_1075 = vector.broadcast %jit3A_1074 : f32 to vector<16xf32>
          %select_n3A_1076 = arith.select %and3A_967, %get3A_1073, %broadcast_in_dim3A_1075 : vector<16xf32>
          %max3A_1077 = arith.maximumf %max3A_911, %select_n3A_1076 : vector<16xf32>
          %add3A_1078 = arith.constant 3 : i32
          %add3A_1079 = arith.addi %mul3A_464, %add3A_1078 : i32
          %get3A_1080 = arith.index_cast %select_n3A_439 : i32 to index
          %get3A_1081 = arith.index_cast %add3A_1079 : i32 to index
          %get3A_1082 = arith.constant 176 : index
          %get3A_1083 = tpu.vector_load %arg6[%get3A_1080, %get3A_1081, %get3A_1082] {strides = array<i32>} : memref<8x16x256xf32, #tpu.memory_space<vmem>>, vector<16xf32>,
          %jit3A_1084 = arith.constant 0xFF800000 : f32
          %broadcast_in_dim3A_1085 = vector.broadcast %jit3A_1084 : f32 to vector<16xf32>
          %select_n3A_1086 = arith.select %and3A_967, %get3A_1083, %broadcast_in_dim3A_1085 : vector<16xf32>
          %max3A_1087 = arith.maximumf %max3A_921, %select_n3A_1086 : vector<16xf32>
          %add3A_1088 = arith.constant 3 : i32
          %add3A_1089 = arith.addi %mul3A_464, %add3A_1088 : i32
          %get3A_1090 = arith.index_cast %select_n3A_439 : i32 to index
          %get3A_1091 = arith.index_cast %add3A_1089 : i32 to index
          %get3A_1092 = arith.constant 192 : index
          %get3A_1093 = tpu.vector_load %arg6[%get3A_1090, %get3A_1091, %get3A_1092] {strides = array<i32>} : memref<8x16x256xf32, #tpu.memory_space<vmem>>, vector<16xf32>,
          %jit3A_1094 = arith.constant 0xFF800000 : f32
          %broadcast_in_dim3A_1095 = vector.broadcast %jit3A_1094 : f32 to vector<16xf32>
          %select_n3A_1096 = arith.select %and3A_967, %get3A_1093, %broadcast_in_dim3A_1095 : vector<16xf32>
          %max3A_1097 = arith.maximumf %max3A_931, %select_n3A_1096 : vector<16xf32>
          %add3A_1098 = arith.constant 3 : i32
          %add3A_1099 = arith.addi %mul3A_464, %add3A_1098 : i32
          %get3A_1100 = arith.index_cast %select_n3A_439 : i32 to index
          %get3A_1101 = arith.index_cast %add3A_1099 : i32 to index
          %get3A_1102 = arith.constant 208 : index
          %get3A_1103 = tpu.vector_load %arg6[%get3A_1100, %get3A_1101, %get3A_1102] {strides = array<i32>} : memref<8x16x256xf32, #tpu.memory_space<vmem>>, vector<16xf32>,
          %jit3A_1104 = arith.constant 0xFF800000 : f32
          %broadcast_in_dim3A_1105 = vector.broadcast %jit3A_1104 : f32 to vector<16xf32>
          %select_n3A_1106 = arith.select %and3A_967, %get3A_1103, %broadcast_in_dim3A_1105 : vector<16xf32>
          %max3A_1107 = arith.maximumf %max3A_941, %select_n3A_1106 : vector<16xf32>
          %add3A_1108 = arith.constant 3 : i32
          %add3A_1109 = arith.addi %mul3A_464, %add3A_1108 : i32
          %get3A_1110 = arith.index_cast %select_n3A_439 : i32 to index
          %get3A_1111 = arith.index_cast %add3A_1109 : i32 to index
          %get3A_1112 = arith.constant 224 : index
          %get3A_1113 = tpu.vector_load %arg6[%get3A_1110, %get3A_1111, %get3A_1112] {strides = array<i32>} : memref<8x16x256xf32, #tpu.memory_space<vmem>>, vector<16xf32>,
          %jit3A_1114 = arith.constant 0xFF800000 : f32
          %broadcast_in_dim3A_1115 = vector.broadcast %jit3A_1114 : f32 to vector<16xf32>
          %select_n3A_1116 = arith.select %and3A_967, %get3A_1113, %broadcast_in_dim3A_1115 : vector<16xf32>
          %max3A_1117 = arith.maximumf %max3A_951, %select_n3A_1116 : vector<16xf32>
          %add3A_1118 = arith.constant 3 : i32
          %add3A_1119 = arith.addi %mul3A_464, %add3A_1118 : i32
          %get3A_1120 = arith.index_cast %select_n3A_439 : i32 to index
          %get3A_1121 = arith.index_cast %add3A_1119 : i32 to index
          %get3A_1122 = arith.constant 240 : index
          %get3A_1123 = tpu.vector_load %arg6[%get3A_1120, %get3A_1121, %get3A_1122] {strides = array<i32>} : memref<8x16x256xf32, #tpu.memory_space<vmem>>, vector<16xf32>,
          %jit3A_1124 = arith.constant 0xFF800000 : f32
          %broadcast_in_dim3A_1125 = vector.broadcast %jit3A_1124 : f32 to vector<16xf32>
          %select_n3A_1126 = arith.select %and3A_967, %get3A_1123, %broadcast_in_dim3A_1125 : vector<16xf32>
          %max3A_1127 = arith.maximumf %max3A_961, %select_n3A_1126 : vector<16xf32>
          scf.yield %max3A_977, %max3A_987, %max3A_997, %max3A_1007, %max3A_1017, %max3A_1027, %max3A_1037, %max3A_1047, %max3A_1057, %max3A_1067, %max3A_1077, %max3A_1087, %max3A_1097, %max3A_1107, %max3A_1117, %max3A_1127 : vector<16xf32>, vector<16xf32>, vector<16xf32>, vector<16xf32>, vector<16xf32>, vector<16xf32>, vector<16xf32>, vector<16xf32>, vector<16xf32>, vector<16xf32>, vector<16xf32>, vector<16xf32>, vector<16xf32>, vector<16xf32>, vector<16xf32>, vector<16xf32>
        }
        %scan3A_445 = arith.constant 4 : i32
        scf.yield %scan3A_444#0, %scan3A_444#1, %scan3A_444#2, %scan3A_444#3, %scan3A_444#4, %scan3A_444#5, %scan3A_444#6, %scan3A_444#7, %scan3A_444#8, %scan3A_444#9, %scan3A_444#10, %scan3A_444#11, %scan3A_444#12, %scan3A_444#13, %scan3A_444#14, %scan3A_444#15 : vector<16xf32>, vector<16xf32>, vector<16xf32>, vector<16xf32>, vector<16xf32>, vector<16xf32>, vector<16xf32>, vector<16xf32>, vector<16xf32>, vector<16xf32>, vector<16xf32>, vector<16xf32>, vector<16xf32>, vector<16xf32>, vector<16xf32>, vector<16xf32>
      }
      %swap3A_295 = arith.index_cast %while3A_164 : i32 to index
      %swap3A_296 = arith.constant 0 : index
      %swap3A_297 = tpu.vector_load %arg7[%swap3A_295, %swap3A_296] {strides = array<i32>} : memref<16x256xf32, #tpu.memory_space<vmem>>, vector<16xf32>,
      tpu.vector_store %arg7[%swap3A_295, %swap3A_296], %while3A_294#0 {strides = array<i32>} : memref<16x256xf32, #tpu.memory_space<vmem>>, vector<16xf32>,
      %swap3A_298 = arith.index_cast %while3A_164 : i32 to index
      %swap3A_299 = arith.constant 16 : index
      %swap3A_300 = tpu.vector_load %arg7[%swap3A_298, %swap3A_299] {strides = array<i32>} : memref<16x256xf32, #tpu.memory_space<vmem>>, vector<16xf32>,
      tpu.vector_store %arg7[%swap3A_298, %swap3A_299], %while3A_294#1 {strides = array<i32>} : memref<16x256xf32, #tpu.memory_space<vmem>>, vector<16xf32>,
      %swap3A_301 = arith.index_cast %while3A_164 : i32 to index
      %swap3A_302 = arith.constant 32 : index
      %swap3A_303 = tpu.vector_load %arg7[%swap3A_301, %swap3A_302] {strides = array<i32>} : memref<16x256xf32, #tpu.memory_space<vmem>>, vector<16xf32>,
      tpu.vector_store %arg7[%swap3A_301, %swap3A_302], %while3A_294#2 {strides = array<i32>} : memref<16x256xf32, #tpu.memory_space<vmem>>, vector<16xf32>,
      %swap3A_304 = arith.index_cast %while3A_164 : i32 to index
      %swap3A_305 = arith.constant 48 : index
      %swap3A_306 = tpu.vector_load %arg7[%swap3A_304, %swap3A_305] {strides = array<i32>} : memref<16x256xf32, #tpu.memory_space<vmem>>, vector<16xf32>,
      tpu.vector_store %arg7[%swap3A_304, %swap3A_305], %while3A_294#3 {strides = array<i32>} : memref<16x256xf32, #tpu.memory_space<vmem>>, vector<16xf32>,
      %swap3A_307 = arith.index_cast %while3A_164 : i32 to index
      %swap3A_308 = arith.constant 64 : index
      %swap3A_309 = tpu.vector_load %arg7[%swap3A_307, %swap3A_308] {strides = array<i32>} : memref<16x256xf32, #tpu.memory_space<vmem>>, vector<16xf32>,
      tpu.vector_store %arg7[%swap3A_307, %swap3A_308], %while3A_294#4 {strides = array<i32>} : memref<16x256xf32, #tpu.memory_space<vmem>>, vector<16xf32>,
      %swap3A_310 = arith.index_cast %while3A_164 : i32 to index
      %swap3A_311 = arith.constant 80 : index
      %swap3A_312 = tpu.vector_load %arg7[%swap3A_310, %swap3A_311] {strides = array<i32>} : memref<16x256xf32, #tpu.memory_space<vmem>>, vector<16xf32>,
      tpu.vector_store %arg7[%swap3A_310, %swap3A_311], %while3A_294#5 {strides = array<i32>} : memref<16x256xf32, #tpu.memory_space<vmem>>, vector<16xf32>,
      %swap3A_313 = arith.index_cast %while3A_164 : i32 to index
      %swap3A_314 = arith.constant 96 : index
      %swap3A_315 = tpu.vector_load %arg7[%swap3A_313, %swap3A_314] {strides = array<i32>} : memref<16x256xf32, #tpu.memory_space<vmem>>, vector<16xf32>,
      tpu.vector_store %arg7[%swap3A_313, %swap3A_314], %while3A_294#6 {strides = array<i32>} : memref<16x256xf32, #tpu.memory_space<vmem>>, vector<16xf32>,
      %swap3A_316 = arith.index_cast %while3A_164 : i32 to index
      %swap3A_317 = arith.constant 112 : index
      %swap3A_318 = tpu.vector_load %arg7[%swap3A_316, %swap3A_317] {strides = array<i32>} : memref<16x256xf32, #tpu.memory_space<vmem>>, vector<16xf32>,
      tpu.vector_store %arg7[%swap3A_316, %swap3A_317], %while3A_294#7 {strides = array<i32>} : memref<16x256xf32, #tpu.memory_space<vmem>>, vector<16xf32>,
      %swap3A_319 = arith.index_cast %while3A_164 : i32 to index
      %swap3A_320 = arith.constant 128 : index
      %swap3A_321 = tpu.vector_load %arg7[%swap3A_319, %swap3A_320] {strides = array<i32>} : memref<16x256xf32, #tpu.memory_space<vmem>>, vector<16xf32>,
      tpu.vector_store %arg7[%swap3A_319, %swap3A_320], %while3A_294#8 {strides = array<i32>} : memref<16x256xf32, #tpu.memory_space<vmem>>, vector<16xf32>,
      %swap3A_322 = arith.index_cast %while3A_164 : i32 to index
      %swap3A_323 = arith.constant 144 : index
      %swap3A_324 = tpu.vector_load %arg7[%swap3A_322, %swap3A_323] {strides = array<i32>} : memref<16x256xf32, #tpu.memory_space<vmem>>, vector<16xf32>,
      tpu.vector_store %arg7[%swap3A_322, %swap3A_323], %while3A_294#9 {strides = array<i32>} : memref<16x256xf32, #tpu.memory_space<vmem>>, vector<16xf32>,
      %swap3A_325 = arith.index_cast %while3A_164 : i32 to index
      %swap3A_326 = arith.constant 160 : index
      %swap3A_327 = tpu.vector_load %arg7[%swap3A_325, %swap3A_326] {strides = array<i32>} : memref<16x256xf32, #tpu.memory_space<vmem>>, vector<16xf32>,
      tpu.vector_store %arg7[%swap3A_325, %swap3A_326], %while3A_294#10 {strides = array<i32>} : memref<16x256xf32, #tpu.memory_space<vmem>>, vector<16xf32>,
      %swap3A_328 = arith.index_cast %while3A_164 : i32 to index
      %swap3A_329 = arith.constant 176 : index
      %swap3A_330 = tpu.vector_load %arg7[%swap3A_328, %swap3A_329] {strides = array<i32>} : memref<16x256xf32, #tpu.memory_space<vmem>>, vector<16xf32>,
      tpu.vector_store %arg7[%swap3A_328, %swap3A_329], %while3A_294#11 {strides = array<i32>} : memref<16x256xf32, #tpu.memory_space<vmem>>, vector<16xf32>,
      %swap3A_331 = arith.index_cast %while3A_164 : i32 to index
      %swap3A_332 = arith.constant 192 : index
      %swap3A_333 = tpu.vector_load %arg7[%swap3A_331, %swap3A_332] {strides = array<i32>} : memref<16x256xf32, #tpu.memory_space<vmem>>, vector<16xf32>,
      tpu.vector_store %arg7[%swap3A_331, %swap3A_332], %while3A_294#12 {strides = array<i32>} : memref<16x256xf32, #tpu.memory_space<vmem>>, vector<16xf32>,
      %swap3A_334 = arith.index_cast %while3A_164 : i32 to index
      %swap3A_335 = arith.constant 208 : index
      %swap3A_336 = tpu.vector_load %arg7[%swap3A_334, %swap3A_335] {strides = array<i32>} : memref<16x256xf32, #tpu.memory_space<vmem>>, vector<16xf32>,
      tpu.vector_store %arg7[%swap3A_334, %swap3A_335], %while3A_294#13 {strides = array<i32>} : memref<16x256xf32, #tpu.memory_space<vmem>>, vector<16xf32>,
      %swap3A_337 = arith.index_cast %while3A_164 : i32 to index
      %swap3A_338 = arith.constant 224 : index
      %swap3A_339 = tpu.vector_load %arg7[%swap3A_337, %swap3A_338] {strides = array<i32>} : memref<16x256xf32, #tpu.memory_space<vmem>>, vector<16xf32>,
      tpu.vector_store %arg7[%swap3A_337, %swap3A_338], %while3A_294#14 {strides = array<i32>} : memref<16x256xf32, #tpu.memory_space<vmem>>, vector<16xf32>,
      %swap3A_340 = arith.index_cast %while3A_164 : i32 to index
      %swap3A_341 = arith.constant 240 : index
      %swap3A_342 = tpu.vector_load %arg7[%swap3A_340, %swap3A_341] {strides = array<i32>} : memref<16x256xf32, #tpu.memory_space<vmem>>, vector<16xf32>,
      tpu.vector_store %arg7[%swap3A_340, %swap3A_341], %while3A_294#15 {strides = array<i32>} : memref<16x256xf32, #tpu.memory_space<vmem>>, vector<16xf32>,
      %while3A_343 = arith.constant 0 : i32
      scf.yield %while3A_343 : i32
    }
    %while3A_90 = arith.constant 1 : i32
    %while3A_91 = scf.for %while3A_164 = %while3A_87 to %while3A_83 step %while3A_90 iter_args(%while3A_165 = %while3A_89) -> (i32)  : i32 {
      %eq3A_166 = vector.broadcast %while3A_164 : i32 to vector<16xi32>
      %eq3A_167 = arith.cmpi eq, %iota3A, %eq3A_166 : vector<16xi32>
      %jit3A_168 = arith.constant 0 : i32
      %broadcast_in_dim3A_169 = vector.broadcast %jit3A_168 : i32 to vector<16xi32>
      %select_n3A_170 = arith.select %eq3A_167, %sub3A, %broadcast_in_dim3A_169 : vector<16xi1>, vector<16xi32>
      %reduce_sum3A_171 = arith.constant true
      %reduce_sum3A_172 = vector.broadcast %reduce_sum3A_171 : i1 to vector<16xi1>
      %reduce_sum3A_173 = tpu.scan <sum>, %select_n3A_170 masked %reduce_sum3A_172 : vector<16xi32>, vector<16xi1> -> vector<16xi32>
      %reduce_sum3A_174 = vector.extract %reduce_sum3A_173[15] : i32 from vector<16xi32>
      %jit3A_175 = arith.constant 0 : i32
      %broadcast_in_dim3A_176 = vector.broadcast %jit3A_175 : i32 to vector<16xi32>
      %select_n3A_177 = arith.select %eq3A_167, %masked_cumsum3A, %broadcast_in_dim3A_176 : vector<16xi1>, vector<16xi32>
      %reduce_sum3A_178 = arith.constant true
      %reduce_sum3A_179 = vector.broadcast %reduce_sum3A_178 : i1 to vector<16xi1>
      %reduce_sum3A_180 = tpu.scan <sum>, %select_n3A_177 masked %reduce_sum3A_179 : vector<16xi32>, vector<16xi1> -> vector<16xi32>
      %reduce_sum3A_181 = vector.extract %reduce_sum3A_180[15] : i32 from vector<16xi32>
      %max3A = arith.maxsi %reduce_sum3A_174, %mul3A : i32
      %min3A_182 = arith.minsi %reduce_sum3A_181, %min3A : i32
      %jit3A_183 = arith.constant 8 : i32
      %div3A_184 = arith.divsi %max3A, %jit3A_183 : i32
      %sign3A_185 = arith.constant 0 : i32
      %sign3A_186 = arith.cmpi sgt, %max3A, %sign3A_185 : i32
      %sign3A_187 = arith.extui %sign3A_186 : i1 to i32
      %sign3A_188 = arith.constant 0 : i32
      %sign3A_189 = arith.cmpi slt, %max3A, %sign3A_188 : i32
      %sign3A_190 = arith.extui %sign3A_189 : i1 to i32
      %sign3A_191 = arith.subi %sign3A_187, %sign3A_190 : i32
      %sign3A_192 = arith.constant 0 : i32
      %sign3A_193 = arith.cmpi sgt, %jit3A_183, %sign3A_192 : i32
      %sign3A_194 = arith.extui %sign3A_193 : i1 to i32
      %sign3A_195 = arith.constant 0 : i32
      %sign3A_196 = arith.cmpi slt, %jit3A_183, %sign3A_195 : i32
      %sign3A_197 = arith.extui %sign3A_196 : i1 to i32
      %sign3A_198 = arith.subi %sign3A_194, %sign3A_197 : i32
      %ne3A_199 = arith.cmpi ne, %sign3A_191, %sign3A_198 : i32
      %rem3A_200 = arith.remsi %max3A, %jit3A_183 : i32
      %ne3A_201 = arith.constant 0 : i32
      %ne3A_202 = arith.cmpi ne, %rem3A_200, %ne3A_201 : i32
      %and3A_203 = arith.andi %ne3A_199, %ne3A_202 : i1
      %sub3A_204 = arith.constant 1 : i32
      %sub3A_205 = arith.subi %div3A_184, %sub3A_204 : i32
      %select_n3A_206 = arith.select %and3A_203, %sub3A_205, %div3A_184 : i32
      %mul3A_207 = arith.constant 8 : i32
      %mul3A_208 = arith.muli %select_n3A_206, %mul3A_207 : i32
      %sub3A_209 = arith.subi %min3A_182, %mul3A_208 : i32
      %add3A_210 = arith.constant 16 : i32
      %add3A_211 = arith.addi %sub3A_209, %add3A_210 : i32
      %sub3A_212 = arith.constant 1 : i32
      %sub3A_213 = arith.subi %add3A_211, %sub3A_212 : i32
      %jit3A_214 = arith.constant 16 : i32
      %div3A_215 = arith.divsi %sub3A_213, %jit3A_214 : i32
      %sign3A_216 = arith.constant 0 : i32
      %sign3A_217 = arith.cmpi sgt, %sub3A_213, %sign3A_216 : i32
      %sign3A_218 = arith.extui %sign3A_217 : i1 to i32
      %sign3A_219 = arith.constant 0 : i32
      %sign3A_220 = arith.cmpi slt, %sub3A_213, %sign3A_219 : i32
      %sign3A_221 = arith.extui %sign3A_220 : i1 to i32
      %sign3A_222 = arith.subi %sign3A_218, %sign3A_221 : i32
      %sign3A_223 = arith.constant 0 : i32
      %sign3A_224 = arith.cmpi sgt, %jit3A_214, %sign3A_223 : i32
      %sign3A_225 = arith.extui %sign3A_224 : i1 to i32
      %sign3A_226 = arith.constant 0 : i32
      %sign3A_227 = arith.cmpi slt, %jit3A_214, %sign3A_226 : i32
      %sign3A_228 = arith.extui %sign3A_227 : i1 to i32
      %sign3A_229 = arith.subi %sign3A_225, %sign3A_228 : i32
      %ne3A_230 = arith.cmpi ne, %sign3A_222, %sign3A_229 : i32
      %rem3A_231 = arith.remsi %sub3A_213, %jit3A_214 : i32
      %ne3A_232 = arith.constant 0 : i32
      %ne3A_233 = arith.cmpi ne, %rem3A_231, %ne3A_232 : i32
      %and3A_234 = arith.andi %ne3A_230, %ne3A_233 : i1
      %sub3A_235 = arith.constant 1 : i32
      %sub3A_236 = arith.subi %div3A_215, %sub3A_235 : i32
      %select_n3A_237 = arith.select %and3A_234, %sub3A_236, %div3A_215 : i32
      %add3A_238 = arith.constant 0 : i32
      %add3A_239 = arith.addi %mul3A_208, %add3A_238 : i32
      %min3A_240 = arith.constant 32752 : i32
      %min3A_241 = arith.minsi %add3A_239, %min3A_240 : i32
      %multiple_of3A_242 = tpu.assume_multiple %min3A_241, 8 : i32
      %dma_start3A = arith.constant 0 : i32
      %dma_start3A_243 = arith.constant 0 : i32
      %dma_start3A_244 = arith.constant 0 : i32
      %dma_start3A_245 = arith.constant 0 : i32
      %dma_start3A_246 = tpu.memref_slice %arg6[%dma_start3A, %dma_start3A_244, %dma_start3A_245] : memref<8x16x256xf32, #tpu.memory_space<vmem>> -> memref<1x16x256xf32, #tpu.memory_space<vmem>>
      %dma_start3A_247 = tpu.memref_squeeze %dma_start3A_246 : memref<1x16x256xf32, #tpu.memory_space<vmem>> -> memref<16x256xf32, #tpu.memory_space<vmem>>
      %dma_start3A_248 = tpu.memref_slice %arg2[%multiple_of3A_242, %multiple_of3A] : memref<32768x512xf32, #tpu.memory_space<hbm>> -> memref<16x256xf32, #tpu.memory_space<hbm>>
      %dma_start3A_249 = tpu.memref_slice %arg10[%dma_start3A_243] : memref<8x!tpu.dma_semaphore, #tpu.memory_space<semaphore_mem>> -> memref<1x!tpu.dma_semaphore, #tpu.memory_space<semaphore_mem>>
      %dma_start3A_250 = tpu.memref_squeeze %dma_start3A_249 : memref<1x!tpu.dma_semaphore, #tpu.memory_space<semaphore_mem>> -> memref<!tpu.dma_semaphore, #tpu.memory_space<semaphore_mem>>
      %dma_start3A_251 = arith.constant 0 : i32
      %dma_start3A_252 = arith.constant 0 : i32
      %dma_start3A_253 = tpu.memref_slice %arg6[%dma_start3A, %dma_start3A_251, %dma_start3A_252] : memref<8x16x256xf32, #tpu.memory_space<vmem>> -> memref<1x16x256xf32, #tpu.memory_space<vmem>>
      %dma_start3A_254 = tpu.memref_squeeze %dma_start3A_253 : memref<1x16x256xf32, #tpu.memory_space<vmem>> -> memref<16x256xf32, #tpu.memory_space<vmem>>
      %dma_start3A_255 = tpu.memref_slice %arg2[%multiple_of3A_242, %multiple_of3A] : memref<32768x512xf32, #tpu.memory_space<hbm>> -> memref<16x256xf32, #tpu.memory_space<hbm>>
      tpu.enqueue_dma source(%dma_start3A_255 : memref<16x256xf32, #tpu.memory_space<hbm>>) target(%dma_start3A_254 : memref<16x256xf32, #tpu.memory_space<vmem>>) target_semaphore(%dma_start3A_250 : memref<!tpu.dma_semaphore, #tpu.memory_space<semaphore_mem>>)
      %gt3A = arith.constant 1 : i32
      %gt3A_256 = arith.cmpi sgt, %select_n3A_237, %gt3A : i32
      %convert_element_type3A_257 = arith.extui %gt3A_256 : i1 to i32
      %cond3A = arith.constant 0 : i32
      %cond3A_258 = arith.cmpi ne, %convert_element_type3A_257, %cond3A : i32
      scf.if %cond3A_258 {
        %add3A_344 = arith.constant 16 : i32
        %add3A_345 = arith.addi %mul3A_208, %add3A_344 : i32
        %min3A_346 = arith.constant 32752 : i32
        %min3A_347 = arith.minsi %add3A_345, %min3A_346 : i32
        %multiple_of3A_348 = tpu.assume_multiple %min3A_347, 8 : i32
        %dma_start3A_349 = arith.constant 1 : i32
        %dma_start3A_350 = arith.constant 1 : i32
        %dma_start3A_351 = arith.constant 0 : i32
        %dma_start3A_352 = arith.constant 0 : i32
        %dma_start3A_353 = tpu.memref_slice %arg6[%dma_start3A_349, %dma_start3A_351, %dma_start3A_352] : memref<8x16x256xf32, #tpu.memory_space<vmem>> -> memref<1x16x256xf32, #tpu.memory_space<vmem>>
        %dma_start3A_354 = tpu.memref_squeeze %dma_start3A_353 : memref<1x16x256xf32, #tpu.memory_space<vmem>> -> memref<16x256xf32, #tpu.memory_space<vmem>>
        %dma_start3A_355 = tpu.memref_slice %arg2[%multiple_of3A_348, %multiple_of3A] : memref<32768x512xf32, #tpu.memory_space<hbm>> -> memref<16x256xf32, #tpu.memory_space<hbm>>
        %dma_start3A_356 = tpu.memref_slice %arg10[%dma_start3A_350] : memref<8x!tpu.dma_semaphore, #tpu.memory_space<semaphore_mem>> -> memref<1x!tpu.dma_semaphore, #tpu.memory_space<semaphore_mem>>
        %dma_start3A_357 = tpu.memref_squeeze %dma_start3A_356 : memref<1x!tpu.dma_semaphore, #tpu.memory_space<semaphore_mem>> -> memref<!tpu.dma_semaphore, #tpu.memory_space<semaphore_mem>>
        %dma_start3A_358 = arith.constant 0 : i32
        %dma_start3A_359 = arith.constant 0 : i32
        %dma_start3A_360 = tpu.memref_slice %arg6[%dma_start3A_349, %dma_start3A_358, %dma_start3A_359] : memref<8x16x256xf32, #tpu.memory_space<vmem>> -> memref<1x16x256xf32, #tpu.memory_space<vmem>>
        %dma_start3A_361 = tpu.memref_squeeze %dma_start3A_360 : memref<1x16x256xf32, #tpu.memory_space<vmem>> -> memref<16x256xf32, #tpu.memory_space<vmem>>
        %dma_start3A_362 = tpu.memref_slice %arg2[%multiple_of3A_348, %multiple_of3A] : memref<32768x512xf32, #tpu.memory_space<hbm>> -> memref<16x256xf32, #tpu.memory_space<hbm>>
        tpu.enqueue_dma source(%dma_start3A_362 : memref<16x256xf32, #tpu.memory_space<hbm>>) target(%dma_start3A_361 : memref<16x256xf32, #tpu.memory_space<vmem>>) target_semaphore(%dma_start3A_357 : memref<!tpu.dma_semaphore, #tpu.memory_space<semaphore_mem>>)
      } else {
      }
      %gt3A_259 = arith.constant 2 : i32
      %gt3A_260 = arith.cmpi sgt, %select_n3A_237, %gt3A_259 : i32
      %convert_element_type3A_261 = arith.extui %gt3A_260 : i1 to i32
      %cond3A_262 = arith.constant 0 : i32
      %cond3A_263 = arith.cmpi ne, %convert_element_type3A_261, %cond3A_262 : i32
      scf.if %cond3A_263 {
        %add3A_344 = arith.constant 32 : i32
        %add3A_345 = arith.addi %mul3A_208, %add3A_344 : i32
        %min3A_346 = arith.constant 32752 : i32
        %min3A_347 = arith.minsi %add3A_345, %min3A_346 : i32
        %multiple_of3A_348 = tpu.assume_multiple %min3A_347, 8 : i32
        %dma_start3A_349 = arith.constant 2 : i32
        %dma_start3A_350 = arith.constant 2 : i32
        %dma_start3A_351 = arith.constant 0 : i32
        %dma_start3A_352 = arith.constant 0 : i32
        %dma_start3A_353 = tpu.memref_slice %arg6[%dma_start3A_349, %dma_start3A_351, %dma_start3A_352] : memref<8x16x256xf32, #tpu.memory_space<vmem>> -> memref<1x16x256xf32, #tpu.memory_space<vmem>>
        %dma_start3A_354 = tpu.memref_squeeze %dma_start3A_353 : memref<1x16x256xf32, #tpu.memory_space<vmem>> -> memref<16x256xf32, #tpu.memory_space<vmem>>
        %dma_start3A_355 = tpu.memref_slice %arg2[%multiple_of3A_348, %multiple_of3A] : memref<32768x512xf32, #tpu.memory_space<hbm>> -> memref<16x256xf32, #tpu.memory_space<hbm>>
        %dma_start3A_356 = tpu.memref_slice %arg10[%dma_start3A_350] : memref<8x!tpu.dma_semaphore, #tpu.memory_space<semaphore_mem>> -> memref<1x!tpu.dma_semaphore, #tpu.memory_space<semaphore_mem>>
        %dma_start3A_357 = tpu.memref_squeeze %dma_start3A_356 : memref<1x!tpu.dma_semaphore, #tpu.memory_space<semaphore_mem>> -> memref<!tpu.dma_semaphore, #tpu.memory_space<semaphore_mem>>
        %dma_start3A_358 = arith.constant 0 : i32
        %dma_start3A_359 = arith.constant 0 : i32
        %dma_start3A_360 = tpu.memref_slice %arg6[%dma_start3A_349, %dma_start3A_358, %dma_start3A_359] : memref<8x16x256xf32, #tpu.memory_space<vmem>> -> memref<1x16x256xf32, #tpu.memory_space<vmem>>
        %dma_start3A_361 = tpu.memref_squeeze %dma_start3A_360 : memref<1x16x256xf32, #tpu.memory_space<vmem>> -> memref<16x256xf32, #tpu.memory_space<vmem>>
        %dma_start3A_362 = tpu.memref_slice %arg2[%multiple_of3A_348, %multiple_of3A] : memref<32768x512xf32, #tpu.memory_space<hbm>> -> memref<16x256xf32, #tpu.memory_space<hbm>>
        tpu.enqueue_dma source(%dma_start3A_362 : memref<16x256xf32, #tpu.memory_space<hbm>>) target(%dma_start3A_361 : memref<16x256xf32, #tpu.memory_space<vmem>>) target_semaphore(%dma_start3A_357 : memref<!tpu.dma_semaphore, #tpu.memory_space<semaphore_mem>>)
      } else {
      }
      %gt3A_264 = arith.constant 3 : i32
      %gt3A_265 = arith.cmpi sgt, %select_n3A_237, %gt3A_264 : i32
      %convert_element_type3A_266 = arith.extui %gt3A_265 : i1 to i32
      %cond3A_267 = arith.constant 0 : i32
      %cond3A_268 = arith.cmpi ne, %convert_element_type3A_266, %cond3A_267 : i32
      scf.if %cond3A_268 {
        %add3A_344 = arith.constant 48 : i32
        %add3A_345 = arith.addi %mul3A_208, %add3A_344 : i32
        %min3A_346 = arith.constant 32752 : i32
        %min3A_347 = arith.minsi %add3A_345, %min3A_346 : i32
        %multiple_of3A_348 = tpu.assume_multiple %min3A_347, 8 : i32
        %dma_start3A_349 = arith.constant 3 : i32
        %dma_start3A_350 = arith.constant 3 : i32
        %dma_start3A_351 = arith.constant 0 : i32
        %dma_start3A_352 = arith.constant 0 : i32
        %dma_start3A_353 = tpu.memref_slice %arg6[%dma_start3A_349, %dma_start3A_351, %dma_start3A_352] : memref<8x16x256xf32, #tpu.memory_space<vmem>> -> memref<1x16x256xf32, #tpu.memory_space<vmem>>
        %dma_start3A_354 = tpu.memref_squeeze %dma_start3A_353 : memref<1x16x256xf32, #tpu.memory_space<vmem>> -> memref<16x256xf32, #tpu.memory_space<vmem>>
        %dma_start3A_355 = tpu.memref_slice %arg2[%multiple_of3A_348, %multiple_of3A] : memref<32768x512xf32, #tpu.memory_space<hbm>> -> memref<16x256xf32, #tpu.memory_space<hbm>>
        %dma_start3A_356 = tpu.memref_slice %arg10[%dma_start3A_350] : memref<8x!tpu.dma_semaphore, #tpu.memory_space<semaphore_mem>> -> memref<1x!tpu.dma_semaphore, #tpu.memory_space<semaphore_mem>>
        %dma_start3A_357 = tpu.memref_squeeze %dma_start3A_356 : memref<1x!tpu.dma_semaphore, #tpu.memory_space<semaphore_mem>> -> memref<!tpu.dma_semaphore, #tpu.memory_space<semaphore_mem>>
        %dma_start3A_358 = arith.constant 0 : i32
        %dma_start3A_359 = arith.constant 0 : i32
        %dma_start3A_360 = tpu.memref_slice %arg6[%dma_start3A_349, %dma_start3A_358, %dma_start3A_359] : memref<8x16x256xf32, #tpu.memory_space<vmem>> -> memref<1x16x256xf32, #tpu.memory_space<vmem>>
        %dma_start3A_361 = tpu.memref_squeeze %dma_start3A_360 : memref<1x16x256xf32, #tpu.memory_space<vmem>> -> memref<16x256xf32, #tpu.memory_space<vmem>>
        %dma_start3A_362 = tpu.memref_slice %arg2[%multiple_of3A_348, %multiple_of3A] : memref<32768x512xf32, #tpu.memory_space<hbm>> -> memref<16x256xf32, #tpu.memory_space<hbm>>
        tpu.enqueue_dma source(%dma_start3A_362 : memref<16x256xf32, #tpu.memory_space<hbm>>) target(%dma_start3A_361 : memref<16x256xf32, #tpu.memory_space<vmem>>) target_semaphore(%dma_start3A_357 : memref<!tpu.dma_semaphore, #tpu.memory_space<semaphore_mem>>)
      } else {
      }
      %gt3A_269 = arith.constant 4 : i32
      %gt3A_270 = arith.cmpi sgt, %select_n3A_237, %gt3A_269 : i32
      %convert_element_type3A_271 = arith.extui %gt3A_270 : i1 to i32
      %cond3A_272 = arith.constant 0 : i32
      %cond3A_273 = arith.cmpi ne, %convert_element_type3A_271, %cond3A_272 : i32
      scf.if %cond3A_273 {
        %add3A_344 = arith.constant 64 : i32
        %add3A_345 = arith.addi %mul3A_208, %add3A_344 : i32
        %min3A_346 = arith.constant 32752 : i32
        %min3A_347 = arith.minsi %add3A_345, %min3A_346 : i32
        %multiple_of3A_348 = tpu.assume_multiple %min3A_347, 8 : i32
        %dma_start3A_349 = arith.constant 4 : i32
        %dma_start3A_350 = arith.constant 4 : i32
        %dma_start3A_351 = arith.constant 0 : i32
        %dma_start3A_352 = arith.constant 0 : i32
        %dma_start3A_353 = tpu.memref_slice %arg6[%dma_start3A_349, %dma_start3A_351, %dma_start3A_352] : memref<8x16x256xf32, #tpu.memory_space<vmem>> -> memref<1x16x256xf32, #tpu.memory_space<vmem>>
        %dma_start3A_354 = tpu.memref_squeeze %dma_start3A_353 : memref<1x16x256xf32, #tpu.memory_space<vmem>> -> memref<16x256xf32, #tpu.memory_space<vmem>>
        %dma_start3A_355 = tpu.memref_slice %arg2[%multiple_of3A_348, %multiple_of3A] : memref<32768x512xf32, #tpu.memory_space<hbm>> -> memref<16x256xf32, #tpu.memory_space<hbm>>
        %dma_start3A_356 = tpu.memref_slice %arg10[%dma_start3A_350] : memref<8x!tpu.dma_semaphore, #tpu.memory_space<semaphore_mem>> -> memref<1x!tpu.dma_semaphore, #tpu.memory_space<semaphore_mem>>
        %dma_start3A_357 = tpu.memref_squeeze %dma_start3A_356 : memref<1x!tpu.dma_semaphore, #tpu.memory_space<semaphore_mem>> -> memref<!tpu.dma_semaphore, #tpu.memory_space<semaphore_mem>>
        %dma_start3A_358 = arith.constant 0 : i32
        %dma_start3A_359 = arith.constant 0 : i32
        %dma_start3A_360 = tpu.memref_slice %arg6[%dma_start3A_349, %dma_start3A_358, %dma_start3A_359] : memref<8x16x256xf32, #tpu.memory_space<vmem>> -> memref<1x16x256xf32, #tpu.memory_space<vmem>>
        %dma_start3A_361 = tpu.memref_squeeze %dma_start3A_360 : memref<1x16x256xf32, #tpu.memory_space<vmem>> -> memref<16x256xf32, #tpu.memory_space<vmem>>
        %dma_start3A_362 = tpu.memref_slice %arg2[%multiple_of3A_348, %multiple_of3A] : memref<32768x512xf32, #tpu.memory_space<hbm>> -> memref<16x256xf32, #tpu.memory_space<hbm>>
        tpu.enqueue_dma source(%dma_start3A_362 : memref<16x256xf32, #tpu.memory_space<hbm>>) target(%dma_start3A_361 : memref<16x256xf32, #tpu.memory_space<vmem>>) target_semaphore(%dma_start3A_357 : memref<!tpu.dma_semaphore, #tpu.memory_space<semaphore_mem>>)
      } else {
      }
      %gt3A_274 = arith.constant 5 : i32
      %gt3A_275 = arith.cmpi sgt, %select_n3A_237, %gt3A_274 : i32
      %convert_element_type3A_276 = arith.extui %gt3A_275 : i1 to i32
      %cond3A_277 = arith.constant 0 : i32
      %cond3A_278 = arith.cmpi ne, %convert_element_type3A_276, %cond3A_277 : i32
      scf.if %cond3A_278 {
        %add3A_344 = arith.constant 80 : i32
        %add3A_345 = arith.addi %mul3A_208, %add3A_344 : i32
        %min3A_346 = arith.constant 32752 : i32
        %min3A_347 = arith.minsi %add3A_345, %min3A_346 : i32
        %multiple_of3A_348 = tpu.assume_multiple %min3A_347, 8 : i32
        %dma_start3A_349 = arith.constant 5 : i32
        %dma_start3A_350 = arith.constant 5 : i32
        %dma_start3A_351 = arith.constant 0 : i32
        %dma_start3A_352 = arith.constant 0 : i32
        %dma_start3A_353 = tpu.memref_slice %arg6[%dma_start3A_349, %dma_start3A_351, %dma_start3A_352] : memref<8x16x256xf32, #tpu.memory_space<vmem>> -> memref<1x16x256xf32, #tpu.memory_space<vmem>>
        %dma_start3A_354 = tpu.memref_squeeze %dma_start3A_353 : memref<1x16x256xf32, #tpu.memory_space<vmem>> -> memref<16x256xf32, #tpu.memory_space<vmem>>
        %dma_start3A_355 = tpu.memref_slice %arg2[%multiple_of3A_348, %multiple_of3A] : memref<32768x512xf32, #tpu.memory_space<hbm>> -> memref<16x256xf32, #tpu.memory_space<hbm>>
        %dma_start3A_356 = tpu.memref_slice %arg10[%dma_start3A_350] : memref<8x!tpu.dma_semaphore, #tpu.memory_space<semaphore_mem>> -> memref<1x!tpu.dma_semaphore, #tpu.memory_space<semaphore_mem>>
        %dma_start3A_357 = tpu.memref_squeeze %dma_start3A_356 : memref<1x!tpu.dma_semaphore, #tpu.memory_space<semaphore_mem>> -> memref<!tpu.dma_semaphore, #tpu.memory_space<semaphore_mem>>
        %dma_start3A_358 = arith.constant 0 : i32
        %dma_start3A_359 = arith.constant 0 : i32
        %dma_start3A_360 = tpu.memref_slice %arg6[%dma_start3A_349, %dma_start3A_358, %dma_start3A_359] : memref<8x16x256xf32, #tpu.memory_space<vmem>> -> memref<1x16x256xf32, #tpu.memory_space<vmem>>
        %dma_start3A_361 = tpu.memref_squeeze %dma_start3A_360 : memref<1x16x256xf32, #tpu.memory_space<vmem>> -> memref<16x256xf32, #tpu.memory_space<vmem>>
        %dma_start3A_362 = tpu.memref_slice %arg2[%multiple_of3A_348, %multiple_of3A] : memref<32768x512xf32, #tpu.memory_space<hbm>> -> memref<16x256xf32, #tpu.memory_space<hbm>>
        tpu.enqueue_dma source(%dma_start3A_362 : memref<16x256xf32, #tpu.memory_space<hbm>>) target(%dma_start3A_361 : memref<16x256xf32, #tpu.memory_space<vmem>>) target_semaphore(%dma_start3A_357 : memref<!tpu.dma_semaphore, #tpu.memory_space<semaphore_mem>>)
      } else {
      }
      %gt3A_279 = arith.constant 6 : i32
      %gt3A_280 = arith.cmpi sgt, %select_n3A_237, %gt3A_279 : i32
      %convert_element_type3A_281 = arith.extui %gt3A_280 : i1 to i32
      %cond3A_282 = arith.constant 0 : i32
      %cond3A_283 = arith.cmpi ne, %convert_element_type3A_281, %cond3A_282 : i32
      scf.if %cond3A_283 {
        %add3A_344 = arith.constant 96 : i32
        %add3A_345 = arith.addi %mul3A_208, %add3A_344 : i32
        %min3A_346 = arith.constant 32752 : i32
        %min3A_347 = arith.minsi %add3A_345, %min3A_346 : i32
        %multiple_of3A_348 = tpu.assume_multiple %min3A_347, 8 : i32
        %dma_start3A_349 = arith.constant 6 : i32
        %dma_start3A_350 = arith.constant 6 : i32
        %dma_start3A_351 = arith.constant 0 : i32
        %dma_start3A_352 = arith.constant 0 : i32
        %dma_start3A_353 = tpu.memref_slice %arg6[%dma_start3A_349, %dma_start3A_351, %dma_start3A_352] : memref<8x16x256xf32, #tpu.memory_space<vmem>> -> memref<1x16x256xf32, #tpu.memory_space<vmem>>
        %dma_start3A_354 = tpu.memref_squeeze %dma_start3A_353 : memref<1x16x256xf32, #tpu.memory_space<vmem>> -> memref<16x256xf32, #tpu.memory_space<vmem>>
        %dma_start3A_355 = tpu.memref_slice %arg2[%multiple_of3A_348, %multiple_of3A] : memref<32768x512xf32, #tpu.memory_space<hbm>> -> memref<16x256xf32, #tpu.memory_space<hbm>>
        %dma_start3A_356 = tpu.memref_slice %arg10[%dma_start3A_350] : memref<8x!tpu.dma_semaphore, #tpu.memory_space<semaphore_mem>> -> memref<1x!tpu.dma_semaphore, #tpu.memory_space<semaphore_mem>>
        %dma_start3A_357 = tpu.memref_squeeze %dma_start3A_356 : memref<1x!tpu.dma_semaphore, #tpu.memory_space<semaphore_mem>> -> memref<!tpu.dma_semaphore, #tpu.memory_space<semaphore_mem>>
        %dma_start3A_358 = arith.constant 0 : i32
        %dma_start3A_359 = arith.constant 0 : i32
        %dma_start3A_360 = tpu.memref_slice %arg6[%dma_start3A_349, %dma_start3A_358, %dma_start3A_359] : memref<8x16x256xf32, #tpu.memory_space<vmem>> -> memref<1x16x256xf32, #tpu.memory_space<vmem>>
        %dma_start3A_361 = tpu.memref_squeeze %dma_start3A_360 : memref<1x16x256xf32, #tpu.memory_space<vmem>> -> memref<16x256xf32, #tpu.memory_space<vmem>>
        %dma_start3A_362 = tpu.memref_slice %arg2[%multiple_of3A_348, %multiple_of3A] : memref<32768x512xf32, #tpu.memory_space<hbm>> -> memref<16x256xf32, #tpu.memory_space<hbm>>
        tpu.enqueue_dma source(%dma_start3A_362 : memref<16x256xf32, #tpu.memory_space<hbm>>) target(%dma_start3A_361 : memref<16x256xf32, #tpu.memory_space<vmem>>) target_semaphore(%dma_start3A_357 : memref<!tpu.dma_semaphore, #tpu.memory_space<semaphore_mem>>)
      } else {
      }
      %while3A_284 = arith.constant 0 : i32
      %while3A_285 = arith.subi %select_n3A_237, %while3A_284 : i32
      %while3A_286 = arith.addi %while3A_284, %while3A_285 : i32
      %while3A_287 = arith.constant 1 : i32
      %while3A_288 = arith.divsi %while3A_285, %while3A_287 : i32
      %while3A_289 = arith.muli %while3A_288, %while3A_287 : i32
      %while3A_290 = arith.addi %while3A_284, %while3A_289 : i32
      %while3A_291 = arith.constant 1 : i32
      %while3A_292:16 = scf.for %while3A_344 = %while3A_284 to %while3A_290 step %while3A_291 iter_args(%while3A_345 = %broadcast_in_dim3A_51, %while3A_346 = %broadcast_in_dim3A_53, %while3A_347 = %broadcast_in_dim3A_55, %while3A_348 = %broadcast_in_dim3A_57, %while3A_349 = %broadcast_in_dim3A_59, %while3A_350 = %broadcast_in_dim3A_61, %while3A_351 = %broadcast_in_dim3A_63, %while3A_352 = %broadcast_in_dim3A_65, %while3A_353 = %broadcast_in_dim3A_67, %while3A_354 = %broadcast_in_dim3A_69, %while3A_355 = %broadcast_in_dim3A_71, %while3A_356 = %broadcast_in_dim3A_73, %while3A_357 = %broadcast_in_dim3A_75, %while3A_358 = %broadcast_in_dim3A_77, %while3A_359 = %broadcast_in_dim3A_79, %while3A_360 = %broadcast_in_dim3A_81) -> (vector<16xf32>, vector<16xf32>, vector<16xf32>, vector<16xf32>, vector<16xf32>, vector<16xf32>, vector<16xf32>, vector<16xf32>, vector<16xf32>, vector<16xf32>, vector<16xf32>, vector<16xf32>, vector<16xf32>, vector<16xf32>, vector<16xf32>, vector<16xf32>)  : i32 {
        %mul3A_361 = arith.constant 16 : i32
        %mul3A_362 = arith.muli %while3A_344, %mul3A_361 : i32
        %add3A_363 = arith.addi %mul3A_208, %mul3A_362 : i32
        %min3A_364 = arith.constant 32752 : i32
        %min3A_365 = arith.minsi %add3A_363, %min3A_364 : i32
        %multiple_of3A_366 = tpu.assume_multiple %min3A_365, 8 : i32
        %jit3A_367 = arith.constant 8 : i32
        %eq3A_368 = arith.constant 0 : i32
        %eq3A_369 = arith.cmpi eq, %jit3A_367, %eq3A_368 : i32
        %jit3A_370 = arith.constant 1 : i32
        %select_n3A_371 = arith.select %eq3A_369, %jit3A_370, %jit3A_367 : i32
        %rem3A_372 = arith.remsi %while3A_344, %select_n3A_371 : i32
        %ne3A_373 = arith.constant 0 : i32
        %ne3A_374 = arith.cmpi ne, %rem3A_372, %ne3A_373 : i32
        %lt3A_375 = arith.constant 0 : i32
        %lt3A_376 = arith.cmpi slt, %rem3A_372, %lt3A_375 : i32
        %lt3A_377 = arith.constant 0 : i32
        %lt3A_378 = arith.cmpi slt, %select_n3A_371, %lt3A_377 : i32
        %ne3A_379 = arith.xori %lt3A_376, %lt3A_378 : i1
        %and3A_380 = arith.andi %ne3A_379, %ne3A_374 : i1
        %add3A_381 = arith.addi %rem3A_372, %select_n3A_371 : i32
        %select_n3A_382 = arith.select %and3A_380, %add3A_381, %rem3A_372 : i32
        %jit3A_383 = arith.constant 8 : i32
        %eq3A_384 = arith.constant 0 : i32
        %eq3A_385 = arith.cmpi eq, %jit3A_383, %eq3A_384 : i32
        %jit3A_386 = arith.constant 1 : i32
        %select_n3A_387 = arith.select %eq3A_385, %jit3A_386, %jit3A_383 : i32
        %rem3A_388 = arith.remsi %while3A_344, %select_n3A_387 : i32
        %ne3A_389 = arith.constant 0 : i32
        %ne3A_390 = arith.cmpi ne, %rem3A_388, %ne3A_389 : i32
        %lt3A_391 = arith.constant 0 : i32
        %lt3A_392 = arith.cmpi slt, %rem3A_388, %lt3A_391 : i32
        %lt3A_393 = arith.constant 0 : i32
        %lt3A_394 = arith.cmpi slt, %select_n3A_387, %lt3A_393 : i32
        %ne3A_395 = arith.xori %lt3A_392, %lt3A_394 : i1
        %and3A_396 = arith.andi %ne3A_395, %ne3A_390 : i1
        %add3A_397 = arith.addi %rem3A_388, %select_n3A_387 : i32
        %select_n3A_398 = arith.select %and3A_396, %add3A_397, %rem3A_388 : i32
        %dma_wait3A = arith.constant 0 : i32
        %dma_wait3A_399 = arith.constant 0 : i32
        %dma_wait3A_400 = tpu.memref_slice %arg6[%select_n3A_382, %dma_wait3A, %dma_wait3A_399] : memref<8x16x256xf32, #tpu.memory_space<vmem>> -> memref<1x16x256xf32, #tpu.memory_space<vmem>>
        %dma_wait3A_401 = tpu.memref_squeeze %dma_wait3A_400 : memref<1x16x256xf32, #tpu.memory_space<vmem>> -> memref<16x256xf32, #tpu.memory_space<vmem>>
        %dma_wait3A_402 = tpu.memref_slice %arg2[%multiple_of3A_366, %multiple_of3A] : memref<32768x512xf32, #tpu.memory_space<hbm>> -> memref<16x256xf32, #tpu.memory_space<hbm>>
        %dma_wait3A_403 = tpu.memref_slice %arg10[%select_n3A_398] : memref<8x!tpu.dma_semaphore, #tpu.memory_space<semaphore_mem>> -> memref<1x!tpu.dma_semaphore, #tpu.memory_space<semaphore_mem>>
        %dma_wait3A_404 = tpu.memref_squeeze %dma_wait3A_403 : memref<1x!tpu.dma_semaphore, #tpu.memory_space<semaphore_mem>> -> memref<!tpu.dma_semaphore, #tpu.memory_space<semaphore_mem>>
        %dma_wait3A_405 = arith.constant 0 : i32
        %dma_wait3A_406 = arith.constant 0 : i32
        %dma_wait3A_407 = tpu.memref_slice %arg6[%select_n3A_382, %dma_wait3A_405, %dma_wait3A_406] : memref<8x16x256xf32, #tpu.memory_space<vmem>> -> memref<1x16x256xf32, #tpu.memory_space<vmem>>
        %dma_wait3A_408 = tpu.memref_squeeze %dma_wait3A_407 : memref<1x16x256xf32, #tpu.memory_space<vmem>> -> memref<16x256xf32, #tpu.memory_space<vmem>>
        %dma_wait3A_409 = tpu.memref_slice %arg2[%multiple_of3A_366, %multiple_of3A] : memref<32768x512xf32, #tpu.memory_space<hbm>> -> memref<16x256xf32, #tpu.memory_space<hbm>>
        tpu.wait_dma2 semaphore(%dma_wait3A_404 : memref<!tpu.dma_semaphore, #tpu.memory_space<semaphore_mem>>) src(%dma_wait3A_409 : memref<16x256xf32, #tpu.memory_space<hbm>>) dst(%dma_wait3A_408 : memref<16x256xf32, #tpu.memory_space<vmem>>)
        %add3A_410 = arith.constant 8 : i32
        %add3A_411 = arith.addi %while3A_344, %add3A_410 : i32
        %sub3A_412 = arith.constant 1 : i32
        %sub3A_413 = arith.subi %add3A_411, %sub3A_412 : i32
        %lt3A_414 = arith.cmpi slt, %sub3A_413, %select_n3A_237 : i32
        %convert_element_type3A_415 = arith.extui %lt3A_414 : i1 to i32
        %cond3A_416 = arith.constant 0 : i32
        %cond3A_417 = arith.cmpi ne, %convert_element_type3A_415, %cond3A_416 : i32
        scf.if %cond3A_417 {
          %add3A_446 = arith.constant 8 : i32
          %add3A_447 = arith.addi %while3A_344, %add3A_446 : i32
          %sub3A_448 = arith.constant 1 : i32
          %sub3A_449 = arith.subi %add3A_447, %sub3A_448 : i32
          %mul3A_450 = arith.constant 16 : i32
          %mul3A_451 = arith.muli %sub3A_449, %mul3A_450 : i32
          %add3A_452 = arith.addi %mul3A_208, %mul3A_451 : i32
          %min3A_453 = arith.constant 32752 : i32
          %min3A_454 = arith.minsi %add3A_452, %min3A_453 : i32
          %multiple_of3A_455 = tpu.assume_multiple %min3A_454, 8 : i32
          %jit3A_456 = arith.constant 8 : i32
          %eq3A_457 = arith.constant 0 : i32
          %eq3A_458 = arith.cmpi eq, %jit3A_456, %eq3A_457 : i32
          %jit3A_459 = arith.constant 1 : i32
          %select_n3A_460 = arith.select %eq3A_458, %jit3A_459, %jit3A_456 : i32
          %rem3A_461 = arith.remsi %sub3A_449, %select_n3A_460 : i32
          %ne3A_462 = arith.constant 0 : i32
          %ne3A_463 = arith.cmpi ne, %rem3A_461, %ne3A_462 : i32
          %lt3A_464 = arith.constant 0 : i32
          %lt3A_465 = arith.cmpi slt, %rem3A_461, %lt3A_464 : i32
          %lt3A_466 = arith.constant 0 : i32
          %lt3A_467 = arith.cmpi slt, %select_n3A_460, %lt3A_466 : i32
          %ne3A_468 = arith.xori %lt3A_465, %lt3A_467 : i1
          %and3A_469 = arith.andi %ne3A_468, %ne3A_463 : i1
          %add3A_470 = arith.addi %rem3A_461, %select_n3A_460 : i32
          %select_n3A_471 = arith.select %and3A_469, %add3A_470, %rem3A_461 : i32
          %jit3A_472 = arith.constant 8 : i32
          %eq3A_473 = arith.constant 0 : i32
          %eq3A_474 = arith.cmpi eq, %jit3A_472, %eq3A_473 : i32
          %jit3A_475 = arith.constant 1 : i32
          %select_n3A_476 = arith.select %eq3A_474, %jit3A_475, %jit3A_472 : i32
          %rem3A_477 = arith.remsi %sub3A_449, %select_n3A_476 : i32
          %ne3A_478 = arith.constant 0 : i32
          %ne3A_479 = arith.cmpi ne, %rem3A_477, %ne3A_478 : i32
          %lt3A_480 = arith.constant 0 : i32
          %lt3A_481 = arith.cmpi slt, %rem3A_477, %lt3A_480 : i32
          %lt3A_482 = arith.constant 0 : i32
          %lt3A_483 = arith.cmpi slt, %select_n3A_476, %lt3A_482 : i32
          %ne3A_484 = arith.xori %lt3A_481, %lt3A_483 : i1
          %and3A_485 = arith.andi %ne3A_484, %ne3A_479 : i1
          %add3A_486 = arith.addi %rem3A_477, %select_n3A_476 : i32
          %select_n3A_487 = arith.select %and3A_485, %add3A_486, %rem3A_477 : i32
          %dma_start3A_488 = arith.constant 0 : i32
          %dma_start3A_489 = arith.constant 0 : i32
          %dma_start3A_490 = tpu.memref_slice %arg6[%select_n3A_471, %dma_start3A_488, %dma_start3A_489] : memref<8x16x256xf32, #tpu.memory_space<vmem>> -> memref<1x16x256xf32, #tpu.memory_space<vmem>>
          %dma_start3A_491 = tpu.memref_squeeze %dma_start3A_490 : memref<1x16x256xf32, #tpu.memory_space<vmem>> -> memref<16x256xf32, #tpu.memory_space<vmem>>
          %dma_start3A_492 = tpu.memref_slice %arg2[%multiple_of3A_455, %multiple_of3A] : memref<32768x512xf32, #tpu.memory_space<hbm>> -> memref<16x256xf32, #tpu.memory_space<hbm>>
          %dma_start3A_493 = tpu.memref_slice %arg10[%select_n3A_487] : memref<8x!tpu.dma_semaphore, #tpu.memory_space<semaphore_mem>> -> memref<1x!tpu.dma_semaphore, #tpu.memory_space<semaphore_mem>>
          %dma_start3A_494 = tpu.memref_squeeze %dma_start3A_493 : memref<1x!tpu.dma_semaphore, #tpu.memory_space<semaphore_mem>> -> memref<!tpu.dma_semaphore, #tpu.memory_space<semaphore_mem>>
          %dma_start3A_495 = arith.constant 0 : i32
          %dma_start3A_496 = arith.constant 0 : i32
          %dma_start3A_497 = tpu.memref_slice %arg6[%select_n3A_471, %dma_start3A_495, %dma_start3A_496] : memref<8x16x256xf32, #tpu.memory_space<vmem>> -> memref<1x16x256xf32, #tpu.memory_space<vmem>>
          %dma_start3A_498 = tpu.memref_squeeze %dma_start3A_497 : memref<1x16x256xf32, #tpu.memory_space<vmem>> -> memref<16x256xf32, #tpu.memory_space<vmem>>
          %dma_start3A_499 = tpu.memref_slice %arg2[%multiple_of3A_455, %multiple_of3A] : memref<32768x512xf32, #tpu.memory_space<hbm>> -> memref<16x256xf32, #tpu.memory_space<hbm>>
          tpu.enqueue_dma source(%dma_start3A_499 : memref<16x256xf32, #tpu.memory_space<hbm>>) target(%dma_start3A_498 : memref<16x256xf32, #tpu.memory_space<vmem>>) target_semaphore(%dma_start3A_494 : memref<!tpu.dma_semaphore, #tpu.memory_space<semaphore_mem>>)
        } else {
        }
        %mul3A_418 = arith.constant 16 : i32
        %mul3A_419 = arith.muli %while3A_344, %mul3A_418 : i32
        %add3A_420 = arith.addi %mul3A_208, %mul3A_419 : i32
        %min3A_421 = arith.constant 32752 : i32
        %min3A_422 = arith.minsi %add3A_420, %min3A_421 : i32
        %multiple_of3A_423 = tpu.assume_multiple %min3A_422, 8 : i32
        %jit3A_424 = arith.constant 8 : i32
        %eq3A_425 = arith.constant 0 : i32
        %eq3A_426 = arith.cmpi eq, %jit3A_424, %eq3A_425 : i32
        %jit3A_427 = arith.constant 1 : i32
        %select_n3A_428 = arith.select %eq3A_426, %jit3A_427, %jit3A_424 : i32
        %rem3A_429 = arith.remsi %while3A_344, %select_n3A_428 : i32
        %ne3A_430 = arith.constant 0 : i32
        %ne3A_431 = arith.cmpi ne, %rem3A_429, %ne3A_430 : i32
        %lt3A_432 = arith.constant 0 : i32
        %lt3A_433 = arith.cmpi slt, %rem3A_429, %lt3A_432 : i32
        %lt3A_434 = arith.constant 0 : i32
        %lt3A_435 = arith.cmpi slt, %select_n3A_428, %lt3A_434 : i32
        %ne3A_436 = arith.xori %lt3A_433, %lt3A_435 : i1
        %and3A_437 = arith.andi %ne3A_436, %ne3A_431 : i1
        %add3A_438 = arith.addi %rem3A_429, %select_n3A_428 : i32
        %select_n3A_439 = arith.select %and3A_437, %add3A_438, %rem3A_429 : i32
        %scan3A_440 = arith.constant 0 : i32
        %scan3A_441 = arith.constant 4 : i32
        %scan3A_442 = arith.addi %scan3A_440, %scan3A_441 : i32
        %scan3A_443 = arith.constant 1 : i32
        %scan3A_444:16 = scf.for %scan3A_446 = %scan3A_440 to %scan3A_442 step %scan3A_443 iter_args(%scan3A_447 = %while3A_345, %scan3A_448 = %while3A_346, %scan3A_449 = %while3A_347, %scan3A_450 = %while3A_348, %scan3A_451 = %while3A_349, %scan3A_452 = %while3A_350, %scan3A_453 = %while3A_351, %scan3A_454 = %while3A_352, %scan3A_455 = %while3A_353, %scan3A_456 = %while3A_354, %scan3A_457 = %while3A_355, %scan3A_458 = %while3A_356, %scan3A_459 = %while3A_357, %scan3A_460 = %while3A_358, %scan3A_461 = %while3A_359, %scan3A_462 = %while3A_360) -> (vector<16xf32>, vector<16xf32>, vector<16xf32>, vector<16xf32>, vector<16xf32>, vector<16xf32>, vector<16xf32>, vector<16xf32>, vector<16xf32>, vector<16xf32>, vector<16xf32>, vector<16xf32>, vector<16xf32>, vector<16xf32>, vector<16xf32>, vector<16xf32>)  : i32 {
          %mul3A_463 = arith.constant 4 : i32
          %mul3A_464 = arith.muli %scan3A_446, %mul3A_463 : i32
          %add3A_465 = arith.addi %multiple_of3A_423, %mul3A_464 : i32
          %add3A_466 = arith.constant 0 : i32
          %add3A_467 = arith.addi %add3A_465, %add3A_466 : i32
          %ge3A = arith.cmpi sge, %add3A_467, %max3A : i32
          %lt3A_468 = arith.cmpi slt, %add3A_467, %min3A_182 : i32
          %and3A_469 = arith.andi %ge3A, %lt3A_468 : i1
          %add3A_470 = arith.constant 0 : i32
          %add3A_471 = arith.addi %mul3A_464, %add3A_470 : i32
          %get3A_472 = arith.index_cast %select_n3A_439 : i32 to index
          %get3A_473 = arith.index_cast %add3A_471 : i32 to index
          %get3A_474 = arith.constant 0 : index
          %get3A_475 = tpu.vector_load %arg6[%get3A_472, %get3A_473, %get3A_474] {strides = array<i32>} : memref<8x16x256xf32, #tpu.memory_space<vmem>>, vector<16xf32>,
          %jit3A_476 = arith.constant 0xFF800000 : f32
          %broadcast_in_dim3A_477 = vector.broadcast %jit3A_476 : f32 to vector<16xf32>
          %select_n3A_478 = arith.select %and3A_469, %get3A_475, %broadcast_in_dim3A_477 : vector<16xf32>
          %max3A_479 = arith.maximumf %scan3A_447, %select_n3A_478 : vector<16xf32>
          %add3A_480 = arith.constant 0 : i32
          %add3A_481 = arith.addi %mul3A_464, %add3A_480 : i32
          %get3A_482 = arith.index_cast %select_n3A_439 : i32 to index
          %get3A_483 = arith.index_cast %add3A_481 : i32 to index
          %get3A_484 = arith.constant 16 : index
          %get3A_485 = tpu.vector_load %arg6[%get3A_482, %get3A_483, %get3A_484] {strides = array<i32>} : memref<8x16x256xf32, #tpu.memory_space<vmem>>, vector<16xf32>,
          %jit3A_486 = arith.constant 0xFF800000 : f32
          %broadcast_in_dim3A_487 = vector.broadcast %jit3A_486 : f32 to vector<16xf32>
          %select_n3A_488 = arith.select %and3A_469, %get3A_485, %broadcast_in_dim3A_487 : vector<16xf32>
          %max3A_489 = arith.maximumf %scan3A_448, %select_n3A_488 : vector<16xf32>
          %add3A_490 = arith.constant 0 : i32
          %add3A_491 = arith.addi %mul3A_464, %add3A_490 : i32
          %get3A_492 = arith.index_cast %select_n3A_439 : i32 to index
          %get3A_493 = arith.index_cast %add3A_491 : i32 to index
          %get3A_494 = arith.constant 32 : index
          %get3A_495 = tpu.vector_load %arg6[%get3A_492, %get3A_493, %get3A_494] {strides = array<i32>} : memref<8x16x256xf32, #tpu.memory_space<vmem>>, vector<16xf32>,
          %jit3A_496 = arith.constant 0xFF800000 : f32
          %broadcast_in_dim3A_497 = vector.broadcast %jit3A_496 : f32 to vector<16xf32>
          %select_n3A_498 = arith.select %and3A_469, %get3A_495, %broadcast_in_dim3A_497 : vector<16xf32>
          %max3A_499 = arith.maximumf %scan3A_449, %select_n3A_498 : vector<16xf32>
          %add3A_500 = arith.constant 0 : i32
          %add3A_501 = arith.addi %mul3A_464, %add3A_500 : i32
          %get3A_502 = arith.index_cast %select_n3A_439 : i32 to index
          %get3A_503 = arith.index_cast %add3A_501 : i32 to index
          %get3A_504 = arith.constant 48 : index
          %get3A_505 = tpu.vector_load %arg6[%get3A_502, %get3A_503, %get3A_504] {strides = array<i32>} : memref<8x16x256xf32, #tpu.memory_space<vmem>>, vector<16xf32>,
          %jit3A_506 = arith.constant 0xFF800000 : f32
          %broadcast_in_dim3A_507 = vector.broadcast %jit3A_506 : f32 to vector<16xf32>
          %select_n3A_508 = arith.select %and3A_469, %get3A_505, %broadcast_in_dim3A_507 : vector<16xf32>
          %max3A_509 = arith.maximumf %scan3A_450, %select_n3A_508 : vector<16xf32>
          %add3A_510 = arith.constant 0 : i32
          %add3A_511 = arith.addi %mul3A_464, %add3A_510 : i32
          %get3A_512 = arith.index_cast %select_n3A_439 : i32 to index
          %get3A_513 = arith.index_cast %add3A_511 : i32 to index
          %get3A_514 = arith.constant 64 : index
          %get3A_515 = tpu.vector_load %arg6[%get3A_512, %get3A_513, %get3A_514] {strides = array<i32>} : memref<8x16x256xf32, #tpu.memory_space<vmem>>, vector<16xf32>,
          %jit3A_516 = arith.constant 0xFF800000 : f32
          %broadcast_in_dim3A_517 = vector.broadcast %jit3A_516 : f32 to vector<16xf32>
          %select_n3A_518 = arith.select %and3A_469, %get3A_515, %broadcast_in_dim3A_517 : vector<16xf32>
          %max3A_519 = arith.maximumf %scan3A_451, %select_n3A_518 : vector<16xf32>
          %add3A_520 = arith.constant 0 : i32
          %add3A_521 = arith.addi %mul3A_464, %add3A_520 : i32
          %get3A_522 = arith.index_cast %select_n3A_439 : i32 to index
          %get3A_523 = arith.index_cast %add3A_521 : i32 to index
          %get3A_524 = arith.constant 80 : index
          %get3A_525 = tpu.vector_load %arg6[%get3A_522, %get3A_523, %get3A_524] {strides = array<i32>} : memref<8x16x256xf32, #tpu.memory_space<vmem>>, vector<16xf32>,
          %jit3A_526 = arith.constant 0xFF800000 : f32
          %broadcast_in_dim3A_527 = vector.broadcast %jit3A_526 : f32 to vector<16xf32>
          %select_n3A_528 = arith.select %and3A_469, %get3A_525, %broadcast_in_dim3A_527 : vector<16xf32>
          %max3A_529 = arith.maximumf %scan3A_452, %select_n3A_528 : vector<16xf32>
          %add3A_530 = arith.constant 0 : i32
          %add3A_531 = arith.addi %mul3A_464, %add3A_530 : i32
          %get3A_532 = arith.index_cast %select_n3A_439 : i32 to index
          %get3A_533 = arith.index_cast %add3A_531 : i32 to index
          %get3A_534 = arith.constant 96 : index
          %get3A_535 = tpu.vector_load %arg6[%get3A_532, %get3A_533, %get3A_534] {strides = array<i32>} : memref<8x16x256xf32, #tpu.memory_space<vmem>>, vector<16xf32>,
          %jit3A_536 = arith.constant 0xFF800000 : f32
          %broadcast_in_dim3A_537 = vector.broadcast %jit3A_536 : f32 to vector<16xf32>
          %select_n3A_538 = arith.select %and3A_469, %get3A_535, %broadcast_in_dim3A_537 : vector<16xf32>
          %max3A_539 = arith.maximumf %scan3A_453, %select_n3A_538 : vector<16xf32>
          %add3A_540 = arith.constant 0 : i32
          %add3A_541 = arith.addi %mul3A_464, %add3A_540 : i32
          %get3A_542 = arith.index_cast %select_n3A_439 : i32 to index
          %get3A_543 = arith.index_cast %add3A_541 : i32 to index
          %get3A_544 = arith.constant 112 : index
          %get3A_545 = tpu.vector_load %arg6[%get3A_542, %get3A_543, %get3A_544] {strides = array<i32>} : memref<8x16x256xf32, #tpu.memory_space<vmem>>, vector<16xf32>,
          %jit3A_546 = arith.constant 0xFF800000 : f32
          %broadcast_in_dim3A_547 = vector.broadcast %jit3A_546 : f32 to vector<16xf32>
          %select_n3A_548 = arith.select %and3A_469, %get3A_545, %broadcast_in_dim3A_547 : vector<16xf32>
          %max3A_549 = arith.maximumf %scan3A_454, %select_n3A_548 : vector<16xf32>
          %add3A_550 = arith.constant 0 : i32
          %add3A_551 = arith.addi %mul3A_464, %add3A_550 : i32
          %get3A_552 = arith.index_cast %select_n3A_439 : i32 to index
          %get3A_553 = arith.index_cast %add3A_551 : i32 to index
          %get3A_554 = arith.constant 128 : index
          %get3A_555 = tpu.vector_load %arg6[%get3A_552, %get3A_553, %get3A_554] {strides = array<i32>} : memref<8x16x256xf32, #tpu.memory_space<vmem>>, vector<16xf32>,
          %jit3A_556 = arith.constant 0xFF800000 : f32
          %broadcast_in_dim3A_557 = vector.broadcast %jit3A_556 : f32 to vector<16xf32>
          %select_n3A_558 = arith.select %and3A_469, %get3A_555, %broadcast_in_dim3A_557 : vector<16xf32>
          %max3A_559 = arith.maximumf %scan3A_455, %select_n3A_558 : vector<16xf32>
          %add3A_560 = arith.constant 0 : i32
          %add3A_561 = arith.addi %mul3A_464, %add3A_560 : i32
          %get3A_562 = arith.index_cast %select_n3A_439 : i32 to index
          %get3A_563 = arith.index_cast %add3A_561 : i32 to index
          %get3A_564 = arith.constant 144 : index
          %get3A_565 = tpu.vector_load %arg6[%get3A_562, %get3A_563, %get3A_564] {strides = array<i32>} : memref<8x16x256xf32, #tpu.memory_space<vmem>>, vector<16xf32>,
          %jit3A_566 = arith.constant 0xFF800000 : f32
          %broadcast_in_dim3A_567 = vector.broadcast %jit3A_566 : f32 to vector<16xf32>
          %select_n3A_568 = arith.select %and3A_469, %get3A_565, %broadcast_in_dim3A_567 : vector<16xf32>
          %max3A_569 = arith.maximumf %scan3A_456, %select_n3A_568 : vector<16xf32>
          %add3A_570 = arith.constant 0 : i32
          %add3A_571 = arith.addi %mul3A_464, %add3A_570 : i32
          %get3A_572 = arith.index_cast %select_n3A_439 : i32 to index
          %get3A_573 = arith.index_cast %add3A_571 : i32 to index
          %get3A_574 = arith.constant 160 : index
          %get3A_575 = tpu.vector_load %arg6[%get3A_572, %get3A_573, %get3A_574] {strides = array<i32>} : memref<8x16x256xf32, #tpu.memory_space<vmem>>, vector<16xf32>,
          %jit3A_576 = arith.constant 0xFF800000 : f32
          %broadcast_in_dim3A_577 = vector.broadcast %jit3A_576 : f32 to vector<16xf32>
          %select_n3A_578 = arith.select %and3A_469, %get3A_575, %broadcast_in_dim3A_577 : vector<16xf32>
          %max3A_579 = arith.maximumf %scan3A_457, %select_n3A_578 : vector<16xf32>
          %add3A_580 = arith.constant 0 : i32
          %add3A_581 = arith.addi %mul3A_464, %add3A_580 : i32
          %get3A_582 = arith.index_cast %select_n3A_439 : i32 to index
          %get3A_583 = arith.index_cast %add3A_581 : i32 to index
          %get3A_584 = arith.constant 176 : index
          %get3A_585 = tpu.vector_load %arg6[%get3A_582, %get3A_583, %get3A_584] {strides = array<i32>} : memref<8x16x256xf32, #tpu.memory_space<vmem>>, vector<16xf32>,
          %jit3A_586 = arith.constant 0xFF800000 : f32
          %broadcast_in_dim3A_587 = vector.broadcast %jit3A_586 : f32 to vector<16xf32>
          %select_n3A_588 = arith.select %and3A_469, %get3A_585, %broadcast_in_dim3A_587 : vector<16xf32>
          %max3A_589 = arith.maximumf %scan3A_458, %select_n3A_588 : vector<16xf32>
          %add3A_590 = arith.constant 0 : i32
          %add3A_591 = arith.addi %mul3A_464, %add3A_590 : i32
          %get3A_592 = arith.index_cast %select_n3A_439 : i32 to index
          %get3A_593 = arith.index_cast %add3A_591 : i32 to index
          %get3A_594 = arith.constant 192 : index
          %get3A_595 = tpu.vector_load %arg6[%get3A_592, %get3A_593, %get3A_594] {strides = array<i32>} : memref<8x16x256xf32, #tpu.memory_space<vmem>>, vector<16xf32>,
          %jit3A_596 = arith.constant 0xFF800000 : f32
          %broadcast_in_dim3A_597 = vector.broadcast %jit3A_596 : f32 to vector<16xf32>
          %select_n3A_598 = arith.select %and3A_469, %get3A_595, %broadcast_in_dim3A_597 : vector<16xf32>
          %max3A_599 = arith.maximumf %scan3A_459, %select_n3A_598 : vector<16xf32>
          %add3A_600 = arith.constant 0 : i32
          %add3A_601 = arith.addi %mul3A_464, %add3A_600 : i32
          %get3A_602 = arith.index_cast %select_n3A_439 : i32 to index
          %get3A_603 = arith.index_cast %add3A_601 : i32 to index
          %get3A_604 = arith.constant 208 : index
          %get3A_605 = tpu.vector_load %arg6[%get3A_602, %get3A_603, %get3A_604] {strides = array<i32>} : memref<8x16x256xf32, #tpu.memory_space<vmem>>, vector<16xf32>,
          %jit3A_606 = arith.constant 0xFF800000 : f32
          %broadcast_in_dim3A_607 = vector.broadcast %jit3A_606 : f32 to vector<16xf32>
          %select_n3A_608 = arith.select %and3A_469, %get3A_605, %broadcast_in_dim3A_607 : vector<16xf32>
          %max3A_609 = arith.maximumf %scan3A_460, %select_n3A_608 : vector<16xf32>
          %add3A_610 = arith.constant 0 : i32
          %add3A_611 = arith.addi %mul3A_464, %add3A_610 : i32
          %get3A_612 = arith.index_cast %select_n3A_439 : i32 to index
          %get3A_613 = arith.index_cast %add3A_611 : i32 to index
          %get3A_614 = arith.constant 224 : index
          %get3A_615 = tpu.vector_load %arg6[%get3A_612, %get3A_613, %get3A_614] {strides = array<i32>} : memref<8x16x256xf32, #tpu.memory_space<vmem>>, vector<16xf32>,
          %jit3A_616 = arith.constant 0xFF800000 : f32
          %broadcast_in_dim3A_617 = vector.broadcast %jit3A_616 : f32 to vector<16xf32>
          %select_n3A_618 = arith.select %and3A_469, %get3A_615, %broadcast_in_dim3A_617 : vector<16xf32>
          %max3A_619 = arith.maximumf %scan3A_461, %select_n3A_618 : vector<16xf32>
          %add3A_620 = arith.constant 0 : i32
          %add3A_621 = arith.addi %mul3A_464, %add3A_620 : i32
          %get3A_622 = arith.index_cast %select_n3A_439 : i32 to index
          %get3A_623 = arith.index_cast %add3A_621 : i32 to index
          %get3A_624 = arith.constant 240 : index
          %get3A_625 = tpu.vector_load %arg6[%get3A_622, %get3A_623, %get3A_624] {strides = array<i32>} : memref<8x16x256xf32, #tpu.memory_space<vmem>>, vector<16xf32>,
          %jit3A_626 = arith.constant 0xFF800000 : f32
          %broadcast_in_dim3A_627 = vector.broadcast %jit3A_626 : f32 to vector<16xf32>
          %select_n3A_628 = arith.select %and3A_469, %get3A_625, %broadcast_in_dim3A_627 : vector<16xf32>
          %max3A_629 = arith.maximumf %scan3A_462, %select_n3A_628 : vector<16xf32>
          %add3A_630 = arith.addi %multiple_of3A_423, %mul3A_464 : i32
          %add3A_631 = arith.constant 1 : i32
          %add3A_632 = arith.addi %add3A_630, %add3A_631 : i32
          %ge3A_633 = arith.cmpi sge, %add3A_632, %max3A : i32
          %lt3A_634 = arith.cmpi slt, %add3A_632, %min3A_182 : i32
          %and3A_635 = arith.andi %ge3A_633, %lt3A_634 : i1
          %add3A_636 = arith.constant 1 : i32
          %add3A_637 = arith.addi %mul3A_464, %add3A_636 : i32
          %get3A_638 = arith.index_cast %select_n3A_439 : i32 to index
          %get3A_639 = arith.index_cast %add3A_637 : i32 to index
          %get3A_640 = arith.constant 0 : index
          %get3A_641 = tpu.vector_load %arg6[%get3A_638, %get3A_639, %get3A_640] {strides = array<i32>} : memref<8x16x256xf32, #tpu.memory_space<vmem>>, vector<16xf32>,
          %jit3A_642 = arith.constant 0xFF800000 : f32
          %broadcast_in_dim3A_643 = vector.broadcast %jit3A_642 : f32 to vector<16xf32>
          %select_n3A_644 = arith.select %and3A_635, %get3A_641, %broadcast_in_dim3A_643 : vector<16xf32>
          %max3A_645 = arith.maximumf %max3A_479, %select_n3A_644 : vector<16xf32>
          %add3A_646 = arith.constant 1 : i32
          %add3A_647 = arith.addi %mul3A_464, %add3A_646 : i32
          %get3A_648 = arith.index_cast %select_n3A_439 : i32 to index
          %get3A_649 = arith.index_cast %add3A_647 : i32 to index
          %get3A_650 = arith.constant 16 : index
          %get3A_651 = tpu.vector_load %arg6[%get3A_648, %get3A_649, %get3A_650] {strides = array<i32>} : memref<8x16x256xf32, #tpu.memory_space<vmem>>, vector<16xf32>,
          %jit3A_652 = arith.constant 0xFF800000 : f32
          %broadcast_in_dim3A_653 = vector.broadcast %jit3A_652 : f32 to vector<16xf32>
          %select_n3A_654 = arith.select %and3A_635, %get3A_651, %broadcast_in_dim3A_653 : vector<16xf32>
          %max3A_655 = arith.maximumf %max3A_489, %select_n3A_654 : vector<16xf32>
          %add3A_656 = arith.constant 1 : i32
          %add3A_657 = arith.addi %mul3A_464, %add3A_656 : i32
          %get3A_658 = arith.index_cast %select_n3A_439 : i32 to index
          %get3A_659 = arith.index_cast %add3A_657 : i32 to index
          %get3A_660 = arith.constant 32 : index
          %get3A_661 = tpu.vector_load %arg6[%get3A_658, %get3A_659, %get3A_660] {strides = array<i32>} : memref<8x16x256xf32, #tpu.memory_space<vmem>>, vector<16xf32>,
          %jit3A_662 = arith.constant 0xFF800000 : f32
          %broadcast_in_dim3A_663 = vector.broadcast %jit3A_662 : f32 to vector<16xf32>
          %select_n3A_664 = arith.select %and3A_635, %get3A_661, %broadcast_in_dim3A_663 : vector<16xf32>
          %max3A_665 = arith.maximumf %max3A_499, %select_n3A_664 : vector<16xf32>
          %add3A_666 = arith.constant 1 : i32
          %add3A_667 = arith.addi %mul3A_464, %add3A_666 : i32
          %get3A_668 = arith.index_cast %select_n3A_439 : i32 to index
          %get3A_669 = arith.index_cast %add3A_667 : i32 to index
          %get3A_670 = arith.constant 48 : index
          %get3A_671 = tpu.vector_load %arg6[%get3A_668, %get3A_669, %get3A_670] {strides = array<i32>} : memref<8x16x256xf32, #tpu.memory_space<vmem>>, vector<16xf32>,
          %jit3A_672 = arith.constant 0xFF800000 : f32
          %broadcast_in_dim3A_673 = vector.broadcast %jit3A_672 : f32 to vector<16xf32>
          %select_n3A_674 = arith.select %and3A_635, %get3A_671, %broadcast_in_dim3A_673 : vector<16xf32>
          %max3A_675 = arith.maximumf %max3A_509, %select_n3A_674 : vector<16xf32>
          %add3A_676 = arith.constant 1 : i32
          %add3A_677 = arith.addi %mul3A_464, %add3A_676 : i32
          %get3A_678 = arith.index_cast %select_n3A_439 : i32 to index
          %get3A_679 = arith.index_cast %add3A_677 : i32 to index
          %get3A_680 = arith.constant 64 : index
          %get3A_681 = tpu.vector_load %arg6[%get3A_678, %get3A_679, %get3A_680] {strides = array<i32>} : memref<8x16x256xf32, #tpu.memory_space<vmem>>, vector<16xf32>,
          %jit3A_682 = arith.constant 0xFF800000 : f32
          %broadcast_in_dim3A_683 = vector.broadcast %jit3A_682 : f32 to vector<16xf32>
          %select_n3A_684 = arith.select %and3A_635, %get3A_681, %broadcast_in_dim3A_683 : vector<16xf32>
          %max3A_685 = arith.maximumf %max3A_519, %select_n3A_684 : vector<16xf32>
          %add3A_686 = arith.constant 1 : i32
          %add3A_687 = arith.addi %mul3A_464, %add3A_686 : i32
          %get3A_688 = arith.index_cast %select_n3A_439 : i32 to index
          %get3A_689 = arith.index_cast %add3A_687 : i32 to index
          %get3A_690 = arith.constant 80 : index
          %get3A_691 = tpu.vector_load %arg6[%get3A_688, %get3A_689, %get3A_690] {strides = array<i32>} : memref<8x16x256xf32, #tpu.memory_space<vmem>>, vector<16xf32>,
          %jit3A_692 = arith.constant 0xFF800000 : f32
          %broadcast_in_dim3A_693 = vector.broadcast %jit3A_692 : f32 to vector<16xf32>
          %select_n3A_694 = arith.select %and3A_635, %get3A_691, %broadcast_in_dim3A_693 : vector<16xf32>
          %max3A_695 = arith.maximumf %max3A_529, %select_n3A_694 : vector<16xf32>
          %add3A_696 = arith.constant 1 : i32
          %add3A_697 = arith.addi %mul3A_464, %add3A_696 : i32
          %get3A_698 = arith.index_cast %select_n3A_439 : i32 to index
          %get3A_699 = arith.index_cast %add3A_697 : i32 to index
          %get3A_700 = arith.constant 96 : index
          %get3A_701 = tpu.vector_load %arg6[%get3A_698, %get3A_699, %get3A_700] {strides = array<i32>} : memref<8x16x256xf32, #tpu.memory_space<vmem>>, vector<16xf32>,
          %jit3A_702 = arith.constant 0xFF800000 : f32
          %broadcast_in_dim3A_703 = vector.broadcast %jit3A_702 : f32 to vector<16xf32>
          %select_n3A_704 = arith.select %and3A_635, %get3A_701, %broadcast_in_dim3A_703 : vector<16xf32>
          %max3A_705 = arith.maximumf %max3A_539, %select_n3A_704 : vector<16xf32>
          %add3A_706 = arith.constant 1 : i32
          %add3A_707 = arith.addi %mul3A_464, %add3A_706 : i32
          %get3A_708 = arith.index_cast %select_n3A_439 : i32 to index
          %get3A_709 = arith.index_cast %add3A_707 : i32 to index
          %get3A_710 = arith.constant 112 : index
          %get3A_711 = tpu.vector_load %arg6[%get3A_708, %get3A_709, %get3A_710] {strides = array<i32>} : memref<8x16x256xf32, #tpu.memory_space<vmem>>, vector<16xf32>,
          %jit3A_712 = arith.constant 0xFF800000 : f32
          %broadcast_in_dim3A_713 = vector.broadcast %jit3A_712 : f32 to vector<16xf32>
          %select_n3A_714 = arith.select %and3A_635, %get3A_711, %broadcast_in_dim3A_713 : vector<16xf32>
          %max3A_715 = arith.maximumf %max3A_549, %select_n3A_714 : vector<16xf32>
          %add3A_716 = arith.constant 1 : i32
          %add3A_717 = arith.addi %mul3A_464, %add3A_716 : i32
          %get3A_718 = arith.index_cast %select_n3A_439 : i32 to index
          %get3A_719 = arith.index_cast %add3A_717 : i32 to index
          %get3A_720 = arith.constant 128 : index
          %get3A_721 = tpu.vector_load %arg6[%get3A_718, %get3A_719, %get3A_720] {strides = array<i32>} : memref<8x16x256xf32, #tpu.memory_space<vmem>>, vector<16xf32>,
          %jit3A_722 = arith.constant 0xFF800000 : f32
          %broadcast_in_dim3A_723 = vector.broadcast %jit3A_722 : f32 to vector<16xf32>
          %select_n3A_724 = arith.select %and3A_635, %get3A_721, %broadcast_in_dim3A_723 : vector<16xf32>
          %max3A_725 = arith.maximumf %max3A_559, %select_n3A_724 : vector<16xf32>
          %add3A_726 = arith.constant 1 : i32
          %add3A_727 = arith.addi %mul3A_464, %add3A_726 : i32
          %get3A_728 = arith.index_cast %select_n3A_439 : i32 to index
          %get3A_729 = arith.index_cast %add3A_727 : i32 to index
          %get3A_730 = arith.constant 144 : index
          %get3A_731 = tpu.vector_load %arg6[%get3A_728, %get3A_729, %get3A_730] {strides = array<i32>} : memref<8x16x256xf32, #tpu.memory_space<vmem>>, vector<16xf32>,
          %jit3A_732 = arith.constant 0xFF800000 : f32
          %broadcast_in_dim3A_733 = vector.broadcast %jit3A_732 : f32 to vector<16xf32>
          %select_n3A_734 = arith.select %and3A_635, %get3A_731, %broadcast_in_dim3A_733 : vector<16xf32>
          %max3A_735 = arith.maximumf %max3A_569, %select_n3A_734 : vector<16xf32>
          %add3A_736 = arith.constant 1 : i32
          %add3A_737 = arith.addi %mul3A_464, %add3A_736 : i32
          %get3A_738 = arith.index_cast %select_n3A_439 : i32 to index
          %get3A_739 = arith.index_cast %add3A_737 : i32 to index
          %get3A_740 = arith.constant 160 : index
          %get3A_741 = tpu.vector_load %arg6[%get3A_738, %get3A_739, %get3A_740] {strides = array<i32>} : memref<8x16x256xf32, #tpu.memory_space<vmem>>, vector<16xf32>,
          %jit3A_742 = arith.constant 0xFF800000 : f32
          %broadcast_in_dim3A_743 = vector.broadcast %jit3A_742 : f32 to vector<16xf32>
          %select_n3A_744 = arith.select %and3A_635, %get3A_741, %broadcast_in_dim3A_743 : vector<16xf32>
          %max3A_745 = arith.maximumf %max3A_579, %select_n3A_744 : vector<16xf32>
          %add3A_746 = arith.constant 1 : i32
          %add3A_747 = arith.addi %mul3A_464, %add3A_746 : i32
          %get3A_748 = arith.index_cast %select_n3A_439 : i32 to index
          %get3A_749 = arith.index_cast %add3A_747 : i32 to index
          %get3A_750 = arith.constant 176 : index
          %get3A_751 = tpu.vector_load %arg6[%get3A_748, %get3A_749, %get3A_750] {strides = array<i32>} : memref<8x16x256xf32, #tpu.memory_space<vmem>>, vector<16xf32>,
          %jit3A_752 = arith.constant 0xFF800000 : f32
          %broadcast_in_dim3A_753 = vector.broadcast %jit3A_752 : f32 to vector<16xf32>
          %select_n3A_754 = arith.select %and3A_635, %get3A_751, %broadcast_in_dim3A_753 : vector<16xf32>
          %max3A_755 = arith.maximumf %max3A_589, %select_n3A_754 : vector<16xf32>
          %add3A_756 = arith.constant 1 : i32
          %add3A_757 = arith.addi %mul3A_464, %add3A_756 : i32
          %get3A_758 = arith.index_cast %select_n3A_439 : i32 to index
          %get3A_759 = arith.index_cast %add3A_757 : i32 to index
          %get3A_760 = arith.constant 192 : index
          %get3A_761 = tpu.vector_load %arg6[%get3A_758, %get3A_759, %get3A_760] {strides = array<i32>} : memref<8x16x256xf32, #tpu.memory_space<vmem>>, vector<16xf32>,
          %jit3A_762 = arith.constant 0xFF800000 : f32
          %broadcast_in_dim3A_763 = vector.broadcast %jit3A_762 : f32 to vector<16xf32>
          %select_n3A_764 = arith.select %and3A_635, %get3A_761, %broadcast_in_dim3A_763 : vector<16xf32>
          %max3A_765 = arith.maximumf %max3A_599, %select_n3A_764 : vector<16xf32>
          %add3A_766 = arith.constant 1 : i32
          %add3A_767 = arith.addi %mul3A_464, %add3A_766 : i32
          %get3A_768 = arith.index_cast %select_n3A_439 : i32 to index
          %get3A_769 = arith.index_cast %add3A_767 : i32 to index
          %get3A_770 = arith.constant 208 : index
          %get3A_771 = tpu.vector_load %arg6[%get3A_768, %get3A_769, %get3A_770] {strides = array<i32>} : memref<8x16x256xf32, #tpu.memory_space<vmem>>, vector<16xf32>,
          %jit3A_772 = arith.constant 0xFF800000 : f32
          %broadcast_in_dim3A_773 = vector.broadcast %jit3A_772 : f32 to vector<16xf32>
          %select_n3A_774 = arith.select %and3A_635, %get3A_771, %broadcast_in_dim3A_773 : vector<16xf32>
          %max3A_775 = arith.maximumf %max3A_609, %select_n3A_774 : vector<16xf32>
          %add3A_776 = arith.constant 1 : i32
          %add3A_777 = arith.addi %mul3A_464, %add3A_776 : i32
          %get3A_778 = arith.index_cast %select_n3A_439 : i32 to index
          %get3A_779 = arith.index_cast %add3A_777 : i32 to index
          %get3A_780 = arith.constant 224 : index
          %get3A_781 = tpu.vector_load %arg6[%get3A_778, %get3A_779, %get3A_780] {strides = array<i32>} : memref<8x16x256xf32, #tpu.memory_space<vmem>>, vector<16xf32>,
          %jit3A_782 = arith.constant 0xFF800000 : f32
          %broadcast_in_dim3A_783 = vector.broadcast %jit3A_782 : f32 to vector<16xf32>
          %select_n3A_784 = arith.select %and3A_635, %get3A_781, %broadcast_in_dim3A_783 : vector<16xf32>
          %max3A_785 = arith.maximumf %max3A_619, %select_n3A_784 : vector<16xf32>
          %add3A_786 = arith.constant 1 : i32
          %add3A_787 = arith.addi %mul3A_464, %add3A_786 : i32
          %get3A_788 = arith.index_cast %select_n3A_439 : i32 to index
          %get3A_789 = arith.index_cast %add3A_787 : i32 to index
          %get3A_790 = arith.constant 240 : index
          %get3A_791 = tpu.vector_load %arg6[%get3A_788, %get3A_789, %get3A_790] {strides = array<i32>} : memref<8x16x256xf32, #tpu.memory_space<vmem>>, vector<16xf32>,
          %jit3A_792 = arith.constant 0xFF800000 : f32
          %broadcast_in_dim3A_793 = vector.broadcast %jit3A_792 : f32 to vector<16xf32>
          %select_n3A_794 = arith.select %and3A_635, %get3A_791, %broadcast_in_dim3A_793 : vector<16xf32>
          %max3A_795 = arith.maximumf %max3A_629, %select_n3A_794 : vector<16xf32>
          %add3A_796 = arith.addi %multiple_of3A_423, %mul3A_464 : i32
          %add3A_797 = arith.constant 2 : i32
          %add3A_798 = arith.addi %add3A_796, %add3A_797 : i32
          %ge3A_799 = arith.cmpi sge, %add3A_798, %max3A : i32
          %lt3A_800 = arith.cmpi slt, %add3A_798, %min3A_182 : i32
          %and3A_801 = arith.andi %ge3A_799, %lt3A_800 : i1
          %add3A_802 = arith.constant 2 : i32
          %add3A_803 = arith.addi %mul3A_464, %add3A_802 : i32
          %get3A_804 = arith.index_cast %select_n3A_439 : i32 to index
          %get3A_805 = arith.index_cast %add3A_803 : i32 to index
          %get3A_806 = arith.constant 0 : index
          %get3A_807 = tpu.vector_load %arg6[%get3A_804, %get3A_805, %get3A_806] {strides = array<i32>} : memref<8x16x256xf32, #tpu.memory_space<vmem>>, vector<16xf32>,
          %jit3A_808 = arith.constant 0xFF800000 : f32
          %broadcast_in_dim3A_809 = vector.broadcast %jit3A_808 : f32 to vector<16xf32>
          %select_n3A_810 = arith.select %and3A_801, %get3A_807, %broadcast_in_dim3A_809 : vector<16xf32>
          %max3A_811 = arith.maximumf %max3A_645, %select_n3A_810 : vector<16xf32>
          %add3A_812 = arith.constant 2 : i32
          %add3A_813 = arith.addi %mul3A_464, %add3A_812 : i32
          %get3A_814 = arith.index_cast %select_n3A_439 : i32 to index
          %get3A_815 = arith.index_cast %add3A_813 : i32 to index
          %get3A_816 = arith.constant 16 : index
          %get3A_817 = tpu.vector_load %arg6[%get3A_814, %get3A_815, %get3A_816] {strides = array<i32>} : memref<8x16x256xf32, #tpu.memory_space<vmem>>, vector<16xf32>,
          %jit3A_818 = arith.constant 0xFF800000 : f32
          %broadcast_in_dim3A_819 = vector.broadcast %jit3A_818 : f32 to vector<16xf32>
          %select_n3A_820 = arith.select %and3A_801, %get3A_817, %broadcast_in_dim3A_819 : vector<16xf32>
          %max3A_821 = arith.maximumf %max3A_655, %select_n3A_820 : vector<16xf32>
          %add3A_822 = arith.constant 2 : i32
          %add3A_823 = arith.addi %mul3A_464, %add3A_822 : i32
          %get3A_824 = arith.index_cast %select_n3A_439 : i32 to index
          %get3A_825 = arith.index_cast %add3A_823 : i32 to index
          %get3A_826 = arith.constant 32 : index
          %get3A_827 = tpu.vector_load %arg6[%get3A_824, %get3A_825, %get3A_826] {strides = array<i32>} : memref<8x16x256xf32, #tpu.memory_space<vmem>>, vector<16xf32>,
          %jit3A_828 = arith.constant 0xFF800000 : f32
          %broadcast_in_dim3A_829 = vector.broadcast %jit3A_828 : f32 to vector<16xf32>
          %select_n3A_830 = arith.select %and3A_801, %get3A_827, %broadcast_in_dim3A_829 : vector<16xf32>
          %max3A_831 = arith.maximumf %max3A_665, %select_n3A_830 : vector<16xf32>
          %add3A_832 = arith.constant 2 : i32
          %add3A_833 = arith.addi %mul3A_464, %add3A_832 : i32
          %get3A_834 = arith.index_cast %select_n3A_439 : i32 to index
          %get3A_835 = arith.index_cast %add3A_833 : i32 to index
          %get3A_836 = arith.constant 48 : index
          %get3A_837 = tpu.vector_load %arg6[%get3A_834, %get3A_835, %get3A_836] {strides = array<i32>} : memref<8x16x256xf32, #tpu.memory_space<vmem>>, vector<16xf32>,
          %jit3A_838 = arith.constant 0xFF800000 : f32
          %broadcast_in_dim3A_839 = vector.broadcast %jit3A_838 : f32 to vector<16xf32>
          %select_n3A_840 = arith.select %and3A_801, %get3A_837, %broadcast_in_dim3A_839 : vector<16xf32>
          %max3A_841 = arith.maximumf %max3A_675, %select_n3A_840 : vector<16xf32>
          %add3A_842 = arith.constant 2 : i32
          %add3A_843 = arith.addi %mul3A_464, %add3A_842 : i32
          %get3A_844 = arith.index_cast %select_n3A_439 : i32 to index
          %get3A_845 = arith.index_cast %add3A_843 : i32 to index
          %get3A_846 = arith.constant 64 : index
          %get3A_847 = tpu.vector_load %arg6[%get3A_844, %get3A_845, %get3A_846] {strides = array<i32>} : memref<8x16x256xf32, #tpu.memory_space<vmem>>, vector<16xf32>,
          %jit3A_848 = arith.constant 0xFF800000 : f32
          %broadcast_in_dim3A_849 = vector.broadcast %jit3A_848 : f32 to vector<16xf32>
          %select_n3A_850 = arith.select %and3A_801, %get3A_847, %broadcast_in_dim3A_849 : vector<16xf32>
          %max3A_851 = arith.maximumf %max3A_685, %select_n3A_850 : vector<16xf32>
          %add3A_852 = arith.constant 2 : i32
          %add3A_853 = arith.addi %mul3A_464, %add3A_852 : i32
          %get3A_854 = arith.index_cast %select_n3A_439 : i32 to index
          %get3A_855 = arith.index_cast %add3A_853 : i32 to index
          %get3A_856 = arith.constant 80 : index
          %get3A_857 = tpu.vector_load %arg6[%get3A_854, %get3A_855, %get3A_856] {strides = array<i32>} : memref<8x16x256xf32, #tpu.memory_space<vmem>>, vector<16xf32>,
          %jit3A_858 = arith.constant 0xFF800000 : f32
          %broadcast_in_dim3A_859 = vector.broadcast %jit3A_858 : f32 to vector<16xf32>
          %select_n3A_860 = arith.select %and3A_801, %get3A_857, %broadcast_in_dim3A_859 : vector<16xf32>
          %max3A_861 = arith.maximumf %max3A_695, %select_n3A_860 : vector<16xf32>
          %add3A_862 = arith.constant 2 : i32
          %add3A_863 = arith.addi %mul3A_464, %add3A_862 : i32
          %get3A_864 = arith.index_cast %select_n3A_439 : i32 to index
          %get3A_865 = arith.index_cast %add3A_863 : i32 to index
          %get3A_866 = arith.constant 96 : index
          %get3A_867 = tpu.vector_load %arg6[%get3A_864, %get3A_865, %get3A_866] {strides = array<i32>} : memref<8x16x256xf32, #tpu.memory_space<vmem>>, vector<16xf32>,
          %jit3A_868 = arith.constant 0xFF800000 : f32
          %broadcast_in_dim3A_869 = vector.broadcast %jit3A_868 : f32 to vector<16xf32>
          %select_n3A_870 = arith.select %and3A_801, %get3A_867, %broadcast_in_dim3A_869 : vector<16xf32>
          %max3A_871 = arith.maximumf %max3A_705, %select_n3A_870 : vector<16xf32>
          %add3A_872 = arith.constant 2 : i32
          %add3A_873 = arith.addi %mul3A_464, %add3A_872 : i32
          %get3A_874 = arith.index_cast %select_n3A_439 : i32 to index
          %get3A_875 = arith.index_cast %add3A_873 : i32 to index
          %get3A_876 = arith.constant 112 : index
          %get3A_877 = tpu.vector_load %arg6[%get3A_874, %get3A_875, %get3A_876] {strides = array<i32>} : memref<8x16x256xf32, #tpu.memory_space<vmem>>, vector<16xf32>,
          %jit3A_878 = arith.constant 0xFF800000 : f32
          %broadcast_in_dim3A_879 = vector.broadcast %jit3A_878 : f32 to vector<16xf32>
          %select_n3A_880 = arith.select %and3A_801, %get3A_877, %broadcast_in_dim3A_879 : vector<16xf32>
          %max3A_881 = arith.maximumf %max3A_715, %select_n3A_880 : vector<16xf32>
          %add3A_882 = arith.constant 2 : i32
          %add3A_883 = arith.addi %mul3A_464, %add3A_882 : i32
          %get3A_884 = arith.index_cast %select_n3A_439 : i32 to index
          %get3A_885 = arith.index_cast %add3A_883 : i32 to index
          %get3A_886 = arith.constant 128 : index
          %get3A_887 = tpu.vector_load %arg6[%get3A_884, %get3A_885, %get3A_886] {strides = array<i32>} : memref<8x16x256xf32, #tpu.memory_space<vmem>>, vector<16xf32>,
          %jit3A_888 = arith.constant 0xFF800000 : f32
          %broadcast_in_dim3A_889 = vector.broadcast %jit3A_888 : f32 to vector<16xf32>
          %select_n3A_890 = arith.select %and3A_801, %get3A_887, %broadcast_in_dim3A_889 : vector<16xf32>
          %max3A_891 = arith.maximumf %max3A_725, %select_n3A_890 : vector<16xf32>
          %add3A_892 = arith.constant 2 : i32
          %add3A_893 = arith.addi %mul3A_464, %add3A_892 : i32
          %get3A_894 = arith.index_cast %select_n3A_439 : i32 to index
          %get3A_895 = arith.index_cast %add3A_893 : i32 to index
          %get3A_896 = arith.constant 144 : index
          %get3A_897 = tpu.vector_load %arg6[%get3A_894, %get3A_895, %get3A_896] {strides = array<i32>} : memref<8x16x256xf32, #tpu.memory_space<vmem>>, vector<16xf32>,
          %jit3A_898 = arith.constant 0xFF800000 : f32
          %broadcast_in_dim3A_899 = vector.broadcast %jit3A_898 : f32 to vector<16xf32>
          %select_n3A_900 = arith.select %and3A_801, %get3A_897, %broadcast_in_dim3A_899 : vector<16xf32>
          %max3A_901 = arith.maximumf %max3A_735, %select_n3A_900 : vector<16xf32>
          %add3A_902 = arith.constant 2 : i32
          %add3A_903 = arith.addi %mul3A_464, %add3A_902 : i32
          %get3A_904 = arith.index_cast %select_n3A_439 : i32 to index
          %get3A_905 = arith.index_cast %add3A_903 : i32 to index
          %get3A_906 = arith.constant 160 : index
          %get3A_907 = tpu.vector_load %arg6[%get3A_904, %get3A_905, %get3A_906] {strides = array<i32>} : memref<8x16x256xf32, #tpu.memory_space<vmem>>, vector<16xf32>,
          %jit3A_908 = arith.constant 0xFF800000 : f32
          %broadcast_in_dim3A_909 = vector.broadcast %jit3A_908 : f32 to vector<16xf32>
          %select_n3A_910 = arith.select %and3A_801, %get3A_907, %broadcast_in_dim3A_909 : vector<16xf32>
          %max3A_911 = arith.maximumf %max3A_745, %select_n3A_910 : vector<16xf32>
          %add3A_912 = arith.constant 2 : i32
          %add3A_913 = arith.addi %mul3A_464, %add3A_912 : i32
          %get3A_914 = arith.index_cast %select_n3A_439 : i32 to index
          %get3A_915 = arith.index_cast %add3A_913 : i32 to index
          %get3A_916 = arith.constant 176 : index
          %get3A_917 = tpu.vector_load %arg6[%get3A_914, %get3A_915, %get3A_916] {strides = array<i32>} : memref<8x16x256xf32, #tpu.memory_space<vmem>>, vector<16xf32>,
          %jit3A_918 = arith.constant 0xFF800000 : f32
          %broadcast_in_dim3A_919 = vector.broadcast %jit3A_918 : f32 to vector<16xf32>
          %select_n3A_920 = arith.select %and3A_801, %get3A_917, %broadcast_in_dim3A_919 : vector<16xf32>
          %max3A_921 = arith.maximumf %max3A_755, %select_n3A_920 : vector<16xf32>
          %add3A_922 = arith.constant 2 : i32
          %add3A_923 = arith.addi %mul3A_464, %add3A_922 : i32
          %get3A_924 = arith.index_cast %select_n3A_439 : i32 to index
          %get3A_925 = arith.index_cast %add3A_923 : i32 to index
          %get3A_926 = arith.constant 192 : index
          %get3A_927 = tpu.vector_load %arg6[%get3A_924, %get3A_925, %get3A_926] {strides = array<i32>} : memref<8x16x256xf32, #tpu.memory_space<vmem>>, vector<16xf32>,
          %jit3A_928 = arith.constant 0xFF800000 : f32
          %broadcast_in_dim3A_929 = vector.broadcast %jit3A_928 : f32 to vector<16xf32>
          %select_n3A_930 = arith.select %and3A_801, %get3A_927, %broadcast_in_dim3A_929 : vector<16xf32>
          %max3A_931 = arith.maximumf %max3A_765, %select_n3A_930 : vector<16xf32>
          %add3A_932 = arith.constant 2 : i32
          %add3A_933 = arith.addi %mul3A_464, %add3A_932 : i32
          %get3A_934 = arith.index_cast %select_n3A_439 : i32 to index
          %get3A_935 = arith.index_cast %add3A_933 : i32 to index
          %get3A_936 = arith.constant 208 : index
          %get3A_937 = tpu.vector_load %arg6[%get3A_934, %get3A_935, %get3A_936] {strides = array<i32>} : memref<8x16x256xf32, #tpu.memory_space<vmem>>, vector<16xf32>,
          %jit3A_938 = arith.constant 0xFF800000 : f32
          %broadcast_in_dim3A_939 = vector.broadcast %jit3A_938 : f32 to vector<16xf32>
          %select_n3A_940 = arith.select %and3A_801, %get3A_937, %broadcast_in_dim3A_939 : vector<16xf32>
          %max3A_941 = arith.maximumf %max3A_775, %select_n3A_940 : vector<16xf32>
          %add3A_942 = arith.constant 2 : i32
          %add3A_943 = arith.addi %mul3A_464, %add3A_942 : i32
          %get3A_944 = arith.index_cast %select_n3A_439 : i32 to index
          %get3A_945 = arith.index_cast %add3A_943 : i32 to index
          %get3A_946 = arith.constant 224 : index
          %get3A_947 = tpu.vector_load %arg6[%get3A_944, %get3A_945, %get3A_946] {strides = array<i32>} : memref<8x16x256xf32, #tpu.memory_space<vmem>>, vector<16xf32>,
          %jit3A_948 = arith.constant 0xFF800000 : f32
          %broadcast_in_dim3A_949 = vector.broadcast %jit3A_948 : f32 to vector<16xf32>
          %select_n3A_950 = arith.select %and3A_801, %get3A_947, %broadcast_in_dim3A_949 : vector<16xf32>
          %max3A_951 = arith.maximumf %max3A_785, %select_n3A_950 : vector<16xf32>
          %add3A_952 = arith.constant 2 : i32
          %add3A_953 = arith.addi %mul3A_464, %add3A_952 : i32
          %get3A_954 = arith.index_cast %select_n3A_439 : i32 to index
          %get3A_955 = arith.index_cast %add3A_953 : i32 to index
          %get3A_956 = arith.constant 240 : index
          %get3A_957 = tpu.vector_load %arg6[%get3A_954, %get3A_955, %get3A_956] {strides = array<i32>} : memref<8x16x256xf32, #tpu.memory_space<vmem>>, vector<16xf32>,
          %jit3A_958 = arith.constant 0xFF800000 : f32
          %broadcast_in_dim3A_959 = vector.broadcast %jit3A_958 : f32 to vector<16xf32>
          %select_n3A_960 = arith.select %and3A_801, %get3A_957, %broadcast_in_dim3A_959 : vector<16xf32>
          %max3A_961 = arith.maximumf %max3A_795, %select_n3A_960 : vector<16xf32>
          %add3A_962 = arith.addi %multiple_of3A_423, %mul3A_464 : i32
          %add3A_963 = arith.constant 3 : i32
          %add3A_964 = arith.addi %add3A_962, %add3A_963 : i32
          %ge3A_965 = arith.cmpi sge, %add3A_964, %max3A : i32
          %lt3A_966 = arith.cmpi slt, %add3A_964, %min3A_182 : i32
          %and3A_967 = arith.andi %ge3A_965, %lt3A_966 : i1
          %add3A_968 = arith.constant 3 : i32
          %add3A_969 = arith.addi %mul3A_464, %add3A_968 : i32
          %get3A_970 = arith.index_cast %select_n3A_439 : i32 to index
          %get3A_971 = arith.index_cast %add3A_969 : i32 to index
          %get3A_972 = arith.constant 0 : index
          %get3A_973 = tpu.vector_load %arg6[%get3A_970, %get3A_971, %get3A_972] {strides = array<i32>} : memref<8x16x256xf32, #tpu.memory_space<vmem>>, vector<16xf32>,
          %jit3A_974 = arith.constant 0xFF800000 : f32
          %broadcast_in_dim3A_975 = vector.broadcast %jit3A_974 : f32 to vector<16xf32>
          %select_n3A_976 = arith.select %and3A_967, %get3A_973, %broadcast_in_dim3A_975 : vector<16xf32>
          %max3A_977 = arith.maximumf %max3A_811, %select_n3A_976 : vector<16xf32>
          %add3A_978 = arith.constant 3 : i32
          %add3A_979 = arith.addi %mul3A_464, %add3A_978 : i32
          %get3A_980 = arith.index_cast %select_n3A_439 : i32 to index
          %get3A_981 = arith.index_cast %add3A_979 : i32 to index
          %get3A_982 = arith.constant 16 : index
          %get3A_983 = tpu.vector_load %arg6[%get3A_980, %get3A_981, %get3A_982] {strides = array<i32>} : memref<8x16x256xf32, #tpu.memory_space<vmem>>, vector<16xf32>,
          %jit3A_984 = arith.constant 0xFF800000 : f32
          %broadcast_in_dim3A_985 = vector.broadcast %jit3A_984 : f32 to vector<16xf32>
          %select_n3A_986 = arith.select %and3A_967, %get3A_983, %broadcast_in_dim3A_985 : vector<16xf32>
          %max3A_987 = arith.maximumf %max3A_821, %select_n3A_986 : vector<16xf32>
          %add3A_988 = arith.constant 3 : i32
          %add3A_989 = arith.addi %mul3A_464, %add3A_988 : i32
          %get3A_990 = arith.index_cast %select_n3A_439 : i32 to index
          %get3A_991 = arith.index_cast %add3A_989 : i32 to index
          %get3A_992 = arith.constant 32 : index
          %get3A_993 = tpu.vector_load %arg6[%get3A_990, %get3A_991, %get3A_992] {strides = array<i32>} : memref<8x16x256xf32, #tpu.memory_space<vmem>>, vector<16xf32>,
          %jit3A_994 = arith.constant 0xFF800000 : f32
          %broadcast_in_dim3A_995 = vector.broadcast %jit3A_994 : f32 to vector<16xf32>
          %select_n3A_996 = arith.select %and3A_967, %get3A_993, %broadcast_in_dim3A_995 : vector<16xf32>
          %max3A_997 = arith.maximumf %max3A_831, %select_n3A_996 : vector<16xf32>
          %add3A_998 = arith.constant 3 : i32
          %add3A_999 = arith.addi %mul3A_464, %add3A_998 : i32
          %get3A_1000 = arith.index_cast %select_n3A_439 : i32 to index
          %get3A_1001 = arith.index_cast %add3A_999 : i32 to index
          %get3A_1002 = arith.constant 48 : index
          %get3A_1003 = tpu.vector_load %arg6[%get3A_1000, %get3A_1001, %get3A_1002] {strides = array<i32>} : memref<8x16x256xf32, #tpu.memory_space<vmem>>, vector<16xf32>,
          %jit3A_1004 = arith.constant 0xFF800000 : f32
          %broadcast_in_dim3A_1005 = vector.broadcast %jit3A_1004 : f32 to vector<16xf32>
          %select_n3A_1006 = arith.select %and3A_967, %get3A_1003, %broadcast_in_dim3A_1005 : vector<16xf32>
          %max3A_1007 = arith.maximumf %max3A_841, %select_n3A_1006 : vector<16xf32>
          %add3A_1008 = arith.constant 3 : i32
          %add3A_1009 = arith.addi %mul3A_464, %add3A_1008 : i32
          %get3A_1010 = arith.index_cast %select_n3A_439 : i32 to index
          %get3A_1011 = arith.index_cast %add3A_1009 : i32 to index
          %get3A_1012 = arith.constant 64 : index
          %get3A_1013 = tpu.vector_load %arg6[%get3A_1010, %get3A_1011, %get3A_1012] {strides = array<i32>} : memref<8x16x256xf32, #tpu.memory_space<vmem>>, vector<16xf32>,
          %jit3A_1014 = arith.constant 0xFF800000 : f32
          %broadcast_in_dim3A_1015 = vector.broadcast %jit3A_1014 : f32 to vector<16xf32>
          %select_n3A_1016 = arith.select %and3A_967, %get3A_1013, %broadcast_in_dim3A_1015 : vector<16xf32>
          %max3A_1017 = arith.maximumf %max3A_851, %select_n3A_1016 : vector<16xf32>
          %add3A_1018 = arith.constant 3 : i32
          %add3A_1019 = arith.addi %mul3A_464, %add3A_1018 : i32
          %get3A_1020 = arith.index_cast %select_n3A_439 : i32 to index
          %get3A_1021 = arith.index_cast %add3A_1019 : i32 to index
          %get3A_1022 = arith.constant 80 : index
          %get3A_1023 = tpu.vector_load %arg6[%get3A_1020, %get3A_1021, %get3A_1022] {strides = array<i32>} : memref<8x16x256xf32, #tpu.memory_space<vmem>>, vector<16xf32>,
          %jit3A_1024 = arith.constant 0xFF800000 : f32
          %broadcast_in_dim3A_1025 = vector.broadcast %jit3A_1024 : f32 to vector<16xf32>
          %select_n3A_1026 = arith.select %and3A_967, %get3A_1023, %broadcast_in_dim3A_1025 : vector<16xf32>
          %max3A_1027 = arith.maximumf %max3A_861, %select_n3A_1026 : vector<16xf32>
          %add3A_1028 = arith.constant 3 : i32
          %add3A_1029 = arith.addi %mul3A_464, %add3A_1028 : i32
          %get3A_1030 = arith.index_cast %select_n3A_439 : i32 to index
          %get3A_1031 = arith.index_cast %add3A_1029 : i32 to index
          %get3A_1032 = arith.constant 96 : index
          %get3A_1033 = tpu.vector_load %arg6[%get3A_1030, %get3A_1031, %get3A_1032] {strides = array<i32>} : memref<8x16x256xf32, #tpu.memory_space<vmem>>, vector<16xf32>,
          %jit3A_1034 = arith.constant 0xFF800000 : f32
          %broadcast_in_dim3A_1035 = vector.broadcast %jit3A_1034 : f32 to vector<16xf32>
          %select_n3A_1036 = arith.select %and3A_967, %get3A_1033, %broadcast_in_dim3A_1035 : vector<16xf32>
          %max3A_1037 = arith.maximumf %max3A_871, %select_n3A_1036 : vector<16xf32>
          %add3A_1038 = arith.constant 3 : i32
          %add3A_1039 = arith.addi %mul3A_464, %add3A_1038 : i32
          %get3A_1040 = arith.index_cast %select_n3A_439 : i32 to index
          %get3A_1041 = arith.index_cast %add3A_1039 : i32 to index
          %get3A_1042 = arith.constant 112 : index
          %get3A_1043 = tpu.vector_load %arg6[%get3A_1040, %get3A_1041, %get3A_1042] {strides = array<i32>} : memref<8x16x256xf32, #tpu.memory_space<vmem>>, vector<16xf32>,
          %jit3A_1044 = arith.constant 0xFF800000 : f32
          %broadcast_in_dim3A_1045 = vector.broadcast %jit3A_1044 : f32 to vector<16xf32>
          %select_n3A_1046 = arith.select %and3A_967, %get3A_1043, %broadcast_in_dim3A_1045 : vector<16xf32>
          %max3A_1047 = arith.maximumf %max3A_881, %select_n3A_1046 : vector<16xf32>
          %add3A_1048 = arith.constant 3 : i32
          %add3A_1049 = arith.addi %mul3A_464, %add3A_1048 : i32
          %get3A_1050 = arith.index_cast %select_n3A_439 : i32 to index
          %get3A_1051 = arith.index_cast %add3A_1049 : i32 to index
          %get3A_1052 = arith.constant 128 : index
          %get3A_1053 = tpu.vector_load %arg6[%get3A_1050, %get3A_1051, %get3A_1052] {strides = array<i32>} : memref<8x16x256xf32, #tpu.memory_space<vmem>>, vector<16xf32>,
          %jit3A_1054 = arith.constant 0xFF800000 : f32
          %broadcast_in_dim3A_1055 = vector.broadcast %jit3A_1054 : f32 to vector<16xf32>
          %select_n3A_1056 = arith.select %and3A_967, %get3A_1053, %broadcast_in_dim3A_1055 : vector<16xf32>
          %max3A_1057 = arith.maximumf %max3A_891, %select_n3A_1056 : vector<16xf32>
          %add3A_1058 = arith.constant 3 : i32
          %add3A_1059 = arith.addi %mul3A_464, %add3A_1058 : i32
          %get3A_1060 = arith.index_cast %select_n3A_439 : i32 to index
          %get3A_1061 = arith.index_cast %add3A_1059 : i32 to index
          %get3A_1062 = arith.constant 144 : index
          %get3A_1063 = tpu.vector_load %arg6[%get3A_1060, %get3A_1061, %get3A_1062] {strides = array<i32>} : memref<8x16x256xf32, #tpu.memory_space<vmem>>, vector<16xf32>,
          %jit3A_1064 = arith.constant 0xFF800000 : f32
          %broadcast_in_dim3A_1065 = vector.broadcast %jit3A_1064 : f32 to vector<16xf32>
          %select_n3A_1066 = arith.select %and3A_967, %get3A_1063, %broadcast_in_dim3A_1065 : vector<16xf32>
          %max3A_1067 = arith.maximumf %max3A_901, %select_n3A_1066 : vector<16xf32>
          %add3A_1068 = arith.constant 3 : i32
          %add3A_1069 = arith.addi %mul3A_464, %add3A_1068 : i32
          %get3A_1070 = arith.index_cast %select_n3A_439 : i32 to index
          %get3A_1071 = arith.index_cast %add3A_1069 : i32 to index
          %get3A_1072 = arith.constant 160 : index
          %get3A_1073 = tpu.vector_load %arg6[%get3A_1070, %get3A_1071, %get3A_1072] {strides = array<i32>} : memref<8x16x256xf32, #tpu.memory_space<vmem>>, vector<16xf32>,
          %jit3A_1074 = arith.constant 0xFF800000 : f32
          %broadcast_in_dim3A_1075 = vector.broadcast %jit3A_1074 : f32 to vector<16xf32>
          %select_n3A_1076 = arith.select %and3A_967, %get3A_1073, %broadcast_in_dim3A_1075 : vector<16xf32>
          %max3A_1077 = arith.maximumf %max3A_911, %select_n3A_1076 : vector<16xf32>
          %add3A_1078 = arith.constant 3 : i32
          %add3A_1079 = arith.addi %mul3A_464, %add3A_1078 : i32
          %get3A_1080 = arith.index_cast %select_n3A_439 : i32 to index
          %get3A_1081 = arith.index_cast %add3A_1079 : i32 to index
          %get3A_1082 = arith.constant 176 : index
          %get3A_1083 = tpu.vector_load %arg6[%get3A_1080, %get3A_1081, %get3A_1082] {strides = array<i32>} : memref<8x16x256xf32, #tpu.memory_space<vmem>>, vector<16xf32>,
          %jit3A_1084 = arith.constant 0xFF800000 : f32
          %broadcast_in_dim3A_1085 = vector.broadcast %jit3A_1084 : f32 to vector<16xf32>
          %select_n3A_1086 = arith.select %and3A_967, %get3A_1083, %broadcast_in_dim3A_1085 : vector<16xf32>
          %max3A_1087 = arith.maximumf %max3A_921, %select_n3A_1086 : vector<16xf32>
          %add3A_1088 = arith.constant 3 : i32
          %add3A_1089 = arith.addi %mul3A_464, %add3A_1088 : i32
          %get3A_1090 = arith.index_cast %select_n3A_439 : i32 to index
          %get3A_1091 = arith.index_cast %add3A_1089 : i32 to index
          %get3A_1092 = arith.constant 192 : index
          %get3A_1093 = tpu.vector_load %arg6[%get3A_1090, %get3A_1091, %get3A_1092] {strides = array<i32>} : memref<8x16x256xf32, #tpu.memory_space<vmem>>, vector<16xf32>,
          %jit3A_1094 = arith.constant 0xFF800000 : f32
          %broadcast_in_dim3A_1095 = vector.broadcast %jit3A_1094 : f32 to vector<16xf32>
          %select_n3A_1096 = arith.select %and3A_967, %get3A_1093, %broadcast_in_dim3A_1095 : vector<16xf32>
          %max3A_1097 = arith.maximumf %max3A_931, %select_n3A_1096 : vector<16xf32>
          %add3A_1098 = arith.constant 3 : i32
          %add3A_1099 = arith.addi %mul3A_464, %add3A_1098 : i32
          %get3A_1100 = arith.index_cast %select_n3A_439 : i32 to index
          %get3A_1101 = arith.index_cast %add3A_1099 : i32 to index
          %get3A_1102 = arith.constant 208 : index
          %get3A_1103 = tpu.vector_load %arg6[%get3A_1100, %get3A_1101, %get3A_1102] {strides = array<i32>} : memref<8x16x256xf32, #tpu.memory_space<vmem>>, vector<16xf32>,
          %jit3A_1104 = arith.constant 0xFF800000 : f32
          %broadcast_in_dim3A_1105 = vector.broadcast %jit3A_1104 : f32 to vector<16xf32>
          %select_n3A_1106 = arith.select %and3A_967, %get3A_1103, %broadcast_in_dim3A_1105 : vector<16xf32>
          %max3A_1107 = arith.maximumf %max3A_941, %select_n3A_1106 : vector<16xf32>
          %add3A_1108 = arith.constant 3 : i32
          %add3A_1109 = arith.addi %mul3A_464, %add3A_1108 : i32
          %get3A_1110 = arith.index_cast %select_n3A_439 : i32 to index
          %get3A_1111 = arith.index_cast %add3A_1109 : i32 to index
          %get3A_1112 = arith.constant 224 : index
          %get3A_1113 = tpu.vector_load %arg6[%get3A_1110, %get3A_1111, %get3A_1112] {strides = array<i32>} : memref<8x16x256xf32, #tpu.memory_space<vmem>>, vector<16xf32>,
          %jit3A_1114 = arith.constant 0xFF800000 : f32
          %broadcast_in_dim3A_1115 = vector.broadcast %jit3A_1114 : f32 to vector<16xf32>
          %select_n3A_1116 = arith.select %and3A_967, %get3A_1113, %broadcast_in_dim3A_1115 : vector<16xf32>
          %max3A_1117 = arith.maximumf %max3A_951, %select_n3A_1116 : vector<16xf32>
          %add3A_1118 = arith.constant 3 : i32
          %add3A_1119 = arith.addi %mul3A_464, %add3A_1118 : i32
          %get3A_1120 = arith.index_cast %select_n3A_439 : i32 to index
          %get3A_1121 = arith.index_cast %add3A_1119 : i32 to index
          %get3A_1122 = arith.constant 240 : index
          %get3A_1123 = tpu.vector_load %arg6[%get3A_1120, %get3A_1121, %get3A_1122] {strides = array<i32>} : memref<8x16x256xf32, #tpu.memory_space<vmem>>, vector<16xf32>,
          %jit3A_1124 = arith.constant 0xFF800000 : f32
          %broadcast_in_dim3A_1125 = vector.broadcast %jit3A_1124 : f32 to vector<16xf32>
          %select_n3A_1126 = arith.select %and3A_967, %get3A_1123, %broadcast_in_dim3A_1125 : vector<16xf32>
          %max3A_1127 = arith.maximumf %max3A_961, %select_n3A_1126 : vector<16xf32>
          scf.yield %max3A_977, %max3A_987, %max3A_997, %max3A_1007, %max3A_1017, %max3A_1027, %max3A_1037, %max3A_1047, %max3A_1057, %max3A_1067, %max3A_1077, %max3A_1087, %max3A_1097, %max3A_1107, %max3A_1117, %max3A_1127 : vector<16xf32>, vector<16xf32>, vector<16xf32>, vector<16xf32>, vector<16xf32>, vector<16xf32>, vector<16xf32>, vector<16xf32>, vector<16xf32>, vector<16xf32>, vector<16xf32>, vector<16xf32>, vector<16xf32>, vector<16xf32>, vector<16xf32>, vector<16xf32>
        }
        %scan3A_445 = arith.constant 4 : i32
        scf.yield %scan3A_444#0, %scan3A_444#1, %scan3A_444#2, %scan3A_444#3, %scan3A_444#4, %scan3A_444#5, %scan3A_444#6, %scan3A_444#7, %scan3A_444#8, %scan3A_444#9, %scan3A_444#10, %scan3A_444#11, %scan3A_444#12, %scan3A_444#13, %scan3A_444#14, %scan3A_444#15 : vector<16xf32>, vector<16xf32>, vector<16xf32>, vector<16xf32>, vector<16xf32>, vector<16xf32>, vector<16xf32>, vector<16xf32>, vector<16xf32>, vector<16xf32>, vector<16xf32>, vector<16xf32>, vector<16xf32>, vector<16xf32>, vector<16xf32>, vector<16xf32>
      }
      %while3A_293 = arith.constant 1 : i32
      %while3A_294:16 = scf.for %while3A_344 = %while3A_290 to %while3A_286 step %while3A_293 iter_args(%while3A_345 = %while3A_292#0, %while3A_346 = %while3A_292#1, %while3A_347 = %while3A_292#2, %while3A_348 = %while3A_292#3, %while3A_349 = %while3A_292#4, %while3A_350 = %while3A_292#5, %while3A_351 = %while3A_292#6, %while3A_352 = %while3A_292#7, %while3A_353 = %while3A_292#8, %while3A_354 = %while3A_292#9, %while3A_355 = %while3A_292#10, %while3A_356 = %while3A_292#11, %while3A_357 = %while3A_292#12, %while3A_358 = %while3A_292#13, %while3A_359 = %while3A_292#14, %while3A_360 = %while3A_292#15) -> (vector<16xf32>, vector<16xf32>, vector<16xf32>, vector<16xf32>, vector<16xf32>, vector<16xf32>, vector<16xf32>, vector<16xf32>, vector<16xf32>, vector<16xf32>, vector<16xf32>, vector<16xf32>, vector<16xf32>, vector<16xf32>, vector<16xf32>, vector<16xf32>)  : i32 {
        %mul3A_361 = arith.constant 16 : i32
        %mul3A_362 = arith.muli %while3A_344, %mul3A_361 : i32
        %add3A_363 = arith.addi %mul3A_208, %mul3A_362 : i32
        %min3A_364 = arith.constant 32752 : i32
        %min3A_365 = arith.minsi %add3A_363, %min3A_364 : i32
        %multiple_of3A_366 = tpu.assume_multiple %min3A_365, 8 : i32
        %jit3A_367 = arith.constant 8 : i32
        %eq3A_368 = arith.constant 0 : i32
        %eq3A_369 = arith.cmpi eq, %jit3A_367, %eq3A_368 : i32
        %jit3A_370 = arith.constant 1 : i32
        %select_n3A_371 = arith.select %eq3A_369, %jit3A_370, %jit3A_367 : i32
        %rem3A_372 = arith.remsi %while3A_344, %select_n3A_371 : i32
        %ne3A_373 = arith.constant 0 : i32
        %ne3A_374 = arith.cmpi ne, %rem3A_372, %ne3A_373 : i32
        %lt3A_375 = arith.constant 0 : i32
        %lt3A_376 = arith.cmpi slt, %rem3A_372, %lt3A_375 : i32
        %lt3A_377 = arith.constant 0 : i32
        %lt3A_378 = arith.cmpi slt, %select_n3A_371, %lt3A_377 : i32
        %ne3A_379 = arith.xori %lt3A_376, %lt3A_378 : i1
        %and3A_380 = arith.andi %ne3A_379, %ne3A_374 : i1
        %add3A_381 = arith.addi %rem3A_372, %select_n3A_371 : i32
        %select_n3A_382 = arith.select %and3A_380, %add3A_381, %rem3A_372 : i32
        %jit3A_383 = arith.constant 8 : i32
        %eq3A_384 = arith.constant 0 : i32
        %eq3A_385 = arith.cmpi eq, %jit3A_383, %eq3A_384 : i32
        %jit3A_386 = arith.constant 1 : i32
        %select_n3A_387 = arith.select %eq3A_385, %jit3A_386, %jit3A_383 : i32
        %rem3A_388 = arith.remsi %while3A_344, %select_n3A_387 : i32
        %ne3A_389 = arith.constant 0 : i32
        %ne3A_390 = arith.cmpi ne, %rem3A_388, %ne3A_389 : i32
        %lt3A_391 = arith.constant 0 : i32
        %lt3A_392 = arith.cmpi slt, %rem3A_388, %lt3A_391 : i32
        %lt3A_393 = arith.constant 0 : i32
        %lt3A_394 = arith.cmpi slt, %select_n3A_387, %lt3A_393 : i32
        %ne3A_395 = arith.xori %lt3A_392, %lt3A_394 : i1
        %and3A_396 = arith.andi %ne3A_395, %ne3A_390 : i1
        %add3A_397 = arith.addi %rem3A_388, %select_n3A_387 : i32
        %select_n3A_398 = arith.select %and3A_396, %add3A_397, %rem3A_388 : i32
        %dma_wait3A = arith.constant 0 : i32
        %dma_wait3A_399 = arith.constant 0 : i32
        %dma_wait3A_400 = tpu.memref_slice %arg6[%select_n3A_382, %dma_wait3A, %dma_wait3A_399] : memref<8x16x256xf32, #tpu.memory_space<vmem>> -> memref<1x16x256xf32, #tpu.memory_space<vmem>>
        %dma_wait3A_401 = tpu.memref_squeeze %dma_wait3A_400 : memref<1x16x256xf32, #tpu.memory_space<vmem>> -> memref<16x256xf32, #tpu.memory_space<vmem>>
        %dma_wait3A_402 = tpu.memref_slice %arg2[%multiple_of3A_366, %multiple_of3A] : memref<32768x512xf32, #tpu.memory_space<hbm>> -> memref<16x256xf32, #tpu.memory_space<hbm>>
        %dma_wait3A_403 = tpu.memref_slice %arg10[%select_n3A_398] : memref<8x!tpu.dma_semaphore, #tpu.memory_space<semaphore_mem>> -> memref<1x!tpu.dma_semaphore, #tpu.memory_space<semaphore_mem>>
        %dma_wait3A_404 = tpu.memref_squeeze %dma_wait3A_403 : memref<1x!tpu.dma_semaphore, #tpu.memory_space<semaphore_mem>> -> memref<!tpu.dma_semaphore, #tpu.memory_space<semaphore_mem>>
        %dma_wait3A_405 = arith.constant 0 : i32
        %dma_wait3A_406 = arith.constant 0 : i32
        %dma_wait3A_407 = tpu.memref_slice %arg6[%select_n3A_382, %dma_wait3A_405, %dma_wait3A_406] : memref<8x16x256xf32, #tpu.memory_space<vmem>> -> memref<1x16x256xf32, #tpu.memory_space<vmem>>
        %dma_wait3A_408 = tpu.memref_squeeze %dma_wait3A_407 : memref<1x16x256xf32, #tpu.memory_space<vmem>> -> memref<16x256xf32, #tpu.memory_space<vmem>>
        %dma_wait3A_409 = tpu.memref_slice %arg2[%multiple_of3A_366, %multiple_of3A] : memref<32768x512xf32, #tpu.memory_space<hbm>> -> memref<16x256xf32, #tpu.memory_space<hbm>>
        tpu.wait_dma2 semaphore(%dma_wait3A_404 : memref<!tpu.dma_semaphore, #tpu.memory_space<semaphore_mem>>) src(%dma_wait3A_409 : memref<16x256xf32, #tpu.memory_space<hbm>>) dst(%dma_wait3A_408 : memref<16x256xf32, #tpu.memory_space<vmem>>)
        %add3A_410 = arith.constant 8 : i32
        %add3A_411 = arith.addi %while3A_344, %add3A_410 : i32
        %sub3A_412 = arith.constant 1 : i32
        %sub3A_413 = arith.subi %add3A_411, %sub3A_412 : i32
        %lt3A_414 = arith.cmpi slt, %sub3A_413, %select_n3A_237 : i32
        %convert_element_type3A_415 = arith.extui %lt3A_414 : i1 to i32
        %cond3A_416 = arith.constant 0 : i32
        %cond3A_417 = arith.cmpi ne, %convert_element_type3A_415, %cond3A_416 : i32
        scf.if %cond3A_417 {
          %add3A_446 = arith.constant 8 : i32
          %add3A_447 = arith.addi %while3A_344, %add3A_446 : i32
          %sub3A_448 = arith.constant 1 : i32
          %sub3A_449 = arith.subi %add3A_447, %sub3A_448 : i32
          %mul3A_450 = arith.constant 16 : i32
          %mul3A_451 = arith.muli %sub3A_449, %mul3A_450 : i32
          %add3A_452 = arith.addi %mul3A_208, %mul3A_451 : i32
          %min3A_453 = arith.constant 32752 : i32
          %min3A_454 = arith.minsi %add3A_452, %min3A_453 : i32
          %multiple_of3A_455 = tpu.assume_multiple %min3A_454, 8 : i32
          %jit3A_456 = arith.constant 8 : i32
          %eq3A_457 = arith.constant 0 : i32
          %eq3A_458 = arith.cmpi eq, %jit3A_456, %eq3A_457 : i32
          %jit3A_459 = arith.constant 1 : i32
          %select_n3A_460 = arith.select %eq3A_458, %jit3A_459, %jit3A_456 : i32
          %rem3A_461 = arith.remsi %sub3A_449, %select_n3A_460 : i32
          %ne3A_462 = arith.constant 0 : i32
          %ne3A_463 = arith.cmpi ne, %rem3A_461, %ne3A_462 : i32
          %lt3A_464 = arith.constant 0 : i32
          %lt3A_465 = arith.cmpi slt, %rem3A_461, %lt3A_464 : i32
          %lt3A_466 = arith.constant 0 : i32
          %lt3A_467 = arith.cmpi slt, %select_n3A_460, %lt3A_466 : i32
          %ne3A_468 = arith.xori %lt3A_465, %lt3A_467 : i1
          %and3A_469 = arith.andi %ne3A_468, %ne3A_463 : i1
          %add3A_470 = arith.addi %rem3A_461, %select_n3A_460 : i32
          %select_n3A_471 = arith.select %and3A_469, %add3A_470, %rem3A_461 : i32
          %jit3A_472 = arith.constant 8 : i32
          %eq3A_473 = arith.constant 0 : i32
          %eq3A_474 = arith.cmpi eq, %jit3A_472, %eq3A_473 : i32
          %jit3A_475 = arith.constant 1 : i32
          %select_n3A_476 = arith.select %eq3A_474, %jit3A_475, %jit3A_472 : i32
          %rem3A_477 = arith.remsi %sub3A_449, %select_n3A_476 : i32
          %ne3A_478 = arith.constant 0 : i32
          %ne3A_479 = arith.cmpi ne, %rem3A_477, %ne3A_478 : i32
          %lt3A_480 = arith.constant 0 : i32
          %lt3A_481 = arith.cmpi slt, %rem3A_477, %lt3A_480 : i32
          %lt3A_482 = arith.constant 0 : i32
          %lt3A_483 = arith.cmpi slt, %select_n3A_476, %lt3A_482 : i32
          %ne3A_484 = arith.xori %lt3A_481, %lt3A_483 : i1
          %and3A_485 = arith.andi %ne3A_484, %ne3A_479 : i1
          %add3A_486 = arith.addi %rem3A_477, %select_n3A_476 : i32
          %select_n3A_487 = arith.select %and3A_485, %add3A_486, %rem3A_477 : i32
          %dma_start3A_488 = arith.constant 0 : i32
          %dma_start3A_489 = arith.constant 0 : i32
          %dma_start3A_490 = tpu.memref_slice %arg6[%select_n3A_471, %dma_start3A_488, %dma_start3A_489] : memref<8x16x256xf32, #tpu.memory_space<vmem>> -> memref<1x16x256xf32, #tpu.memory_space<vmem>>
          %dma_start3A_491 = tpu.memref_squeeze %dma_start3A_490 : memref<1x16x256xf32, #tpu.memory_space<vmem>> -> memref<16x256xf32, #tpu.memory_space<vmem>>
          %dma_start3A_492 = tpu.memref_slice %arg2[%multiple_of3A_455, %multiple_of3A] : memref<32768x512xf32, #tpu.memory_space<hbm>> -> memref<16x256xf32, #tpu.memory_space<hbm>>
          %dma_start3A_493 = tpu.memref_slice %arg10[%select_n3A_487] : memref<8x!tpu.dma_semaphore, #tpu.memory_space<semaphore_mem>> -> memref<1x!tpu.dma_semaphore, #tpu.memory_space<semaphore_mem>>
          %dma_start3A_494 = tpu.memref_squeeze %dma_start3A_493 : memref<1x!tpu.dma_semaphore, #tpu.memory_space<semaphore_mem>> -> memref<!tpu.dma_semaphore, #tpu.memory_space<semaphore_mem>>
          %dma_start3A_495 = arith.constant 0 : i32
          %dma_start3A_496 = arith.constant 0 : i32
          %dma_start3A_497 = tpu.memref_slice %arg6[%select_n3A_471, %dma_start3A_495, %dma_start3A_496] : memref<8x16x256xf32, #tpu.memory_space<vmem>> -> memref<1x16x256xf32, #tpu.memory_space<vmem>>
          %dma_start3A_498 = tpu.memref_squeeze %dma_start3A_497 : memref<1x16x256xf32, #tpu.memory_space<vmem>> -> memref<16x256xf32, #tpu.memory_space<vmem>>
          %dma_start3A_499 = tpu.memref_slice %arg2[%multiple_of3A_455, %multiple_of3A] : memref<32768x512xf32, #tpu.memory_space<hbm>> -> memref<16x256xf32, #tpu.memory_space<hbm>>
          tpu.enqueue_dma source(%dma_start3A_499 : memref<16x256xf32, #tpu.memory_space<hbm>>) target(%dma_start3A_498 : memref<16x256xf32, #tpu.memory_space<vmem>>) target_semaphore(%dma_start3A_494 : memref<!tpu.dma_semaphore, #tpu.memory_space<semaphore_mem>>)
        } else {
        }
        %mul3A_418 = arith.constant 16 : i32
        %mul3A_419 = arith.muli %while3A_344, %mul3A_418 : i32
        %add3A_420 = arith.addi %mul3A_208, %mul3A_419 : i32
        %min3A_421 = arith.constant 32752 : i32
        %min3A_422 = arith.minsi %add3A_420, %min3A_421 : i32
        %multiple_of3A_423 = tpu.assume_multiple %min3A_422, 8 : i32
        %jit3A_424 = arith.constant 8 : i32
        %eq3A_425 = arith.constant 0 : i32
        %eq3A_426 = arith.cmpi eq, %jit3A_424, %eq3A_425 : i32
        %jit3A_427 = arith.constant 1 : i32
        %select_n3A_428 = arith.select %eq3A_426, %jit3A_427, %jit3A_424 : i32
        %rem3A_429 = arith.remsi %while3A_344, %select_n3A_428 : i32
        %ne3A_430 = arith.constant 0 : i32
        %ne3A_431 = arith.cmpi ne, %rem3A_429, %ne3A_430 : i32
        %lt3A_432 = arith.constant 0 : i32
        %lt3A_433 = arith.cmpi slt, %rem3A_429, %lt3A_432 : i32
        %lt3A_434 = arith.constant 0 : i32
        %lt3A_435 = arith.cmpi slt, %select_n3A_428, %lt3A_434 : i32
        %ne3A_436 = arith.xori %lt3A_433, %lt3A_435 : i1
        %and3A_437 = arith.andi %ne3A_436, %ne3A_431 : i1
        %add3A_438 = arith.addi %rem3A_429, %select_n3A_428 : i32
        %select_n3A_439 = arith.select %and3A_437, %add3A_438, %rem3A_429 : i32
        %scan3A_440 = arith.constant 0 : i32
        %scan3A_441 = arith.constant 4 : i32
        %scan3A_442 = arith.addi %scan3A_440, %scan3A_441 : i32
        %scan3A_443 = arith.constant 1 : i32
        %scan3A_444:16 = scf.for %scan3A_446 = %scan3A_440 to %scan3A_442 step %scan3A_443 iter_args(%scan3A_447 = %while3A_345, %scan3A_448 = %while3A_346, %scan3A_449 = %while3A_347, %scan3A_450 = %while3A_348, %scan3A_451 = %while3A_349, %scan3A_452 = %while3A_350, %scan3A_453 = %while3A_351, %scan3A_454 = %while3A_352, %scan3A_455 = %while3A_353, %scan3A_456 = %while3A_354, %scan3A_457 = %while3A_355, %scan3A_458 = %while3A_356, %scan3A_459 = %while3A_357, %scan3A_460 = %while3A_358, %scan3A_461 = %while3A_359, %scan3A_462 = %while3A_360) -> (vector<16xf32>, vector<16xf32>, vector<16xf32>, vector<16xf32>, vector<16xf32>, vector<16xf32>, vector<16xf32>, vector<16xf32>, vector<16xf32>, vector<16xf32>, vector<16xf32>, vector<16xf32>, vector<16xf32>, vector<16xf32>, vector<16xf32>, vector<16xf32>)  : i32 {
          %mul3A_463 = arith.constant 4 : i32
          %mul3A_464 = arith.muli %scan3A_446, %mul3A_463 : i32
          %add3A_465 = arith.addi %multiple_of3A_423, %mul3A_464 : i32
          %add3A_466 = arith.constant 0 : i32
          %add3A_467 = arith.addi %add3A_465, %add3A_466 : i32
          %ge3A = arith.cmpi sge, %add3A_467, %max3A : i32
          %lt3A_468 = arith.cmpi slt, %add3A_467, %min3A_182 : i32
          %and3A_469 = arith.andi %ge3A, %lt3A_468 : i1
          %add3A_470 = arith.constant 0 : i32
          %add3A_471 = arith.addi %mul3A_464, %add3A_470 : i32
          %get3A_472 = arith.index_cast %select_n3A_439 : i32 to index
          %get3A_473 = arith.index_cast %add3A_471 : i32 to index
          %get3A_474 = arith.constant 0 : index
          %get3A_475 = tpu.vector_load %arg6[%get3A_472, %get3A_473, %get3A_474] {strides = array<i32>} : memref<8x16x256xf32, #tpu.memory_space<vmem>>, vector<16xf32>,
          %jit3A_476 = arith.constant 0xFF800000 : f32
          %broadcast_in_dim3A_477 = vector.broadcast %jit3A_476 : f32 to vector<16xf32>
          %select_n3A_478 = arith.select %and3A_469, %get3A_475, %broadcast_in_dim3A_477 : vector<16xf32>
          %max3A_479 = arith.maximumf %scan3A_447, %select_n3A_478 : vector<16xf32>
          %add3A_480 = arith.constant 0 : i32
          %add3A_481 = arith.addi %mul3A_464, %add3A_480 : i32
          %get3A_482 = arith.index_cast %select_n3A_439 : i32 to index
          %get3A_483 = arith.index_cast %add3A_481 : i32 to index
          %get3A_484 = arith.constant 16 : index
          %get3A_485 = tpu.vector_load %arg6[%get3A_482, %get3A_483, %get3A_484] {strides = array<i32>} : memref<8x16x256xf32, #tpu.memory_space<vmem>>, vector<16xf32>,
          %jit3A_486 = arith.constant 0xFF800000 : f32
          %broadcast_in_dim3A_487 = vector.broadcast %jit3A_486 : f32 to vector<16xf32>
          %select_n3A_488 = arith.select %and3A_469, %get3A_485, %broadcast_in_dim3A_487 : vector<16xf32>
          %max3A_489 = arith.maximumf %scan3A_448, %select_n3A_488 : vector<16xf32>
          %add3A_490 = arith.constant 0 : i32
          %add3A_491 = arith.addi %mul3A_464, %add3A_490 : i32
          %get3A_492 = arith.index_cast %select_n3A_439 : i32 to index
          %get3A_493 = arith.index_cast %add3A_491 : i32 to index
          %get3A_494 = arith.constant 32 : index
          %get3A_495 = tpu.vector_load %arg6[%get3A_492, %get3A_493, %get3A_494] {strides = array<i32>} : memref<8x16x256xf32, #tpu.memory_space<vmem>>, vector<16xf32>,
          %jit3A_496 = arith.constant 0xFF800000 : f32
          %broadcast_in_dim3A_497 = vector.broadcast %jit3A_496 : f32 to vector<16xf32>
          %select_n3A_498 = arith.select %and3A_469, %get3A_495, %broadcast_in_dim3A_497 : vector<16xf32>
          %max3A_499 = arith.maximumf %scan3A_449, %select_n3A_498 : vector<16xf32>
          %add3A_500 = arith.constant 0 : i32
          %add3A_501 = arith.addi %mul3A_464, %add3A_500 : i32
          %get3A_502 = arith.index_cast %select_n3A_439 : i32 to index
          %get3A_503 = arith.index_cast %add3A_501 : i32 to index
          %get3A_504 = arith.constant 48 : index
          %get3A_505 = tpu.vector_load %arg6[%get3A_502, %get3A_503, %get3A_504] {strides = array<i32>} : memref<8x16x256xf32, #tpu.memory_space<vmem>>, vector<16xf32>,
          %jit3A_506 = arith.constant 0xFF800000 : f32
          %broadcast_in_dim3A_507 = vector.broadcast %jit3A_506 : f32 to vector<16xf32>
          %select_n3A_508 = arith.select %and3A_469, %get3A_505, %broadcast_in_dim3A_507 : vector<16xf32>
          %max3A_509 = arith.maximumf %scan3A_450, %select_n3A_508 : vector<16xf32>
          %add3A_510 = arith.constant 0 : i32
          %add3A_511 = arith.addi %mul3A_464, %add3A_510 : i32
          %get3A_512 = arith.index_cast %select_n3A_439 : i32 to index
          %get3A_513 = arith.index_cast %add3A_511 : i32 to index
          %get3A_514 = arith.constant 64 : index
          %get3A_515 = tpu.vector_load %arg6[%get3A_512, %get3A_513, %get3A_514] {strides = array<i32>} : memref<8x16x256xf32, #tpu.memory_space<vmem>>, vector<16xf32>,
          %jit3A_516 = arith.constant 0xFF800000 : f32
          %broadcast_in_dim3A_517 = vector.broadcast %jit3A_516 : f32 to vector<16xf32>
          %select_n3A_518 = arith.select %and3A_469, %get3A_515, %broadcast_in_dim3A_517 : vector<16xf32>
          %max3A_519 = arith.maximumf %scan3A_451, %select_n3A_518 : vector<16xf32>
          %add3A_520 = arith.constant 0 : i32
          %add3A_521 = arith.addi %mul3A_464, %add3A_520 : i32
          %get3A_522 = arith.index_cast %select_n3A_439 : i32 to index
          %get3A_523 = arith.index_cast %add3A_521 : i32 to index
          %get3A_524 = arith.constant 80 : index
          %get3A_525 = tpu.vector_load %arg6[%get3A_522, %get3A_523, %get3A_524] {strides = array<i32>} : memref<8x16x256xf32, #tpu.memory_space<vmem>>, vector<16xf32>,
          %jit3A_526 = arith.constant 0xFF800000 : f32
          %broadcast_in_dim3A_527 = vector.broadcast %jit3A_526 : f32 to vector<16xf32>
          %select_n3A_528 = arith.select %and3A_469, %get3A_525, %broadcast_in_dim3A_527 : vector<16xf32>
          %max3A_529 = arith.maximumf %scan3A_452, %select_n3A_528 : vector<16xf32>
          %add3A_530 = arith.constant 0 : i32
          %add3A_531 = arith.addi %mul3A_464, %add3A_530 : i32
          %get3A_532 = arith.index_cast %select_n3A_439 : i32 to index
          %get3A_533 = arith.index_cast %add3A_531 : i32 to index
          %get3A_534 = arith.constant 96 : index
          %get3A_535 = tpu.vector_load %arg6[%get3A_532, %get3A_533, %get3A_534] {strides = array<i32>} : memref<8x16x256xf32, #tpu.memory_space<vmem>>, vector<16xf32>,
          %jit3A_536 = arith.constant 0xFF800000 : f32
          %broadcast_in_dim3A_537 = vector.broadcast %jit3A_536 : f32 to vector<16xf32>
          %select_n3A_538 = arith.select %and3A_469, %get3A_535, %broadcast_in_dim3A_537 : vector<16xf32>
          %max3A_539 = arith.maximumf %scan3A_453, %select_n3A_538 : vector<16xf32>
          %add3A_540 = arith.constant 0 : i32
          %add3A_541 = arith.addi %mul3A_464, %add3A_540 : i32
          %get3A_542 = arith.index_cast %select_n3A_439 : i32 to index
          %get3A_543 = arith.index_cast %add3A_541 : i32 to index
          %get3A_544 = arith.constant 112 : index
          %get3A_545 = tpu.vector_load %arg6[%get3A_542, %get3A_543, %get3A_544] {strides = array<i32>} : memref<8x16x256xf32, #tpu.memory_space<vmem>>, vector<16xf32>,
          %jit3A_546 = arith.constant 0xFF800000 : f32
          %broadcast_in_dim3A_547 = vector.broadcast %jit3A_546 : f32 to vector<16xf32>
          %select_n3A_548 = arith.select %and3A_469, %get3A_545, %broadcast_in_dim3A_547 : vector<16xf32>
          %max3A_549 = arith.maximumf %scan3A_454, %select_n3A_548 : vector<16xf32>
          %add3A_550 = arith.constant 0 : i32
          %add3A_551 = arith.addi %mul3A_464, %add3A_550 : i32
          %get3A_552 = arith.index_cast %select_n3A_439 : i32 to index
          %get3A_553 = arith.index_cast %add3A_551 : i32 to index
          %get3A_554 = arith.constant 128 : index
          %get3A_555 = tpu.vector_load %arg6[%get3A_552, %get3A_553, %get3A_554] {strides = array<i32>} : memref<8x16x256xf32, #tpu.memory_space<vmem>>, vector<16xf32>,
          %jit3A_556 = arith.constant 0xFF800000 : f32
          %broadcast_in_dim3A_557 = vector.broadcast %jit3A_556 : f32 to vector<16xf32>
          %select_n3A_558 = arith.select %and3A_469, %get3A_555, %broadcast_in_dim3A_557 : vector<16xf32>
          %max3A_559 = arith.maximumf %scan3A_455, %select_n3A_558 : vector<16xf32>
          %add3A_560 = arith.constant 0 : i32
          %add3A_561 = arith.addi %mul3A_464, %add3A_560 : i32
          %get3A_562 = arith.index_cast %select_n3A_439 : i32 to index
          %get3A_563 = arith.index_cast %add3A_561 : i32 to index
          %get3A_564 = arith.constant 144 : index
          %get3A_565 = tpu.vector_load %arg6[%get3A_562, %get3A_563, %get3A_564] {strides = array<i32>} : memref<8x16x256xf32, #tpu.memory_space<vmem>>, vector<16xf32>,
          %jit3A_566 = arith.constant 0xFF800000 : f32
          %broadcast_in_dim3A_567 = vector.broadcast %jit3A_566 : f32 to vector<16xf32>
          %select_n3A_568 = arith.select %and3A_469, %get3A_565, %broadcast_in_dim3A_567 : vector<16xf32>
          %max3A_569 = arith.maximumf %scan3A_456, %select_n3A_568 : vector<16xf32>
          %add3A_570 = arith.constant 0 : i32
          %add3A_571 = arith.addi %mul3A_464, %add3A_570 : i32
          %get3A_572 = arith.index_cast %select_n3A_439 : i32 to index
          %get3A_573 = arith.index_cast %add3A_571 : i32 to index
          %get3A_574 = arith.constant 160 : index
          %get3A_575 = tpu.vector_load %arg6[%get3A_572, %get3A_573, %get3A_574] {strides = array<i32>} : memref<8x16x256xf32, #tpu.memory_space<vmem>>, vector<16xf32>,
          %jit3A_576 = arith.constant 0xFF800000 : f32
          %broadcast_in_dim3A_577 = vector.broadcast %jit3A_576 : f32 to vector<16xf32>
          %select_n3A_578 = arith.select %and3A_469, %get3A_575, %broadcast_in_dim3A_577 : vector<16xf32>
          %max3A_579 = arith.maximumf %scan3A_457, %select_n3A_578 : vector<16xf32>
          %add3A_580 = arith.constant 0 : i32
          %add3A_581 = arith.addi %mul3A_464, %add3A_580 : i32
          %get3A_582 = arith.index_cast %select_n3A_439 : i32 to index
          %get3A_583 = arith.index_cast %add3A_581 : i32 to index
          %get3A_584 = arith.constant 176 : index
          %get3A_585 = tpu.vector_load %arg6[%get3A_582, %get3A_583, %get3A_584] {strides = array<i32>} : memref<8x16x256xf32, #tpu.memory_space<vmem>>, vector<16xf32>,
          %jit3A_586 = arith.constant 0xFF800000 : f32
          %broadcast_in_dim3A_587 = vector.broadcast %jit3A_586 : f32 to vector<16xf32>
          %select_n3A_588 = arith.select %and3A_469, %get3A_585, %broadcast_in_dim3A_587 : vector<16xf32>
          %max3A_589 = arith.maximumf %scan3A_458, %select_n3A_588 : vector<16xf32>
          %add3A_590 = arith.constant 0 : i32
          %add3A_591 = arith.addi %mul3A_464, %add3A_590 : i32
          %get3A_592 = arith.index_cast %select_n3A_439 : i32 to index
          %get3A_593 = arith.index_cast %add3A_591 : i32 to index
          %get3A_594 = arith.constant 192 : index
          %get3A_595 = tpu.vector_load %arg6[%get3A_592, %get3A_593, %get3A_594] {strides = array<i32>} : memref<8x16x256xf32, #tpu.memory_space<vmem>>, vector<16xf32>,
          %jit3A_596 = arith.constant 0xFF800000 : f32
          %broadcast_in_dim3A_597 = vector.broadcast %jit3A_596 : f32 to vector<16xf32>
          %select_n3A_598 = arith.select %and3A_469, %get3A_595, %broadcast_in_dim3A_597 : vector<16xf32>
          %max3A_599 = arith.maximumf %scan3A_459, %select_n3A_598 : vector<16xf32>
          %add3A_600 = arith.constant 0 : i32
          %add3A_601 = arith.addi %mul3A_464, %add3A_600 : i32
          %get3A_602 = arith.index_cast %select_n3A_439 : i32 to index
          %get3A_603 = arith.index_cast %add3A_601 : i32 to index
          %get3A_604 = arith.constant 208 : index
          %get3A_605 = tpu.vector_load %arg6[%get3A_602, %get3A_603, %get3A_604] {strides = array<i32>} : memref<8x16x256xf32, #tpu.memory_space<vmem>>, vector<16xf32>,
          %jit3A_606 = arith.constant 0xFF800000 : f32
          %broadcast_in_dim3A_607 = vector.broadcast %jit3A_606 : f32 to vector<16xf32>
          %select_n3A_608 = arith.select %and3A_469, %get3A_605, %broadcast_in_dim3A_607 : vector<16xf32>
          %max3A_609 = arith.maximumf %scan3A_460, %select_n3A_608 : vector<16xf32>
          %add3A_610 = arith.constant 0 : i32
          %add3A_611 = arith.addi %mul3A_464, %add3A_610 : i32
          %get3A_612 = arith.index_cast %select_n3A_439 : i32 to index
          %get3A_613 = arith.index_cast %add3A_611 : i32 to index
          %get3A_614 = arith.constant 224 : index
          %get3A_615 = tpu.vector_load %arg6[%get3A_612, %get3A_613, %get3A_614] {strides = array<i32>} : memref<8x16x256xf32, #tpu.memory_space<vmem>>, vector<16xf32>,
          %jit3A_616 = arith.constant 0xFF800000 : f32
          %broadcast_in_dim3A_617 = vector.broadcast %jit3A_616 : f32 to vector<16xf32>
          %select_n3A_618 = arith.select %and3A_469, %get3A_615, %broadcast_in_dim3A_617 : vector<16xf32>
          %max3A_619 = arith.maximumf %scan3A_461, %select_n3A_618 : vector<16xf32>
          %add3A_620 = arith.constant 0 : i32
          %add3A_621 = arith.addi %mul3A_464, %add3A_620 : i32
          %get3A_622 = arith.index_cast %select_n3A_439 : i32 to index
          %get3A_623 = arith.index_cast %add3A_621 : i32 to index
          %get3A_624 = arith.constant 240 : index
          %get3A_625 = tpu.vector_load %arg6[%get3A_622, %get3A_623, %get3A_624] {strides = array<i32>} : memref<8x16x256xf32, #tpu.memory_space<vmem>>, vector<16xf32>,
          %jit3A_626 = arith.constant 0xFF800000 : f32
          %broadcast_in_dim3A_627 = vector.broadcast %jit3A_626 : f32 to vector<16xf32>
          %select_n3A_628 = arith.select %and3A_469, %get3A_625, %broadcast_in_dim3A_627 : vector<16xf32>
          %max3A_629 = arith.maximumf %scan3A_462, %select_n3A_628 : vector<16xf32>
          %add3A_630 = arith.addi %multiple_of3A_423, %mul3A_464 : i32
          %add3A_631 = arith.constant 1 : i32
          %add3A_632 = arith.addi %add3A_630, %add3A_631 : i32
          %ge3A_633 = arith.cmpi sge, %add3A_632, %max3A : i32
          %lt3A_634 = arith.cmpi slt, %add3A_632, %min3A_182 : i32
          %and3A_635 = arith.andi %ge3A_633, %lt3A_634 : i1
          %add3A_636 = arith.constant 1 : i32
          %add3A_637 = arith.addi %mul3A_464, %add3A_636 : i32
          %get3A_638 = arith.index_cast %select_n3A_439 : i32 to index
          %get3A_639 = arith.index_cast %add3A_637 : i32 to index
          %get3A_640 = arith.constant 0 : index
          %get3A_641 = tpu.vector_load %arg6[%get3A_638, %get3A_639, %get3A_640] {strides = array<i32>} : memref<8x16x256xf32, #tpu.memory_space<vmem>>, vector<16xf32>,
          %jit3A_642 = arith.constant 0xFF800000 : f32
          %broadcast_in_dim3A_643 = vector.broadcast %jit3A_642 : f32 to vector<16xf32>
          %select_n3A_644 = arith.select %and3A_635, %get3A_641, %broadcast_in_dim3A_643 : vector<16xf32>
          %max3A_645 = arith.maximumf %max3A_479, %select_n3A_644 : vector<16xf32>
          %add3A_646 = arith.constant 1 : i32
          %add3A_647 = arith.addi %mul3A_464, %add3A_646 : i32
          %get3A_648 = arith.index_cast %select_n3A_439 : i32 to index
          %get3A_649 = arith.index_cast %add3A_647 : i32 to index
          %get3A_650 = arith.constant 16 : index
          %get3A_651 = tpu.vector_load %arg6[%get3A_648, %get3A_649, %get3A_650] {strides = array<i32>} : memref<8x16x256xf32, #tpu.memory_space<vmem>>, vector<16xf32>,
          %jit3A_652 = arith.constant 0xFF800000 : f32
          %broadcast_in_dim3A_653 = vector.broadcast %jit3A_652 : f32 to vector<16xf32>
          %select_n3A_654 = arith.select %and3A_635, %get3A_651, %broadcast_in_dim3A_653 : vector<16xf32>
          %max3A_655 = arith.maximumf %max3A_489, %select_n3A_654 : vector<16xf32>
          %add3A_656 = arith.constant 1 : i32
          %add3A_657 = arith.addi %mul3A_464, %add3A_656 : i32
          %get3A_658 = arith.index_cast %select_n3A_439 : i32 to index
          %get3A_659 = arith.index_cast %add3A_657 : i32 to index
          %get3A_660 = arith.constant 32 : index
          %get3A_661 = tpu.vector_load %arg6[%get3A_658, %get3A_659, %get3A_660] {strides = array<i32>} : memref<8x16x256xf32, #tpu.memory_space<vmem>>, vector<16xf32>,
          %jit3A_662 = arith.constant 0xFF800000 : f32
          %broadcast_in_dim3A_663 = vector.broadcast %jit3A_662 : f32 to vector<16xf32>
          %select_n3A_664 = arith.select %and3A_635, %get3A_661, %broadcast_in_dim3A_663 : vector<16xf32>
          %max3A_665 = arith.maximumf %max3A_499, %select_n3A_664 : vector<16xf32>
          %add3A_666 = arith.constant 1 : i32
          %add3A_667 = arith.addi %mul3A_464, %add3A_666 : i32
          %get3A_668 = arith.index_cast %select_n3A_439 : i32 to index
          %get3A_669 = arith.index_cast %add3A_667 : i32 to index
          %get3A_670 = arith.constant 48 : index
          %get3A_671 = tpu.vector_load %arg6[%get3A_668, %get3A_669, %get3A_670] {strides = array<i32>} : memref<8x16x256xf32, #tpu.memory_space<vmem>>, vector<16xf32>,
          %jit3A_672 = arith.constant 0xFF800000 : f32
          %broadcast_in_dim3A_673 = vector.broadcast %jit3A_672 : f32 to vector<16xf32>
          %select_n3A_674 = arith.select %and3A_635, %get3A_671, %broadcast_in_dim3A_673 : vector<16xf32>
          %max3A_675 = arith.maximumf %max3A_509, %select_n3A_674 : vector<16xf32>
          %add3A_676 = arith.constant 1 : i32
          %add3A_677 = arith.addi %mul3A_464, %add3A_676 : i32
          %get3A_678 = arith.index_cast %select_n3A_439 : i32 to index
          %get3A_679 = arith.index_cast %add3A_677 : i32 to index
          %get3A_680 = arith.constant 64 : index
          %get3A_681 = tpu.vector_load %arg6[%get3A_678, %get3A_679, %get3A_680] {strides = array<i32>} : memref<8x16x256xf32, #tpu.memory_space<vmem>>, vector<16xf32>,
          %jit3A_682 = arith.constant 0xFF800000 : f32
          %broadcast_in_dim3A_683 = vector.broadcast %jit3A_682 : f32 to vector<16xf32>
          %select_n3A_684 = arith.select %and3A_635, %get3A_681, %broadcast_in_dim3A_683 : vector<16xf32>
          %max3A_685 = arith.maximumf %max3A_519, %select_n3A_684 : vector<16xf32>
          %add3A_686 = arith.constant 1 : i32
          %add3A_687 = arith.addi %mul3A_464, %add3A_686 : i32
          %get3A_688 = arith.index_cast %select_n3A_439 : i32 to index
          %get3A_689 = arith.index_cast %add3A_687 : i32 to index
          %get3A_690 = arith.constant 80 : index
          %get3A_691 = tpu.vector_load %arg6[%get3A_688, %get3A_689, %get3A_690] {strides = array<i32>} : memref<8x16x256xf32, #tpu.memory_space<vmem>>, vector<16xf32>,
          %jit3A_692 = arith.constant 0xFF800000 : f32
          %broadcast_in_dim3A_693 = vector.broadcast %jit3A_692 : f32 to vector<16xf32>
          %select_n3A_694 = arith.select %and3A_635, %get3A_691, %broadcast_in_dim3A_693 : vector<16xf32>
          %max3A_695 = arith.maximumf %max3A_529, %select_n3A_694 : vector<16xf32>
          %add3A_696 = arith.constant 1 : i32
          %add3A_697 = arith.addi %mul3A_464, %add3A_696 : i32
          %get3A_698 = arith.index_cast %select_n3A_439 : i32 to index
          %get3A_699 = arith.index_cast %add3A_697 : i32 to index
          %get3A_700 = arith.constant 96 : index
          %get3A_701 = tpu.vector_load %arg6[%get3A_698, %get3A_699, %get3A_700] {strides = array<i32>} : memref<8x16x256xf32, #tpu.memory_space<vmem>>, vector<16xf32>,
          %jit3A_702 = arith.constant 0xFF800000 : f32
          %broadcast_in_dim3A_703 = vector.broadcast %jit3A_702 : f32 to vector<16xf32>
          %select_n3A_704 = arith.select %and3A_635, %get3A_701, %broadcast_in_dim3A_703 : vector<16xf32>
          %max3A_705 = arith.maximumf %max3A_539, %select_n3A_704 : vector<16xf32>
          %add3A_706 = arith.constant 1 : i32
          %add3A_707 = arith.addi %mul3A_464, %add3A_706 : i32
          %get3A_708 = arith.index_cast %select_n3A_439 : i32 to index
          %get3A_709 = arith.index_cast %add3A_707 : i32 to index
          %get3A_710 = arith.constant 112 : index
          %get3A_711 = tpu.vector_load %arg6[%get3A_708, %get3A_709, %get3A_710] {strides = array<i32>} : memref<8x16x256xf32, #tpu.memory_space<vmem>>, vector<16xf32>,
          %jit3A_712 = arith.constant 0xFF800000 : f32
          %broadcast_in_dim3A_713 = vector.broadcast %jit3A_712 : f32 to vector<16xf32>
          %select_n3A_714 = arith.select %and3A_635, %get3A_711, %broadcast_in_dim3A_713 : vector<16xf32>
          %max3A_715 = arith.maximumf %max3A_549, %select_n3A_714 : vector<16xf32>
          %add3A_716 = arith.constant 1 : i32
          %add3A_717 = arith.addi %mul3A_464, %add3A_716 : i32
          %get3A_718 = arith.index_cast %select_n3A_439 : i32 to index
          %get3A_719 = arith.index_cast %add3A_717 : i32 to index
          %get3A_720 = arith.constant 128 : index
          %get3A_721 = tpu.vector_load %arg6[%get3A_718, %get3A_719, %get3A_720] {strides = array<i32>} : memref<8x16x256xf32, #tpu.memory_space<vmem>>, vector<16xf32>,
          %jit3A_722 = arith.constant 0xFF800000 : f32
          %broadcast_in_dim3A_723 = vector.broadcast %jit3A_722 : f32 to vector<16xf32>
          %select_n3A_724 = arith.select %and3A_635, %get3A_721, %broadcast_in_dim3A_723 : vector<16xf32>
          %max3A_725 = arith.maximumf %max3A_559, %select_n3A_724 : vector<16xf32>
          %add3A_726 = arith.constant 1 : i32
          %add3A_727 = arith.addi %mul3A_464, %add3A_726 : i32
          %get3A_728 = arith.index_cast %select_n3A_439 : i32 to index
          %get3A_729 = arith.index_cast %add3A_727 : i32 to index
          %get3A_730 = arith.constant 144 : index
          %get3A_731 = tpu.vector_load %arg6[%get3A_728, %get3A_729, %get3A_730] {strides = array<i32>} : memref<8x16x256xf32, #tpu.memory_space<vmem>>, vector<16xf32>,
          %jit3A_732 = arith.constant 0xFF800000 : f32
          %broadcast_in_dim3A_733 = vector.broadcast %jit3A_732 : f32 to vector<16xf32>
          %select_n3A_734 = arith.select %and3A_635, %get3A_731, %broadcast_in_dim3A_733 : vector<16xf32>
          %max3A_735 = arith.maximumf %max3A_569, %select_n3A_734 : vector<16xf32>
          %add3A_736 = arith.constant 1 : i32
          %add3A_737 = arith.addi %mul3A_464, %add3A_736 : i32
          %get3A_738 = arith.index_cast %select_n3A_439 : i32 to index
          %get3A_739 = arith.index_cast %add3A_737 : i32 to index
          %get3A_740 = arith.constant 160 : index
          %get3A_741 = tpu.vector_load %arg6[%get3A_738, %get3A_739, %get3A_740] {strides = array<i32>} : memref<8x16x256xf32, #tpu.memory_space<vmem>>, vector<16xf32>,
          %jit3A_742 = arith.constant 0xFF800000 : f32
          %broadcast_in_dim3A_743 = vector.broadcast %jit3A_742 : f32 to vector<16xf32>
          %select_n3A_744 = arith.select %and3A_635, %get3A_741, %broadcast_in_dim3A_743 : vector<16xf32>
          %max3A_745 = arith.maximumf %max3A_579, %select_n3A_744 : vector<16xf32>
          %add3A_746 = arith.constant 1 : i32
          %add3A_747 = arith.addi %mul3A_464, %add3A_746 : i32
          %get3A_748 = arith.index_cast %select_n3A_439 : i32 to index
          %get3A_749 = arith.index_cast %add3A_747 : i32 to index
          %get3A_750 = arith.constant 176 : index
          %get3A_751 = tpu.vector_load %arg6[%get3A_748, %get3A_749, %get3A_750] {strides = array<i32>} : memref<8x16x256xf32, #tpu.memory_space<vmem>>, vector<16xf32>,
          %jit3A_752 = arith.constant 0xFF800000 : f32
          %broadcast_in_dim3A_753 = vector.broadcast %jit3A_752 : f32 to vector<16xf32>
          %select_n3A_754 = arith.select %and3A_635, %get3A_751, %broadcast_in_dim3A_753 : vector<16xf32>
          %max3A_755 = arith.maximumf %max3A_589, %select_n3A_754 : vector<16xf32>
          %add3A_756 = arith.constant 1 : i32
          %add3A_757 = arith.addi %mul3A_464, %add3A_756 : i32
          %get3A_758 = arith.index_cast %select_n3A_439 : i32 to index
          %get3A_759 = arith.index_cast %add3A_757 : i32 to index
          %get3A_760 = arith.constant 192 : index
          %get3A_761 = tpu.vector_load %arg6[%get3A_758, %get3A_759, %get3A_760] {strides = array<i32>} : memref<8x16x256xf32, #tpu.memory_space<vmem>>, vector<16xf32>,
          %jit3A_762 = arith.constant 0xFF800000 : f32
          %broadcast_in_dim3A_763 = vector.broadcast %jit3A_762 : f32 to vector<16xf32>
          %select_n3A_764 = arith.select %and3A_635, %get3A_761, %broadcast_in_dim3A_763 : vector<16xf32>
          %max3A_765 = arith.maximumf %max3A_599, %select_n3A_764 : vector<16xf32>
          %add3A_766 = arith.constant 1 : i32
          %add3A_767 = arith.addi %mul3A_464, %add3A_766 : i32
          %get3A_768 = arith.index_cast %select_n3A_439 : i32 to index
          %get3A_769 = arith.index_cast %add3A_767 : i32 to index
          %get3A_770 = arith.constant 208 : index
          %get3A_771 = tpu.vector_load %arg6[%get3A_768, %get3A_769, %get3A_770] {strides = array<i32>} : memref<8x16x256xf32, #tpu.memory_space<vmem>>, vector<16xf32>,
          %jit3A_772 = arith.constant 0xFF800000 : f32
          %broadcast_in_dim3A_773 = vector.broadcast %jit3A_772 : f32 to vector<16xf32>
          %select_n3A_774 = arith.select %and3A_635, %get3A_771, %broadcast_in_dim3A_773 : vector<16xf32>
          %max3A_775 = arith.maximumf %max3A_609, %select_n3A_774 : vector<16xf32>
          %add3A_776 = arith.constant 1 : i32
          %add3A_777 = arith.addi %mul3A_464, %add3A_776 : i32
          %get3A_778 = arith.index_cast %select_n3A_439 : i32 to index
          %get3A_779 = arith.index_cast %add3A_777 : i32 to index
          %get3A_780 = arith.constant 224 : index
          %get3A_781 = tpu.vector_load %arg6[%get3A_778, %get3A_779, %get3A_780] {strides = array<i32>} : memref<8x16x256xf32, #tpu.memory_space<vmem>>, vector<16xf32>,
          %jit3A_782 = arith.constant 0xFF800000 : f32
          %broadcast_in_dim3A_783 = vector.broadcast %jit3A_782 : f32 to vector<16xf32>
          %select_n3A_784 = arith.select %and3A_635, %get3A_781, %broadcast_in_dim3A_783 : vector<16xf32>
          %max3A_785 = arith.maximumf %max3A_619, %select_n3A_784 : vector<16xf32>
          %add3A_786 = arith.constant 1 : i32
          %add3A_787 = arith.addi %mul3A_464, %add3A_786 : i32
          %get3A_788 = arith.index_cast %select_n3A_439 : i32 to index
          %get3A_789 = arith.index_cast %add3A_787 : i32 to index
          %get3A_790 = arith.constant 240 : index
          %get3A_791 = tpu.vector_load %arg6[%get3A_788, %get3A_789, %get3A_790] {strides = array<i32>} : memref<8x16x256xf32, #tpu.memory_space<vmem>>, vector<16xf32>,
          %jit3A_792 = arith.constant 0xFF800000 : f32
          %broadcast_in_dim3A_793 = vector.broadcast %jit3A_792 : f32 to vector<16xf32>
          %select_n3A_794 = arith.select %and3A_635, %get3A_791, %broadcast_in_dim3A_793 : vector<16xf32>
          %max3A_795 = arith.maximumf %max3A_629, %select_n3A_794 : vector<16xf32>
          %add3A_796 = arith.addi %multiple_of3A_423, %mul3A_464 : i32
          %add3A_797 = arith.constant 2 : i32
          %add3A_798 = arith.addi %add3A_796, %add3A_797 : i32
          %ge3A_799 = arith.cmpi sge, %add3A_798, %max3A : i32
          %lt3A_800 = arith.cmpi slt, %add3A_798, %min3A_182 : i32
          %and3A_801 = arith.andi %ge3A_799, %lt3A_800 : i1
          %add3A_802 = arith.constant 2 : i32
          %add3A_803 = arith.addi %mul3A_464, %add3A_802 : i32
          %get3A_804 = arith.index_cast %select_n3A_439 : i32 to index
          %get3A_805 = arith.index_cast %add3A_803 : i32 to index
          %get3A_806 = arith.constant 0 : index
          %get3A_807 = tpu.vector_load %arg6[%get3A_804, %get3A_805, %get3A_806] {strides = array<i32>} : memref<8x16x256xf32, #tpu.memory_space<vmem>>, vector<16xf32>,
          %jit3A_808 = arith.constant 0xFF800000 : f32
          %broadcast_in_dim3A_809 = vector.broadcast %jit3A_808 : f32 to vector<16xf32>
          %select_n3A_810 = arith.select %and3A_801, %get3A_807, %broadcast_in_dim3A_809 : vector<16xf32>
          %max3A_811 = arith.maximumf %max3A_645, %select_n3A_810 : vector<16xf32>
          %add3A_812 = arith.constant 2 : i32
          %add3A_813 = arith.addi %mul3A_464, %add3A_812 : i32
          %get3A_814 = arith.index_cast %select_n3A_439 : i32 to index
          %get3A_815 = arith.index_cast %add3A_813 : i32 to index
          %get3A_816 = arith.constant 16 : index
          %get3A_817 = tpu.vector_load %arg6[%get3A_814, %get3A_815, %get3A_816] {strides = array<i32>} : memref<8x16x256xf32, #tpu.memory_space<vmem>>, vector<16xf32>,
          %jit3A_818 = arith.constant 0xFF800000 : f32
          %broadcast_in_dim3A_819 = vector.broadcast %jit3A_818 : f32 to vector<16xf32>
          %select_n3A_820 = arith.select %and3A_801, %get3A_817, %broadcast_in_dim3A_819 : vector<16xf32>
          %max3A_821 = arith.maximumf %max3A_655, %select_n3A_820 : vector<16xf32>
          %add3A_822 = arith.constant 2 : i32
          %add3A_823 = arith.addi %mul3A_464, %add3A_822 : i32
          %get3A_824 = arith.index_cast %select_n3A_439 : i32 to index
          %get3A_825 = arith.index_cast %add3A_823 : i32 to index
          %get3A_826 = arith.constant 32 : index
          %get3A_827 = tpu.vector_load %arg6[%get3A_824, %get3A_825, %get3A_826] {strides = array<i32>} : memref<8x16x256xf32, #tpu.memory_space<vmem>>, vector<16xf32>,
          %jit3A_828 = arith.constant 0xFF800000 : f32
          %broadcast_in_dim3A_829 = vector.broadcast %jit3A_828 : f32 to vector<16xf32>
          %select_n3A_830 = arith.select %and3A_801, %get3A_827, %broadcast_in_dim3A_829 : vector<16xf32>
          %max3A_831 = arith.maximumf %max3A_665, %select_n3A_830 : vector<16xf32>
          %add3A_832 = arith.constant 2 : i32
          %add3A_833 = arith.addi %mul3A_464, %add3A_832 : i32
          %get3A_834 = arith.index_cast %select_n3A_439 : i32 to index
          %get3A_835 = arith.index_cast %add3A_833 : i32 to index
          %get3A_836 = arith.constant 48 : index
          %get3A_837 = tpu.vector_load %arg6[%get3A_834, %get3A_835, %get3A_836] {strides = array<i32>} : memref<8x16x256xf32, #tpu.memory_space<vmem>>, vector<16xf32>,
          %jit3A_838 = arith.constant 0xFF800000 : f32
          %broadcast_in_dim3A_839 = vector.broadcast %jit3A_838 : f32 to vector<16xf32>
          %select_n3A_840 = arith.select %and3A_801, %get3A_837, %broadcast_in_dim3A_839 : vector<16xf32>
          %max3A_841 = arith.maximumf %max3A_675, %select_n3A_840 : vector<16xf32>
          %add3A_842 = arith.constant 2 : i32
          %add3A_843 = arith.addi %mul3A_464, %add3A_842 : i32
          %get3A_844 = arith.index_cast %select_n3A_439 : i32 to index
          %get3A_845 = arith.index_cast %add3A_843 : i32 to index
          %get3A_846 = arith.constant 64 : index
          %get3A_847 = tpu.vector_load %arg6[%get3A_844, %get3A_845, %get3A_846] {strides = array<i32>} : memref<8x16x256xf32, #tpu.memory_space<vmem>>, vector<16xf32>,
          %jit3A_848 = arith.constant 0xFF800000 : f32
          %broadcast_in_dim3A_849 = vector.broadcast %jit3A_848 : f32 to vector<16xf32>
          %select_n3A_850 = arith.select %and3A_801, %get3A_847, %broadcast_in_dim3A_849 : vector<16xf32>
          %max3A_851 = arith.maximumf %max3A_685, %select_n3A_850 : vector<16xf32>
          %add3A_852 = arith.constant 2 : i32
          %add3A_853 = arith.addi %mul3A_464, %add3A_852 : i32
          %get3A_854 = arith.index_cast %select_n3A_439 : i32 to index
          %get3A_855 = arith.index_cast %add3A_853 : i32 to index
          %get3A_856 = arith.constant 80 : index
          %get3A_857 = tpu.vector_load %arg6[%get3A_854, %get3A_855, %get3A_856] {strides = array<i32>} : memref<8x16x256xf32, #tpu.memory_space<vmem>>, vector<16xf32>,
          %jit3A_858 = arith.constant 0xFF800000 : f32
          %broadcast_in_dim3A_859 = vector.broadcast %jit3A_858 : f32 to vector<16xf32>
          %select_n3A_860 = arith.select %and3A_801, %get3A_857, %broadcast_in_dim3A_859 : vector<16xf32>
          %max3A_861 = arith.maximumf %max3A_695, %select_n3A_860 : vector<16xf32>
          %add3A_862 = arith.constant 2 : i32
          %add3A_863 = arith.addi %mul3A_464, %add3A_862 : i32
          %get3A_864 = arith.index_cast %select_n3A_439 : i32 to index
          %get3A_865 = arith.index_cast %add3A_863 : i32 to index
          %get3A_866 = arith.constant 96 : index
          %get3A_867 = tpu.vector_load %arg6[%get3A_864, %get3A_865, %get3A_866] {strides = array<i32>} : memref<8x16x256xf32, #tpu.memory_space<vmem>>, vector<16xf32>,
          %jit3A_868 = arith.constant 0xFF800000 : f32
          %broadcast_in_dim3A_869 = vector.broadcast %jit3A_868 : f32 to vector<16xf32>
          %select_n3A_870 = arith.select %and3A_801, %get3A_867, %broadcast_in_dim3A_869 : vector<16xf32>
          %max3A_871 = arith.maximumf %max3A_705, %select_n3A_870 : vector<16xf32>
          %add3A_872 = arith.constant 2 : i32
          %add3A_873 = arith.addi %mul3A_464, %add3A_872 : i32
          %get3A_874 = arith.index_cast %select_n3A_439 : i32 to index
          %get3A_875 = arith.index_cast %add3A_873 : i32 to index
          %get3A_876 = arith.constant 112 : index
          %get3A_877 = tpu.vector_load %arg6[%get3A_874, %get3A_875, %get3A_876] {strides = array<i32>} : memref<8x16x256xf32, #tpu.memory_space<vmem>>, vector<16xf32>,
          %jit3A_878 = arith.constant 0xFF800000 : f32
          %broadcast_in_dim3A_879 = vector.broadcast %jit3A_878 : f32 to vector<16xf32>
          %select_n3A_880 = arith.select %and3A_801, %get3A_877, %broadcast_in_dim3A_879 : vector<16xf32>
          %max3A_881 = arith.maximumf %max3A_715, %select_n3A_880 : vector<16xf32>
          %add3A_882 = arith.constant 2 : i32
          %add3A_883 = arith.addi %mul3A_464, %add3A_882 : i32
          %get3A_884 = arith.index_cast %select_n3A_439 : i32 to index
          %get3A_885 = arith.index_cast %add3A_883 : i32 to index
          %get3A_886 = arith.constant 128 : index
          %get3A_887 = tpu.vector_load %arg6[%get3A_884, %get3A_885, %get3A_886] {strides = array<i32>} : memref<8x16x256xf32, #tpu.memory_space<vmem>>, vector<16xf32>,
          %jit3A_888 = arith.constant 0xFF800000 : f32
          %broadcast_in_dim3A_889 = vector.broadcast %jit3A_888 : f32 to vector<16xf32>
          %select_n3A_890 = arith.select %and3A_801, %get3A_887, %broadcast_in_dim3A_889 : vector<16xf32>
          %max3A_891 = arith.maximumf %max3A_725, %select_n3A_890 : vector<16xf32>
          %add3A_892 = arith.constant 2 : i32
          %add3A_893 = arith.addi %mul3A_464, %add3A_892 : i32
          %get3A_894 = arith.index_cast %select_n3A_439 : i32 to index
          %get3A_895 = arith.index_cast %add3A_893 : i32 to index
          %get3A_896 = arith.constant 144 : index
          %get3A_897 = tpu.vector_load %arg6[%get3A_894, %get3A_895, %get3A_896] {strides = array<i32>} : memref<8x16x256xf32, #tpu.memory_space<vmem>>, vector<16xf32>,
          %jit3A_898 = arith.constant 0xFF800000 : f32
          %broadcast_in_dim3A_899 = vector.broadcast %jit3A_898 : f32 to vector<16xf32>
          %select_n3A_900 = arith.select %and3A_801, %get3A_897, %broadcast_in_dim3A_899 : vector<16xf32>
          %max3A_901 = arith.maximumf %max3A_735, %select_n3A_900 : vector<16xf32>
          %add3A_902 = arith.constant 2 : i32
          %add3A_903 = arith.addi %mul3A_464, %add3A_902 : i32
          %get3A_904 = arith.index_cast %select_n3A_439 : i32 to index
          %get3A_905 = arith.index_cast %add3A_903 : i32 to index
          %get3A_906 = arith.constant 160 : index
          %get3A_907 = tpu.vector_load %arg6[%get3A_904, %get3A_905, %get3A_906] {strides = array<i32>} : memref<8x16x256xf32, #tpu.memory_space<vmem>>, vector<16xf32>,
          %jit3A_908 = arith.constant 0xFF800000 : f32
          %broadcast_in_dim3A_909 = vector.broadcast %jit3A_908 : f32 to vector<16xf32>
          %select_n3A_910 = arith.select %and3A_801, %get3A_907, %broadcast_in_dim3A_909 : vector<16xf32>
          %max3A_911 = arith.maximumf %max3A_745, %select_n3A_910 : vector<16xf32>
          %add3A_912 = arith.constant 2 : i32
          %add3A_913 = arith.addi %mul3A_464, %add3A_912 : i32
          %get3A_914 = arith.index_cast %select_n3A_439 : i32 to index
          %get3A_915 = arith.index_cast %add3A_913 : i32 to index
          %get3A_916 = arith.constant 176 : index
          %get3A_917 = tpu.vector_load %arg6[%get3A_914, %get3A_915, %get3A_916] {strides = array<i32>} : memref<8x16x256xf32, #tpu.memory_space<vmem>>, vector<16xf32>,
          %jit3A_918 = arith.constant 0xFF800000 : f32
          %broadcast_in_dim3A_919 = vector.broadcast %jit3A_918 : f32 to vector<16xf32>
          %select_n3A_920 = arith.select %and3A_801, %get3A_917, %broadcast_in_dim3A_919 : vector<16xf32>
          %max3A_921 = arith.maximumf %max3A_755, %select_n3A_920 : vector<16xf32>
          %add3A_922 = arith.constant 2 : i32
          %add3A_923 = arith.addi %mul3A_464, %add3A_922 : i32
          %get3A_924 = arith.index_cast %select_n3A_439 : i32 to index
          %get3A_925 = arith.index_cast %add3A_923 : i32 to index
          %get3A_926 = arith.constant 192 : index
          %get3A_927 = tpu.vector_load %arg6[%get3A_924, %get3A_925, %get3A_926] {strides = array<i32>} : memref<8x16x256xf32, #tpu.memory_space<vmem>>, vector<16xf32>,
          %jit3A_928 = arith.constant 0xFF800000 : f32
          %broadcast_in_dim3A_929 = vector.broadcast %jit3A_928 : f32 to vector<16xf32>
          %select_n3A_930 = arith.select %and3A_801, %get3A_927, %broadcast_in_dim3A_929 : vector<16xf32>
          %max3A_931 = arith.maximumf %max3A_765, %select_n3A_930 : vector<16xf32>
          %add3A_932 = arith.constant 2 : i32
          %add3A_933 = arith.addi %mul3A_464, %add3A_932 : i32
          %get3A_934 = arith.index_cast %select_n3A_439 : i32 to index
          %get3A_935 = arith.index_cast %add3A_933 : i32 to index
          %get3A_936 = arith.constant 208 : index
          %get3A_937 = tpu.vector_load %arg6[%get3A_934, %get3A_935, %get3A_936] {strides = array<i32>} : memref<8x16x256xf32, #tpu.memory_space<vmem>>, vector<16xf32>,
          %jit3A_938 = arith.constant 0xFF800000 : f32
          %broadcast_in_dim3A_939 = vector.broadcast %jit3A_938 : f32 to vector<16xf32>
          %select_n3A_940 = arith.select %and3A_801, %get3A_937, %broadcast_in_dim3A_939 : vector<16xf32>
          %max3A_941 = arith.maximumf %max3A_775, %select_n3A_940 : vector<16xf32>
          %add3A_942 = arith.constant 2 : i32
          %add3A_943 = arith.addi %mul3A_464, %add3A_942 : i32
          %get3A_944 = arith.index_cast %select_n3A_439 : i32 to index
          %get3A_945 = arith.index_cast %add3A_943 : i32 to index
          %get3A_946 = arith.constant 224 : index
          %get3A_947 = tpu.vector_load %arg6[%get3A_944, %get3A_945, %get3A_946] {strides = array<i32>} : memref<8x16x256xf32, #tpu.memory_space<vmem>>, vector<16xf32>,
          %jit3A_948 = arith.constant 0xFF800000 : f32
          %broadcast_in_dim3A_949 = vector.broadcast %jit3A_948 : f32 to vector<16xf32>
          %select_n3A_950 = arith.select %and3A_801, %get3A_947, %broadcast_in_dim3A_949 : vector<16xf32>
          %max3A_951 = arith.maximumf %max3A_785, %select_n3A_950 : vector<16xf32>
          %add3A_952 = arith.constant 2 : i32
          %add3A_953 = arith.addi %mul3A_464, %add3A_952 : i32
          %get3A_954 = arith.index_cast %select_n3A_439 : i32 to index
          %get3A_955 = arith.index_cast %add3A_953 : i32 to index
          %get3A_956 = arith.constant 240 : index
          %get3A_957 = tpu.vector_load %arg6[%get3A_954, %get3A_955, %get3A_956] {strides = array<i32>} : memref<8x16x256xf32, #tpu.memory_space<vmem>>, vector<16xf32>,
          %jit3A_958 = arith.constant 0xFF800000 : f32
          %broadcast_in_dim3A_959 = vector.broadcast %jit3A_958 : f32 to vector<16xf32>
          %select_n3A_960 = arith.select %and3A_801, %get3A_957, %broadcast_in_dim3A_959 : vector<16xf32>
          %max3A_961 = arith.maximumf %max3A_795, %select_n3A_960 : vector<16xf32>
          %add3A_962 = arith.addi %multiple_of3A_423, %mul3A_464 : i32
          %add3A_963 = arith.constant 3 : i32
          %add3A_964 = arith.addi %add3A_962, %add3A_963 : i32
          %ge3A_965 = arith.cmpi sge, %add3A_964, %max3A : i32
          %lt3A_966 = arith.cmpi slt, %add3A_964, %min3A_182 : i32
          %and3A_967 = arith.andi %ge3A_965, %lt3A_966 : i1
          %add3A_968 = arith.constant 3 : i32
          %add3A_969 = arith.addi %mul3A_464, %add3A_968 : i32
          %get3A_970 = arith.index_cast %select_n3A_439 : i32 to index
          %get3A_971 = arith.index_cast %add3A_969 : i32 to index
          %get3A_972 = arith.constant 0 : index
          %get3A_973 = tpu.vector_load %arg6[%get3A_970, %get3A_971, %get3A_972] {strides = array<i32>} : memref<8x16x256xf32, #tpu.memory_space<vmem>>, vector<16xf32>,
          %jit3A_974 = arith.constant 0xFF800000 : f32
          %broadcast_in_dim3A_975 = vector.broadcast %jit3A_974 : f32 to vector<16xf32>
          %select_n3A_976 = arith.select %and3A_967, %get3A_973, %broadcast_in_dim3A_975 : vector<16xf32>
          %max3A_977 = arith.maximumf %max3A_811, %select_n3A_976 : vector<16xf32>
          %add3A_978 = arith.constant 3 : i32
          %add3A_979 = arith.addi %mul3A_464, %add3A_978 : i32
          %get3A_980 = arith.index_cast %select_n3A_439 : i32 to index
          %get3A_981 = arith.index_cast %add3A_979 : i32 to index
          %get3A_982 = arith.constant 16 : index
          %get3A_983 = tpu.vector_load %arg6[%get3A_980, %get3A_981, %get3A_982] {strides = array<i32>} : memref<8x16x256xf32, #tpu.memory_space<vmem>>, vector<16xf32>,
          %jit3A_984 = arith.constant 0xFF800000 : f32
          %broadcast_in_dim3A_985 = vector.broadcast %jit3A_984 : f32 to vector<16xf32>
          %select_n3A_986 = arith.select %and3A_967, %get3A_983, %broadcast_in_dim3A_985 : vector<16xf32>
          %max3A_987 = arith.maximumf %max3A_821, %select_n3A_986 : vector<16xf32>
          %add3A_988 = arith.constant 3 : i32
          %add3A_989 = arith.addi %mul3A_464, %add3A_988 : i32
          %get3A_990 = arith.index_cast %select_n3A_439 : i32 to index
          %get3A_991 = arith.index_cast %add3A_989 : i32 to index
          %get3A_992 = arith.constant 32 : index
          %get3A_993 = tpu.vector_load %arg6[%get3A_990, %get3A_991, %get3A_992] {strides = array<i32>} : memref<8x16x256xf32, #tpu.memory_space<vmem>>, vector<16xf32>,
          %jit3A_994 = arith.constant 0xFF800000 : f32
          %broadcast_in_dim3A_995 = vector.broadcast %jit3A_994 : f32 to vector<16xf32>
          %select_n3A_996 = arith.select %and3A_967, %get3A_993, %broadcast_in_dim3A_995 : vector<16xf32>
          %max3A_997 = arith.maximumf %max3A_831, %select_n3A_996 : vector<16xf32>
          %add3A_998 = arith.constant 3 : i32
          %add3A_999 = arith.addi %mul3A_464, %add3A_998 : i32
          %get3A_1000 = arith.index_cast %select_n3A_439 : i32 to index
          %get3A_1001 = arith.index_cast %add3A_999 : i32 to index
          %get3A_1002 = arith.constant 48 : index
          %get3A_1003 = tpu.vector_load %arg6[%get3A_1000, %get3A_1001, %get3A_1002] {strides = array<i32>} : memref<8x16x256xf32, #tpu.memory_space<vmem>>, vector<16xf32>,
          %jit3A_1004 = arith.constant 0xFF800000 : f32
          %broadcast_in_dim3A_1005 = vector.broadcast %jit3A_1004 : f32 to vector<16xf32>
          %select_n3A_1006 = arith.select %and3A_967, %get3A_1003, %broadcast_in_dim3A_1005 : vector<16xf32>
          %max3A_1007 = arith.maximumf %max3A_841, %select_n3A_1006 : vector<16xf32>
          %add3A_1008 = arith.constant 3 : i32
          %add3A_1009 = arith.addi %mul3A_464, %add3A_1008 : i32
          %get3A_1010 = arith.index_cast %select_n3A_439 : i32 to index
          %get3A_1011 = arith.index_cast %add3A_1009 : i32 to index
          %get3A_1012 = arith.constant 64 : index
          %get3A_1013 = tpu.vector_load %arg6[%get3A_1010, %get3A_1011, %get3A_1012] {strides = array<i32>} : memref<8x16x256xf32, #tpu.memory_space<vmem>>, vector<16xf32>,
          %jit3A_1014 = arith.constant 0xFF800000 : f32
          %broadcast_in_dim3A_1015 = vector.broadcast %jit3A_1014 : f32 to vector<16xf32>
          %select_n3A_1016 = arith.select %and3A_967, %get3A_1013, %broadcast_in_dim3A_1015 : vector<16xf32>
          %max3A_1017 = arith.maximumf %max3A_851, %select_n3A_1016 : vector<16xf32>
          %add3A_1018 = arith.constant 3 : i32
          %add3A_1019 = arith.addi %mul3A_464, %add3A_1018 : i32
          %get3A_1020 = arith.index_cast %select_n3A_439 : i32 to index
          %get3A_1021 = arith.index_cast %add3A_1019 : i32 to index
          %get3A_1022 = arith.constant 80 : index
          %get3A_1023 = tpu.vector_load %arg6[%get3A_1020, %get3A_1021, %get3A_1022] {strides = array<i32>} : memref<8x16x256xf32, #tpu.memory_space<vmem>>, vector<16xf32>,
          %jit3A_1024 = arith.constant 0xFF800000 : f32
          %broadcast_in_dim3A_1025 = vector.broadcast %jit3A_1024 : f32 to vector<16xf32>
          %select_n3A_1026 = arith.select %and3A_967, %get3A_1023, %broadcast_in_dim3A_1025 : vector<16xf32>
          %max3A_1027 = arith.maximumf %max3A_861, %select_n3A_1026 : vector<16xf32>
          %add3A_1028 = arith.constant 3 : i32
          %add3A_1029 = arith.addi %mul3A_464, %add3A_1028 : i32
          %get3A_1030 = arith.index_cast %select_n3A_439 : i32 to index
          %get3A_1031 = arith.index_cast %add3A_1029 : i32 to index
          %get3A_1032 = arith.constant 96 : index
          %get3A_1033 = tpu.vector_load %arg6[%get3A_1030, %get3A_1031, %get3A_1032] {strides = array<i32>} : memref<8x16x256xf32, #tpu.memory_space<vmem>>, vector<16xf32>,
          %jit3A_1034 = arith.constant 0xFF800000 : f32
          %broadcast_in_dim3A_1035 = vector.broadcast %jit3A_1034 : f32 to vector<16xf32>
          %select_n3A_1036 = arith.select %and3A_967, %get3A_1033, %broadcast_in_dim3A_1035 : vector<16xf32>
          %max3A_1037 = arith.maximumf %max3A_871, %select_n3A_1036 : vector<16xf32>
          %add3A_1038 = arith.constant 3 : i32
          %add3A_1039 = arith.addi %mul3A_464, %add3A_1038 : i32
          %get3A_1040 = arith.index_cast %select_n3A_439 : i32 to index
          %get3A_1041 = arith.index_cast %add3A_1039 : i32 to index
          %get3A_1042 = arith.constant 112 : index
          %get3A_1043 = tpu.vector_load %arg6[%get3A_1040, %get3A_1041, %get3A_1042] {strides = array<i32>} : memref<8x16x256xf32, #tpu.memory_space<vmem>>, vector<16xf32>,
          %jit3A_1044 = arith.constant 0xFF800000 : f32
          %broadcast_in_dim3A_1045 = vector.broadcast %jit3A_1044 : f32 to vector<16xf32>
          %select_n3A_1046 = arith.select %and3A_967, %get3A_1043, %broadcast_in_dim3A_1045 : vector<16xf32>
          %max3A_1047 = arith.maximumf %max3A_881, %select_n3A_1046 : vector<16xf32>
          %add3A_1048 = arith.constant 3 : i32
          %add3A_1049 = arith.addi %mul3A_464, %add3A_1048 : i32
          %get3A_1050 = arith.index_cast %select_n3A_439 : i32 to index
          %get3A_1051 = arith.index_cast %add3A_1049 : i32 to index
          %get3A_1052 = arith.constant 128 : index
          %get3A_1053 = tpu.vector_load %arg6[%get3A_1050, %get3A_1051, %get3A_1052] {strides = array<i32>} : memref<8x16x256xf32, #tpu.memory_space<vmem>>, vector<16xf32>,
          %jit3A_1054 = arith.constant 0xFF800000 : f32
          %broadcast_in_dim3A_1055 = vector.broadcast %jit3A_1054 : f32 to vector<16xf32>
          %select_n3A_1056 = arith.select %and3A_967, %get3A_1053, %broadcast_in_dim3A_1055 : vector<16xf32>
          %max3A_1057 = arith.maximumf %max3A_891, %select_n3A_1056 : vector<16xf32>
          %add3A_1058 = arith.constant 3 : i32
          %add3A_1059 = arith.addi %mul3A_464, %add3A_1058 : i32
          %get3A_1060 = arith.index_cast %select_n3A_439 : i32 to index
          %get3A_1061 = arith.index_cast %add3A_1059 : i32 to index
          %get3A_1062 = arith.constant 144 : index
          %get3A_1063 = tpu.vector_load %arg6[%get3A_1060, %get3A_1061, %get3A_1062] {strides = array<i32>} : memref<8x16x256xf32, #tpu.memory_space<vmem>>, vector<16xf32>,
          %jit3A_1064 = arith.constant 0xFF800000 : f32
          %broadcast_in_dim3A_1065 = vector.broadcast %jit3A_1064 : f32 to vector<16xf32>
          %select_n3A_1066 = arith.select %and3A_967, %get3A_1063, %broadcast_in_dim3A_1065 : vector<16xf32>
          %max3A_1067 = arith.maximumf %max3A_901, %select_n3A_1066 : vector<16xf32>
          %add3A_1068 = arith.constant 3 : i32
          %add3A_1069 = arith.addi %mul3A_464, %add3A_1068 : i32
          %get3A_1070 = arith.index_cast %select_n3A_439 : i32 to index
          %get3A_1071 = arith.index_cast %add3A_1069 : i32 to index
          %get3A_1072 = arith.constant 160 : index
          %get3A_1073 = tpu.vector_load %arg6[%get3A_1070, %get3A_1071, %get3A_1072] {strides = array<i32>} : memref<8x16x256xf32, #tpu.memory_space<vmem>>, vector<16xf32>,
          %jit3A_1074 = arith.constant 0xFF800000 : f32
          %broadcast_in_dim3A_1075 = vector.broadcast %jit3A_1074 : f32 to vector<16xf32>
          %select_n3A_1076 = arith.select %and3A_967, %get3A_1073, %broadcast_in_dim3A_1075 : vector<16xf32>
          %max3A_1077 = arith.maximumf %max3A_911, %select_n3A_1076 : vector<16xf32>
          %add3A_1078 = arith.constant 3 : i32
          %add3A_1079 = arith.addi %mul3A_464, %add3A_1078 : i32
          %get3A_1080 = arith.index_cast %select_n3A_439 : i32 to index
          %get3A_1081 = arith.index_cast %add3A_1079 : i32 to index
          %get3A_1082 = arith.constant 176 : index
          %get3A_1083 = tpu.vector_load %arg6[%get3A_1080, %get3A_1081, %get3A_1082] {strides = array<i32>} : memref<8x16x256xf32, #tpu.memory_space<vmem>>, vector<16xf32>,
          %jit3A_1084 = arith.constant 0xFF800000 : f32
          %broadcast_in_dim3A_1085 = vector.broadcast %jit3A_1084 : f32 to vector<16xf32>
          %select_n3A_1086 = arith.select %and3A_967, %get3A_1083, %broadcast_in_dim3A_1085 : vector<16xf32>
          %max3A_1087 = arith.maximumf %max3A_921, %select_n3A_1086 : vector<16xf32>
          %add3A_1088 = arith.constant 3 : i32
          %add3A_1089 = arith.addi %mul3A_464, %add3A_1088 : i32
          %get3A_1090 = arith.index_cast %select_n3A_439 : i32 to index
          %get3A_1091 = arith.index_cast %add3A_1089 : i32 to index
          %get3A_1092 = arith.constant 192 : index
          %get3A_1093 = tpu.vector_load %arg6[%get3A_1090, %get3A_1091, %get3A_1092] {strides = array<i32>} : memref<8x16x256xf32, #tpu.memory_space<vmem>>, vector<16xf32>,
          %jit3A_1094 = arith.constant 0xFF800000 : f32
          %broadcast_in_dim3A_1095 = vector.broadcast %jit3A_1094 : f32 to vector<16xf32>
          %select_n3A_1096 = arith.select %and3A_967, %get3A_1093, %broadcast_in_dim3A_1095 : vector<16xf32>
          %max3A_1097 = arith.maximumf %max3A_931, %select_n3A_1096 : vector<16xf32>
          %add3A_1098 = arith.constant 3 : i32
          %add3A_1099 = arith.addi %mul3A_464, %add3A_1098 : i32
          %get3A_1100 = arith.index_cast %select_n3A_439 : i32 to index
          %get3A_1101 = arith.index_cast %add3A_1099 : i32 to index
          %get3A_1102 = arith.constant 208 : index
          %get3A_1103 = tpu.vector_load %arg6[%get3A_1100, %get3A_1101, %get3A_1102] {strides = array<i32>} : memref<8x16x256xf32, #tpu.memory_space<vmem>>, vector<16xf32>,
          %jit3A_1104 = arith.constant 0xFF800000 : f32
          %broadcast_in_dim3A_1105 = vector.broadcast %jit3A_1104 : f32 to vector<16xf32>
          %select_n3A_1106 = arith.select %and3A_967, %get3A_1103, %broadcast_in_dim3A_1105 : vector<16xf32>
          %max3A_1107 = arith.maximumf %max3A_941, %select_n3A_1106 : vector<16xf32>
          %add3A_1108 = arith.constant 3 : i32
          %add3A_1109 = arith.addi %mul3A_464, %add3A_1108 : i32
          %get3A_1110 = arith.index_cast %select_n3A_439 : i32 to index
          %get3A_1111 = arith.index_cast %add3A_1109 : i32 to index
          %get3A_1112 = arith.constant 224 : index
          %get3A_1113 = tpu.vector_load %arg6[%get3A_1110, %get3A_1111, %get3A_1112] {strides = array<i32>} : memref<8x16x256xf32, #tpu.memory_space<vmem>>, vector<16xf32>,
          %jit3A_1114 = arith.constant 0xFF800000 : f32
          %broadcast_in_dim3A_1115 = vector.broadcast %jit3A_1114 : f32 to vector<16xf32>
          %select_n3A_1116 = arith.select %and3A_967, %get3A_1113, %broadcast_in_dim3A_1115 : vector<16xf32>
          %max3A_1117 = arith.maximumf %max3A_951, %select_n3A_1116 : vector<16xf32>
          %add3A_1118 = arith.constant 3 : i32
          %add3A_1119 = arith.addi %mul3A_464, %add3A_1118 : i32
          %get3A_1120 = arith.index_cast %select_n3A_439 : i32 to index
          %get3A_1121 = arith.index_cast %add3A_1119 : i32 to index
          %get3A_1122 = arith.constant 240 : index
          %get3A_1123 = tpu.vector_load %arg6[%get3A_1120, %get3A_1121, %get3A_1122] {strides = array<i32>} : memref<8x16x256xf32, #tpu.memory_space<vmem>>, vector<16xf32>,
          %jit3A_1124 = arith.constant 0xFF800000 : f32
          %broadcast_in_dim3A_1125 = vector.broadcast %jit3A_1124 : f32 to vector<16xf32>
          %select_n3A_1126 = arith.select %and3A_967, %get3A_1123, %broadcast_in_dim3A_1125 : vector<16xf32>
          %max3A_1127 = arith.maximumf %max3A_961, %select_n3A_1126 : vector<16xf32>
          scf.yield %max3A_977, %max3A_987, %max3A_997, %max3A_1007, %max3A_1017, %max3A_1027, %max3A_1037, %max3A_1047, %max3A_1057, %max3A_1067, %max3A_1077, %max3A_1087, %max3A_1097, %max3A_1107, %max3A_1117, %max3A_1127 : vector<16xf32>, vector<16xf32>, vector<16xf32>, vector<16xf32>, vector<16xf32>, vector<16xf32>, vector<16xf32>, vector<16xf32>, vector<16xf32>, vector<16xf32>, vector<16xf32>, vector<16xf32>, vector<16xf32>, vector<16xf32>, vector<16xf32>, vector<16xf32>
        }
        %scan3A_445 = arith.constant 4 : i32
        scf.yield %scan3A_444#0, %scan3A_444#1, %scan3A_444#2, %scan3A_444#3, %scan3A_444#4, %scan3A_444#5, %scan3A_444#6, %scan3A_444#7, %scan3A_444#8, %scan3A_444#9, %scan3A_444#10, %scan3A_444#11, %scan3A_444#12, %scan3A_444#13, %scan3A_444#14, %scan3A_444#15 : vector<16xf32>, vector<16xf32>, vector<16xf32>, vector<16xf32>, vector<16xf32>, vector<16xf32>, vector<16xf32>, vector<16xf32>, vector<16xf32>, vector<16xf32>, vector<16xf32>, vector<16xf32>, vector<16xf32>, vector<16xf32>, vector<16xf32>, vector<16xf32>
      }
      %swap3A_295 = arith.index_cast %while3A_164 : i32 to index
      %swap3A_296 = arith.constant 0 : index
      %swap3A_297 = tpu.vector_load %arg7[%swap3A_295, %swap3A_296] {strides = array<i32>} : memref<16x256xf32, #tpu.memory_space<vmem>>, vector<16xf32>,
      tpu.vector_store %arg7[%swap3A_295, %swap3A_296], %while3A_294#0 {strides = array<i32>} : memref<16x256xf32, #tpu.memory_space<vmem>>, vector<16xf32>,
      %swap3A_298 = arith.index_cast %while3A_164 : i32 to index
      %swap3A_299 = arith.constant 16 : index
      %swap3A_300 = tpu.vector_load %arg7[%swap3A_298, %swap3A_299] {strides = array<i32>} : memref<16x256xf32, #tpu.memory_space<vmem>>, vector<16xf32>,
      tpu.vector_store %arg7[%swap3A_298, %swap3A_299], %while3A_294#1 {strides = array<i32>} : memref<16x256xf32, #tpu.memory_space<vmem>>, vector<16xf32>,
      %swap3A_301 = arith.index_cast %while3A_164 : i32 to index
      %swap3A_302 = arith.constant 32 : index
      %swap3A_303 = tpu.vector_load %arg7[%swap3A_301, %swap3A_302] {strides = array<i32>} : memref<16x256xf32, #tpu.memory_space<vmem>>, vector<16xf32>,
      tpu.vector_store %arg7[%swap3A_301, %swap3A_302], %while3A_294#2 {strides = array<i32>} : memref<16x256xf32, #tpu.memory_space<vmem>>, vector<16xf32>,
      %swap3A_304 = arith.index_cast %while3A_164 : i32 to index
      %swap3A_305 = arith.constant 48 : index
      %swap3A_306 = tpu.vector_load %arg7[%swap3A_304, %swap3A_305] {strides = array<i32>} : memref<16x256xf32, #tpu.memory_space<vmem>>, vector<16xf32>,
      tpu.vector_store %arg7[%swap3A_304, %swap3A_305], %while3A_294#3 {strides = array<i32>} : memref<16x256xf32, #tpu.memory_space<vmem>>, vector<16xf32>,
      %swap3A_307 = arith.index_cast %while3A_164 : i32 to index
      %swap3A_308 = arith.constant 64 : index
      %swap3A_309 = tpu.vector_load %arg7[%swap3A_307, %swap3A_308] {strides = array<i32>} : memref<16x256xf32, #tpu.memory_space<vmem>>, vector<16xf32>,
      tpu.vector_store %arg7[%swap3A_307, %swap3A_308], %while3A_294#4 {strides = array<i32>} : memref<16x256xf32, #tpu.memory_space<vmem>>, vector<16xf32>,
      %swap3A_310 = arith.index_cast %while3A_164 : i32 to index
      %swap3A_311 = arith.constant 80 : index
      %swap3A_312 = tpu.vector_load %arg7[%swap3A_310, %swap3A_311] {strides = array<i32>} : memref<16x256xf32, #tpu.memory_space<vmem>>, vector<16xf32>,
      tpu.vector_store %arg7[%swap3A_310, %swap3A_311], %while3A_294#5 {strides = array<i32>} : memref<16x256xf32, #tpu.memory_space<vmem>>, vector<16xf32>,
      %swap3A_313 = arith.index_cast %while3A_164 : i32 to index
      %swap3A_314 = arith.constant 96 : index
      %swap3A_315 = tpu.vector_load %arg7[%swap3A_313, %swap3A_314] {strides = array<i32>} : memref<16x256xf32, #tpu.memory_space<vmem>>, vector<16xf32>,
      tpu.vector_store %arg7[%swap3A_313, %swap3A_314], %while3A_294#6 {strides = array<i32>} : memref<16x256xf32, #tpu.memory_space<vmem>>, vector<16xf32>,
      %swap3A_316 = arith.index_cast %while3A_164 : i32 to index
      %swap3A_317 = arith.constant 112 : index
      %swap3A_318 = tpu.vector_load %arg7[%swap3A_316, %swap3A_317] {strides = array<i32>} : memref<16x256xf32, #tpu.memory_space<vmem>>, vector<16xf32>,
      tpu.vector_store %arg7[%swap3A_316, %swap3A_317], %while3A_294#7 {strides = array<i32>} : memref<16x256xf32, #tpu.memory_space<vmem>>, vector<16xf32>,
      %swap3A_319 = arith.index_cast %while3A_164 : i32 to index
      %swap3A_320 = arith.constant 128 : index
      %swap3A_321 = tpu.vector_load %arg7[%swap3A_319, %swap3A_320] {strides = array<i32>} : memref<16x256xf32, #tpu.memory_space<vmem>>, vector<16xf32>,
      tpu.vector_store %arg7[%swap3A_319, %swap3A_320], %while3A_294#8 {strides = array<i32>} : memref<16x256xf32, #tpu.memory_space<vmem>>, vector<16xf32>,
      %swap3A_322 = arith.index_cast %while3A_164 : i32 to index
      %swap3A_323 = arith.constant 144 : index
      %swap3A_324 = tpu.vector_load %arg7[%swap3A_322, %swap3A_323] {strides = array<i32>} : memref<16x256xf32, #tpu.memory_space<vmem>>, vector<16xf32>,
      tpu.vector_store %arg7[%swap3A_322, %swap3A_323], %while3A_294#9 {strides = array<i32>} : memref<16x256xf32, #tpu.memory_space<vmem>>, vector<16xf32>,
      %swap3A_325 = arith.index_cast %while3A_164 : i32 to index
      %swap3A_326 = arith.constant 160 : index
      %swap3A_327 = tpu.vector_load %arg7[%swap3A_325, %swap3A_326] {strides = array<i32>} : memref<16x256xf32, #tpu.memory_space<vmem>>, vector<16xf32>,
      tpu.vector_store %arg7[%swap3A_325, %swap3A_326], %while3A_294#10 {strides = array<i32>} : memref<16x256xf32, #tpu.memory_space<vmem>>, vector<16xf32>,
      %swap3A_328 = arith.index_cast %while3A_164 : i32 to index
      %swap3A_329 = arith.constant 176 : index
      %swap3A_330 = tpu.vector_load %arg7[%swap3A_328, %swap3A_329] {strides = array<i32>} : memref<16x256xf32, #tpu.memory_space<vmem>>, vector<16xf32>,
      tpu.vector_store %arg7[%swap3A_328, %swap3A_329], %while3A_294#11 {strides = array<i32>} : memref<16x256xf32, #tpu.memory_space<vmem>>, vector<16xf32>,
      %swap3A_331 = arith.index_cast %while3A_164 : i32 to index
      %swap3A_332 = arith.constant 192 : index
      %swap3A_333 = tpu.vector_load %arg7[%swap3A_331, %swap3A_332] {strides = array<i32>} : memref<16x256xf32, #tpu.memory_space<vmem>>, vector<16xf32>,
      tpu.vector_store %arg7[%swap3A_331, %swap3A_332], %while3A_294#12 {strides = array<i32>} : memref<16x256xf32, #tpu.memory_space<vmem>>, vector<16xf32>,
      %swap3A_334 = arith.index_cast %while3A_164 : i32 to index
      %swap3A_335 = arith.constant 208 : index
      %swap3A_336 = tpu.vector_load %arg7[%swap3A_334, %swap3A_335] {strides = array<i32>} : memref<16x256xf32, #tpu.memory_space<vmem>>, vector<16xf32>,
      tpu.vector_store %arg7[%swap3A_334, %swap3A_335], %while3A_294#13 {strides = array<i32>} : memref<16x256xf32, #tpu.memory_space<vmem>>, vector<16xf32>,
      %swap3A_337 = arith.index_cast %while3A_164 : i32 to index
      %swap3A_338 = arith.constant 224 : index
      %swap3A_339 = tpu.vector_load %arg7[%swap3A_337, %swap3A_338] {strides = array<i32>} : memref<16x256xf32, #tpu.memory_space<vmem>>, vector<16xf32>,
      tpu.vector_store %arg7[%swap3A_337, %swap3A_338], %while3A_294#14 {strides = array<i32>} : memref<16x256xf32, #tpu.memory_space<vmem>>, vector<16xf32>,
      %swap3A_340 = arith.index_cast %while3A_164 : i32 to index
      %swap3A_341 = arith.constant 240 : index
      %swap3A_342 = tpu.vector_load %arg7[%swap3A_340, %swap3A_341] {strides = array<i32>} : memref<16x256xf32, #tpu.memory_space<vmem>>, vector<16xf32>,
      tpu.vector_store %arg7[%swap3A_340, %swap3A_341], %while3A_294#15 {strides = array<i32>} : memref<16x256xf32, #tpu.memory_space<vmem>>, vector<16xf32>,
      %while3A_343 = arith.constant 0 : i32
      scf.yield %while3A_343 : i32
    }
    %run_scoped3A = arith.constant 0 : i32
    %run_scoped3A_92 = arith.constant 0 : i32
    "tpu.region"() ({
      %run_scoped3A_164 = tpu.sem_alloc : memref<!tpu.dma_semaphore, #tpu.memory_space<semaphore_mem>>
      %dma_start3A = arith.constant 0 : i32
      %dma_start3A_165 = tpu.memref_slice %arg7[%run_scoped3A, %dma_start3A] : memref<16x256xf32, #tpu.memory_space<vmem>> -> memref<1x256xf32, #tpu.memory_space<vmem>>
      %dma_start3A_166 = tpu.memref_squeeze %dma_start3A_165 : memref<1x256xf32, #tpu.memory_space<vmem>> -> memref<256xf32, #tpu.memory_space<vmem>>
      %dma_start3A_167 = arith.constant 0 : i32
      %dma_start3A_168 = tpu.memref_slice %arg11[%arg0, %run_scoped3A_92, %arg1, %dma_start3A_167] : memref<2x16x16x256xf32, #tpu.memory_space<vmem_shared>> -> memref<1x1x1x256xf32, #tpu.memory_space<vmem_shared>>
      %dma_start3A_169 = tpu.memref_squeeze %dma_start3A_168 : memref<1x1x1x256xf32, #tpu.memory_space<vmem_shared>> -> memref<256xf32, #tpu.memory_space<vmem_shared>>
      %dma_start3A_170 = arith.constant 0 : i32
      %dma_start3A_171 = tpu.memref_slice %arg11[%arg0, %run_scoped3A_92, %arg1, %dma_start3A_170] : memref<2x16x16x256xf32, #tpu.memory_space<vmem_shared>> -> memref<1x1x1x256xf32, #tpu.memory_space<vmem_shared>>
      %dma_start3A_172 = tpu.memref_squeeze %dma_start3A_171 : memref<1x1x1x256xf32, #tpu.memory_space<vmem_shared>> -> memref<256xf32, #tpu.memory_space<vmem_shared>>
      %dma_start3A_173 = arith.constant 0 : i32
      %dma_start3A_174 = tpu.memref_slice %arg7[%run_scoped3A, %dma_start3A_173] : memref<16x256xf32, #tpu.memory_space<vmem>> -> memref<1x256xf32, #tpu.memory_space<vmem>>
      %dma_start3A_175 = tpu.memref_squeeze %dma_start3A_174 : memref<1x256xf32, #tpu.memory_space<vmem>> -> memref<256xf32, #tpu.memory_space<vmem>>
      tpu.enqueue_dma source(%dma_start3A_175 : memref<256xf32, #tpu.memory_space<vmem>>) target(%dma_start3A_172 : memref<256xf32, #tpu.memory_space<vmem_shared>>) target_semaphore(%run_scoped3A_164 : memref<!tpu.dma_semaphore, #tpu.memory_space<semaphore_mem>>)
      %dma_wait3A = arith.constant 0 : i32
      %dma_wait3A_176 = tpu.memref_slice %arg7[%run_scoped3A, %dma_wait3A] : memref<16x256xf32, #tpu.memory_space<vmem>> -> memref<1x256xf32, #tpu.memory_space<vmem>>
      %dma_wait3A_177 = tpu.memref_squeeze %dma_wait3A_176 : memref<1x256xf32, #tpu.memory_space<vmem>> -> memref<256xf32, #tpu.memory_space<vmem>>
      %dma_wait3A_178 = arith.constant 0 : i32
      %dma_wait3A_179 = tpu.memref_slice %arg11[%arg0, %run_scoped3A_92, %arg1, %dma_wait3A_178] : memref<2x16x16x256xf32, #tpu.memory_space<vmem_shared>> -> memref<1x1x1x256xf32, #tpu.memory_space<vmem_shared>>
      %dma_wait3A_180 = tpu.memref_squeeze %dma_wait3A_179 : memref<1x1x1x256xf32, #tpu.memory_space<vmem_shared>> -> memref<256xf32, #tpu.memory_space<vmem_shared>>
      %dma_wait3A_181 = arith.constant 0 : i32
      %dma_wait3A_182 = tpu.memref_slice %arg11[%arg0, %run_scoped3A_92, %arg1, %dma_wait3A_181] : memref<2x16x16x256xf32, #tpu.memory_space<vmem_shared>> -> memref<1x1x1x256xf32, #tpu.memory_space<vmem_shared>>
      %dma_wait3A_183 = tpu.memref_squeeze %dma_wait3A_182 : memref<1x1x1x256xf32, #tpu.memory_space<vmem_shared>> -> memref<256xf32, #tpu.memory_space<vmem_shared>>
      %dma_wait3A_184 = arith.constant 0 : i32
      %dma_wait3A_185 = tpu.memref_slice %arg7[%run_scoped3A, %dma_wait3A_184] : memref<16x256xf32, #tpu.memory_space<vmem>> -> memref<1x256xf32, #tpu.memory_space<vmem>>
      %dma_wait3A_186 = tpu.memref_squeeze %dma_wait3A_185 : memref<1x256xf32, #tpu.memory_space<vmem>> -> memref<256xf32, #tpu.memory_space<vmem>>
      tpu.wait_dma2 semaphore(%run_scoped3A_164 : memref<!tpu.dma_semaphore, #tpu.memory_space<semaphore_mem>>) src(%dma_wait3A_186 : memref<256xf32, #tpu.memory_space<vmem>>) dst(%dma_wait3A_183 : memref<256xf32, #tpu.memory_space<vmem_shared>>)
      tpu.yield
    }) : () -> ()
    %run_scoped3A_93 = arith.constant 1 : i32
    %run_scoped3A_94 = arith.constant 1 : i32
    "tpu.region"() ({
      %run_scoped3A_164 = tpu.sem_alloc : memref<!tpu.dma_semaphore, #tpu.memory_space<semaphore_mem>>
      %dma_start3A = arith.constant 0 : i32
      %dma_start3A_165 = tpu.memref_slice %arg7[%run_scoped3A_93, %dma_start3A] : memref<16x256xf32, #tpu.memory_space<vmem>> -> memref<1x256xf32, #tpu.memory_space<vmem>>
      %dma_start3A_166 = tpu.memref_squeeze %dma_start3A_165 : memref<1x256xf32, #tpu.memory_space<vmem>> -> memref<256xf32, #tpu.memory_space<vmem>>
      %dma_start3A_167 = arith.constant 0 : i32
      %dma_start3A_168 = tpu.memref_slice %arg11[%arg0, %run_scoped3A_94, %arg1, %dma_start3A_167] : memref<2x16x16x256xf32, #tpu.memory_space<vmem_shared>> -> memref<1x1x1x256xf32, #tpu.memory_space<vmem_shared>>
      %dma_start3A_169 = tpu.memref_squeeze %dma_start3A_168 : memref<1x1x1x256xf32, #tpu.memory_space<vmem_shared>> -> memref<256xf32, #tpu.memory_space<vmem_shared>>
      %dma_start3A_170 = arith.constant 0 : i32
      %dma_start3A_171 = tpu.memref_slice %arg11[%arg0, %run_scoped3A_94, %arg1, %dma_start3A_170] : memref<2x16x16x256xf32, #tpu.memory_space<vmem_shared>> -> memref<1x1x1x256xf32, #tpu.memory_space<vmem_shared>>
      %dma_start3A_172 = tpu.memref_squeeze %dma_start3A_171 : memref<1x1x1x256xf32, #tpu.memory_space<vmem_shared>> -> memref<256xf32, #tpu.memory_space<vmem_shared>>
      %dma_start3A_173 = arith.constant 0 : i32
      %dma_start3A_174 = tpu.memref_slice %arg7[%run_scoped3A_93, %dma_start3A_173] : memref<16x256xf32, #tpu.memory_space<vmem>> -> memref<1x256xf32, #tpu.memory_space<vmem>>
      %dma_start3A_175 = tpu.memref_squeeze %dma_start3A_174 : memref<1x256xf32, #tpu.memory_space<vmem>> -> memref<256xf32, #tpu.memory_space<vmem>>
      tpu.enqueue_dma source(%dma_start3A_175 : memref<256xf32, #tpu.memory_space<vmem>>) target(%dma_start3A_172 : memref<256xf32, #tpu.memory_space<vmem_shared>>) target_semaphore(%run_scoped3A_164 : memref<!tpu.dma_semaphore, #tpu.memory_space<semaphore_mem>>)
      %dma_wait3A = arith.constant 0 : i32
      %dma_wait3A_176 = tpu.memref_slice %arg7[%run_scoped3A_93, %dma_wait3A] : memref<16x256xf32, #tpu.memory_space<vmem>> -> memref<1x256xf32, #tpu.memory_space<vmem>>
      %dma_wait3A_177 = tpu.memref_squeeze %dma_wait3A_176 : memref<1x256xf32, #tpu.memory_space<vmem>> -> memref<256xf32, #tpu.memory_space<vmem>>
      %dma_wait3A_178 = arith.constant 0 : i32
      %dma_wait3A_179 = tpu.memref_slice %arg11[%arg0, %run_scoped3A_94, %arg1, %dma_wait3A_178] : memref<2x16x16x256xf32, #tpu.memory_space<vmem_shared>> -> memref<1x1x1x256xf32, #tpu.memory_space<vmem_shared>>
      %dma_wait3A_180 = tpu.memref_squeeze %dma_wait3A_179 : memref<1x1x1x256xf32, #tpu.memory_space<vmem_shared>> -> memref<256xf32, #tpu.memory_space<vmem_shared>>
      %dma_wait3A_181 = arith.constant 0 : i32
      %dma_wait3A_182 = tpu.memref_slice %arg11[%arg0, %run_scoped3A_94, %arg1, %dma_wait3A_181] : memref<2x16x16x256xf32, #tpu.memory_space<vmem_shared>> -> memref<1x1x1x256xf32, #tpu.memory_space<vmem_shared>>
      %dma_wait3A_183 = tpu.memref_squeeze %dma_wait3A_182 : memref<1x1x1x256xf32, #tpu.memory_space<vmem_shared>> -> memref<256xf32, #tpu.memory_space<vmem_shared>>
      %dma_wait3A_184 = arith.constant 0 : i32
      %dma_wait3A_185 = tpu.memref_slice %arg7[%run_scoped3A_93, %dma_wait3A_184] : memref<16x256xf32, #tpu.memory_space<vmem>> -> memref<1x256xf32, #tpu.memory_space<vmem>>
      %dma_wait3A_186 = tpu.memref_squeeze %dma_wait3A_185 : memref<1x256xf32, #tpu.memory_space<vmem>> -> memref<256xf32, #tpu.memory_space<vmem>>
      tpu.wait_dma2 semaphore(%run_scoped3A_164 : memref<!tpu.dma_semaphore, #tpu.memory_space<semaphore_mem>>) src(%dma_wait3A_186 : memref<256xf32, #tpu.memory_space<vmem>>) dst(%dma_wait3A_183 : memref<256xf32, #tpu.memory_space<vmem_shared>>)
      tpu.yield
    }) : () -> ()
    %run_scoped3A_95 = arith.constant 2 : i32
    %run_scoped3A_96 = arith.constant 2 : i32
    "tpu.region"() ({
      %run_scoped3A_164 = tpu.sem_alloc : memref<!tpu.dma_semaphore, #tpu.memory_space<semaphore_mem>>
      %dma_start3A = arith.constant 0 : i32
      %dma_start3A_165 = tpu.memref_slice %arg7[%run_scoped3A_95, %dma_start3A] : memref<16x256xf32, #tpu.memory_space<vmem>> -> memref<1x256xf32, #tpu.memory_space<vmem>>
      %dma_start3A_166 = tpu.memref_squeeze %dma_start3A_165 : memref<1x256xf32, #tpu.memory_space<vmem>> -> memref<256xf32, #tpu.memory_space<vmem>>
      %dma_start3A_167 = arith.constant 0 : i32
      %dma_start3A_168 = tpu.memref_slice %arg11[%arg0, %run_scoped3A_96, %arg1, %dma_start3A_167] : memref<2x16x16x256xf32, #tpu.memory_space<vmem_shared>> -> memref<1x1x1x256xf32, #tpu.memory_space<vmem_shared>>
      %dma_start3A_169 = tpu.memref_squeeze %dma_start3A_168 : memref<1x1x1x256xf32, #tpu.memory_space<vmem_shared>> -> memref<256xf32, #tpu.memory_space<vmem_shared>>
      %dma_start3A_170 = arith.constant 0 : i32
      %dma_start3A_171 = tpu.memref_slice %arg11[%arg0, %run_scoped3A_96, %arg1, %dma_start3A_170] : memref<2x16x16x256xf32, #tpu.memory_space<vmem_shared>> -> memref<1x1x1x256xf32, #tpu.memory_space<vmem_shared>>
      %dma_start3A_172 = tpu.memref_squeeze %dma_start3A_171 : memref<1x1x1x256xf32, #tpu.memory_space<vmem_shared>> -> memref<256xf32, #tpu.memory_space<vmem_shared>>
      %dma_start3A_173 = arith.constant 0 : i32
      %dma_start3A_174 = tpu.memref_slice %arg7[%run_scoped3A_95, %dma_start3A_173] : memref<16x256xf32, #tpu.memory_space<vmem>> -> memref<1x256xf32, #tpu.memory_space<vmem>>
      %dma_start3A_175 = tpu.memref_squeeze %dma_start3A_174 : memref<1x256xf32, #tpu.memory_space<vmem>> -> memref<256xf32, #tpu.memory_space<vmem>>
      tpu.enqueue_dma source(%dma_start3A_175 : memref<256xf32, #tpu.memory_space<vmem>>) target(%dma_start3A_172 : memref<256xf32, #tpu.memory_space<vmem_shared>>) target_semaphore(%run_scoped3A_164 : memref<!tpu.dma_semaphore, #tpu.memory_space<semaphore_mem>>)
      %dma_wait3A = arith.constant 0 : i32
      %dma_wait3A_176 = tpu.memref_slice %arg7[%run_scoped3A_95, %dma_wait3A] : memref<16x256xf32, #tpu.memory_space<vmem>> -> memref<1x256xf32, #tpu.memory_space<vmem>>
      %dma_wait3A_177 = tpu.memref_squeeze %dma_wait3A_176 : memref<1x256xf32, #tpu.memory_space<vmem>> -> memref<256xf32, #tpu.memory_space<vmem>>
      %dma_wait3A_178 = arith.constant 0 : i32
      %dma_wait3A_179 = tpu.memref_slice %arg11[%arg0, %run_scoped3A_96, %arg1, %dma_wait3A_178] : memref<2x16x16x256xf32, #tpu.memory_space<vmem_shared>> -> memref<1x1x1x256xf32, #tpu.memory_space<vmem_shared>>
      %dma_wait3A_180 = tpu.memref_squeeze %dma_wait3A_179 : memref<1x1x1x256xf32, #tpu.memory_space<vmem_shared>> -> memref<256xf32, #tpu.memory_space<vmem_shared>>
      %dma_wait3A_181 = arith.constant 0 : i32
      %dma_wait3A_182 = tpu.memref_slice %arg11[%arg0, %run_scoped3A_96, %arg1, %dma_wait3A_181] : memref<2x16x16x256xf32, #tpu.memory_space<vmem_shared>> -> memref<1x1x1x256xf32, #tpu.memory_space<vmem_shared>>
      %dma_wait3A_183 = tpu.memref_squeeze %dma_wait3A_182 : memref<1x1x1x256xf32, #tpu.memory_space<vmem_shared>> -> memref<256xf32, #tpu.memory_space<vmem_shared>>
      %dma_wait3A_184 = arith.constant 0 : i32
      %dma_wait3A_185 = tpu.memref_slice %arg7[%run_scoped3A_95, %dma_wait3A_184] : memref<16x256xf32, #tpu.memory_space<vmem>> -> memref<1x256xf32, #tpu.memory_space<vmem>>
      %dma_wait3A_186 = tpu.memref_squeeze %dma_wait3A_185 : memref<1x256xf32, #tpu.memory_space<vmem>> -> memref<256xf32, #tpu.memory_space<vmem>>
      tpu.wait_dma2 semaphore(%run_scoped3A_164 : memref<!tpu.dma_semaphore, #tpu.memory_space<semaphore_mem>>) src(%dma_wait3A_186 : memref<256xf32, #tpu.memory_space<vmem>>) dst(%dma_wait3A_183 : memref<256xf32, #tpu.memory_space<vmem_shared>>)
      tpu.yield
    }) : () -> ()
    %run_scoped3A_97 = arith.constant 3 : i32
    %run_scoped3A_98 = arith.constant 3 : i32
    "tpu.region"() ({
      %run_scoped3A_164 = tpu.sem_alloc : memref<!tpu.dma_semaphore, #tpu.memory_space<semaphore_mem>>
      %dma_start3A = arith.constant 0 : i32
      %dma_start3A_165 = tpu.memref_slice %arg7[%run_scoped3A_97, %dma_start3A] : memref<16x256xf32, #tpu.memory_space<vmem>> -> memref<1x256xf32, #tpu.memory_space<vmem>>
      %dma_start3A_166 = tpu.memref_squeeze %dma_start3A_165 : memref<1x256xf32, #tpu.memory_space<vmem>> -> memref<256xf32, #tpu.memory_space<vmem>>
      %dma_start3A_167 = arith.constant 0 : i32
      %dma_start3A_168 = tpu.memref_slice %arg11[%arg0, %run_scoped3A_98, %arg1, %dma_start3A_167] : memref<2x16x16x256xf32, #tpu.memory_space<vmem_shared>> -> memref<1x1x1x256xf32, #tpu.memory_space<vmem_shared>>
      %dma_start3A_169 = tpu.memref_squeeze %dma_start3A_168 : memref<1x1x1x256xf32, #tpu.memory_space<vmem_shared>> -> memref<256xf32, #tpu.memory_space<vmem_shared>>
      %dma_start3A_170 = arith.constant 0 : i32
      %dma_start3A_171 = tpu.memref_slice %arg11[%arg0, %run_scoped3A_98, %arg1, %dma_start3A_170] : memref<2x16x16x256xf32, #tpu.memory_space<vmem_shared>> -> memref<1x1x1x256xf32, #tpu.memory_space<vmem_shared>>
      %dma_start3A_172 = tpu.memref_squeeze %dma_start3A_171 : memref<1x1x1x256xf32, #tpu.memory_space<vmem_shared>> -> memref<256xf32, #tpu.memory_space<vmem_shared>>
      %dma_start3A_173 = arith.constant 0 : i32
      %dma_start3A_174 = tpu.memref_slice %arg7[%run_scoped3A_97, %dma_start3A_173] : memref<16x256xf32, #tpu.memory_space<vmem>> -> memref<1x256xf32, #tpu.memory_space<vmem>>
      %dma_start3A_175 = tpu.memref_squeeze %dma_start3A_174 : memref<1x256xf32, #tpu.memory_space<vmem>> -> memref<256xf32, #tpu.memory_space<vmem>>
      tpu.enqueue_dma source(%dma_start3A_175 : memref<256xf32, #tpu.memory_space<vmem>>) target(%dma_start3A_172 : memref<256xf32, #tpu.memory_space<vmem_shared>>) target_semaphore(%run_scoped3A_164 : memref<!tpu.dma_semaphore, #tpu.memory_space<semaphore_mem>>)
      %dma_wait3A = arith.constant 0 : i32
      %dma_wait3A_176 = tpu.memref_slice %arg7[%run_scoped3A_97, %dma_wait3A] : memref<16x256xf32, #tpu.memory_space<vmem>> -> memref<1x256xf32, #tpu.memory_space<vmem>>
      %dma_wait3A_177 = tpu.memref_squeeze %dma_wait3A_176 : memref<1x256xf32, #tpu.memory_space<vmem>> -> memref<256xf32, #tpu.memory_space<vmem>>
      %dma_wait3A_178 = arith.constant 0 : i32
      %dma_wait3A_179 = tpu.memref_slice %arg11[%arg0, %run_scoped3A_98, %arg1, %dma_wait3A_178] : memref<2x16x16x256xf32, #tpu.memory_space<vmem_shared>> -> memref<1x1x1x256xf32, #tpu.memory_space<vmem_shared>>
      %dma_wait3A_180 = tpu.memref_squeeze %dma_wait3A_179 : memref<1x1x1x256xf32, #tpu.memory_space<vmem_shared>> -> memref<256xf32, #tpu.memory_space<vmem_shared>>
      %dma_wait3A_181 = arith.constant 0 : i32
      %dma_wait3A_182 = tpu.memref_slice %arg11[%arg0, %run_scoped3A_98, %arg1, %dma_wait3A_181] : memref<2x16x16x256xf32, #tpu.memory_space<vmem_shared>> -> memref<1x1x1x256xf32, #tpu.memory_space<vmem_shared>>
      %dma_wait3A_183 = tpu.memref_squeeze %dma_wait3A_182 : memref<1x1x1x256xf32, #tpu.memory_space<vmem_shared>> -> memref<256xf32, #tpu.memory_space<vmem_shared>>
      %dma_wait3A_184 = arith.constant 0 : i32
      %dma_wait3A_185 = tpu.memref_slice %arg7[%run_scoped3A_97, %dma_wait3A_184] : memref<16x256xf32, #tpu.memory_space<vmem>> -> memref<1x256xf32, #tpu.memory_space<vmem>>
      %dma_wait3A_186 = tpu.memref_squeeze %dma_wait3A_185 : memref<1x256xf32, #tpu.memory_space<vmem>> -> memref<256xf32, #tpu.memory_space<vmem>>
      tpu.wait_dma2 semaphore(%run_scoped3A_164 : memref<!tpu.dma_semaphore, #tpu.memory_space<semaphore_mem>>) src(%dma_wait3A_186 : memref<256xf32, #tpu.memory_space<vmem>>) dst(%dma_wait3A_183 : memref<256xf32, #tpu.memory_space<vmem_shared>>)
      tpu.yield
    }) : () -> ()
    %run_scoped3A_99 = arith.constant 4 : i32
    %run_scoped3A_100 = arith.constant 4 : i32
    "tpu.region"() ({
      %run_scoped3A_164 = tpu.sem_alloc : memref<!tpu.dma_semaphore, #tpu.memory_space<semaphore_mem>>
      %dma_start3A = arith.constant 0 : i32
      %dma_start3A_165 = tpu.memref_slice %arg7[%run_scoped3A_99, %dma_start3A] : memref<16x256xf32, #tpu.memory_space<vmem>> -> memref<1x256xf32, #tpu.memory_space<vmem>>
      %dma_start3A_166 = tpu.memref_squeeze %dma_start3A_165 : memref<1x256xf32, #tpu.memory_space<vmem>> -> memref<256xf32, #tpu.memory_space<vmem>>
      %dma_start3A_167 = arith.constant 0 : i32
      %dma_start3A_168 = tpu.memref_slice %arg11[%arg0, %run_scoped3A_100, %arg1, %dma_start3A_167] : memref<2x16x16x256xf32, #tpu.memory_space<vmem_shared>> -> memref<1x1x1x256xf32, #tpu.memory_space<vmem_shared>>
      %dma_start3A_169 = tpu.memref_squeeze %dma_start3A_168 : memref<1x1x1x256xf32, #tpu.memory_space<vmem_shared>> -> memref<256xf32, #tpu.memory_space<vmem_shared>>
      %dma_start3A_170 = arith.constant 0 : i32
      %dma_start3A_171 = tpu.memref_slice %arg11[%arg0, %run_scoped3A_100, %arg1, %dma_start3A_170] : memref<2x16x16x256xf32, #tpu.memory_space<vmem_shared>> -> memref<1x1x1x256xf32, #tpu.memory_space<vmem_shared>>
      %dma_start3A_172 = tpu.memref_squeeze %dma_start3A_171 : memref<1x1x1x256xf32, #tpu.memory_space<vmem_shared>> -> memref<256xf32, #tpu.memory_space<vmem_shared>>
      %dma_start3A_173 = arith.constant 0 : i32
      %dma_start3A_174 = tpu.memref_slice %arg7[%run_scoped3A_99, %dma_start3A_173] : memref<16x256xf32, #tpu.memory_space<vmem>> -> memref<1x256xf32, #tpu.memory_space<vmem>>
      %dma_start3A_175 = tpu.memref_squeeze %dma_start3A_174 : memref<1x256xf32, #tpu.memory_space<vmem>> -> memref<256xf32, #tpu.memory_space<vmem>>
      tpu.enqueue_dma source(%dma_start3A_175 : memref<256xf32, #tpu.memory_space<vmem>>) target(%dma_start3A_172 : memref<256xf32, #tpu.memory_space<vmem_shared>>) target_semaphore(%run_scoped3A_164 : memref<!tpu.dma_semaphore, #tpu.memory_space<semaphore_mem>>)
      %dma_wait3A = arith.constant 0 : i32
      %dma_wait3A_176 = tpu.memref_slice %arg7[%run_scoped3A_99, %dma_wait3A] : memref<16x256xf32, #tpu.memory_space<vmem>> -> memref<1x256xf32, #tpu.memory_space<vmem>>
      %dma_wait3A_177 = tpu.memref_squeeze %dma_wait3A_176 : memref<1x256xf32, #tpu.memory_space<vmem>> -> memref<256xf32, #tpu.memory_space<vmem>>
      %dma_wait3A_178 = arith.constant 0 : i32
      %dma_wait3A_179 = tpu.memref_slice %arg11[%arg0, %run_scoped3A_100, %arg1, %dma_wait3A_178] : memref<2x16x16x256xf32, #tpu.memory_space<vmem_shared>> -> memref<1x1x1x256xf32, #tpu.memory_space<vmem_shared>>
      %dma_wait3A_180 = tpu.memref_squeeze %dma_wait3A_179 : memref<1x1x1x256xf32, #tpu.memory_space<vmem_shared>> -> memref<256xf32, #tpu.memory_space<vmem_shared>>
      %dma_wait3A_181 = arith.constant 0 : i32
      %dma_wait3A_182 = tpu.memref_slice %arg11[%arg0, %run_scoped3A_100, %arg1, %dma_wait3A_181] : memref<2x16x16x256xf32, #tpu.memory_space<vmem_shared>> -> memref<1x1x1x256xf32, #tpu.memory_space<vmem_shared>>
      %dma_wait3A_183 = tpu.memref_squeeze %dma_wait3A_182 : memref<1x1x1x256xf32, #tpu.memory_space<vmem_shared>> -> memref<256xf32, #tpu.memory_space<vmem_shared>>
      %dma_wait3A_184 = arith.constant 0 : i32
      %dma_wait3A_185 = tpu.memref_slice %arg7[%run_scoped3A_99, %dma_wait3A_184] : memref<16x256xf32, #tpu.memory_space<vmem>> -> memref<1x256xf32, #tpu.memory_space<vmem>>
      %dma_wait3A_186 = tpu.memref_squeeze %dma_wait3A_185 : memref<1x256xf32, #tpu.memory_space<vmem>> -> memref<256xf32, #tpu.memory_space<vmem>>
      tpu.wait_dma2 semaphore(%run_scoped3A_164 : memref<!tpu.dma_semaphore, #tpu.memory_space<semaphore_mem>>) src(%dma_wait3A_186 : memref<256xf32, #tpu.memory_space<vmem>>) dst(%dma_wait3A_183 : memref<256xf32, #tpu.memory_space<vmem_shared>>)
      tpu.yield
    }) : () -> ()
    %run_scoped3A_101 = arith.constant 5 : i32
    %run_scoped3A_102 = arith.constant 5 : i32
    "tpu.region"() ({
      %run_scoped3A_164 = tpu.sem_alloc : memref<!tpu.dma_semaphore, #tpu.memory_space<semaphore_mem>>
      %dma_start3A = arith.constant 0 : i32
      %dma_start3A_165 = tpu.memref_slice %arg7[%run_scoped3A_101, %dma_start3A] : memref<16x256xf32, #tpu.memory_space<vmem>> -> memref<1x256xf32, #tpu.memory_space<vmem>>
      %dma_start3A_166 = tpu.memref_squeeze %dma_start3A_165 : memref<1x256xf32, #tpu.memory_space<vmem>> -> memref<256xf32, #tpu.memory_space<vmem>>
      %dma_start3A_167 = arith.constant 0 : i32
      %dma_start3A_168 = tpu.memref_slice %arg11[%arg0, %run_scoped3A_102, %arg1, %dma_start3A_167] : memref<2x16x16x256xf32, #tpu.memory_space<vmem_shared>> -> memref<1x1x1x256xf32, #tpu.memory_space<vmem_shared>>
      %dma_start3A_169 = tpu.memref_squeeze %dma_start3A_168 : memref<1x1x1x256xf32, #tpu.memory_space<vmem_shared>> -> memref<256xf32, #tpu.memory_space<vmem_shared>>
      %dma_start3A_170 = arith.constant 0 : i32
      %dma_start3A_171 = tpu.memref_slice %arg11[%arg0, %run_scoped3A_102, %arg1, %dma_start3A_170] : memref<2x16x16x256xf32, #tpu.memory_space<vmem_shared>> -> memref<1x1x1x256xf32, #tpu.memory_space<vmem_shared>>
      %dma_start3A_172 = tpu.memref_squeeze %dma_start3A_171 : memref<1x1x1x256xf32, #tpu.memory_space<vmem_shared>> -> memref<256xf32, #tpu.memory_space<vmem_shared>>
      %dma_start3A_173 = arith.constant 0 : i32
      %dma_start3A_174 = tpu.memref_slice %arg7[%run_scoped3A_101, %dma_start3A_173] : memref<16x256xf32, #tpu.memory_space<vmem>> -> memref<1x256xf32, #tpu.memory_space<vmem>>
      %dma_start3A_175 = tpu.memref_squeeze %dma_start3A_174 : memref<1x256xf32, #tpu.memory_space<vmem>> -> memref<256xf32, #tpu.memory_space<vmem>>
      tpu.enqueue_dma source(%dma_start3A_175 : memref<256xf32, #tpu.memory_space<vmem>>) target(%dma_start3A_172 : memref<256xf32, #tpu.memory_space<vmem_shared>>) target_semaphore(%run_scoped3A_164 : memref<!tpu.dma_semaphore, #tpu.memory_space<semaphore_mem>>)
      %dma_wait3A = arith.constant 0 : i32
      %dma_wait3A_176 = tpu.memref_slice %arg7[%run_scoped3A_101, %dma_wait3A] : memref<16x256xf32, #tpu.memory_space<vmem>> -> memref<1x256xf32, #tpu.memory_space<vmem>>
      %dma_wait3A_177 = tpu.memref_squeeze %dma_wait3A_176 : memref<1x256xf32, #tpu.memory_space<vmem>> -> memref<256xf32, #tpu.memory_space<vmem>>
      %dma_wait3A_178 = arith.constant 0 : i32
      %dma_wait3A_179 = tpu.memref_slice %arg11[%arg0, %run_scoped3A_102, %arg1, %dma_wait3A_178] : memref<2x16x16x256xf32, #tpu.memory_space<vmem_shared>> -> memref<1x1x1x256xf32, #tpu.memory_space<vmem_shared>>
      %dma_wait3A_180 = tpu.memref_squeeze %dma_wait3A_179 : memref<1x1x1x256xf32, #tpu.memory_space<vmem_shared>> -> memref<256xf32, #tpu.memory_space<vmem_shared>>
      %dma_wait3A_181 = arith.constant 0 : i32
      %dma_wait3A_182 = tpu.memref_slice %arg11[%arg0, %run_scoped3A_102, %arg1, %dma_wait3A_181] : memref<2x16x16x256xf32, #tpu.memory_space<vmem_shared>> -> memref<1x1x1x256xf32, #tpu.memory_space<vmem_shared>>
      %dma_wait3A_183 = tpu.memref_squeeze %dma_wait3A_182 : memref<1x1x1x256xf32, #tpu.memory_space<vmem_shared>> -> memref<256xf32, #tpu.memory_space<vmem_shared>>
      %dma_wait3A_184 = arith.constant 0 : i32
      %dma_wait3A_185 = tpu.memref_slice %arg7[%run_scoped3A_101, %dma_wait3A_184] : memref<16x256xf32, #tpu.memory_space<vmem>> -> memref<1x256xf32, #tpu.memory_space<vmem>>
      %dma_wait3A_186 = tpu.memref_squeeze %dma_wait3A_185 : memref<1x256xf32, #tpu.memory_space<vmem>> -> memref<256xf32, #tpu.memory_space<vmem>>
      tpu.wait_dma2 semaphore(%run_scoped3A_164 : memref<!tpu.dma_semaphore, #tpu.memory_space<semaphore_mem>>) src(%dma_wait3A_186 : memref<256xf32, #tpu.memory_space<vmem>>) dst(%dma_wait3A_183 : memref<256xf32, #tpu.memory_space<vmem_shared>>)
      tpu.yield
    }) : () -> ()
    %run_scoped3A_103 = arith.constant 6 : i32
    %run_scoped3A_104 = arith.constant 6 : i32
    "tpu.region"() ({
      %run_scoped3A_164 = tpu.sem_alloc : memref<!tpu.dma_semaphore, #tpu.memory_space<semaphore_mem>>
      %dma_start3A = arith.constant 0 : i32
      %dma_start3A_165 = tpu.memref_slice %arg7[%run_scoped3A_103, %dma_start3A] : memref<16x256xf32, #tpu.memory_space<vmem>> -> memref<1x256xf32, #tpu.memory_space<vmem>>
      %dma_start3A_166 = tpu.memref_squeeze %dma_start3A_165 : memref<1x256xf32, #tpu.memory_space<vmem>> -> memref<256xf32, #tpu.memory_space<vmem>>
      %dma_start3A_167 = arith.constant 0 : i32
      %dma_start3A_168 = tpu.memref_slice %arg11[%arg0, %run_scoped3A_104, %arg1, %dma_start3A_167] : memref<2x16x16x256xf32, #tpu.memory_space<vmem_shared>> -> memref<1x1x1x256xf32, #tpu.memory_space<vmem_shared>>
      %dma_start3A_169 = tpu.memref_squeeze %dma_start3A_168 : memref<1x1x1x256xf32, #tpu.memory_space<vmem_shared>> -> memref<256xf32, #tpu.memory_space<vmem_shared>>
      %dma_start3A_170 = arith.constant 0 : i32
      %dma_start3A_171 = tpu.memref_slice %arg11[%arg0, %run_scoped3A_104, %arg1, %dma_start3A_170] : memref<2x16x16x256xf32, #tpu.memory_space<vmem_shared>> -> memref<1x1x1x256xf32, #tpu.memory_space<vmem_shared>>
      %dma_start3A_172 = tpu.memref_squeeze %dma_start3A_171 : memref<1x1x1x256xf32, #tpu.memory_space<vmem_shared>> -> memref<256xf32, #tpu.memory_space<vmem_shared>>
      %dma_start3A_173 = arith.constant 0 : i32
      %dma_start3A_174 = tpu.memref_slice %arg7[%run_scoped3A_103, %dma_start3A_173] : memref<16x256xf32, #tpu.memory_space<vmem>> -> memref<1x256xf32, #tpu.memory_space<vmem>>
      %dma_start3A_175 = tpu.memref_squeeze %dma_start3A_174 : memref<1x256xf32, #tpu.memory_space<vmem>> -> memref<256xf32, #tpu.memory_space<vmem>>
      tpu.enqueue_dma source(%dma_start3A_175 : memref<256xf32, #tpu.memory_space<vmem>>) target(%dma_start3A_172 : memref<256xf32, #tpu.memory_space<vmem_shared>>) target_semaphore(%run_scoped3A_164 : memref<!tpu.dma_semaphore, #tpu.memory_space<semaphore_mem>>)
      %dma_wait3A = arith.constant 0 : i32
      %dma_wait3A_176 = tpu.memref_slice %arg7[%run_scoped3A_103, %dma_wait3A] : memref<16x256xf32, #tpu.memory_space<vmem>> -> memref<1x256xf32, #tpu.memory_space<vmem>>
      %dma_wait3A_177 = tpu.memref_squeeze %dma_wait3A_176 : memref<1x256xf32, #tpu.memory_space<vmem>> -> memref<256xf32, #tpu.memory_space<vmem>>
      %dma_wait3A_178 = arith.constant 0 : i32
      %dma_wait3A_179 = tpu.memref_slice %arg11[%arg0, %run_scoped3A_104, %arg1, %dma_wait3A_178] : memref<2x16x16x256xf32, #tpu.memory_space<vmem_shared>> -> memref<1x1x1x256xf32, #tpu.memory_space<vmem_shared>>
      %dma_wait3A_180 = tpu.memref_squeeze %dma_wait3A_179 : memref<1x1x1x256xf32, #tpu.memory_space<vmem_shared>> -> memref<256xf32, #tpu.memory_space<vmem_shared>>
      %dma_wait3A_181 = arith.constant 0 : i32
      %dma_wait3A_182 = tpu.memref_slice %arg11[%arg0, %run_scoped3A_104, %arg1, %dma_wait3A_181] : memref<2x16x16x256xf32, #tpu.memory_space<vmem_shared>> -> memref<1x1x1x256xf32, #tpu.memory_space<vmem_shared>>
      %dma_wait3A_183 = tpu.memref_squeeze %dma_wait3A_182 : memref<1x1x1x256xf32, #tpu.memory_space<vmem_shared>> -> memref<256xf32, #tpu.memory_space<vmem_shared>>
      %dma_wait3A_184 = arith.constant 0 : i32
      %dma_wait3A_185 = tpu.memref_slice %arg7[%run_scoped3A_103, %dma_wait3A_184] : memref<16x256xf32, #tpu.memory_space<vmem>> -> memref<1x256xf32, #tpu.memory_space<vmem>>
      %dma_wait3A_186 = tpu.memref_squeeze %dma_wait3A_185 : memref<1x256xf32, #tpu.memory_space<vmem>> -> memref<256xf32, #tpu.memory_space<vmem>>
      tpu.wait_dma2 semaphore(%run_scoped3A_164 : memref<!tpu.dma_semaphore, #tpu.memory_space<semaphore_mem>>) src(%dma_wait3A_186 : memref<256xf32, #tpu.memory_space<vmem>>) dst(%dma_wait3A_183 : memref<256xf32, #tpu.memory_space<vmem_shared>>)
      tpu.yield
    }) : () -> ()
    %run_scoped3A_105 = arith.constant 7 : i32
    %run_scoped3A_106 = arith.constant 7 : i32
    "tpu.region"() ({
      %run_scoped3A_164 = tpu.sem_alloc : memref<!tpu.dma_semaphore, #tpu.memory_space<semaphore_mem>>
      %dma_start3A = arith.constant 0 : i32
      %dma_start3A_165 = tpu.memref_slice %arg7[%run_scoped3A_105, %dma_start3A] : memref<16x256xf32, #tpu.memory_space<vmem>> -> memref<1x256xf32, #tpu.memory_space<vmem>>
      %dma_start3A_166 = tpu.memref_squeeze %dma_start3A_165 : memref<1x256xf32, #tpu.memory_space<vmem>> -> memref<256xf32, #tpu.memory_space<vmem>>
      %dma_start3A_167 = arith.constant 0 : i32
      %dma_start3A_168 = tpu.memref_slice %arg11[%arg0, %run_scoped3A_106, %arg1, %dma_start3A_167] : memref<2x16x16x256xf32, #tpu.memory_space<vmem_shared>> -> memref<1x1x1x256xf32, #tpu.memory_space<vmem_shared>>
      %dma_start3A_169 = tpu.memref_squeeze %dma_start3A_168 : memref<1x1x1x256xf32, #tpu.memory_space<vmem_shared>> -> memref<256xf32, #tpu.memory_space<vmem_shared>>
      %dma_start3A_170 = arith.constant 0 : i32
      %dma_start3A_171 = tpu.memref_slice %arg11[%arg0, %run_scoped3A_106, %arg1, %dma_start3A_170] : memref<2x16x16x256xf32, #tpu.memory_space<vmem_shared>> -> memref<1x1x1x256xf32, #tpu.memory_space<vmem_shared>>
      %dma_start3A_172 = tpu.memref_squeeze %dma_start3A_171 : memref<1x1x1x256xf32, #tpu.memory_space<vmem_shared>> -> memref<256xf32, #tpu.memory_space<vmem_shared>>
      %dma_start3A_173 = arith.constant 0 : i32
      %dma_start3A_174 = tpu.memref_slice %arg7[%run_scoped3A_105, %dma_start3A_173] : memref<16x256xf32, #tpu.memory_space<vmem>> -> memref<1x256xf32, #tpu.memory_space<vmem>>
      %dma_start3A_175 = tpu.memref_squeeze %dma_start3A_174 : memref<1x256xf32, #tpu.memory_space<vmem>> -> memref<256xf32, #tpu.memory_space<vmem>>
      tpu.enqueue_dma source(%dma_start3A_175 : memref<256xf32, #tpu.memory_space<vmem>>) target(%dma_start3A_172 : memref<256xf32, #tpu.memory_space<vmem_shared>>) target_semaphore(%run_scoped3A_164 : memref<!tpu.dma_semaphore, #tpu.memory_space<semaphore_mem>>)
      %dma_wait3A = arith.constant 0 : i32
      %dma_wait3A_176 = tpu.memref_slice %arg7[%run_scoped3A_105, %dma_wait3A] : memref<16x256xf32, #tpu.memory_space<vmem>> -> memref<1x256xf32, #tpu.memory_space<vmem>>
      %dma_wait3A_177 = tpu.memref_squeeze %dma_wait3A_176 : memref<1x256xf32, #tpu.memory_space<vmem>> -> memref<256xf32, #tpu.memory_space<vmem>>
      %dma_wait3A_178 = arith.constant 0 : i32
      %dma_wait3A_179 = tpu.memref_slice %arg11[%arg0, %run_scoped3A_106, %arg1, %dma_wait3A_178] : memref<2x16x16x256xf32, #tpu.memory_space<vmem_shared>> -> memref<1x1x1x256xf32, #tpu.memory_space<vmem_shared>>
      %dma_wait3A_180 = tpu.memref_squeeze %dma_wait3A_179 : memref<1x1x1x256xf32, #tpu.memory_space<vmem_shared>> -> memref<256xf32, #tpu.memory_space<vmem_shared>>
      %dma_wait3A_181 = arith.constant 0 : i32
      %dma_wait3A_182 = tpu.memref_slice %arg11[%arg0, %run_scoped3A_106, %arg1, %dma_wait3A_181] : memref<2x16x16x256xf32, #tpu.memory_space<vmem_shared>> -> memref<1x1x1x256xf32, #tpu.memory_space<vmem_shared>>
      %dma_wait3A_183 = tpu.memref_squeeze %dma_wait3A_182 : memref<1x1x1x256xf32, #tpu.memory_space<vmem_shared>> -> memref<256xf32, #tpu.memory_space<vmem_shared>>
      %dma_wait3A_184 = arith.constant 0 : i32
      %dma_wait3A_185 = tpu.memref_slice %arg7[%run_scoped3A_105, %dma_wait3A_184] : memref<16x256xf32, #tpu.memory_space<vmem>> -> memref<1x256xf32, #tpu.memory_space<vmem>>
      %dma_wait3A_186 = tpu.memref_squeeze %dma_wait3A_185 : memref<1x256xf32, #tpu.memory_space<vmem>> -> memref<256xf32, #tpu.memory_space<vmem>>
      tpu.wait_dma2 semaphore(%run_scoped3A_164 : memref<!tpu.dma_semaphore, #tpu.memory_space<semaphore_mem>>) src(%dma_wait3A_186 : memref<256xf32, #tpu.memory_space<vmem>>) dst(%dma_wait3A_183 : memref<256xf32, #tpu.memory_space<vmem_shared>>)
      tpu.yield
    }) : () -> ()
    %run_scoped3A_107 = arith.constant 8 : i32
    %run_scoped3A_108 = arith.constant 8 : i32
    "tpu.region"() ({
      %run_scoped3A_164 = tpu.sem_alloc : memref<!tpu.dma_semaphore, #tpu.memory_space<semaphore_mem>>
      %dma_start3A = arith.constant 0 : i32
      %dma_start3A_165 = tpu.memref_slice %arg7[%run_scoped3A_107, %dma_start3A] : memref<16x256xf32, #tpu.memory_space<vmem>> -> memref<1x256xf32, #tpu.memory_space<vmem>>
      %dma_start3A_166 = tpu.memref_squeeze %dma_start3A_165 : memref<1x256xf32, #tpu.memory_space<vmem>> -> memref<256xf32, #tpu.memory_space<vmem>>
      %dma_start3A_167 = arith.constant 0 : i32
      %dma_start3A_168 = tpu.memref_slice %arg11[%arg0, %run_scoped3A_108, %arg1, %dma_start3A_167] : memref<2x16x16x256xf32, #tpu.memory_space<vmem_shared>> -> memref<1x1x1x256xf32, #tpu.memory_space<vmem_shared>>
      %dma_start3A_169 = tpu.memref_squeeze %dma_start3A_168 : memref<1x1x1x256xf32, #tpu.memory_space<vmem_shared>> -> memref<256xf32, #tpu.memory_space<vmem_shared>>
      %dma_start3A_170 = arith.constant 0 : i32
      %dma_start3A_171 = tpu.memref_slice %arg11[%arg0, %run_scoped3A_108, %arg1, %dma_start3A_170] : memref<2x16x16x256xf32, #tpu.memory_space<vmem_shared>> -> memref<1x1x1x256xf32, #tpu.memory_space<vmem_shared>>
      %dma_start3A_172 = tpu.memref_squeeze %dma_start3A_171 : memref<1x1x1x256xf32, #tpu.memory_space<vmem_shared>> -> memref<256xf32, #tpu.memory_space<vmem_shared>>
      %dma_start3A_173 = arith.constant 0 : i32
      %dma_start3A_174 = tpu.memref_slice %arg7[%run_scoped3A_107, %dma_start3A_173] : memref<16x256xf32, #tpu.memory_space<vmem>> -> memref<1x256xf32, #tpu.memory_space<vmem>>
      %dma_start3A_175 = tpu.memref_squeeze %dma_start3A_174 : memref<1x256xf32, #tpu.memory_space<vmem>> -> memref<256xf32, #tpu.memory_space<vmem>>
      tpu.enqueue_dma source(%dma_start3A_175 : memref<256xf32, #tpu.memory_space<vmem>>) target(%dma_start3A_172 : memref<256xf32, #tpu.memory_space<vmem_shared>>) target_semaphore(%run_scoped3A_164 : memref<!tpu.dma_semaphore, #tpu.memory_space<semaphore_mem>>)
      %dma_wait3A = arith.constant 0 : i32
      %dma_wait3A_176 = tpu.memref_slice %arg7[%run_scoped3A_107, %dma_wait3A] : memref<16x256xf32, #tpu.memory_space<vmem>> -> memref<1x256xf32, #tpu.memory_space<vmem>>
      %dma_wait3A_177 = tpu.memref_squeeze %dma_wait3A_176 : memref<1x256xf32, #tpu.memory_space<vmem>> -> memref<256xf32, #tpu.memory_space<vmem>>
      %dma_wait3A_178 = arith.constant 0 : i32
      %dma_wait3A_179 = tpu.memref_slice %arg11[%arg0, %run_scoped3A_108, %arg1, %dma_wait3A_178] : memref<2x16x16x256xf32, #tpu.memory_space<vmem_shared>> -> memref<1x1x1x256xf32, #tpu.memory_space<vmem_shared>>
      %dma_wait3A_180 = tpu.memref_squeeze %dma_wait3A_179 : memref<1x1x1x256xf32, #tpu.memory_space<vmem_shared>> -> memref<256xf32, #tpu.memory_space<vmem_shared>>
      %dma_wait3A_181 = arith.constant 0 : i32
      %dma_wait3A_182 = tpu.memref_slice %arg11[%arg0, %run_scoped3A_108, %arg1, %dma_wait3A_181] : memref<2x16x16x256xf32, #tpu.memory_space<vmem_shared>> -> memref<1x1x1x256xf32, #tpu.memory_space<vmem_shared>>
      %dma_wait3A_183 = tpu.memref_squeeze %dma_wait3A_182 : memref<1x1x1x256xf32, #tpu.memory_space<vmem_shared>> -> memref<256xf32, #tpu.memory_space<vmem_shared>>
      %dma_wait3A_184 = arith.constant 0 : i32
      %dma_wait3A_185 = tpu.memref_slice %arg7[%run_scoped3A_107, %dma_wait3A_184] : memref<16x256xf32, #tpu.memory_space<vmem>> -> memref<1x256xf32, #tpu.memory_space<vmem>>
      %dma_wait3A_186 = tpu.memref_squeeze %dma_wait3A_185 : memref<1x256xf32, #tpu.memory_space<vmem>> -> memref<256xf32, #tpu.memory_space<vmem>>
      tpu.wait_dma2 semaphore(%run_scoped3A_164 : memref<!tpu.dma_semaphore, #tpu.memory_space<semaphore_mem>>) src(%dma_wait3A_186 : memref<256xf32, #tpu.memory_space<vmem>>) dst(%dma_wait3A_183 : memref<256xf32, #tpu.memory_space<vmem_shared>>)
      tpu.yield
    }) : () -> ()
    %run_scoped3A_109 = arith.constant 9 : i32
    %run_scoped3A_110 = arith.constant 9 : i32
    "tpu.region"() ({
      %run_scoped3A_164 = tpu.sem_alloc : memref<!tpu.dma_semaphore, #tpu.memory_space<semaphore_mem>>
      %dma_start3A = arith.constant 0 : i32
      %dma_start3A_165 = tpu.memref_slice %arg7[%run_scoped3A_109, %dma_start3A] : memref<16x256xf32, #tpu.memory_space<vmem>> -> memref<1x256xf32, #tpu.memory_space<vmem>>
      %dma_start3A_166 = tpu.memref_squeeze %dma_start3A_165 : memref<1x256xf32, #tpu.memory_space<vmem>> -> memref<256xf32, #tpu.memory_space<vmem>>
      %dma_start3A_167 = arith.constant 0 : i32
      %dma_start3A_168 = tpu.memref_slice %arg11[%arg0, %run_scoped3A_110, %arg1, %dma_start3A_167] : memref<2x16x16x256xf32, #tpu.memory_space<vmem_shared>> -> memref<1x1x1x256xf32, #tpu.memory_space<vmem_shared>>
      %dma_start3A_169 = tpu.memref_squeeze %dma_start3A_168 : memref<1x1x1x256xf32, #tpu.memory_space<vmem_shared>> -> memref<256xf32, #tpu.memory_space<vmem_shared>>
      %dma_start3A_170 = arith.constant 0 : i32
      %dma_start3A_171 = tpu.memref_slice %arg11[%arg0, %run_scoped3A_110, %arg1, %dma_start3A_170] : memref<2x16x16x256xf32, #tpu.memory_space<vmem_shared>> -> memref<1x1x1x256xf32, #tpu.memory_space<vmem_shared>>
      %dma_start3A_172 = tpu.memref_squeeze %dma_start3A_171 : memref<1x1x1x256xf32, #tpu.memory_space<vmem_shared>> -> memref<256xf32, #tpu.memory_space<vmem_shared>>
      %dma_start3A_173 = arith.constant 0 : i32
      %dma_start3A_174 = tpu.memref_slice %arg7[%run_scoped3A_109, %dma_start3A_173] : memref<16x256xf32, #tpu.memory_space<vmem>> -> memref<1x256xf32, #tpu.memory_space<vmem>>
      %dma_start3A_175 = tpu.memref_squeeze %dma_start3A_174 : memref<1x256xf32, #tpu.memory_space<vmem>> -> memref<256xf32, #tpu.memory_space<vmem>>
      tpu.enqueue_dma source(%dma_start3A_175 : memref<256xf32, #tpu.memory_space<vmem>>) target(%dma_start3A_172 : memref<256xf32, #tpu.memory_space<vmem_shared>>) target_semaphore(%run_scoped3A_164 : memref<!tpu.dma_semaphore, #tpu.memory_space<semaphore_mem>>)
      %dma_wait3A = arith.constant 0 : i32
      %dma_wait3A_176 = tpu.memref_slice %arg7[%run_scoped3A_109, %dma_wait3A] : memref<16x256xf32, #tpu.memory_space<vmem>> -> memref<1x256xf32, #tpu.memory_space<vmem>>
      %dma_wait3A_177 = tpu.memref_squeeze %dma_wait3A_176 : memref<1x256xf32, #tpu.memory_space<vmem>> -> memref<256xf32, #tpu.memory_space<vmem>>
      %dma_wait3A_178 = arith.constant 0 : i32
      %dma_wait3A_179 = tpu.memref_slice %arg11[%arg0, %run_scoped3A_110, %arg1, %dma_wait3A_178] : memref<2x16x16x256xf32, #tpu.memory_space<vmem_shared>> -> memref<1x1x1x256xf32, #tpu.memory_space<vmem_shared>>
      %dma_wait3A_180 = tpu.memref_squeeze %dma_wait3A_179 : memref<1x1x1x256xf32, #tpu.memory_space<vmem_shared>> -> memref<256xf32, #tpu.memory_space<vmem_shared>>
      %dma_wait3A_181 = arith.constant 0 : i32
      %dma_wait3A_182 = tpu.memref_slice %arg11[%arg0, %run_scoped3A_110, %arg1, %dma_wait3A_181] : memref<2x16x16x256xf32, #tpu.memory_space<vmem_shared>> -> memref<1x1x1x256xf32, #tpu.memory_space<vmem_shared>>
      %dma_wait3A_183 = tpu.memref_squeeze %dma_wait3A_182 : memref<1x1x1x256xf32, #tpu.memory_space<vmem_shared>> -> memref<256xf32, #tpu.memory_space<vmem_shared>>
      %dma_wait3A_184 = arith.constant 0 : i32
      %dma_wait3A_185 = tpu.memref_slice %arg7[%run_scoped3A_109, %dma_wait3A_184] : memref<16x256xf32, #tpu.memory_space<vmem>> -> memref<1x256xf32, #tpu.memory_space<vmem>>
      %dma_wait3A_186 = tpu.memref_squeeze %dma_wait3A_185 : memref<1x256xf32, #tpu.memory_space<vmem>> -> memref<256xf32, #tpu.memory_space<vmem>>
      tpu.wait_dma2 semaphore(%run_scoped3A_164 : memref<!tpu.dma_semaphore, #tpu.memory_space<semaphore_mem>>) src(%dma_wait3A_186 : memref<256xf32, #tpu.memory_space<vmem>>) dst(%dma_wait3A_183 : memref<256xf32, #tpu.memory_space<vmem_shared>>)
      tpu.yield
    }) : () -> ()
    %run_scoped3A_111 = arith.constant 10 : i32
    %run_scoped3A_112 = arith.constant 10 : i32
    "tpu.region"() ({
      %run_scoped3A_164 = tpu.sem_alloc : memref<!tpu.dma_semaphore, #tpu.memory_space<semaphore_mem>>
      %dma_start3A = arith.constant 0 : i32
      %dma_start3A_165 = tpu.memref_slice %arg7[%run_scoped3A_111, %dma_start3A] : memref<16x256xf32, #tpu.memory_space<vmem>> -> memref<1x256xf32, #tpu.memory_space<vmem>>
      %dma_start3A_166 = tpu.memref_squeeze %dma_start3A_165 : memref<1x256xf32, #tpu.memory_space<vmem>> -> memref<256xf32, #tpu.memory_space<vmem>>
      %dma_start3A_167 = arith.constant 0 : i32
      %dma_start3A_168 = tpu.memref_slice %arg11[%arg0, %run_scoped3A_112, %arg1, %dma_start3A_167] : memref<2x16x16x256xf32, #tpu.memory_space<vmem_shared>> -> memref<1x1x1x256xf32, #tpu.memory_space<vmem_shared>>
      %dma_start3A_169 = tpu.memref_squeeze %dma_start3A_168 : memref<1x1x1x256xf32, #tpu.memory_space<vmem_shared>> -> memref<256xf32, #tpu.memory_space<vmem_shared>>
      %dma_start3A_170 = arith.constant 0 : i32
      %dma_start3A_171 = tpu.memref_slice %arg11[%arg0, %run_scoped3A_112, %arg1, %dma_start3A_170] : memref<2x16x16x256xf32, #tpu.memory_space<vmem_shared>> -> memref<1x1x1x256xf32, #tpu.memory_space<vmem_shared>>
      %dma_start3A_172 = tpu.memref_squeeze %dma_start3A_171 : memref<1x1x1x256xf32, #tpu.memory_space<vmem_shared>> -> memref<256xf32, #tpu.memory_space<vmem_shared>>
      %dma_start3A_173 = arith.constant 0 : i32
      %dma_start3A_174 = tpu.memref_slice %arg7[%run_scoped3A_111, %dma_start3A_173] : memref<16x256xf32, #tpu.memory_space<vmem>> -> memref<1x256xf32, #tpu.memory_space<vmem>>
      %dma_start3A_175 = tpu.memref_squeeze %dma_start3A_174 : memref<1x256xf32, #tpu.memory_space<vmem>> -> memref<256xf32, #tpu.memory_space<vmem>>
      tpu.enqueue_dma source(%dma_start3A_175 : memref<256xf32, #tpu.memory_space<vmem>>) target(%dma_start3A_172 : memref<256xf32, #tpu.memory_space<vmem_shared>>) target_semaphore(%run_scoped3A_164 : memref<!tpu.dma_semaphore, #tpu.memory_space<semaphore_mem>>)
      %dma_wait3A = arith.constant 0 : i32
      %dma_wait3A_176 = tpu.memref_slice %arg7[%run_scoped3A_111, %dma_wait3A] : memref<16x256xf32, #tpu.memory_space<vmem>> -> memref<1x256xf32, #tpu.memory_space<vmem>>
      %dma_wait3A_177 = tpu.memref_squeeze %dma_wait3A_176 : memref<1x256xf32, #tpu.memory_space<vmem>> -> memref<256xf32, #tpu.memory_space<vmem>>
      %dma_wait3A_178 = arith.constant 0 : i32
      %dma_wait3A_179 = tpu.memref_slice %arg11[%arg0, %run_scoped3A_112, %arg1, %dma_wait3A_178] : memref<2x16x16x256xf32, #tpu.memory_space<vmem_shared>> -> memref<1x1x1x256xf32, #tpu.memory_space<vmem_shared>>
      %dma_wait3A_180 = tpu.memref_squeeze %dma_wait3A_179 : memref<1x1x1x256xf32, #tpu.memory_space<vmem_shared>> -> memref<256xf32, #tpu.memory_space<vmem_shared>>
      %dma_wait3A_181 = arith.constant 0 : i32
      %dma_wait3A_182 = tpu.memref_slice %arg11[%arg0, %run_scoped3A_112, %arg1, %dma_wait3A_181] : memref<2x16x16x256xf32, #tpu.memory_space<vmem_shared>> -> memref<1x1x1x256xf32, #tpu.memory_space<vmem_shared>>
      %dma_wait3A_183 = tpu.memref_squeeze %dma_wait3A_182 : memref<1x1x1x256xf32, #tpu.memory_space<vmem_shared>> -> memref<256xf32, #tpu.memory_space<vmem_shared>>
      %dma_wait3A_184 = arith.constant 0 : i32
      %dma_wait3A_185 = tpu.memref_slice %arg7[%run_scoped3A_111, %dma_wait3A_184] : memref<16x256xf32, #tpu.memory_space<vmem>> -> memref<1x256xf32, #tpu.memory_space<vmem>>
      %dma_wait3A_186 = tpu.memref_squeeze %dma_wait3A_185 : memref<1x256xf32, #tpu.memory_space<vmem>> -> memref<256xf32, #tpu.memory_space<vmem>>
      tpu.wait_dma2 semaphore(%run_scoped3A_164 : memref<!tpu.dma_semaphore, #tpu.memory_space<semaphore_mem>>) src(%dma_wait3A_186 : memref<256xf32, #tpu.memory_space<vmem>>) dst(%dma_wait3A_183 : memref<256xf32, #tpu.memory_space<vmem_shared>>)
      tpu.yield
    }) : () -> ()
    %run_scoped3A_113 = arith.constant 11 : i32
    %run_scoped3A_114 = arith.constant 11 : i32
    "tpu.region"() ({
      %run_scoped3A_164 = tpu.sem_alloc : memref<!tpu.dma_semaphore, #tpu.memory_space<semaphore_mem>>
      %dma_start3A = arith.constant 0 : i32
      %dma_start3A_165 = tpu.memref_slice %arg7[%run_scoped3A_113, %dma_start3A] : memref<16x256xf32, #tpu.memory_space<vmem>> -> memref<1x256xf32, #tpu.memory_space<vmem>>
      %dma_start3A_166 = tpu.memref_squeeze %dma_start3A_165 : memref<1x256xf32, #tpu.memory_space<vmem>> -> memref<256xf32, #tpu.memory_space<vmem>>
      %dma_start3A_167 = arith.constant 0 : i32
      %dma_start3A_168 = tpu.memref_slice %arg11[%arg0, %run_scoped3A_114, %arg1, %dma_start3A_167] : memref<2x16x16x256xf32, #tpu.memory_space<vmem_shared>> -> memref<1x1x1x256xf32, #tpu.memory_space<vmem_shared>>
      %dma_start3A_169 = tpu.memref_squeeze %dma_start3A_168 : memref<1x1x1x256xf32, #tpu.memory_space<vmem_shared>> -> memref<256xf32, #tpu.memory_space<vmem_shared>>
      %dma_start3A_170 = arith.constant 0 : i32
      %dma_start3A_171 = tpu.memref_slice %arg11[%arg0, %run_scoped3A_114, %arg1, %dma_start3A_170] : memref<2x16x16x256xf32, #tpu.memory_space<vmem_shared>> -> memref<1x1x1x256xf32, #tpu.memory_space<vmem_shared>>
      %dma_start3A_172 = tpu.memref_squeeze %dma_start3A_171 : memref<1x1x1x256xf32, #tpu.memory_space<vmem_shared>> -> memref<256xf32, #tpu.memory_space<vmem_shared>>
      %dma_start3A_173 = arith.constant 0 : i32
      %dma_start3A_174 = tpu.memref_slice %arg7[%run_scoped3A_113, %dma_start3A_173] : memref<16x256xf32, #tpu.memory_space<vmem>> -> memref<1x256xf32, #tpu.memory_space<vmem>>
      %dma_start3A_175 = tpu.memref_squeeze %dma_start3A_174 : memref<1x256xf32, #tpu.memory_space<vmem>> -> memref<256xf32, #tpu.memory_space<vmem>>
      tpu.enqueue_dma source(%dma_start3A_175 : memref<256xf32, #tpu.memory_space<vmem>>) target(%dma_start3A_172 : memref<256xf32, #tpu.memory_space<vmem_shared>>) target_semaphore(%run_scoped3A_164 : memref<!tpu.dma_semaphore, #tpu.memory_space<semaphore_mem>>)
      %dma_wait3A = arith.constant 0 : i32
      %dma_wait3A_176 = tpu.memref_slice %arg7[%run_scoped3A_113, %dma_wait3A] : memref<16x256xf32, #tpu.memory_space<vmem>> -> memref<1x256xf32, #tpu.memory_space<vmem>>
      %dma_wait3A_177 = tpu.memref_squeeze %dma_wait3A_176 : memref<1x256xf32, #tpu.memory_space<vmem>> -> memref<256xf32, #tpu.memory_space<vmem>>
      %dma_wait3A_178 = arith.constant 0 : i32
      %dma_wait3A_179 = tpu.memref_slice %arg11[%arg0, %run_scoped3A_114, %arg1, %dma_wait3A_178] : memref<2x16x16x256xf32, #tpu.memory_space<vmem_shared>> -> memref<1x1x1x256xf32, #tpu.memory_space<vmem_shared>>
      %dma_wait3A_180 = tpu.memref_squeeze %dma_wait3A_179 : memref<1x1x1x256xf32, #tpu.memory_space<vmem_shared>> -> memref<256xf32, #tpu.memory_space<vmem_shared>>
      %dma_wait3A_181 = arith.constant 0 : i32
      %dma_wait3A_182 = tpu.memref_slice %arg11[%arg0, %run_scoped3A_114, %arg1, %dma_wait3A_181] : memref<2x16x16x256xf32, #tpu.memory_space<vmem_shared>> -> memref<1x1x1x256xf32, #tpu.memory_space<vmem_shared>>
      %dma_wait3A_183 = tpu.memref_squeeze %dma_wait3A_182 : memref<1x1x1x256xf32, #tpu.memory_space<vmem_shared>> -> memref<256xf32, #tpu.memory_space<vmem_shared>>
      %dma_wait3A_184 = arith.constant 0 : i32
      %dma_wait3A_185 = tpu.memref_slice %arg7[%run_scoped3A_113, %dma_wait3A_184] : memref<16x256xf32, #tpu.memory_space<vmem>> -> memref<1x256xf32, #tpu.memory_space<vmem>>
      %dma_wait3A_186 = tpu.memref_squeeze %dma_wait3A_185 : memref<1x256xf32, #tpu.memory_space<vmem>> -> memref<256xf32, #tpu.memory_space<vmem>>
      tpu.wait_dma2 semaphore(%run_scoped3A_164 : memref<!tpu.dma_semaphore, #tpu.memory_space<semaphore_mem>>) src(%dma_wait3A_186 : memref<256xf32, #tpu.memory_space<vmem>>) dst(%dma_wait3A_183 : memref<256xf32, #tpu.memory_space<vmem_shared>>)
      tpu.yield
    }) : () -> ()
    %run_scoped3A_115 = arith.constant 12 : i32
    %run_scoped3A_116 = arith.constant 12 : i32
    "tpu.region"() ({
      %run_scoped3A_164 = tpu.sem_alloc : memref<!tpu.dma_semaphore, #tpu.memory_space<semaphore_mem>>
      %dma_start3A = arith.constant 0 : i32
      %dma_start3A_165 = tpu.memref_slice %arg7[%run_scoped3A_115, %dma_start3A] : memref<16x256xf32, #tpu.memory_space<vmem>> -> memref<1x256xf32, #tpu.memory_space<vmem>>
      %dma_start3A_166 = tpu.memref_squeeze %dma_start3A_165 : memref<1x256xf32, #tpu.memory_space<vmem>> -> memref<256xf32, #tpu.memory_space<vmem>>
      %dma_start3A_167 = arith.constant 0 : i32
      %dma_start3A_168 = tpu.memref_slice %arg11[%arg0, %run_scoped3A_116, %arg1, %dma_start3A_167] : memref<2x16x16x256xf32, #tpu.memory_space<vmem_shared>> -> memref<1x1x1x256xf32, #tpu.memory_space<vmem_shared>>
      %dma_start3A_169 = tpu.memref_squeeze %dma_start3A_168 : memref<1x1x1x256xf32, #tpu.memory_space<vmem_shared>> -> memref<256xf32, #tpu.memory_space<vmem_shared>>
      %dma_start3A_170 = arith.constant 0 : i32
      %dma_start3A_171 = tpu.memref_slice %arg11[%arg0, %run_scoped3A_116, %arg1, %dma_start3A_170] : memref<2x16x16x256xf32, #tpu.memory_space<vmem_shared>> -> memref<1x1x1x256xf32, #tpu.memory_space<vmem_shared>>
      %dma_start3A_172 = tpu.memref_squeeze %dma_start3A_171 : memref<1x1x1x256xf32, #tpu.memory_space<vmem_shared>> -> memref<256xf32, #tpu.memory_space<vmem_shared>>
      %dma_start3A_173 = arith.constant 0 : i32
      %dma_start3A_174 = tpu.memref_slice %arg7[%run_scoped3A_115, %dma_start3A_173] : memref<16x256xf32, #tpu.memory_space<vmem>> -> memref<1x256xf32, #tpu.memory_space<vmem>>
      %dma_start3A_175 = tpu.memref_squeeze %dma_start3A_174 : memref<1x256xf32, #tpu.memory_space<vmem>> -> memref<256xf32, #tpu.memory_space<vmem>>
      tpu.enqueue_dma source(%dma_start3A_175 : memref<256xf32, #tpu.memory_space<vmem>>) target(%dma_start3A_172 : memref<256xf32, #tpu.memory_space<vmem_shared>>) target_semaphore(%run_scoped3A_164 : memref<!tpu.dma_semaphore, #tpu.memory_space<semaphore_mem>>)
      %dma_wait3A = arith.constant 0 : i32
      %dma_wait3A_176 = tpu.memref_slice %arg7[%run_scoped3A_115, %dma_wait3A] : memref<16x256xf32, #tpu.memory_space<vmem>> -> memref<1x256xf32, #tpu.memory_space<vmem>>
      %dma_wait3A_177 = tpu.memref_squeeze %dma_wait3A_176 : memref<1x256xf32, #tpu.memory_space<vmem>> -> memref<256xf32, #tpu.memory_space<vmem>>
      %dma_wait3A_178 = arith.constant 0 : i32
      %dma_wait3A_179 = tpu.memref_slice %arg11[%arg0, %run_scoped3A_116, %arg1, %dma_wait3A_178] : memref<2x16x16x256xf32, #tpu.memory_space<vmem_shared>> -> memref<1x1x1x256xf32, #tpu.memory_space<vmem_shared>>
      %dma_wait3A_180 = tpu.memref_squeeze %dma_wait3A_179 : memref<1x1x1x256xf32, #tpu.memory_space<vmem_shared>> -> memref<256xf32, #tpu.memory_space<vmem_shared>>
      %dma_wait3A_181 = arith.constant 0 : i32
      %dma_wait3A_182 = tpu.memref_slice %arg11[%arg0, %run_scoped3A_116, %arg1, %dma_wait3A_181] : memref<2x16x16x256xf32, #tpu.memory_space<vmem_shared>> -> memref<1x1x1x256xf32, #tpu.memory_space<vmem_shared>>
      %dma_wait3A_183 = tpu.memref_squeeze %dma_wait3A_182 : memref<1x1x1x256xf32, #tpu.memory_space<vmem_shared>> -> memref<256xf32, #tpu.memory_space<vmem_shared>>
      %dma_wait3A_184 = arith.constant 0 : i32
      %dma_wait3A_185 = tpu.memref_slice %arg7[%run_scoped3A_115, %dma_wait3A_184] : memref<16x256xf32, #tpu.memory_space<vmem>> -> memref<1x256xf32, #tpu.memory_space<vmem>>
      %dma_wait3A_186 = tpu.memref_squeeze %dma_wait3A_185 : memref<1x256xf32, #tpu.memory_space<vmem>> -> memref<256xf32, #tpu.memory_space<vmem>>
      tpu.wait_dma2 semaphore(%run_scoped3A_164 : memref<!tpu.dma_semaphore, #tpu.memory_space<semaphore_mem>>) src(%dma_wait3A_186 : memref<256xf32, #tpu.memory_space<vmem>>) dst(%dma_wait3A_183 : memref<256xf32, #tpu.memory_space<vmem_shared>>)
      tpu.yield
    }) : () -> ()
    %run_scoped3A_117 = arith.constant 13 : i32
    %run_scoped3A_118 = arith.constant 13 : i32
    "tpu.region"() ({
      %run_scoped3A_164 = tpu.sem_alloc : memref<!tpu.dma_semaphore, #tpu.memory_space<semaphore_mem>>
      %dma_start3A = arith.constant 0 : i32
      %dma_start3A_165 = tpu.memref_slice %arg7[%run_scoped3A_117, %dma_start3A] : memref<16x256xf32, #tpu.memory_space<vmem>> -> memref<1x256xf32, #tpu.memory_space<vmem>>
      %dma_start3A_166 = tpu.memref_squeeze %dma_start3A_165 : memref<1x256xf32, #tpu.memory_space<vmem>> -> memref<256xf32, #tpu.memory_space<vmem>>
      %dma_start3A_167 = arith.constant 0 : i32
      %dma_start3A_168 = tpu.memref_slice %arg11[%arg0, %run_scoped3A_118, %arg1, %dma_start3A_167] : memref<2x16x16x256xf32, #tpu.memory_space<vmem_shared>> -> memref<1x1x1x256xf32, #tpu.memory_space<vmem_shared>>
      %dma_start3A_169 = tpu.memref_squeeze %dma_start3A_168 : memref<1x1x1x256xf32, #tpu.memory_space<vmem_shared>> -> memref<256xf32, #tpu.memory_space<vmem_shared>>
      %dma_start3A_170 = arith.constant 0 : i32
      %dma_start3A_171 = tpu.memref_slice %arg11[%arg0, %run_scoped3A_118, %arg1, %dma_start3A_170] : memref<2x16x16x256xf32, #tpu.memory_space<vmem_shared>> -> memref<1x1x1x256xf32, #tpu.memory_space<vmem_shared>>
      %dma_start3A_172 = tpu.memref_squeeze %dma_start3A_171 : memref<1x1x1x256xf32, #tpu.memory_space<vmem_shared>> -> memref<256xf32, #tpu.memory_space<vmem_shared>>
      %dma_start3A_173 = arith.constant 0 : i32
      %dma_start3A_174 = tpu.memref_slice %arg7[%run_scoped3A_117, %dma_start3A_173] : memref<16x256xf32, #tpu.memory_space<vmem>> -> memref<1x256xf32, #tpu.memory_space<vmem>>
      %dma_start3A_175 = tpu.memref_squeeze %dma_start3A_174 : memref<1x256xf32, #tpu.memory_space<vmem>> -> memref<256xf32, #tpu.memory_space<vmem>>
      tpu.enqueue_dma source(%dma_start3A_175 : memref<256xf32, #tpu.memory_space<vmem>>) target(%dma_start3A_172 : memref<256xf32, #tpu.memory_space<vmem_shared>>) target_semaphore(%run_scoped3A_164 : memref<!tpu.dma_semaphore, #tpu.memory_space<semaphore_mem>>)
      %dma_wait3A = arith.constant 0 : i32
      %dma_wait3A_176 = tpu.memref_slice %arg7[%run_scoped3A_117, %dma_wait3A] : memref<16x256xf32, #tpu.memory_space<vmem>> -> memref<1x256xf32, #tpu.memory_space<vmem>>
      %dma_wait3A_177 = tpu.memref_squeeze %dma_wait3A_176 : memref<1x256xf32, #tpu.memory_space<vmem>> -> memref<256xf32, #tpu.memory_space<vmem>>
      %dma_wait3A_178 = arith.constant 0 : i32
      %dma_wait3A_179 = tpu.memref_slice %arg11[%arg0, %run_scoped3A_118, %arg1, %dma_wait3A_178] : memref<2x16x16x256xf32, #tpu.memory_space<vmem_shared>> -> memref<1x1x1x256xf32, #tpu.memory_space<vmem_shared>>
      %dma_wait3A_180 = tpu.memref_squeeze %dma_wait3A_179 : memref<1x1x1x256xf32, #tpu.memory_space<vmem_shared>> -> memref<256xf32, #tpu.memory_space<vmem_shared>>
      %dma_wait3A_181 = arith.constant 0 : i32
      %dma_wait3A_182 = tpu.memref_slice %arg11[%arg0, %run_scoped3A_118, %arg1, %dma_wait3A_181] : memref<2x16x16x256xf32, #tpu.memory_space<vmem_shared>> -> memref<1x1x1x256xf32, #tpu.memory_space<vmem_shared>>
      %dma_wait3A_183 = tpu.memref_squeeze %dma_wait3A_182 : memref<1x1x1x256xf32, #tpu.memory_space<vmem_shared>> -> memref<256xf32, #tpu.memory_space<vmem_shared>>
      %dma_wait3A_184 = arith.constant 0 : i32
      %dma_wait3A_185 = tpu.memref_slice %arg7[%run_scoped3A_117, %dma_wait3A_184] : memref<16x256xf32, #tpu.memory_space<vmem>> -> memref<1x256xf32, #tpu.memory_space<vmem>>
      %dma_wait3A_186 = tpu.memref_squeeze %dma_wait3A_185 : memref<1x256xf32, #tpu.memory_space<vmem>> -> memref<256xf32, #tpu.memory_space<vmem>>
      tpu.wait_dma2 semaphore(%run_scoped3A_164 : memref<!tpu.dma_semaphore, #tpu.memory_space<semaphore_mem>>) src(%dma_wait3A_186 : memref<256xf32, #tpu.memory_space<vmem>>) dst(%dma_wait3A_183 : memref<256xf32, #tpu.memory_space<vmem_shared>>)
      tpu.yield
    }) : () -> ()
    %run_scoped3A_119 = arith.constant 14 : i32
    %run_scoped3A_120 = arith.constant 14 : i32
    "tpu.region"() ({
      %run_scoped3A_164 = tpu.sem_alloc : memref<!tpu.dma_semaphore, #tpu.memory_space<semaphore_mem>>
      %dma_start3A = arith.constant 0 : i32
      %dma_start3A_165 = tpu.memref_slice %arg7[%run_scoped3A_119, %dma_start3A] : memref<16x256xf32, #tpu.memory_space<vmem>> -> memref<1x256xf32, #tpu.memory_space<vmem>>
      %dma_start3A_166 = tpu.memref_squeeze %dma_start3A_165 : memref<1x256xf32, #tpu.memory_space<vmem>> -> memref<256xf32, #tpu.memory_space<vmem>>
      %dma_start3A_167 = arith.constant 0 : i32
      %dma_start3A_168 = tpu.memref_slice %arg11[%arg0, %run_scoped3A_120, %arg1, %dma_start3A_167] : memref<2x16x16x256xf32, #tpu.memory_space<vmem_shared>> -> memref<1x1x1x256xf32, #tpu.memory_space<vmem_shared>>
      %dma_start3A_169 = tpu.memref_squeeze %dma_start3A_168 : memref<1x1x1x256xf32, #tpu.memory_space<vmem_shared>> -> memref<256xf32, #tpu.memory_space<vmem_shared>>
      %dma_start3A_170 = arith.constant 0 : i32
      %dma_start3A_171 = tpu.memref_slice %arg11[%arg0, %run_scoped3A_120, %arg1, %dma_start3A_170] : memref<2x16x16x256xf32, #tpu.memory_space<vmem_shared>> -> memref<1x1x1x256xf32, #tpu.memory_space<vmem_shared>>
      %dma_start3A_172 = tpu.memref_squeeze %dma_start3A_171 : memref<1x1x1x256xf32, #tpu.memory_space<vmem_shared>> -> memref<256xf32, #tpu.memory_space<vmem_shared>>
      %dma_start3A_173 = arith.constant 0 : i32
      %dma_start3A_174 = tpu.memref_slice %arg7[%run_scoped3A_119, %dma_start3A_173] : memref<16x256xf32, #tpu.memory_space<vmem>> -> memref<1x256xf32, #tpu.memory_space<vmem>>
      %dma_start3A_175 = tpu.memref_squeeze %dma_start3A_174 : memref<1x256xf32, #tpu.memory_space<vmem>> -> memref<256xf32, #tpu.memory_space<vmem>>
      tpu.enqueue_dma source(%dma_start3A_175 : memref<256xf32, #tpu.memory_space<vmem>>) target(%dma_start3A_172 : memref<256xf32, #tpu.memory_space<vmem_shared>>) target_semaphore(%run_scoped3A_164 : memref<!tpu.dma_semaphore, #tpu.memory_space<semaphore_mem>>)
      %dma_wait3A = arith.constant 0 : i32
      %dma_wait3A_176 = tpu.memref_slice %arg7[%run_scoped3A_119, %dma_wait3A] : memref<16x256xf32, #tpu.memory_space<vmem>> -> memref<1x256xf32, #tpu.memory_space<vmem>>
      %dma_wait3A_177 = tpu.memref_squeeze %dma_wait3A_176 : memref<1x256xf32, #tpu.memory_space<vmem>> -> memref<256xf32, #tpu.memory_space<vmem>>
      %dma_wait3A_178 = arith.constant 0 : i32
      %dma_wait3A_179 = tpu.memref_slice %arg11[%arg0, %run_scoped3A_120, %arg1, %dma_wait3A_178] : memref<2x16x16x256xf32, #tpu.memory_space<vmem_shared>> -> memref<1x1x1x256xf32, #tpu.memory_space<vmem_shared>>
      %dma_wait3A_180 = tpu.memref_squeeze %dma_wait3A_179 : memref<1x1x1x256xf32, #tpu.memory_space<vmem_shared>> -> memref<256xf32, #tpu.memory_space<vmem_shared>>
      %dma_wait3A_181 = arith.constant 0 : i32
      %dma_wait3A_182 = tpu.memref_slice %arg11[%arg0, %run_scoped3A_120, %arg1, %dma_wait3A_181] : memref<2x16x16x256xf32, #tpu.memory_space<vmem_shared>> -> memref<1x1x1x256xf32, #tpu.memory_space<vmem_shared>>
      %dma_wait3A_183 = tpu.memref_squeeze %dma_wait3A_182 : memref<1x1x1x256xf32, #tpu.memory_space<vmem_shared>> -> memref<256xf32, #tpu.memory_space<vmem_shared>>
      %dma_wait3A_184 = arith.constant 0 : i32
      %dma_wait3A_185 = tpu.memref_slice %arg7[%run_scoped3A_119, %dma_wait3A_184] : memref<16x256xf32, #tpu.memory_space<vmem>> -> memref<1x256xf32, #tpu.memory_space<vmem>>
      %dma_wait3A_186 = tpu.memref_squeeze %dma_wait3A_185 : memref<1x256xf32, #tpu.memory_space<vmem>> -> memref<256xf32, #tpu.memory_space<vmem>>
      tpu.wait_dma2 semaphore(%run_scoped3A_164 : memref<!tpu.dma_semaphore, #tpu.memory_space<semaphore_mem>>) src(%dma_wait3A_186 : memref<256xf32, #tpu.memory_space<vmem>>) dst(%dma_wait3A_183 : memref<256xf32, #tpu.memory_space<vmem_shared>>)
      tpu.yield
    }) : () -> ()
    %run_scoped3A_121 = arith.constant 15 : i32
    %run_scoped3A_122 = arith.constant 15 : i32
    "tpu.region"() ({
      %run_scoped3A_164 = tpu.sem_alloc : memref<!tpu.dma_semaphore, #tpu.memory_space<semaphore_mem>>
      %dma_start3A = arith.constant 0 : i32
      %dma_start3A_165 = tpu.memref_slice %arg7[%run_scoped3A_121, %dma_start3A] : memref<16x256xf32, #tpu.memory_space<vmem>> -> memref<1x256xf32, #tpu.memory_space<vmem>>
      %dma_start3A_166 = tpu.memref_squeeze %dma_start3A_165 : memref<1x256xf32, #tpu.memory_space<vmem>> -> memref<256xf32, #tpu.memory_space<vmem>>
      %dma_start3A_167 = arith.constant 0 : i32
      %dma_start3A_168 = tpu.memref_slice %arg11[%arg0, %run_scoped3A_122, %arg1, %dma_start3A_167] : memref<2x16x16x256xf32, #tpu.memory_space<vmem_shared>> -> memref<1x1x1x256xf32, #tpu.memory_space<vmem_shared>>
      %dma_start3A_169 = tpu.memref_squeeze %dma_start3A_168 : memref<1x1x1x256xf32, #tpu.memory_space<vmem_shared>> -> memref<256xf32, #tpu.memory_space<vmem_shared>>
      %dma_start3A_170 = arith.constant 0 : i32
      %dma_start3A_171 = tpu.memref_slice %arg11[%arg0, %run_scoped3A_122, %arg1, %dma_start3A_170] : memref<2x16x16x256xf32, #tpu.memory_space<vmem_shared>> -> memref<1x1x1x256xf32, #tpu.memory_space<vmem_shared>>
      %dma_start3A_172 = tpu.memref_squeeze %dma_start3A_171 : memref<1x1x1x256xf32, #tpu.memory_space<vmem_shared>> -> memref<256xf32, #tpu.memory_space<vmem_shared>>
      %dma_start3A_173 = arith.constant 0 : i32
      %dma_start3A_174 = tpu.memref_slice %arg7[%run_scoped3A_121, %dma_start3A_173] : memref<16x256xf32, #tpu.memory_space<vmem>> -> memref<1x256xf32, #tpu.memory_space<vmem>>
      %dma_start3A_175 = tpu.memref_squeeze %dma_start3A_174 : memref<1x256xf32, #tpu.memory_space<vmem>> -> memref<256xf32, #tpu.memory_space<vmem>>
      tpu.enqueue_dma source(%dma_start3A_175 : memref<256xf32, #tpu.memory_space<vmem>>) target(%dma_start3A_172 : memref<256xf32, #tpu.memory_space<vmem_shared>>) target_semaphore(%run_scoped3A_164 : memref<!tpu.dma_semaphore, #tpu.memory_space<semaphore_mem>>)
      %dma_wait3A = arith.constant 0 : i32
      %dma_wait3A_176 = tpu.memref_slice %arg7[%run_scoped3A_121, %dma_wait3A] : memref<16x256xf32, #tpu.memory_space<vmem>> -> memref<1x256xf32, #tpu.memory_space<vmem>>
      %dma_wait3A_177 = tpu.memref_squeeze %dma_wait3A_176 : memref<1x256xf32, #tpu.memory_space<vmem>> -> memref<256xf32, #tpu.memory_space<vmem>>
      %dma_wait3A_178 = arith.constant 0 : i32
      %dma_wait3A_179 = tpu.memref_slice %arg11[%arg0, %run_scoped3A_122, %arg1, %dma_wait3A_178] : memref<2x16x16x256xf32, #tpu.memory_space<vmem_shared>> -> memref<1x1x1x256xf32, #tpu.memory_space<vmem_shared>>
      %dma_wait3A_180 = tpu.memref_squeeze %dma_wait3A_179 : memref<1x1x1x256xf32, #tpu.memory_space<vmem_shared>> -> memref<256xf32, #tpu.memory_space<vmem_shared>>
      %dma_wait3A_181 = arith.constant 0 : i32
      %dma_wait3A_182 = tpu.memref_slice %arg11[%arg0, %run_scoped3A_122, %arg1, %dma_wait3A_181] : memref<2x16x16x256xf32, #tpu.memory_space<vmem_shared>> -> memref<1x1x1x256xf32, #tpu.memory_space<vmem_shared>>
      %dma_wait3A_183 = tpu.memref_squeeze %dma_wait3A_182 : memref<1x1x1x256xf32, #tpu.memory_space<vmem_shared>> -> memref<256xf32, #tpu.memory_space<vmem_shared>>
      %dma_wait3A_184 = arith.constant 0 : i32
      %dma_wait3A_185 = tpu.memref_slice %arg7[%run_scoped3A_121, %dma_wait3A_184] : memref<16x256xf32, #tpu.memory_space<vmem>> -> memref<1x256xf32, #tpu.memory_space<vmem>>
      %dma_wait3A_186 = tpu.memref_squeeze %dma_wait3A_185 : memref<1x256xf32, #tpu.memory_space<vmem>> -> memref<256xf32, #tpu.memory_space<vmem>>
      tpu.wait_dma2 semaphore(%run_scoped3A_164 : memref<!tpu.dma_semaphore, #tpu.memory_space<semaphore_mem>>) src(%dma_wait3A_186 : memref<256xf32, #tpu.memory_space<vmem>>) dst(%dma_wait3A_183 : memref<256xf32, #tpu.memory_space<vmem_shared>>)
      tpu.yield
    }) : () -> ()
    %barrier3A = arith.constant 0 : index
    tpu.barrier barrier_id(%barrier3A)
    "tpu.region"() ({
      %run_scoped3A_164 = tpu.sem_alloc : memref<!tpu.dma_semaphore, #tpu.memory_space<semaphore_mem>>
      %dma_start3A = arith.constant 0 : i32
      %dma_start3A_165 = arith.constant 0 : i32
      %dma_start3A_166 = tpu.memref_slice %arg11[%arg0, %arg1, %dma_start3A, %dma_start3A_165] : memref<2x16x16x256xf32, #tpu.memory_space<vmem_shared>> -> memref<1x1x16x256xf32, #tpu.memory_space<vmem_shared>>
      %dma_start3A_167 = tpu.memref_squeeze %dma_start3A_166 : memref<1x1x16x256xf32, #tpu.memory_space<vmem_shared>> -> memref<16x256xf32, #tpu.memory_space<vmem_shared>>
      %dma_start3A_168 = arith.constant 0 : i32
      %dma_start3A_169 = arith.constant 0 : i32
      %dma_start3A_170 = tpu.memref_slice %arg11[%arg0, %arg1, %dma_start3A_168, %dma_start3A_169] : memref<2x16x16x256xf32, #tpu.memory_space<vmem_shared>> -> memref<1x1x16x256xf32, #tpu.memory_space<vmem_shared>>
      %dma_start3A_171 = tpu.memref_squeeze %dma_start3A_170 : memref<1x1x16x256xf32, #tpu.memory_space<vmem_shared>> -> memref<16x256xf32, #tpu.memory_space<vmem_shared>>
      tpu.enqueue_dma source(%dma_start3A_171 : memref<16x256xf32, #tpu.memory_space<vmem_shared>>) target(%arg8 : memref<16x256xf32, #tpu.memory_space<vmem>>) target_semaphore(%run_scoped3A_164 : memref<!tpu.dma_semaphore, #tpu.memory_space<semaphore_mem>>)
      %dma_wait3A = arith.constant 0 : i32
      %dma_wait3A_172 = arith.constant 0 : i32
      %dma_wait3A_173 = tpu.memref_slice %arg11[%arg0, %arg1, %dma_wait3A, %dma_wait3A_172] : memref<2x16x16x256xf32, #tpu.memory_space<vmem_shared>> -> memref<1x1x16x256xf32, #tpu.memory_space<vmem_shared>>
      %dma_wait3A_174 = tpu.memref_squeeze %dma_wait3A_173 : memref<1x1x16x256xf32, #tpu.memory_space<vmem_shared>> -> memref<16x256xf32, #tpu.memory_space<vmem_shared>>
      %dma_wait3A_175 = arith.constant 0 : i32
      %dma_wait3A_176 = arith.constant 0 : i32
      %dma_wait3A_177 = tpu.memref_slice %arg11[%arg0, %arg1, %dma_wait3A_175, %dma_wait3A_176] : memref<2x16x16x256xf32, #tpu.memory_space<vmem_shared>> -> memref<1x1x16x256xf32, #tpu.memory_space<vmem_shared>>
      %dma_wait3A_178 = tpu.memref_squeeze %dma_wait3A_177 : memref<1x1x16x256xf32, #tpu.memory_space<vmem_shared>> -> memref<16x256xf32, #tpu.memory_space<vmem_shared>>
      tpu.wait_dma2 semaphore(%run_scoped3A_164 : memref<!tpu.dma_semaphore, #tpu.memory_space<semaphore_mem>>) src(%dma_wait3A_178 : memref<16x256xf32, #tpu.memory_space<vmem_shared>>) dst(%arg8 : memref<16x256xf32, #tpu.memory_space<vmem>>)
      tpu.yield
    }) : () -> ()
    %scan3A_123 = arith.constant 0 : i32
    %scan3A_124 = arith.constant 16 : i32
    %scan3A_125 = arith.addi %scan3A_123, %scan3A_124 : i32
    %scan3A_126 = arith.constant 1 : i32
    %scan3A_127:16 = scf.for %scan3A_164 = %scan3A_123 to %scan3A_125 step %scan3A_126 iter_args(%scan3A_165 = %broadcast_in_dim3A_51, %scan3A_166 = %broadcast_in_dim3A_53, %scan3A_167 = %broadcast_in_dim3A_55, %scan3A_168 = %broadcast_in_dim3A_57, %scan3A_169 = %broadcast_in_dim3A_59, %scan3A_170 = %broadcast_in_dim3A_61, %scan3A_171 = %broadcast_in_dim3A_63, %scan3A_172 = %broadcast_in_dim3A_65, %scan3A_173 = %broadcast_in_dim3A_67, %scan3A_174 = %broadcast_in_dim3A_69, %scan3A_175 = %broadcast_in_dim3A_71, %scan3A_176 = %broadcast_in_dim3A_73, %scan3A_177 = %broadcast_in_dim3A_75, %scan3A_178 = %broadcast_in_dim3A_77, %scan3A_179 = %broadcast_in_dim3A_79, %scan3A_180 = %broadcast_in_dim3A_81) -> (vector<16xf32>, vector<16xf32>, vector<16xf32>, vector<16xf32>, vector<16xf32>, vector<16xf32>, vector<16xf32>, vector<16xf32>, vector<16xf32>, vector<16xf32>, vector<16xf32>, vector<16xf32>, vector<16xf32>, vector<16xf32>, vector<16xf32>, vector<16xf32>)  : i32 {
      %get3A_181 = arith.index_cast %scan3A_164 : i32 to index
      %get3A_182 = arith.constant 0 : index
      %get3A_183 = tpu.vector_load %arg8[%get3A_181, %get3A_182] {strides = array<i32>} : memref<16x256xf32, #tpu.memory_space<vmem>>, vector<16xf32>,
      %max3A = arith.maximumf %scan3A_165, %get3A_183 : vector<16xf32>
      %get3A_184 = arith.index_cast %scan3A_164 : i32 to index
      %get3A_185 = arith.constant 16 : index
      %get3A_186 = tpu.vector_load %arg8[%get3A_184, %get3A_185] {strides = array<i32>} : memref<16x256xf32, #tpu.memory_space<vmem>>, vector<16xf32>,
      %max3A_187 = arith.maximumf %scan3A_166, %get3A_186 : vector<16xf32>
      %get3A_188 = arith.index_cast %scan3A_164 : i32 to index
      %get3A_189 = arith.constant 32 : index
      %get3A_190 = tpu.vector_load %arg8[%get3A_188, %get3A_189] {strides = array<i32>} : memref<16x256xf32, #tpu.memory_space<vmem>>, vector<16xf32>,
      %max3A_191 = arith.maximumf %scan3A_167, %get3A_190 : vector<16xf32>
      %get3A_192 = arith.index_cast %scan3A_164 : i32 to index
      %get3A_193 = arith.constant 48 : index
      %get3A_194 = tpu.vector_load %arg8[%get3A_192, %get3A_193] {strides = array<i32>} : memref<16x256xf32, #tpu.memory_space<vmem>>, vector<16xf32>,
      %max3A_195 = arith.maximumf %scan3A_168, %get3A_194 : vector<16xf32>
      %get3A_196 = arith.index_cast %scan3A_164 : i32 to index
      %get3A_197 = arith.constant 64 : index
      %get3A_198 = tpu.vector_load %arg8[%get3A_196, %get3A_197] {strides = array<i32>} : memref<16x256xf32, #tpu.memory_space<vmem>>, vector<16xf32>,
      %max3A_199 = arith.maximumf %scan3A_169, %get3A_198 : vector<16xf32>
      %get3A_200 = arith.index_cast %scan3A_164 : i32 to index
      %get3A_201 = arith.constant 80 : index
      %get3A_202 = tpu.vector_load %arg8[%get3A_200, %get3A_201] {strides = array<i32>} : memref<16x256xf32, #tpu.memory_space<vmem>>, vector<16xf32>,
      %max3A_203 = arith.maximumf %scan3A_170, %get3A_202 : vector<16xf32>
      %get3A_204 = arith.index_cast %scan3A_164 : i32 to index
      %get3A_205 = arith.constant 96 : index
      %get3A_206 = tpu.vector_load %arg8[%get3A_204, %get3A_205] {strides = array<i32>} : memref<16x256xf32, #tpu.memory_space<vmem>>, vector<16xf32>,
      %max3A_207 = arith.maximumf %scan3A_171, %get3A_206 : vector<16xf32>
      %get3A_208 = arith.index_cast %scan3A_164 : i32 to index
      %get3A_209 = arith.constant 112 : index
      %get3A_210 = tpu.vector_load %arg8[%get3A_208, %get3A_209] {strides = array<i32>} : memref<16x256xf32, #tpu.memory_space<vmem>>, vector<16xf32>,
      %max3A_211 = arith.maximumf %scan3A_172, %get3A_210 : vector<16xf32>
      %get3A_212 = arith.index_cast %scan3A_164 : i32 to index
      %get3A_213 = arith.constant 128 : index
      %get3A_214 = tpu.vector_load %arg8[%get3A_212, %get3A_213] {strides = array<i32>} : memref<16x256xf32, #tpu.memory_space<vmem>>, vector<16xf32>,
      %max3A_215 = arith.maximumf %scan3A_173, %get3A_214 : vector<16xf32>
      %get3A_216 = arith.index_cast %scan3A_164 : i32 to index
      %get3A_217 = arith.constant 144 : index
      %get3A_218 = tpu.vector_load %arg8[%get3A_216, %get3A_217] {strides = array<i32>} : memref<16x256xf32, #tpu.memory_space<vmem>>, vector<16xf32>,
      %max3A_219 = arith.maximumf %scan3A_174, %get3A_218 : vector<16xf32>
      %get3A_220 = arith.index_cast %scan3A_164 : i32 to index
      %get3A_221 = arith.constant 160 : index
      %get3A_222 = tpu.vector_load %arg8[%get3A_220, %get3A_221] {strides = array<i32>} : memref<16x256xf32, #tpu.memory_space<vmem>>, vector<16xf32>,
      %max3A_223 = arith.maximumf %scan3A_175, %get3A_222 : vector<16xf32>
      %get3A_224 = arith.index_cast %scan3A_164 : i32 to index
      %get3A_225 = arith.constant 176 : index
      %get3A_226 = tpu.vector_load %arg8[%get3A_224, %get3A_225] {strides = array<i32>} : memref<16x256xf32, #tpu.memory_space<vmem>>, vector<16xf32>,
      %max3A_227 = arith.maximumf %scan3A_176, %get3A_226 : vector<16xf32>
      %get3A_228 = arith.index_cast %scan3A_164 : i32 to index
      %get3A_229 = arith.constant 192 : index
      %get3A_230 = tpu.vector_load %arg8[%get3A_228, %get3A_229] {strides = array<i32>} : memref<16x256xf32, #tpu.memory_space<vmem>>, vector<16xf32>,
      %max3A_231 = arith.maximumf %scan3A_177, %get3A_230 : vector<16xf32>
      %get3A_232 = arith.index_cast %scan3A_164 : i32 to index
      %get3A_233 = arith.constant 208 : index
      %get3A_234 = tpu.vector_load %arg8[%get3A_232, %get3A_233] {strides = array<i32>} : memref<16x256xf32, #tpu.memory_space<vmem>>, vector<16xf32>,
      %max3A_235 = arith.maximumf %scan3A_178, %get3A_234 : vector<16xf32>
      %get3A_236 = arith.index_cast %scan3A_164 : i32 to index
      %get3A_237 = arith.constant 224 : index
      %get3A_238 = tpu.vector_load %arg8[%get3A_236, %get3A_237] {strides = array<i32>} : memref<16x256xf32, #tpu.memory_space<vmem>>, vector<16xf32>,
      %max3A_239 = arith.maximumf %scan3A_179, %get3A_238 : vector<16xf32>
      %get3A_240 = arith.index_cast %scan3A_164 : i32 to index
      %get3A_241 = arith.constant 240 : index
      %get3A_242 = tpu.vector_load %arg8[%get3A_240, %get3A_241] {strides = array<i32>} : memref<16x256xf32, #tpu.memory_space<vmem>>, vector<16xf32>,
      %max3A_243 = arith.maximumf %scan3A_180, %get3A_242 : vector<16xf32>
      scf.yield %max3A, %max3A_187, %max3A_191, %max3A_195, %max3A_199, %max3A_203, %max3A_207, %max3A_211, %max3A_215, %max3A_219, %max3A_223, %max3A_227, %max3A_231, %max3A_235, %max3A_239, %max3A_243 : vector<16xf32>, vector<16xf32>, vector<16xf32>, vector<16xf32>, vector<16xf32>, vector<16xf32>, vector<16xf32>, vector<16xf32>, vector<16xf32>, vector<16xf32>, vector<16xf32>, vector<16xf32>, vector<16xf32>, vector<16xf32>, vector<16xf32>, vector<16xf32>
    }
    %scan3A_128 = arith.constant 16 : i32
    %swap3A = arith.constant 0 : index
    %swap3A_129 = tpu.vector_load %arg9[%swap3A] {strides = array<i32>} : memref<256xf32, #tpu.memory_space<vmem>>, vector<16xf32>,
    tpu.vector_store %arg9[%swap3A], %scan3A_127#0 {strides = array<i32>} : memref<256xf32, #tpu.memory_space<vmem>>, vector<16xf32>,
    %swap3A_130 = arith.constant 16 : index
    %swap3A_131 = tpu.vector_load %arg9[%swap3A_130] {strides = array<i32>} : memref<256xf32, #tpu.memory_space<vmem>>, vector<16xf32>,
    tpu.vector_store %arg9[%swap3A_130], %scan3A_127#1 {strides = array<i32>} : memref<256xf32, #tpu.memory_space<vmem>>, vector<16xf32>,
    %swap3A_132 = arith.constant 32 : index
    %swap3A_133 = tpu.vector_load %arg9[%swap3A_132] {strides = array<i32>} : memref<256xf32, #tpu.memory_space<vmem>>, vector<16xf32>,
    tpu.vector_store %arg9[%swap3A_132], %scan3A_127#2 {strides = array<i32>} : memref<256xf32, #tpu.memory_space<vmem>>, vector<16xf32>,
    %swap3A_134 = arith.constant 48 : index
    %swap3A_135 = tpu.vector_load %arg9[%swap3A_134] {strides = array<i32>} : memref<256xf32, #tpu.memory_space<vmem>>, vector<16xf32>,
    tpu.vector_store %arg9[%swap3A_134], %scan3A_127#3 {strides = array<i32>} : memref<256xf32, #tpu.memory_space<vmem>>, vector<16xf32>,
    %swap3A_136 = arith.constant 64 : index
    %swap3A_137 = tpu.vector_load %arg9[%swap3A_136] {strides = array<i32>} : memref<256xf32, #tpu.memory_space<vmem>>, vector<16xf32>,
    tpu.vector_store %arg9[%swap3A_136], %scan3A_127#4 {strides = array<i32>} : memref<256xf32, #tpu.memory_space<vmem>>, vector<16xf32>,
    %swap3A_138 = arith.constant 80 : index
    %swap3A_139 = tpu.vector_load %arg9[%swap3A_138] {strides = array<i32>} : memref<256xf32, #tpu.memory_space<vmem>>, vector<16xf32>,
    tpu.vector_store %arg9[%swap3A_138], %scan3A_127#5 {strides = array<i32>} : memref<256xf32, #tpu.memory_space<vmem>>, vector<16xf32>,
    %swap3A_140 = arith.constant 96 : index
    %swap3A_141 = tpu.vector_load %arg9[%swap3A_140] {strides = array<i32>} : memref<256xf32, #tpu.memory_space<vmem>>, vector<16xf32>,
    tpu.vector_store %arg9[%swap3A_140], %scan3A_127#6 {strides = array<i32>} : memref<256xf32, #tpu.memory_space<vmem>>, vector<16xf32>,
    %swap3A_142 = arith.constant 112 : index
    %swap3A_143 = tpu.vector_load %arg9[%swap3A_142] {strides = array<i32>} : memref<256xf32, #tpu.memory_space<vmem>>, vector<16xf32>,
    tpu.vector_store %arg9[%swap3A_142], %scan3A_127#7 {strides = array<i32>} : memref<256xf32, #tpu.memory_space<vmem>>, vector<16xf32>,
    %swap3A_144 = arith.constant 128 : index
    %swap3A_145 = tpu.vector_load %arg9[%swap3A_144] {strides = array<i32>} : memref<256xf32, #tpu.memory_space<vmem>>, vector<16xf32>,
    tpu.vector_store %arg9[%swap3A_144], %scan3A_127#8 {strides = array<i32>} : memref<256xf32, #tpu.memory_space<vmem>>, vector<16xf32>,
    %swap3A_146 = arith.constant 144 : index
    %swap3A_147 = tpu.vector_load %arg9[%swap3A_146] {strides = array<i32>} : memref<256xf32, #tpu.memory_space<vmem>>, vector<16xf32>,
    tpu.vector_store %arg9[%swap3A_146], %scan3A_127#9 {strides = array<i32>} : memref<256xf32, #tpu.memory_space<vmem>>, vector<16xf32>,
    %swap3A_148 = arith.constant 160 : index
    %swap3A_149 = tpu.vector_load %arg9[%swap3A_148] {strides = array<i32>} : memref<256xf32, #tpu.memory_space<vmem>>, vector<16xf32>,
    tpu.vector_store %arg9[%swap3A_148], %scan3A_127#10 {strides = array<i32>} : memref<256xf32, #tpu.memory_space<vmem>>, vector<16xf32>,
    %swap3A_150 = arith.constant 176 : index
    %swap3A_151 = tpu.vector_load %arg9[%swap3A_150] {strides = array<i32>} : memref<256xf32, #tpu.memory_space<vmem>>, vector<16xf32>,
    tpu.vector_store %arg9[%swap3A_150], %scan3A_127#11 {strides = array<i32>} : memref<256xf32, #tpu.memory_space<vmem>>, vector<16xf32>,
    %swap3A_152 = arith.constant 192 : index
    %swap3A_153 = tpu.vector_load %arg9[%swap3A_152] {strides = array<i32>} : memref<256xf32, #tpu.memory_space<vmem>>, vector<16xf32>,
    tpu.vector_store %arg9[%swap3A_152], %scan3A_127#12 {strides = array<i32>} : memref<256xf32, #tpu.memory_space<vmem>>, vector<16xf32>,
    %swap3A_154 = arith.constant 208 : index
    %swap3A_155 = tpu.vector_load %arg9[%swap3A_154] {strides = array<i32>} : memref<256xf32, #tpu.memory_space<vmem>>, vector<16xf32>,
    tpu.vector_store %arg9[%swap3A_154], %scan3A_127#13 {strides = array<i32>} : memref<256xf32, #tpu.memory_space<vmem>>, vector<16xf32>,
    %swap3A_156 = arith.constant 224 : index
    %swap3A_157 = tpu.vector_load %arg9[%swap3A_156] {strides = array<i32>} : memref<256xf32, #tpu.memory_space<vmem>>, vector<16xf32>,
    tpu.vector_store %arg9[%swap3A_156], %scan3A_127#14 {strides = array<i32>} : memref<256xf32, #tpu.memory_space<vmem>>, vector<16xf32>,
    %swap3A_158 = arith.constant 240 : index
    %swap3A_159 = tpu.vector_load %arg9[%swap3A_158] {strides = array<i32>} : memref<256xf32, #tpu.memory_space<vmem>>, vector<16xf32>,
    tpu.vector_store %arg9[%swap3A_158], %scan3A_127#15 {strides = array<i32>} : memref<256xf32, #tpu.memory_space<vmem>>, vector<16xf32>,
    %mul3A_160 = arith.constant 512 : i32
    %mul3A_161 = arith.muli %arg1, %mul3A_160 : i32
    %add3A_162 = arith.addi %mul3A_161, %multiple_of3A : i32
    %multiple_of3A_163 = tpu.assume_multiple %add3A_162, 256 : i32
    "tpu.region"() ({
      %run_scoped3A_164 = tpu.sem_alloc : memref<!tpu.dma_semaphore, #tpu.memory_space<semaphore_mem>>
      %dma_start3A = tpu.memref_slice %arg4[%multiple_of3A_163] : memref<8192xf32, #tpu.memory_space<hbm>> -> memref<256xf32, #tpu.memory_space<hbm>>
      %dma_start3A_165 = tpu.memref_slice %arg4[%multiple_of3A_163] : memref<8192xf32, #tpu.memory_space<hbm>> -> memref<256xf32, #tpu.memory_space<hbm>>
      tpu.enqueue_dma source(%arg9 : memref<256xf32, #tpu.memory_space<vmem>>) target(%dma_start3A_165 : memref<256xf32, #tpu.memory_space<hbm>>) target_semaphore(%run_scoped3A_164 : memref<!tpu.dma_semaphore, #tpu.memory_space<semaphore_mem>>)
      %dma_wait3A = tpu.memref_slice %arg4[%multiple_of3A_163] : memref<8192xf32, #tpu.memory_space<hbm>> -> memref<256xf32, #tpu.memory_space<hbm>>
      %dma_wait3A_166 = tpu.memref_slice %arg4[%multiple_of3A_163] : memref<8192xf32, #tpu.memory_space<hbm>> -> memref<256xf32, #tpu.memory_space<hbm>>
      tpu.wait_dma2 semaphore(%run_scoped3A_164 : memref<!tpu.dma_semaphore, #tpu.memory_space<semaphore_mem>>) src(%arg9 : memref<256xf32, #tpu.memory_space<vmem>>) dst(%dma_wait3A_166 : memref<256xf32, #tpu.memory_space<hbm>>)
      tpu.yield
    }) : () -> ()
    return
  }
}

</mosaic_0001>

<sc_bundles>
// kernel: _dmax.3.cloned.1.call-start
scs
__scs_entry_jumppad:
0x0: {  	(pc) =	sbr.rel $0x88, $3  }
0x1: {  	(tag) =	ssettag $0x0;
	lr =	simm.s32 $0x1  }
0x2: {  	[smem:$0x3F9F] =	sst lr;
	_ =	strace $0xD0000000  }
0x3: {  	_ = 	snop  }
0x4: {  	_ = 	snop  }
0x5: {  	_ = 	snop  }
0x6: {  	_ = 	snop  }
0x7: {  	_ = 	snop  }
__scs_overlays_trampoline_lowered:
0x8: {  	[smem:$0x3FAE] =	sst s0  }
0x9: {  	[smem:$0x3FAF] =	sst s1  }
0xa: {  	[smem:$0x3FB0] =	sst s2  }
0xb: {  	[smem:$0x3FB1] =	sst s3  }
0xc: {  	[smem:$0x3FB2] =	sst s4  }
0xd: {  	[smem:$0x3FB3] =	sst s5  }
0xe: {  	[smem:$0x3FB4] =	sst s6  }
0xf: {  	[smem:$0x3FB5] =	sst s7  }
0x10: {  	[smem:$0x3FB6] =	sst s8  }
0x11: {  	[smem:$0x3FB7] =	sst s9;
	s0 =	simm.s32 @!p0 $0x0  }
0x12: {  	s1 =	sld [smem:$0x3F9D];
	s0 =	simm.s32 @p0 $0x1  }
0x13: {  	[smem:$0x3FB8] =	sst s0;
	s0 =	simm.s32 @!p1 $0x0  }
0x14: {  	s2 =	sld [smem:$0x3F9C];
	s0 =	simm.s32 @p1 $0x1  }
0x15: {  	[smem:$0x3FB9] =	sst s0;
	s0 =	simm.s32 @!p2 $0x0  }
0x16: {  	s3 =	sld [smem:$0x3FDB];
	s0 =	simm.s32 @p2 $0x1  }
0x17: {  	s4 =	simm.s32 $0x1BF5;
	[smem:$0x3FBB] =	sst s0  }
0x18: {  	s0 =	sld [smem:$0x3F9E];
	_ =	swait.ge [sflag:s4], $0x0  }
0x19: {  	s7 =	sld [smem:$0x3F9F]  }
0x1a: {  	s8 =	sadd.s32 $0xFFFFE003, lr  }
0x1b: {  	s9 =	sadd.s32 $0xFFFFFEF7, lr;
	s5 =	simm.s32 $0xFFFFFFFF;
	p2 =	slt.u32 s8, $0xFFFFF086  }
0x1c: {  	p1 =	slt.u32 s9, $0xF7A;
	s5 =	simm.s32 @!p2 $0x0  }
0x1d: {  	s5 =	simm.s32 @p1 $0x1;
	p0 =	seq.s32 s7, s2  }
0x1e: {  	s7 =	smul.u32 @!p0 $0xF7A, s2;
	p2 =	seq.s32 @!p0 s5, $0x0  }
0x1f: {  	s9 =	smul.u32 $0xF7A, s1;
	s8 =	simm.s32 @!p0 $0x1BF5;
	p2 =	por !p2, p0  }
0x20: {  	[sflag:s8] =	ssyncset.s32 @!p0 $0xFFFFF086;
	s6 =	sadd.s32 @!p0 s3, s7;
	s7 =	simm.s32 @!p0 $0x108  }
0x21: {  	s3 =	sadd.s32 s3, s9;
	s6 =	sadd.s32 @!p0 $0x88, s6;
	s7 =	simm.s32 @p2 $0x1082  }
0x22: {  	[simem:s7], [sflag:s8] =	dma.local @!p0 [hbm:s6], $0xF7A  }
0x23: {  	s9 =	sor.u32 $0xD0000000, s2;
	s6 =	simm.s32 $0x108;
	_ =	swait.ge @!p0 [sflag:s8], $0x0  }
0x24: {  	s3 =	sadd.s32 $0x88, s3;
	s6 =	simm.s32 @!p1 $0x1082;
	[sflag:s4] =	ssyncset.s32 $0xFFFFF086  }
0x25: {  	[simem:s6], [sflag:s4] =	dma.local [hbm:s3], $0xF7A  }
0x26: {  	[smem:$0x3F9F] =	sst s1;
	(tag) =	ssettag s2;
	_ =	strace s9  }
0x27: {  	s1 =	sld [smem:$0x3FAF]  }
0x28: {  	s2 =	sld [smem:$0x3FB0]  }
0x29: {  	s4 =	sld [smem:$0x3FB2]  }
0x2a: {  	p0 =	seq.s32 s5, $0x0;
	s5 =	sld [smem:$0x3FB3]  }
0x2b: {  	s6 =	sld [smem:$0x3FB4]  }
0x2c: {  	s7 =	sld [smem:$0x3FB5]  }
0x2d: {  	s3 =	simm.s32 $0x108;
	s8 =	sld [smem:$0x3FB6]  }
0x2e: {  	s3 =	simm.s32 @!p0 $0x1082;
	s9 =	sld [smem:$0x3FB7]  }
0x2f: {  	lr =	sadd.s32 s0, s3;
	s0 =	sld [smem:$0x3FAE]  }
0x30: {  	s3 =	sld [smem:$0x3FB1]  }
0x31: {  	[smem:$0x3FBA] =	sst s10  }
0x32: {  	s10 =	sld [smem:$0x3FB8];
	_ =	sdelay $0x3  }
0x33: {  	p0 =	seq.s32 s10, $0x1;
	s10 =	sld [smem:$0x3FBA];
	_ =	sdelay $0x3  }
0x34: {  	[smem:$0x3FBA] =	sst s10  }
0x35: {  	s10 =	sld [smem:$0x3FB9];
	_ =	sdelay $0x3  }
0x36: {  	p1 =	seq.s32 s10, $0x1;
	s10 =	sld [smem:$0x3FBA];
	_ =	sdelay $0x3  }
0x37: {  	[smem:$0x3FBA] =	sst s10  }
0x38: {  	s10 =	sld [smem:$0x3FBB]  }
0x39: {  	_ = 	snop;
	(pc) =	sbr.ind lr, $3  }
0x3a: {  	_ = 	snop  }
0x3b: {  	_ = 	snop  }
0x3c: {  	p2 =	seq.s32 s10, $0x1;
	s10 =	sld [smem:$0x3FBA]  }
0x3d: {  	_ =	shalt  }
0x3e: {  	_ =	shalt  }
0x3f: {  	_ =	shalt  }
0x40: {  	_ =	shalt  }
0x41: {  	_ =	shalt  }
0x42: {  	_ =	shalt  }
0x43: {  	_ =	shalt  }
0x44: {  	_ =	shalt  }
0x45: {  	_ =	shalt  }
0x46: {  	_ =	shalt  }
0x47: {  	_ =	shalt  }
0x48: {  	_ =	shalt  }
0x49: {  	_ =	shalt  }
0x4a: {  	_ =	shalt  }
0x4b: {  	_ =	shalt  }
0x4c: {  	_ =	shalt  }
0x4d: {  	_ =	shalt  }
0x4e: {  	_ =	shalt  }
0x4f: {  	_ =	shalt  }
0x50: {  	_ =	shalt  }
0x51: {  	_ =	shalt  }
0x52: {  	_ =	shalt  }
0x53: {  	_ =	shalt  }
0x54: {  	_ =	shalt  }
0x55: {  	_ =	shalt  }
0x56: {  	_ =	shalt  }
0x57: {  	_ =	shalt  }
0x58: {  	_ =	shalt  }
0x59: {  	_ =	shalt  }
0x5a: {  	_ =	shalt  }
0x5b: {  	_ =	shalt  }
0x5c: {  	_ =	shalt  }
0x5d: {  	_ =	shalt  }
0x5e: {  	_ =	shalt  }
0x5f: {  	_ =	shalt  }
0x60: {  	_ =	shalt  }
0x61: {  	_ =	shalt  }
0x62: {  	_ =	shalt  }
0x63: {  	_ =	shalt  }
0x64: {  	_ =	shalt  }
0x65: {  	_ =	shalt  }
0x66: {  	_ =	shalt  }
0x67: {  	_ =	shalt  }
0x68: {  	_ =	shalt  }
0x69: {  	_ =	shalt  }
0x6a: {  	_ =	shalt  }
0x6b: {  	_ =	shalt  }
0x6c: {  	_ =	shalt  }
0x6d: {  	_ =	shalt  }
0x6e: {  	_ =	shalt  }
0x6f: {  	_ =	shalt  }
0x70: {  	_ =	shalt  }
0x71: {  	_ =	shalt  }
0x72: {  	_ =	shalt  }
0x73: {  	_ =	shalt  }
0x74: {  	_ =	shalt  }
0x75: {  	_ =	shalt  }
0x76: {  	_ =	shalt  }
0x77: {  	_ =	shalt  }
0x78: {  	_ =	shalt  }
0x79: {  	_ =	shalt  }
0x7a: {  	_ =	shalt  }
0x7b: {  	_ =	shalt  }
0x7c: {  	_ =	shalt  }
0x7d: {  	_ =	shalt  }
0x7e: {  	_ =	shalt  }
0x7f: {  	_ =	shalt  }
0x80: {  	_ =	shalt  }
0x81: {  	_ =	shalt  }
0x82: {  	_ =	shalt  }
0x83: {  	_ =	shalt  }
0x84: {  	_ =	shalt  }
0x85: {  	_ =	shalt  }
0x86: {  	_ =	shalt  }
0x87: {  	_ =	shalt  }
.Lfunc_end0:
.L_simem_size_0:
called_computation_lowered:
.L_overlay_start_0:
0x88: {  	s2 =	sld [smem:$0x3FD9]  }
0x89: {  	s3 =	sld [smem:$0x3FFE];
	_ =	sdelay $0x1  }
0x8a: {  	s1 =	srdreg.scid  }
0x8b: {  	s0 =	sand.u32 $0x1, s1  }
0x8c: {  	s18 =	sshll.u32 s0, $0xA;
	s2 =	sadd.s32 s3, s2  }
0x8d: {  	s2 =	sadd.s32 s2, s18  }
0x8e: {  	[smem:$0x3FC6] =	sst s2  }
0x8f: {  	_ = 	snop  }
0x90: {  	s2 =	sld [smem:$0x3FC9]  }
0x91: {  	s19 =	sld [smem:$0x3FC8]  }
0x92: {  	s4 =	sld [smem:$0x3FD0];
	(tm) =	ssettm $0x1  }
0x93: {  	s5 =	sld [smem:$0x3FFB];
	_ =	sdelay $0x3  }
0x94: {  	_ =	strace s5  }
0x95: {  	s5 =	sld [smem:$0x3FFC];
	_ =	sdelay $0x3  }
0x96: {  	_ =	strace s5  }
0x97: {  	s5 =	sld [smem:$0x3FFD];
	_ =	sdelay $0x3  }
0x98: {  	_ =	strace s5  }
0x99: {  	_ =	strace $0x8FFFFFFF  }
0x9a: {  	s20 =	sld [smem:$0x3FDB];
	_ =	sdelay $0x1  }
0x9b: {  	s6 =	simm.s32 $_scs_section_size  }
0x9c: {  	s7 =	simm.s32 $_size__tile_overlayer_lowered;
	s8 =	simm.s32 $_tile_overlayer_lowered  }
0x9d: {  	s23 =	simm.s32 $0x1BFF;
	s22 =	sshll.u32 s8, $0x1;
	s5 =	sadd.s32 s6, s20  }
0x9e: {  	s9 =	simm.s32 $0x0;
	s21 =	sshll.u32 s7, $0x1;
	s7 =	sadd.s32 s22, s5  }
0x9f: {  	[timem:s9], [sflag:s23] =	dma.local [hbm:s7], s21  }
0xa0: {  	_ =	swait.ge [sflag:s23], s21  }
0xa1: {  	s6 =	ssub.s32 $0x0, s21;
	[sflag:s23] =	ssyncset.done $0x0  }
0xa2: {  	[sflag:s23] =	ssyncadd.s32 s6;
	_ =	sdelay $0x1  }
0xa3: {  	s24 =	simm.s32 $0x1B8B  }
0xa4: {  	_ =	swait.ge [sflag:s24], $0x1  }
0xa5: {  	[sflag:s24] =	ssyncset.done $0x0  }
0xa6: {  	s25 =	simm.s32 $0x1B8E;
	[sflag:s24] =	ssyncadd.s32 $0xFFFFFFFF  }
0xa7: {  	s26 =	simm.s32 $execute0_lowered;
	[smem:$0x3FD2] =	sst s25  }
0xa8: {  	s6 =	sshll.u32 s26, $0x1;
	_ =	strace $0x80000046;
	[dreg:$0x1] =	wrdreg $0xFFFFFFFF  }
0xa9: {  	s28 =	simm.s32 $_size_execute0_lowered;
	s5 =	sadd.s32 s5, s6;
	[dreg:$0x0] =	wrdreg $0x0  }
0xaa: {  	s6 =	sshll.u32 s28, $0x1;
	[dreg:$0x2] =	wrdreg s5  }
0xab: {  	[dreg:$0x3] =	wrdreg s6  }
0xac: {  	[dreg:$0x4] =	wrdreg $0xC0  }
0xad: {  	_ =	task [dreg:s9], $0x5FFFF  }
0xae: {  	[dreg:$0x1] =	wrdreg $0xFFFFFFFF  }
0xaf: {  	[dreg:$0x0] =	wrdreg $0x60  }
0xb0: {  	[dreg:$0x2] =	wrdreg s2  }
0xb1: {  	[dreg:$0x3] =	wrdreg s19  }
0xb2: {  	[dreg:$0x4] =	wrdreg s4  }
0xb3: {  	[dreg:$0x5] =	wrdreg $0xA1800  }
0xb4: {  	[dreg:$0x6] =	wrdreg $0x9  }
0xb5: {  	_ =	task.clear_ibuf [dreg:s9], $0x7FFFF;
	_ =	strace $0x90000046  }
0xb6: {  	s29 =	simm.s32 $0x9;
	_ =	strace $0x80000048  }
0xb7: {  	_ =	swait.ge [sflag:s29], $0x1  }
0xb8: {  	[sflag:s29] =	ssyncadd.s32 $0xFFFFFFFF  }
0xb9: {  	_ =	strace $0x90000048  }
0xba: {  	_ =	sfence  }
0xbb: {  	s30 =	sld [smem:$0x0];
	_ =	sdelay $0x2  }
0xbc: {  	s31 =	sshll.u32 s1, $0xD;
	s1 =	sshrl.u32 s1, $0x2  }
0xbd: {  	s3 =	sand.u32 $0x4000, s31;
	s1 =	sadd.s32 s1, s30  }
0xbe: {  	s0 =	sor.u32 s3, s0;
	s1 =	sshll.u32 s1, $0x11  }
0xbf: {  	s0 =	sor.u32 s1, s0  }
0xc0: {  	s0 =	sadd.s32 $0x8F2B, s0  }
0xc1: {  	[sflag:s0] =	ssyncadd.remote.s32 $0x1  }
0xc2: {  	_ =	sfence.sel $0xFFFF  }
0xc3: {  	[dreg:$0x0] =	wrdreg $0xFFFFFFFF;
	(pc) =	sbr.abs _section_cstart, $3  }
0xc4: {  	[dreg:$0x1] =	wrdreg $0xFFFFFFFF  }
0xc5: {  	_ =	task.clear_ibuf [dreg:s9], $0x2FFFF;
	_ =	strace $0x9FFFFFFF  }
0xc6: {  	(tm) =	ssettm $0x7FFFFFFF  }
0xc7: {  	_ =	shalt  }
tec
execute0_lowered:
.L_overlay_start_1:
0x0: {  	(tag) =	ssettag $0x1  }
0x1: {  	s1 =	rddreg [dreg:$0x0]  }
0x2: {  	s0 =	rddreg [dreg:$0x2]  }
0x3: {  	s2 =	rddreg [dreg:$0x3];
	s3 =	simm.s32 $0x0;
	s4 =	srdreg.scid  }
0x4: {  	s10 =	stileid.u32;
	[smem:$0x7FF] =	sst s3;
	s4 =	sand.u32 $0x1, s4  }
0x5: {  	s7 =	sshll.u32 s10, $0x8;
	s9 =	sshll.u32 s10, $0x7;
	s12 =	sshll.u32 s10, $0xC  }
0x6: {  	s13 =	sshll.u32 s10, $0x6;
	_ =	strace $0x80000047;
	s5 =	ssub.s32 $0x2, s4  }
0x7: {  	s8 =	sshll.u32 s4, $0x10;
	s7 =	sand.u32 $0x800, s7;
	s16 =	sand.u32 $0x380, s9  }
0x8: {  	s17 =	sshll.u32 s4, $0x5;
	s6 =	sshrl.u32 s5, $0x1;
	s2 =	sadd.s32 s8, s2  }
0x9: {  	s0 =	sadd.s32 s0, s17;
	s7 =	sadd.s32 s7, s2;
	s2 =	sadd.s32 s12, s2  }
0xa: {  	s15 =	ssub.s32 s5, s6;
	s0 =	sadd.s32 s13, s0;
	[dreg:$0x13] =	wrdreg s2  }
0xb: {  	s6 =	sadd.s32 s16, s7;
	[dreg:$0x15] =	wrdreg s0;
	s15 =	smax.u32 s15, $0x1  }
0xc: {  	s18 =	sadd.s32 $0x1000, s6;
	[dreg:$0x16] =	wrdreg s15  }
0xd: {  	s19 =	sadd.s32 $0x2000, s6;
	[dreg:$0x5] =	wrdreg s18  }
0xe: {  	s20 =	sadd.s32 $0x3000, s6;
	[dreg:$0x6] =	wrdreg s19  }
0xf: {  	s21 =	sadd.s32 $0x4000, s6;
	[dreg:$0x7] =	wrdreg s20  }
0x10: {  	s22 =	sadd.s32 $0x5000, s6;
	[dreg:$0x8] =	wrdreg s21  }
0x11: {  	s23 =	sadd.s32 $0x6000, s6;
	[dreg:$0x9] =	wrdreg s22  }
0x12: {  	s24 =	sadd.s32 $0x7000, s6;
	[dreg:$0xa] =	wrdreg s23  }
0x13: {  	s25 =	sadd.s32 $0x8000, s6;
	[dreg:$0xb] =	wrdreg s24  }
0x14: {  	s26 =	sadd.s32 $0x9000, s6;
	[dreg:$0xc] =	wrdreg s25  }
0x15: {  	s28 =	sadd.s32 $0xA000, s6;
	[dreg:$0xd] =	wrdreg s26  }
0x16: {  	s29 =	sadd.s32 $0xB000, s6;
	[dreg:$0xe] =	wrdreg s28  }
0x17: {  	s31 =	sadd.s32 $0xC000, s6;
	[dreg:$0xf] =	wrdreg s29  }
0x18: {  	s7 =	sadd.s32 $0xD000, s6;
	[dreg:$0x10] =	wrdreg s31  }
0x19: {  	s11 =	sadd.s32 $0xE000, s6;
	[dreg:$0x11] =	wrdreg s7  }
0x1a: {  	s14 =	sadd.s32 $0xF000, s6;
	[dreg:$0x12] =	wrdreg s11  }
0x1b: {  	s16 =	sadd.s32 $0x400, s6;
	[dreg:$0x14] =	wrdreg s14  }
0x1c: {  	s17 =	sadd.s32 $0x1400, s6;
	[dreg:$0x17] =	wrdreg s16  }
0x1d: {  	[dreg:$0x18] =	wrdreg s17;
	s18 =	sadd.s32 $0x2400, s6  }
0x1e: {  	s19 =	sadd.s32 $0x3400, s6;
	[dreg:$0x19] =	wrdreg s18  }
0x1f: {  	s20 =	sadd.s32 $0x4400, s6;
	[dreg:$0x1a] =	wrdreg s19  }
0x20: {  	s21 =	sadd.s32 $0x5400, s6;
	[dreg:$0x1b] =	wrdreg s20  }
0x21: {  	s22 =	sadd.s32 $0x6400, s6;
	[dreg:$0x1c] =	wrdreg s21  }
0x22: {  	s23 =	sadd.s32 $0x7400, s6;
	[dreg:$0x1d] =	wrdreg s22  }
0x23: {  	s30 =	simm.s32 $0x0;
	s24 =	sadd.s32 $0x8400, s6;
	[dreg:$0x1e] =	wrdreg s23  }
0x24: {  	s5 =	sshll.u32 s4, $0xB;
	s25 =	sadd.s32 $0x9400, s6;
	[dreg:$0x1f] =	wrdreg s24  }
0x25: {  	s12 =	sadd.s32 $0xE400, s6;
	s26 =	sadd.s32 $0xA400, s6;
	[smem:$0x7F9] =	sst s25  }
0x26: {  	s13 =	sadd.s32 $0xF400, s6;
	s28 =	sadd.s32 $0xB400, s6;
	[smem:$0x7FA] =	sst s26  }
0x27: {  	s15 =	simm.s32 $0x800;
	s29 =	sadd.s32 $0xC400, s6;
	[smem:$0x7FB] =	sst s28  }
0x28: {  	s31 =	sadd.s32 $0xD400, s6;
	s14 =	simm.s32 $0x9;
	[smem:$0x7FC] =	sst s29  }
0x29: {  	v0 =	vimm.f32 $-Inf;
	s16 =	simm.s32 $0x1000;
	s17 =	simm.s32 $0x80;
	[smem:$0x7FD] =	sst s31  }
0x2a: {  	vm0 =	vmmov $0x7fff;
	v1 =	vimm.s32 $0x0;
	v2 =	vlaneseq.u32;
	s18 =	simm.s32 $0x1080;
	s19 =	simm.s32 $0x3080;
	s20 =	simm.s32 $0x0  }
.LBB2_1:
0x2b: {  	s0 =	rddreg [dreg:$0x1]  }
0x2c: {  	[tilespmem:s3], [sflag:$0x9] =	stream.linear.gather [hbm4b:s0+s3], $0x80, $0x38;
	[tilespmem:$0xC180] =	vst v63  }
0x2d: {  	_ =	swait.ge [sflag:s14], $0x80  }
0x2e: {  	s29 =	sand.u32 $0x800, s3;
	s2 =	sand.u32 $0x380, s3;
	[sflag:s14] =	ssyncset.done $0x0  }
0x2f: {  	s0 =	sor.u32 s2, s29;
	[sflag:s14] =	ssyncadd.s32 $0xFFFFFF80  }
0x30: {  	v4 =	vld [tilespmem:$0x0];
	[tilespmem:s0+$0x84F0] =	vst v0  }
0x31: {  	[tilespmem:s0+$0x8080] =	vst v0  }
0x32: {  	[tilespmem:s0+$0x8090] =	vst v0  }
0x33: {  	[tilespmem:s0+$0x80A0] =	vst v0  }
0x34: {  	[tilespmem:s0+$0x80B0] =	vst v0  }
0x35: {  	[tilespmem:s0+$0x80C0] =	vst v0  }
0x36: {  	[tilespmem:s0+$0x80D0] =	vst v0  }
0x37: {  	[tilespmem:s0+$0x80E0] =	vst v0  }
0x38: {  	[tilespmem:s0+$0x80F0] =	vst v0  }
0x39: {  	[tilespmem:s0+$0x8480] =	vst v0  }
0x3a: {  	[tilespmem:s0+$0x8490] =	vst v0  }
0x3b: {  	[tilespmem:s0+$0x84A0] =	vst v0  }
0x3c: {  	[tilespmem:s0+$0x84B0] =	vst v0  }
0x3d: {  	s31 =	simm.s32 $0x100;
	s7 =	simm.s32 $0x80;
	[tilespmem:s0+$0x84C0] =	vst v0  }
0x3e: {  	s8 =	simm.s32 $0x200;
	s2 =	sand.u32 $0x800, s31;
	s4 =	sand.u32 $0x380, s7;
	[tilespmem:s0+$0x84D0] =	vst v0  }
.LBB2_2:
0x3f: {  	p0 =	sne.s32 s8, $0xF00;
	[tilespmem:s0+$0x84E0] =	vst v0;
	s0 =	sor.u32 s4, s2  }
0x40: {  	[tilespmem:s0+$0x84F0] =	vst v0  }
0x41: {  	[tilespmem:s0+$0x8080] =	vst v0  }
0x42: {  	[tilespmem:s0+$0x8090] =	vst v0  }
0x43: {  	[tilespmem:s0+$0x80A0] =	vst v0  }
0x44: {  	[tilespmem:s0+$0x80B0] =	vst v0  }
0x45: {  	[tilespmem:s0+$0x80C0] =	vst v0  }
0x46: {  	[tilespmem:s0+$0x80D0] =	vst v0  }
0x47: {  	[tilespmem:s0+$0x80E0] =	vst v0  }
0x48: {  	[tilespmem:s0+$0x80F0] =	vst v0  }
0x49: {  	[tilespmem:s0+$0x8480] =	vst v0  }
.Ltmp0:
0x4a: {  	[tilespmem:s0+$0x8490] =	vst v0;
	(pc) =	sbr.rel @p0 .LBB2_2-.Ltmp0, $4  }
0x4b: {  	[tilespmem:s0+$0x84A0] =	vst v0  }
0x4c: {  	[tilespmem:s0+$0x84B0] =	vst v0  }
0x4d: {  	s7 =	sadd.s32 $0x80, s7;
	[tilespmem:s0+$0x84C0] =	vst v0  }
0x4e: {  	s2 =	sand.u32 $0x800, s8;
	s8 =	sadd.s32 $0x100, s8;
	s4 =	sand.u32 $0x380, s7;
	[tilespmem:s0+$0x84D0] =	vst v0  }
0x4f: {  	(xrf0) =	vadd.scan.msk.s32 $0xffff, v4;
	_ =	sdelay $0x5  }
0x50: {  	v3, _, _ =	vpop (xrf0)  }
0x51: {  	v5 =	vsel vm0, $0x0, v3  }
0x52: {  	(xrf0) =	vadd.scan.msk.s32 $0xffff, v5;
	_ =	sdelay $0x5  }
0x53: {  	v5, _, _ =	vpop (xrf0)  }
0x54: {  	(v2sf) =	vpush v5, $0xF;
	_ =	sdelay $0xe  }
0x55: {  	s26 =	spop (v2sf)  }
0x56: {  	s7 =	sadd.s32 $0xF, s26  }
0x57: {  	s8 =	sand.u32 $0xF, s7  }
0x58: {  	s29 =	sshra.s32 s7, $0x1F;
	p1 =	slt.s32 s7, $0x1;
	p0 =	sne.s32 s8, $0x0  }
0x59: {  	s8 =	sshrl.u32 s29, $0x1C;
	p0 =	por !p1, !p0  }
0x5a: {  	s7 =	sadd.s32 s8, s7;
	s8 =	simm.s32 $0x1;
	p0 =	por !p0, !p0  }
0x5b: {  	s7 =	sshra.s32 s7, $0x4;
	s8 =	simm.s32 @!p0 $0x0  }
0x5c: {  	s31 =	stileid.u32;
	s7 =	ssub.s32 s7, s8  }
0x5d: {  	s25 =	smul.u32 s31, s7;
	_ =	sdelay $0x1  }
0x5e: {  	s7 =	sadd.s32 s7, s25  }
0x5f: {  	p0 =	slt.s32 s7, s26  }
0x60: {  	v4 =	vsub.s32 v3, v4;
	vm1 =	vle.s32 v3, s25;
	s26 =	smov.u32 @p0 s7  }
0x61: {  	v5 =	vsel vm1, $0x1, v1;
	vm1 =	vlt.s32 v4, s26  }
0x62: {  	(xrf0) =	vadd.scan.msk.s32 $0xffff, v5;
	v5 =	vsel vm1, $0x1, v1  }
0x63: {  	(xrf0) =	vadd.scan.msk.s32 $0xffff, v5;
	_ =	sdelay $0x4  }
0x64: {  	v5, _, _ =	vpop (xrf0)  }
0x65: {  	(v2sf) =	vpush v5, $0xF;
	v5, _, _ =	vpop (xrf0)  }
0x66: {  	(v2sf) =	vpush v5, $0xF;
	_ =	sdelay $0x4  }
0x67: {  	s2 =	sor.u32 s4, s2;
	[tilespmem:s0+$0x84E0] =	vst v0  }
0x68: {  	[tilespmem:s2+$0x84F0] =	vst v0  }
0x69: {  	[tilespmem:s2+$0x8080] =	vst v0  }
0x6a: {  	[tilespmem:s2+$0x8090] =	vst v0  }
0x6b: {  	[tilespmem:s2+$0x80A0] =	vst v0  }
0x6c: {  	[tilespmem:s2+$0x80B0] =	vst v0  }
0x6d: {  	[tilespmem:s2+$0x80C0] =	vst v0  }
0x6e: {  	[tilespmem:s2+$0x80D0] =	vst v0  }
0x6f: {  	[tilespmem:s2+$0x80E0] =	vst v0  }
0x70: {  	[tilespmem:s2+$0x80F0] =	vst v0;
	s23 =	spop (v2sf)  }
0x71: {  	[tilespmem:s2+$0x8480] =	vst v0;
	s24 =	spop (v2sf)  }
0x72: {  	[tilespmem:s2+$0x8490] =	vst v0;
	p0 =	sge.s32 s23, s24  }
.Ltmp1:
0x73: {  	[tilespmem:s2+$0x84A0] =	vst v0;
	(pc) =	sbr.rel @!p0 .LBB2_4-.Ltmp1, $4  }
0x74: {  	[tilespmem:s2+$0x84B0] =	vst v0  }
0x75: {  	[tilespmem:s2+$0x84C0] =	vst v0  }
0x76: {  	[tilespmem:s2+$0x84D0] =	vst v0  }
0x77: {  	[tilespmem:s2+$0x84E0] =	vst v0  }
.LBB2_13:
0x78: {  	s0 =	simm.s32 $0x8080  }
0x79: {  	[spmem:s6] =	stream.linear.scatter [tilespmem:s0], [sflag:$0x9], $0x80, $0x38;
	[tilespmem:$0xC180] =	vst v63  }
0x7a: {  	s4 =	rddreg [dreg:$0x17];
	s2 =	simm.s32 $0x8480  }
0x7b: {  	[spmem:s4] =	stream.linear.scatter [tilespmem:s2], [sflag:$0x9], $0x80, $0x38;
	[tilespmem:$0xC180] =	vst v63  }
0x7c: {  	_ =	swait.ge [sflag:s14], $0x100  }
0x7d: {  	[sflag:s14] =	ssyncset.done $0x0  }
0x7e: {  	s8 =	simm.s32 $0x8100;
	s7 =	rddreg [dreg:$0x5];
	[sflag:s14] =	ssyncadd.s32 $0xFFFFFF00  }
0x7f: {  	[spmem:s7] =	stream.linear.scatter [tilespmem:s8], [sflag:$0x9], $0x80, $0x38;
	[tilespmem:$0xC180] =	vst v63  }
0x80: {  	s10 =	simm.s32 $0x8500;
	s9 =	rddreg [dreg:$0x18]  }
0x81: {  	[spmem:s9] =	stream.linear.scatter [tilespmem:s10], [sflag:$0x9], $0x80, $0x38;
	[tilespmem:$0xC180] =	vst v63  }
0x82: {  	_ =	swait.ge [sflag:s14], $0x100  }
0x83: {  	[sflag:s14] =	ssyncset.done $0x0  }
0x84: {  	s21 =	simm.s32 $0x8180;
	s11 =	rddreg [dreg:$0x6];
	[sflag:s14] =	ssyncadd.s32 $0xFFFFFF00  }
0x85: {  	[spmem:s11] =	stream.linear.scatter [tilespmem:s21], [sflag:$0x9], $0x80, $0x38;
	[tilespmem:$0xC180] =	vst v63  }
0x86: {  	s23 =	simm.s32 $0x8580;
	s22 =	rddreg [dreg:$0x19]  }
0x87: {  	[spmem:s22] =	stream.linear.scatter [tilespmem:s23], [sflag:$0x9], $0x80, $0x38;
	[tilespmem:$0xC180] =	vst v63  }
0x88: {  	_ =	swait.ge [sflag:s14], $0x100  }
0x89: {  	[sflag:s14] =	ssyncset.done $0x0  }
0x8a: {  	s25 =	simm.s32 $0x8200;
	s24 =	rddreg [dreg:$0x7];
	[sflag:s14] =	ssyncadd.s32 $0xFFFFFF00  }
0x8b: {  	[spmem:s24] =	stream.linear.scatter [tilespmem:s25], [sflag:$0x9], $0x80, $0x38;
	[tilespmem:$0xC180] =	vst v63  }
0x8c: {  	s28 =	simm.s32 $0x8600;
	s26 =	rddreg [dreg:$0x1a]  }
0x8d: {  	[spmem:s26] =	stream.linear.scatter [tilespmem:s28], [sflag:$0x9], $0x80, $0x38;
	[tilespmem:$0xC180] =	vst v63  }
0x8e: {  	_ =	swait.ge [sflag:s14], $0x100  }
0x8f: {  	[sflag:s14] =	ssyncset.done $0x0  }
0x90: {  	s31 =	simm.s32 $0x8280;
	s29 =	rddreg [dreg:$0x8];
	[sflag:s14] =	ssyncadd.s32 $0xFFFFFF00  }
0x91: {  	[spmem:s29] =	stream.linear.scatter [tilespmem:s31], [sflag:$0x9], $0x80, $0x38;
	[tilespmem:$0xC180] =	vst v63  }
0x92: {  	s4 =	simm.s32 $0x8680;
	s2 =	rddreg [dreg:$0x1b]  }
0x93: {  	[spmem:s2] =	stream.linear.scatter [tilespmem:s4], [sflag:$0x9], $0x80, $0x38;
	[tilespmem:$0xC180] =	vst v63  }
0x94: {  	_ =	swait.ge [sflag:s14], $0x100  }
0x95: {  	[sflag:s14] =	ssyncset.done $0x0  }
0x96: {  	s8 =	simm.s32 $0x8300;
	s7 =	rddreg [dreg:$0x9];
	[sflag:s14] =	ssyncadd.s32 $0xFFFFFF00  }
0x97: {  	[spmem:s7] =	stream.linear.scatter [tilespmem:s8], [sflag:$0x9], $0x80, $0x38;
	[tilespmem:$0xC180] =	vst v63  }
0x98: {  	s10 =	simm.s32 $0x8700;
	s9 =	rddreg [dreg:$0x1c]  }
0x99: {  	[spmem:s9] =	stream.linear.scatter [tilespmem:s10], [sflag:$0x9], $0x80, $0x38;
	[tilespmem:$0xC180] =	vst v63  }
0x9a: {  	_ =	swait.ge [sflag:s14], $0x100  }
0x9b: {  	[sflag:s14] =	ssyncset.done $0x0  }
0x9c: {  	s21 =	simm.s32 $0x8380;
	s11 =	rddreg [dreg:$0xa];
	[sflag:s14] =	ssyncadd.s32 $0xFFFFFF00  }
0x9d: {  	[spmem:s11] =	stream.linear.scatter [tilespmem:s21], [sflag:$0x9], $0x80, $0x38;
	[tilespmem:$0xC180] =	vst v63  }
0x9e: {  	s23 =	simm.s32 $0x8780;
	s22 =	rddreg [dreg:$0x1d]  }
0x9f: {  	[spmem:s22] =	stream.linear.scatter [tilespmem:s23], [sflag:$0x9], $0x80, $0x38;
	[tilespmem:$0xC180] =	vst v63  }
0xa0: {  	_ =	swait.ge [sflag:s14], $0x100  }
0xa1: {  	[sflag:s14] =	ssyncset.done $0x0  }
0xa2: {  	s25 =	simm.s32 $0x8400;
	s24 =	rddreg [dreg:$0xb];
	[sflag:s14] =	ssyncadd.s32 $0xFFFFFF00  }
0xa3: {  	[spmem:s24] =	stream.linear.scatter [tilespmem:s25], [sflag:$0x9], $0x80, $0x38;
	[tilespmem:$0xC180] =	vst v63  }
0xa4: {  	s28 =	simm.s32 $0x8800;
	s26 =	rddreg [dreg:$0x1e]  }
0xa5: {  	[spmem:s26] =	stream.linear.scatter [tilespmem:s28], [sflag:$0x9], $0x80, $0x38;
	[tilespmem:$0xC180] =	vst v63  }
0xa6: {  	_ =	swait.ge [sflag:s14], $0x100  }
0xa7: {  	[sflag:s14] =	ssyncset.done $0x0  }
0xa8: {  	s31 =	simm.s32 $0x8880;
	s29 =	rddreg [dreg:$0xc];
	[sflag:s14] =	ssyncadd.s32 $0xFFFFFF00  }
0xa9: {  	[spmem:s29] =	stream.linear.scatter [tilespmem:s31], [sflag:$0x9], $0x80, $0x38;
	[tilespmem:$0xC180] =	vst v63  }
0xaa: {  	s4 =	simm.s32 $0x8C80;
	s2 =	rddreg [dreg:$0x1f]  }
0xab: {  	[spmem:s2] =	stream.linear.scatter [tilespmem:s4], [sflag:$0x9], $0x80, $0x38;
	[tilespmem:$0xC180] =	vst v63  }
0xac: {  	_ =	swait.ge [sflag:s14], $0x100  }
0xad: {  	[sflag:s14] =	ssyncset.done $0x0;
	s7 =	rddreg [dreg:$0xd]  }
0xae: {  	s8 =	simm.s32 $0x8900;
	s9 =	sld [smem:$0x7F9];
	[sflag:s14] =	ssyncadd.s32 $0xFFFFFF00  }
0xaf: {  	[spmem:s7] =	stream.linear.scatter [tilespmem:s8], [sflag:$0x9], $0x80, $0x38;
	[tilespmem:$0xC180] =	vst v63  }
0xb0: {  	s10 =	simm.s32 $0x8D00  }
0xb1: {  	[spmem:s9] =	stream.linear.scatter [tilespmem:s10], [sflag:$0x9], $0x80, $0x38;
	[tilespmem:$0xC180] =	vst v63  }
0xb2: {  	_ =	swait.ge [sflag:s14], $0x100  }
0xb3: {  	[sflag:s14] =	ssyncset.done $0x0;
	s11 =	rddreg [dreg:$0xe]  }
0xb4: {  	s21 =	simm.s32 $0x8980;
	s22 =	sld [smem:$0x7FA];
	[sflag:s14] =	ssyncadd.s32 $0xFFFFFF00  }
0xb5: {  	[spmem:s11] =	stream.linear.scatter [tilespmem:s21], [sflag:$0x9], $0x80, $0x38;
	[tilespmem:$0xC180] =	vst v63  }
0xb6: {  	s23 =	simm.s32 $0x8D80  }
0xb7: {  	[spmem:s22] =	stream.linear.scatter [tilespmem:s23], [sflag:$0x9], $0x80, $0x38;
	[tilespmem:$0xC180] =	vst v63  }
0xb8: {  	_ =	swait.ge [sflag:s14], $0x100  }
0xb9: {  	[sflag:s14] =	ssyncset.done $0x0;
	s24 =	rddreg [dreg:$0xf]  }
0xba: {  	s25 =	simm.s32 $0x8A00;
	s26 =	sld [smem:$0x7FB];
	[sflag:s14] =	ssyncadd.s32 $0xFFFFFF00  }
0xbb: {  	[spmem:s24] =	stream.linear.scatter [tilespmem:s25], [sflag:$0x9], $0x80, $0x38;
	[tilespmem:$0xC180] =	vst v63  }
0xbc: {  	s28 =	simm.s32 $0x8E00  }
0xbd: {  	[spmem:s26] =	stream.linear.scatter [tilespmem:s28], [sflag:$0x9], $0x80, $0x38;
	[tilespmem:$0xC180] =	vst v63  }
0xbe: {  	_ =	swait.ge [sflag:s14], $0x100  }
0xbf: {  	[sflag:s14] =	ssyncset.done $0x0;
	s29 =	rddreg [dreg:$0x10]  }
0xc0: {  	s31 =	simm.s32 $0x8A80;
	s2 =	sld [smem:$0x7FC];
	[sflag:s14] =	ssyncadd.s32 $0xFFFFFF00  }
0xc1: {  	[spmem:s29] =	stream.linear.scatter [tilespmem:s31], [sflag:$0x9], $0x80, $0x38;
	[tilespmem:$0xC180] =	vst v63  }
0xc2: {  	s4 =	simm.s32 $0x8E80  }
0xc3: {  	[spmem:s2] =	stream.linear.scatter [tilespmem:s4], [sflag:$0x9], $0x80, $0x38;
	[tilespmem:$0xC180] =	vst v63  }
0xc4: {  	_ =	swait.ge [sflag:s14], $0x100  }
0xc5: {  	[sflag:s14] =	ssyncset.done $0x0;
	s7 =	rddreg [dreg:$0x11]  }
0xc6: {  	s8 =	simm.s32 $0x8B00;
	s9 =	sld [smem:$0x7FD];
	[sflag:s14] =	ssyncadd.s32 $0xFFFFFF00  }
0xc7: {  	[spmem:s7] =	stream.linear.scatter [tilespmem:s8], [sflag:$0x9], $0x80, $0x38;
	[tilespmem:$0xC180] =	vst v63  }
0xc8: {  	s10 =	simm.s32 $0x8F00  }
0xc9: {  	[spmem:s9] =	stream.linear.scatter [tilespmem:s10], [sflag:$0x9], $0x80, $0x38;
	[tilespmem:$0xC180] =	vst v63  }
0xca: {  	_ =	swait.ge [sflag:s14], $0x100  }
0xcb: {  	[sflag:s14] =	ssyncset.done $0x0  }
0xcc: {  	s21 =	simm.s32 $0x8B80;
	s11 =	rddreg [dreg:$0x12];
	[sflag:s14] =	ssyncadd.s32 $0xFFFFFF00  }
0xcd: {  	[spmem:s11] =	stream.linear.scatter [tilespmem:s21], [sflag:$0x9], $0x80, $0x38;
	[tilespmem:$0xC180] =	vst v63  }
0xce: {  	s22 =	simm.s32 $0x8F80  }
0xcf: {  	[spmem:s12] =	stream.linear.scatter [tilespmem:s22], [sflag:$0x9], $0x80, $0x38;
	[tilespmem:$0xC180] =	vst v63  }
0xd0: {  	_ =	swait.ge [sflag:s14], $0x100  }
0xd1: {  	[sflag:s14] =	ssyncset.done $0x0  }
0xd2: {  	s24 =	simm.s32 $0x8C00;
	s23 =	rddreg [dreg:$0x14];
	[sflag:s14] =	ssyncadd.s32 $0xFFFFFF00  }
0xd3: {  	[spmem:s23] =	stream.linear.scatter [tilespmem:s24], [sflag:$0x9], $0x80, $0x38;
	[tilespmem:$0xC180] =	vst v63  }
0xd4: {  	s25 =	simm.s32 $0x9000  }
0xd5: {  	[spmem:s13] =	stream.linear.scatter [tilespmem:s25], [sflag:$0x9], $0x80, $0x38;
	[tilespmem:$0xC180] =	vst v63  }
0xd6: {  	_ =	swait.ge [sflag:s14], $0x100  }
0xd7: {  	[sflag:s14] =	ssyncset.done $0x0  }
0xd8: {  	[sflag:s14] =	ssyncadd.s32 $0xFFFFFF00  }
0xd9: {  	[bflag:$0x0] =	sbarrier.arrive $0xFFFF  }
0xda: {  	s28 =	simm.s32 $0x9080;
	s26 =	rddreg [dreg:$0x13]  }
0xdb: {  	[tilespmem:s28], [sflag:$0x9] =	stream.linear.gather [spmem:s26], $0x1000, $0x38;
	[tilespmem:$0xC180] =	vst v63  }
0xdc: {  	s29 =	simm.s32 $0x0;
	_ =	swait.ge [sflag:s14], $0x1000  }
0xdd: {  	s31 =	sand.u32 $0x800, s29;
	s0 =	sand.u32 $0x380, s29;
	[sflag:s14] =	ssyncset.done $0x0  }
0xde: {  	s0 =	sor.u32 s0, s31;
	[sflag:s14] =	ssyncadd.s32 $0xFFFFF000  }
0xdf: {  	v3 =	vld [tilespmem:s0+$0x94F0]  }
0xe0: {  	v5 =	vld [tilespmem:s0+$0x9080]  }
0xe1: {  	v6 =	vld [tilespmem:s0+$0x9090]  }
0xe2: {  	v7 =	vld [tilespmem:s0+$0x90A0]  }
0xe3: {  	v8 =	vld [tilespmem:s0+$0x90B0]  }
0xe4: {  	v9 =	vld [tilespmem:s0+$0x90C0]  }
0xe5: {  	v10 =	vld [tilespmem:s0+$0x90D0]  }
0xe6: {  	v11 =	vld [tilespmem:s0+$0x90E0]  }
0xe7: {  	v14 =	vld [tilespmem:s0+$0x90F0]  }
0xe8: {  	v23 =	vld [tilespmem:s0+$0x9480]  }
0xe9: {  	v4 =	vimm.f32 $-Inf  }
0xea: {  	v22 =	vld [tilespmem:s0+$0x9490];
	v3 =	vmax.f32 v4, v3;
	v18 =	vmax.f32 v4, v5;
	v16 =	vmax.f32 v4, v6  }
0xeb: {  	v19 =	vld [tilespmem:s0+$0x94A0];
	v17 =	vmax.f32 v4, v7;
	v15 =	vmax.f32 v4, v8;
	v12 =	vmax.f32 v4, v9  }
0xec: {  	v20 =	vld [tilespmem:s0+$0x94B0];
	v13 =	vmax.f32 v4, v10;
	v10 =	vmax.f32 v4, v11;
	v11 =	vmax.f32 v4, v14  }
0xed: {  	s4 =	simm.s32 $0x100;
	s2 =	simm.s32 $0x80;
	v21 =	vld [tilespmem:s0+$0x94C0];
	v14 =	vmax.f32 v4, v23;
	v8 =	vimm.f32 $-Inf;
	v6 =	vimm.f32 $-Inf  }
0xee: {  	s7 =	sand.u32 $0x800, s4;
	s8 =	sand.u32 $0x380, s2;
	s4 =	simm.s32 $0x200;
	v23 =	vld [tilespmem:s0+$0x94D0];
	v9 =	vimm.f32 $-Inf;
	v7 =	vimm.f32 $-Inf;
	v5 =	vimm.f32 $-Inf  }
.LBB2_14:
0xef: {  	p0 =	sne.s32 s4, $0xF00;
	v4 =	vmax.f32 v4, v22;
	v22 =	vld [tilespmem:s0+$0x94E0];
	s0 =	sor.u32 s8, s7  }
0xf0: {  	v24 =	vld [tilespmem:s0+$0x94F0];
	v8 =	vmax.f32 v8, v19  }
0xf1: {  	v19 =	vld [tilespmem:s0+$0x9080];
	v6 =	vmax.f32 v6, v20  }
0xf2: {  	v20 =	vld [tilespmem:s0+$0x9090];
	v9 =	vmax.f32 v9, v21  }
0xf3: {  	v21 =	vld [tilespmem:s0+$0x90A0];
	v7 =	vmax.f32 v7, v23  }
0xf4: {  	v23 =	vld [tilespmem:s0+$0x90B0];
	v5 =	vmax.f32 v5, v22  }
0xf5: {  	v22 =	vld [tilespmem:s0+$0x90C0];
	v3 =	vmax.f32 v3, v24  }
0xf6: {  	v18 =	vmax.f32 v18, v19;
	v19 =	vld [tilespmem:s0+$0x90D0]  }
0xf7: {  	v16 =	vmax.f32 v16, v20;
	v20 =	vld [tilespmem:s0+$0x90E0]  }
0xf8: {  	v17 =	vmax.f32 v17, v21;
	v21 =	vld [tilespmem:s0+$0x90F0]  }
0xf9: {  	v15 =	vmax.f32 v15, v23;
	v23 =	vld [tilespmem:s0+$0x9480]  }
.Ltmp2:
0xfa: {  	v12 =	vmax.f32 v12, v22;
	v22 =	vld [tilespmem:s0+$0x9490];
	(pc) =	sbr.rel @p0 .LBB2_14-.Ltmp2, $4  }
0xfb: {  	v13 =	vmax.f32 v13, v19;
	v19 =	vld [tilespmem:s0+$0x94A0]  }
0xfc: {  	v10 =	vmax.f32 v10, v20;
	v20 =	vld [tilespmem:s0+$0x94B0]  }
0xfd: {  	s2 =	sadd.s32 $0x80, s2;
	v11 =	vmax.f32 v11, v21;
	v21 =	vld [tilespmem:s0+$0x94C0]  }
0xfe: {  	s7 =	sand.u32 $0x800, s4;
	s4 =	sadd.s32 $0x100, s4;
	s8 =	sand.u32 $0x380, s2;
	v14 =	vmax.f32 v14, v23;
	v23 =	vld [tilespmem:s0+$0x94D0]  }
0xff: {  	s2 =	sor.u32 s8, s7;
	v24 =	vld [tilespmem:s0+$0x94E0]  }
0x100: {  	v25 =	vld [tilespmem:s2+$0x94F0]  }
0x101: {  	v26 =	vld [tilespmem:s2+$0x9080]  }
0x102: {  	v27 =	vld [tilespmem:s2+$0x9090]  }
0x103: {  	v28 =	vld [tilespmem:s2+$0x90A0]  }
0x104: {  	v29 =	vld [tilespmem:s2+$0x90B0]  }
0x105: {  	v30 =	vld [tilespmem:s2+$0x90C0]  }
0x106: {  	v31 =	vld [tilespmem:s2+$0x90D0]  }
0x107: {  	v32 =	vld [tilespmem:s2+$0x90E0]  }
0x108: {  	v33 =	vld [tilespmem:s2+$0x90F0]  }
0x109: {  	v34 =	vld [tilespmem:s2+$0x9480]  }
0x10a: {  	v35 =	vld [tilespmem:s2+$0x9490]  }
0x10b: {  	v36 =	vld [tilespmem:s2+$0x94A0]  }
0x10c: {  	v37 =	vld [tilespmem:s2+$0x94B0]  }
0x10d: {  	v38 =	vld [tilespmem:s2+$0x94C0]  }
0x10e: {  	v39 =	vld [tilespmem:s2+$0x94D0];
	v18 =	vmax.f32 v18, v26  }
0x10f: {  	v59 =	vld [tilespmem:s2+$0x94E0];
	v16 =	vmax.f32 v16, v27;
	[tilespmem:$0xA080] =	vst v18  }
0x110: {  	v17 =	vmax.f32 v17, v28;
	[tilespmem:$0xA090] =	vst v16  }
0x111: {  	v15 =	vmax.f32 v15, v29;
	[tilespmem:$0xA0A0] =	vst v17  }
0x112: {  	v12 =	vmax.f32 v12, v30;
	[tilespmem:$0xA0B0] =	vst v15  }
0x113: {  	v13 =	vmax.f32 v13, v31;
	[tilespmem:$0xA0C0] =	vst v12  }
0x114: {  	v10 =	vmax.f32 v10, v32;
	[tilespmem:$0xA0D0] =	vst v13  }
0x115: {  	v11 =	vmax.f32 v11, v33;
	[tilespmem:$0xA0E0] =	vst v10  }
0x116: {  	v4 =	vmax.f32 v4, v22;
	v60 =	vmax.f32 v14, v34;
	[tilespmem:$0xA0F0] =	vst v11  }
0x117: {  	v8 =	vmax.f32 v8, v19;
	v4 =	vmax.f32 v4, v35;
	[tilespmem:$0xA100] =	vst v60  }
0x118: {  	v6 =	vmax.f32 v6, v20;
	v8 =	vmax.f32 v8, v36;
	[tilespmem:$0xA110] =	vst v4  }
0x119: {  	v7 =	vmax.f32 v7, v23;
	v6 =	vmax.f32 v6, v37;
	[tilespmem:$0xA120] =	vst v8  }
0x11a: {  	v5 =	vmax.f32 v5, v24;
	v62 =	vmax.f32 v7, v39;
	[tilespmem:$0xA130] =	vst v6  }
0x11b: {  	v63 =	vmax.f32 v5, v59;
	[tilespmem:$0xA150] =	vst v62  }
0x11c: {  	v61 =	vmax.f32 v9, v21;
	v3 =	vmax.f32 v3, v25;
	[tilespmem:$0xA160] =	vst v63  }
0x11d: {  	v4 =	vmax.f32 v61, v38;
	[tilespmem:$0xA170] =	vst v3  }
0x11e: {  	s28 =	rddreg [dreg:$0x15];
	s29 =	simm.s32 $0xA080;
	[tilespmem:$0xA140] =	vst v4  }
0x11f: {  	[hbm4b:s28+s3] =	stream.linear.scatter [tilespmem:s29], [sflag:$0x9], $0x100, $0x38;
	[tilespmem:$0xC180] =	vst v63  }
0x120: {  	_ =	swait.ge [sflag:s14], $0x100  }
0x121: {  	s20 =	sadd.s32 $0x1, s20;
	s31 =	rddreg [dreg:$0x16]  }
0x122: {  	p0 =	sne.s32 s20, s31  }
.Ltmp3:
0x123: {  	_ = 	snop;
	(pc) =	sbr.rel @p0 .LBB2_1-.Ltmp3, $4  }
.Ltmp4:
0x124: {  	_ = 	snop;
	(pc) =	sbr.rel @!p0 .LBB2_16-.Ltmp4, $4  }
0x125: {  	_ = 	snop  }
0x126: {  	[sflag:s14] =	ssyncset.done $0x0  }
0x127: {  	[sflag:s14] =	ssyncadd.s32 $0xFFFFFF00  }
0x128: {  	_ = 	snop  }
.LBB2_12:
0x129: {  	s0 =	sshll.u32 s23, $0x8;
	s2 =	sshll.u32 s23, $0x7  }
0x12a: {  	s0 =	sand.u32 $0xFFFFF800, s0;
	s2 =	sand.u32 $0x380, s2  }
0x12b: {  	s0 =	sor.u32 s2, s0  }
0x12c: {  	[tilespmem:s0+$0x8080] =	vst v19  }
0x12d: {  	[tilespmem:s0+$0x8090] =	vst v20  }
0x12e: {  	[tilespmem:s0+$0x80A0] =	vst v18  }
0x12f: {  	[tilespmem:s0+$0x80B0] =	vst v17  }
0x130: {  	[tilespmem:s0+$0x80C0] =	vst v16  }
0x131: {  	[tilespmem:s0+$0x80D0] =	vst v15  }
0x132: {  	[tilespmem:s0+$0x80E0] =	vst v14  }
0x133: {  	[tilespmem:s0+$0x80F0] =	vst v13  }
0x134: {  	[tilespmem:s0+$0x8480] =	vst v11  }
0x135: {  	s23 =	sadd.s32 $0x1, s23;
	[tilespmem:s0+$0x8490] =	vst v9  }
0x136: {  	p0 =	sne.s32 s23, s24;
	[tilespmem:s0+$0x84A0] =	vst v12  }
.Ltmp5:
0x137: {  	[tilespmem:s0+$0x84B0] =	vst v10;
	(pc) =	sbr.rel @!p0 .LBB2_13-.Ltmp5, $4  }
0x138: {  	[tilespmem:s0+$0x84C0] =	vst v8  }
0x139: {  	[tilespmem:s0+$0x84D0] =	vst v7  }
0x13a: {  	[tilespmem:s0+$0x84E0] =	vst v6  }
0x13b: {  	[tilespmem:s0+$0x84F0] =	vst v5  }
.LBB2_4:
0x13c: {  	v5 =	vmov s23  }
0x13d: {  	vm1 =	veq.s32 v5, v2  }
0x13e: {  	v5 =	vnsel vm1, $0x0, v4  }
0x13f: {  	(xrf0) =	vadd.scan.msk.s32 $0xffff, v5;
	_ =	sdelay $0x5  }
0x140: {  	v6 =	vnsel vm1, $0x0, v3;
	v5, _, _ =	vpop (xrf0)  }
0x141: {  	(xrf0) =	vadd.scan.msk.s32 $0xffff, v6;
	(v2sf) =	vpush v5, $0xF;
	_ =	sdelay $0x5  }
0x142: {  	v5, _, _ =	vpop (xrf0)  }
0x143: {  	(v2sf) =	vpush v5, $0xF;
	_ =	sdelay $0x7  }
0x144: {  	s0 =	spop (v2sf)  }
0x145: {  	s22 =	smov.u32 s25;
	p0 =	sgt.s32 s0, s25  }
0x146: {  	s22 =	smov.u32 @p0 s0  }
0x147: {  	s0 =	sand.u32 $0x7, s22  }
0x148: {  	s2 =	sshra.s32 s22, $0x1F;
	p0 =	slt.s32 s22, $0x1;
	p1 =	sne.s32 s0, $0x0  }
0x149: {  	s9 =	sshrl.u32 s2, $0x1D;
	p0 =	por !p0, !p1  }
0x14a: {  	s2 =	simm.s32 $0x1;
	s0 =	sadd.s32 s9, s22;
	p0 =	por !p0, !p0  }
0x14b: {  	s4 =	spop (v2sf);
	s0 =	sshrl.u32 s0, $0x3;
	s2 =	simm.s32 @!p0 $0x0  }
0x14c: {  	s21 =	smov.u32 s26;
	p0 =	slt.s32 s4, s26;
	s0 =	ssub.s32 s0, s2  }
0x14d: {  	s21 =	smov.u32 @p0 s4;
	s31 =	sshll.u32 s0, $0x3  }
0x14e: {  	s0 =	ssub.s32 s21, s31  }
0x14f: {  	s0 =	sadd.s32 $0xF, s0  }
0x150: {  	s10 =	sand.u32 $0xF, s0  }
0x151: {  	s11 =	sshra.s32 s0, $0x1F;
	p6 =	slt.s32 s0, $0x1;
	p5 =	sne.s32 s10, $0x0  }
0x152: {  	s4 =	sshrl.u32 s11, $0x1C;
	p0 =	por !p6, !p5  }
0x153: {  	s0 =	sadd.s32 s4, s0;
	s4 =	simm.s32 $0x1;
	p0 =	por !p0, !p0  }
0x154: {  	s0 =	sshra.s32 s0, $0x4;
	s4 =	simm.s32 @!p0 $0x0  }
0x155: {  	p1 =	slt.s32 s31, $0x7FF0;
	s2 =	smov.u32 s31;
	s29 =	ssub.s32 s0, s4  }
0x156: {  	s2 =	simm.s32 @!p1 $0x7FF0;
	p0 =	slt.s32 s29, $0x2  }
.Ltmp6:
0x157: {  	s2 =	sshll.u32 s2, $0x9;
	(pc) =	sbr.rel @p0 .LBB2_7-.Ltmp6, $4  }
0x158: {  	s2 =	sor.u32 s5, s2  }
0x159: {  	s2 =	sshrl.u32 s2, $0x3  }
0x15a: {  	s28 =	sadd.s32 s1, s2  }
0x15b: {  	[tilespmem:s17], [sflag:$0x1] =	stream.strided.gather [hbm4b:s28+s15], $0x1000, s16, s15, $0x38;
	[tilespmem:$0xC180] =	vst v63  }
0x15c: {  	s0 =	sadd.s32 $0x10, s31  }
0x15d: {  	p0 =	slt.s32 s0, $0x7FF0  }
0x15e: {  	s0 =	simm.s32 @!p0 $0x7FF0  }
0x15f: {  	s0 =	sshll.u32 s0, $0x9  }
0x160: {  	s0 =	sor.u32 s5, s0  }
0x161: {  	s0 =	sshrl.u32 s0, $0x3  }
0x162: {  	p0 =	seq.s32 s29, $0x2;
	s0 =	sadd.s32 s1, s0  }
0x163: {  	[tilespmem:s18], [sflag:$0x2] =	stream.strided.gather [hbm4b:s0+s15], $0x1000, s16, s15, $0x38;
	[tilespmem:$0xC180] =	vst v63  }
0x164: {  	s0 =	sadd.s32 @!p0 $0x20, s31  }
0x165: {  	p1 =	slt.s32 @!p0 s0, $0x7FF0  }
0x166: {  	p1 =	por !p1, p0  }
0x167: {  	s0 =	simm.s32 @p1 $0x7FF0  }
0x168: {  	s0 =	sshll.u32 @!p0 s0, $0x9  }
0x169: {  	s0 =	sor.u32 @!p0 s5, s0  }
0x16a: {  	s2 =	simm.s32 @!p0 $0x800;
	s4 =	simm.s32 @!p0 $0x1000;
	s0 =	sshrl.u32 @!p0 s0, $0x3  }
0x16b: {  	s7 =	simm.s32 @!p0 $0x2080;
	p1 =	slt.u32 @!p0 s29, $0x4;
	s0 =	sadd.s32 @!p0 s1, s0  }
0x16c: {  	[tilespmem:s7], [sflag:$0x3] =	stream.strided.gather @!p0 [hbm4b:s0+s2], $0x1000, s4, s2, $0x38;
	[tilespmem:$0xC180] =	vst v63  }
0x16d: {  	p0 =	por p0, p1  }
.Ltmp7:
0x16e: {  	_ = 	snop;
	(pc) =	sbr.rel @p0 .LBB2_8-.Ltmp7, $1  }
0x16f: {  	_ =	sdelay $0x3  }
0x170: {  	s0 =	sadd.s32 $0x30, s31  }
0x171: {  	p0 =	slt.s32 s0, $0x7FF0  }
0x172: {  	s0 =	simm.s32 @!p0 $0x7FF0  }
0x173: {  	s0 =	sshll.u32 s0, $0x9  }
0x174: {  	s0 =	sor.u32 s5, s0  }
0x175: {  	s0 =	sshrl.u32 s0, $0x3  }
0x176: {  	p0 =	seq.s32 s29, $0x4;
	s0 =	sadd.s32 s1, s0  }
0x177: {  	[tilespmem:s19], [sflag:$0x4] =	stream.strided.gather [hbm4b:s0+s15], $0x1000, s16, s15, $0x38;
	[tilespmem:$0xC180] =	vst v63  }
0x178: {  	s0 =	sadd.s32 @!p0 $0x40, s31  }
0x179: {  	p1 =	slt.s32 @!p0 s0, $0x7FF0  }
0x17a: {  	p1 =	por !p1, p0  }
0x17b: {  	s0 =	simm.s32 @p1 $0x7FF0  }
0x17c: {  	s0 =	sshll.u32 @!p0 s0, $0x9  }
0x17d: {  	s2 =	simm.s32 @!p0 $0x800;
	s0 =	sor.u32 @!p0 s5, s0  }
0x17e: {  	s4 =	simm.s32 @!p0 $0x1000;
	p1 =	slt.u32 @!p0 s29, $0x6;
	s0 =	sshrl.u32 @!p0 s0, $0x3  }
0x17f: {  	s7 =	simm.s32 @!p0 $0x4080;
	p2 =	por p1, p0;
	s0 =	sadd.s32 @!p0 s1, s0  }
0x180: {  	[tilespmem:s7], [sflag:$0x5] =	stream.strided.gather @!p0 [hbm4b:s0+s2], $0x1000, s4, s2, $0x38;
	[tilespmem:$0xC180] =	vst v63  }
0x181: {  	s0 =	sadd.s32 @!p2 $0x50, s31  }
0x182: {  	p3 =	slt.s32 @!p2 s0, $0x7FF0  }
0x183: {  	p3 =	por @!p0 !p3, p1  }
0x184: {  	p3 =	por !p3, p0  }
0x185: {  	s0 =	simm.s32 @!p3 $0x7FF0  }
0x186: {  	s0 =	sshll.u32 @!p2 s0, $0x9  }
0x187: {  	s2 =	simm.s32 @!p2 $0x800;
	p3 =	seq.s32 @!p2 s29, $0x6;
	s0 =	sor.u32 @!p2 s5, s0  }
0x188: {  	s4 =	simm.s32 @!p2 $0x1000;
	p4 =	por @!p0 p3, p1;
	s0 =	sshrl.u32 @!p2 s0, $0x3  }
0x189: {  	s7 =	simm.s32 @!p2 $0x5080;
	p4 =	por p4, p0;
	s0 =	sadd.s32 @!p2 s1, s0  }
0x18a: {  	[tilespmem:s7], [sflag:$0x6] =	stream.strided.gather @!p2 [hbm4b:s0+s2], $0x1000, s4, s2, $0x38;
	[tilespmem:$0xC180] =	vst v63  }
0x18b: {  	s0 =	sadd.s32 @!p4 $0x60, s31  }
0x18c: {  	p5 =	slt.s32 @!p4 s0, $0x7FF0  }
0x18d: {  	p2 =	por @!p2 !p5, p3  }
0x18e: {  	p1 =	por @!p0 !p2, p1  }
0x18f: {  	p0 =	por !p1, p0  }
0x190: {  	s0 =	simm.s32 @p0 $0x7FF0  }
.Ltmp8:
0x191: {  	s0 =	sshll.u32 @!p4 s0, $0x9;
	(pc) =	sbr.rel .LBB2_8-.Ltmp8, $4  }
0x192: {  	s0 =	sor.u32 @!p4 s5, s0  }
0x193: {  	s2 =	simm.s32 @!p4 $0x800;
	s0 =	sshrl.u32 @!p4 s0, $0x3  }
0x194: {  	s4 =	simm.s32 @!p4 $0x1000;
	s7 =	simm.s32 @!p4 $0x6080;
	s0 =	sadd.s32 @!p4 s1, s0  }
0x195: {  	[tilespmem:s7], [sflag:$0x7] =	stream.strided.gather @!p4 [hbm4b:s0+s2], $0x1000, s4, s2, $0x38;
	[tilespmem:$0xC180] =	vst v63  }
.LBB2_7:
0x196: {  	v19 =	vimm.f32 $-Inf;
	p0 =	sne.s32 s29, $0x1  }
.Ltmp9:
0x197: {  	v20 =	vimm.f32 $-Inf;
	v18 =	vimm.f32 $-Inf;
	v17 =	vimm.f32 $-Inf;
	(pc) =	sbr.rel @p0 .LBB2_12-.Ltmp9, $4  }
0x198: {  	v16 =	vimm.f32 $-Inf;
	v15 =	vimm.f32 $-Inf;
	v14 =	vimm.f32 $-Inf  }
0x199: {  	v13 =	vimm.f32 $-Inf;
	v11 =	vimm.f32 $-Inf;
	v9 =	vimm.f32 $-Inf  }
0x19a: {  	v12 =	vimm.f32 $-Inf;
	v10 =	vimm.f32 $-Inf;
	v8 =	vimm.f32 $-Inf  }
0x19b: {  	v7 =	vimm.f32 $-Inf;
	v6 =	vimm.f32 $-Inf;
	v5 =	vimm.f32 $-Inf  }
.LBB2_8:
0x19c: {  	v5 =	vimm.f32 $-Inf  }
0x19d: {  	v6 =	vimm.f32 $-Inf;
	v7 =	vimm.f32 $-Inf;
	v8 =	vimm.f32 $-Inf  }
0x19e: {  	v10 =	vimm.f32 $-Inf;
	v12 =	vimm.f32 $-Inf;
	v9 =	vimm.f32 $-Inf  }
0x19f: {  	v11 =	vimm.f32 $-Inf;
	v13 =	vimm.f32 $-Inf;
	v14 =	vimm.f32 $-Inf  }
0x1a0: {  	v15 =	vimm.f32 $-Inf;
	v16 =	vimm.f32 $-Inf;
	v17 =	vimm.f32 $-Inf  }
0x1a1: {  	s28 =	smov.u32 s31;
	v18 =	vimm.f32 $-Inf;
	v20 =	vimm.f32 $-Inf;
	v19 =	vimm.f32 $-Inf;
	s0 =	simm.s32 $0x0  }
.LBB2_9:
0x1a2: {  	s2 =	sadd.s32 $0x7, s0  }
0x1a3: {  	p0 =	sge.s32 s2, s29  }
0x1a4: {  	s4 =	sshll.u32 @!p0 s2, $0x4  }
0x1a5: {  	s4 =	sadd.s32 @!p0 s31, s4  }
0x1a6: {  	s7 =	sand.u32 $0x7, s0;
	p1 =	slt.s32 @!p0 s4, $0x7FF0  }
0x1a7: {  	s8 =	sadd.s32 $0x1, s7;
	p1 =	por !p1, p0  }
0x1a8: {  	_ =	swait.ge [sflag:s8], $0x1000;
	s4 =	simm.s32 @p1 $0x7FF0  }
0x1a9: {  	s2 =	sand.u32 @!p0 $0x7, s2;
	s9 =	simm.s32 @!p0 $0x800;
	s4 =	sshll.u32 @!p0 s4, $0x9  }
0x1aa: {  	s10 =	simm.s32 @!p0 $0x1000;
	[sflag:s8] =	ssyncset.done $0x0;
	s4 =	sor.u32 @!p0 s5, s4  }
0x1ab: {  	[sflag:s8] =	ssyncadd.s32 $0xFFFFF000;
	s8 =	sshll.u32 @!p0 s2, $0xC;
	s4 =	sshrl.u32 @!p0 s4, $0x3  }
0x1ac: {  	s2 =	sadd.s32 @!p0 $0x1, s2;
	s8 =	sor.u32 @!p0 $0x80, s8;
	s4 =	sadd.s32 @!p0 s1, s4  }
0x1ad: {  	[tilespmem:s8], [sflag:s2] =	stream.strided.gather @!p0 [hbm4b:s4+s9], $0x1000, s10, s9, $0x38;
	[tilespmem:$0xC180] =	vst v63  }
0x1ae: {  	s4 =	sshll.u32 s7, $0xC  }
0x1af: {  	s7 =	sand.u32 $0x800, s30;
	s4 =	sor.u32 $0x80, s4  }
0x1b0: {  	s8 =	sand.u32 $0x200, s30;
	s2 =	sadd.s32 s7, s4  }
0x1b1: {  	s2 =	sadd.s32 s8, s2  }
0x1b2: {  	v28 =	vld [tilespmem:s2+$0x180]  }
0x1b3: {  	v29 =	vld [tilespmem:s2+$0x190]  }
0x1b4: {  	v30 =	vld [tilespmem:s2+$0x1A0]  }
0x1b5: {  	v31 =	vld [tilespmem:s2+$0x1B0]  }
0x1b6: {  	v32 =	vld [tilespmem:s2+$0x1C0]  }
0x1b7: {  	v33 =	vld [tilespmem:s2+$0x1D0]  }
0x1b8: {  	v34 =	vld [tilespmem:s2+$0x1E0]  }
0x1b9: {  	v25 =	vld [tilespmem:s2+$0x1F0]  }
0x1ba: {  	v26 =	vld [tilespmem:s2+$0x580]  }
0x1bb: {  	v27 =	vld [tilespmem:s2+$0x590]  }
0x1bc: {  	v22 =	vld [tilespmem:s2+$0x5A0]  }
0x1bd: {  	v23 =	vld [tilespmem:s2+$0x5B0]  }
0x1be: {  	v24 =	vld [tilespmem:s2+$0x5C0]  }
0x1bf: {  	v21 =	vld [tilespmem:s2+$0x5D0]  }
0x1c0: {  	v35 =	vld [tilespmem:s2+$0x100]  }
0x1c1: {  	v36 =	vld [tilespmem:s2+$0x110]  }
0x1c2: {  	v37 =	vld [tilespmem:s2+$0x120]  }
0x1c3: {  	v38 =	vld [tilespmem:s2+$0x0]  }
0x1c4: {  	v39 =	vld [tilespmem:s2+$0x130]  }
0x1c5: {  	v40 =	vld [tilespmem:s2+$0x80]  }
0x1c6: {  	p0 =	slt.s32 s28, $0x7FF0;
	s7 =	smov.u32 s28;
	v41 =	vld [tilespmem:s2+$0x140]  }
0x1c7: {  	s7 =	simm.s32 @!p0 $0x7FF0;
	v42 =	vld [tilespmem:s2+$0x150]  }
0x1c8: {  	s7 =	sadd.s32 $0x3, s7;
	v44 =	vld [tilespmem:s2+$0x20]  }
0x1c9: {  	v45 =	vld [tilespmem:s2+$0x30];
	s9 =	sadd.s32 $0xFFFFFFFD, s7  }
0x1ca: {  	v57 =	vld [tilespmem:s2+$0xA0];
	p2 =	sge.s32 s9, s22;
	p3 =	slt.s32 s9, s21  }
0x1cb: {  	v43 =	vld [tilespmem:s2+$0x90];
	s10 =	sadd.s32 $0xFFFFFFFE, s7;
	p0 =	por !p2, !p3  }
0x1cc: {  	v46 =	vld [tilespmem:s2+$0xB0];
	p4 =	sge.s32 s10, s22;
	p2 =	slt.s32 s10, s21;
	p0 =	por !p0, !p0;
	v38 =	vmax.f32 v19, v38  }
0x1cd: {  	v56 =	vld [tilespmem:s2+$0x10];
	s11 =	sadd.s32 $0xFFFFFFFF, s7;
	p1 =	por !p4, !p2;
	v59 =	vmax.f32 v18, v44;
	v19 =	vpsel p0, v38, v19  }
0x1ce: {  	v58 =	vld [tilespmem:s2+$0x160];
	p5 =	sge.s32 s11, s22;
	p3 =	slt.s32 s11, s21;
	p1 =	por !p1, !p1;
	v18 =	vpsel p0, v59, v18;
	v40 =	vmax.f32 v19, v40  }
0x1cf: {  	v63 =	vld [tilespmem:s2+$0x60];
	p2 =	por !p5, !p3;
	v60 =	vmax.f32 v17, v45;
	v19 =	vpsel p1, v40, v19;
	v40 =	vmax.f32 v18, v57  }
0x1d0: {  	v47 =	vld [tilespmem:s2+$0x170];
	p6 =	sge.s32 s7, s22;
	p4 =	slt.s32 s7, s21;
	p2 =	por !p2, !p2;
	v17 =	vpsel p0, v60, v17;
	v35 =	vmax.f32 v19, v35;
	v18 =	vpsel p1, v40, v18  }
0x1d1: {  	v49 =	vld [tilespmem:s2+$0xE0];
	p3 =	por !p6, !p4;
	v44 =	vmax.f32 v17, v46;
	v19 =	vpsel p2, v35, v19;
	v37 =	vmax.f32 v18, v37  }
0x1d2: {  	v61 =	vld [tilespmem:s2+$0xC0];
	p3 =	por !p3, !p3;
	v17 =	vpsel p1, v44, v17;
	v28 =	vmax.f32 v19, v28;
	v18 =	vpsel p2, v37, v18  }
0x1d3: {  	v54 =	vld [tilespmem:s2+$0x410];
	v19 =	vpsel p3, v28, v19;
	v28 =	vmax.f32 v20, v56;
	v30 =	vmax.f32 v18, v30  }
0x1d4: {  	v20 =	vpsel p0, v28, v20;
	v28 =	vld [tilespmem:s2+$0x40];
	v18 =	vpsel p3, v30, v18;
	v30 =	vmax.f32 v14, v63  }
0x1d5: {  	v62 =	vld [tilespmem:s2+$0x50];
	v39 =	vmax.f32 v17, v39;
	v43 =	vmax.f32 v20, v43;
	v14 =	vpsel p0, v30, v14  }
0x1d6: {  	v48 =	vld [tilespmem:s2+$0xD0];
	v17 =	vpsel p2, v39, v17;
	v20 =	vpsel p1, v43, v20;
	v53 =	vmax.f32 v14, v49  }
0x1d7: {  	v31 =	vmax.f32 v17, v31;
	v30 =	vld [tilespmem:s2+$0x400];
	v36 =	vmax.f32 v20, v36;
	v14 =	vpsel p1, v53, v14  }
0x1d8: {  	v60 =	vld [tilespmem:s2+$0x430];
	v17 =	vpsel p3, v31, v17;
	v20 =	vpsel p2, v36, v20;
	v35 =	vmax.f32 v14, v58  }
0x1d9: {  	v55 =	vld [tilespmem:s2+$0x480];
	v58 =	vmax.f32 v9, v54;
	v29 =	vmax.f32 v20, v29;
	v28 =	vmax.f32 v16, v28  }
0x1da: {  	v50 =	vld [tilespmem:s2+$0x500];
	v14 =	vpsel p2, v35, v14;
	v9 =	vpsel p0, v58, v9;
	v20 =	vpsel p3, v29, v20  }
0x1db: {  	v51 =	vld [tilespmem:s2+$0x510];
	v29 =	vmax.f32 v15, v62;
	v16 =	vpsel p0, v28, v16;
	v34 =	vmax.f32 v14, v34  }
0x1dc: {  	v30 =	vmax.f32 v11, v30;
	v15 =	vpsel p0, v29, v15;
	v29 =	vld [tilespmem:s2+$0x70];
	v28 =	vmax.f32 v16, v61  }
0x1dd: {  	v52 =	vld [tilespmem:s2+$0xF0];
	v14 =	vpsel p3, v34, v14;
	v11 =	vpsel p0, v30, v11;
	v34 =	vmax.f32 v10, v60  }
0x1de: {  	v56 =	vld [tilespmem:s2+$0x490];
	v31 =	vmax.f32 v15, v48;
	v16 =	vpsel p1, v28, v16;
	v61 =	vmax.f32 v11, v55  }
0x1df: {  	v59 =	vld [tilespmem:s2+$0x420];
	v15 =	vpsel p1, v31, v15;
	v28 =	vmax.f32 v16, v41;
	v11 =	vpsel p1, v61, v11  }
0x1e0: {  	v62 =	vld [tilespmem:s2+$0x440];
	v31 =	vmax.f32 v15, v42;
	v16 =	vpsel p2, v28, v16;
	v36 =	vmax.f32 v11, v50  }
0x1e1: {  	v28 =	vld [tilespmem:s2+$0x530];
	v15 =	vpsel p2, v31, v15;
	v32 =	vmax.f32 v16, v32;
	v57 =	vmax.f32 v13, v29  }
0x1e2: {  	v31 =	vld [tilespmem:s2+$0x520];
	v11 =	vpsel p2, v36, v11;
	v33 =	vmax.f32 v15, v33;
	v13 =	vpsel p0, v57, v13  }
0x1e3: {  	v29 =	vld [tilespmem:s2+$0x4A0];
	v15 =	vpsel p3, v33, v15;
	v33 =	vmax.f32 v9, v56;
	v30 =	vmax.f32 v13, v52  }
0x1e4: {  	v16 =	vpsel p3, v32, v16;
	v32 =	vld [tilespmem:s2+$0x4B0];
	v9 =	vpsel p1, v33, v9;
	v13 =	vpsel p1, v30, v13  }
0x1e5: {  	v26 =	vmax.f32 v11, v26;
	v33 =	vld [tilespmem:s2+$0x4C0];
	v37 =	vmax.f32 v9, v51;
	v30 =	vmax.f32 v13, v47  }
0x1e6: {  	v11 =	vpsel p3, v26, v11;
	v26 =	vld [tilespmem:s2+$0x4D0];
	v9 =	vpsel p2, v37, v9;
	v13 =	vpsel p2, v30, v13  }
0x1e7: {  	v35 =	vmax.f32 v8, v62;
	v30 =	vld [tilespmem:s2+$0x540];
	v27 =	vmax.f32 v9, v27;
	v63 =	vmax.f32 v13, v25  }
0x1e8: {  	s8 =	simm.s32 $0x400;
	s9 =	simm.s32 $0x0;
	v25 =	vld [tilespmem:s2+$0x550];
	v9 =	vpsel p3, v27, v9;
	v27 =	vmax.f32 v12, v59;
	v13 =	vpsel p3, v63, v13  }
.LBB2_10:
0x1e9: {  	p4 =	sne.s32 s8, $0xC00;
	v12 =	vpsel p0, v27, v12;
	v10 =	vpsel p0, v34, v10;
	v8 =	vpsel p0, v35, v8;
	v27 =	vld [tilespmem:s2+$0x450]  }
0x1ea: {  	v34 =	vld [tilespmem:s2+$0x460];
	v29 =	vmax.f32 v12, v29;
	v32 =	vmax.f32 v10, v32;
	v33 =	vmax.f32 v8, v33  }
0x1eb: {  	v35 =	vld [tilespmem:s2+$0x470];
	v12 =	vpsel p1, v29, v12;
	v10 =	vpsel p1, v32, v10;
	v8 =	vpsel p1, v33, v8  }
0x1ec: {  	v29 =	vld [tilespmem:s2+$0x4E0];
	v31 =	vmax.f32 v12, v31;
	v28 =	vmax.f32 v10, v28;
	v30 =	vmax.f32 v8, v30  }
0x1ed: {  	v32 =	vld [tilespmem:s2+$0x4F0];
	v12 =	vpsel p2, v31, v12;
	v10 =	vpsel p2, v28, v10;
	v8 =	vpsel p2, v30, v8  }
0x1ee: {  	v28 =	vld [tilespmem:s2+$0x560];
	v22 =	vmax.f32 v12, v22;
	v23 =	vmax.f32 v10, v23;
	v24 =	vmax.f32 v8, v24  }
0x1ef: {  	s10 =	sand.u32 $0x800, s8;
	s9 =	sadd.s32 $0x200, s9;
	v30 =	vld [tilespmem:s2+$0x570];
	v12 =	vpsel p3, v22, v12;
	v10 =	vpsel p3, v23, v10;
	v8 =	vpsel p3, v24, v8  }
0x1f0: {  	s11 =	sand.u32 $0x200, s9;
	s10 =	sadd.s32 s10, s4;
	v22 =	vmax.f32 v7, v27;
	v23 =	vmax.f32 v6, v34;
	v24 =	vmax.f32 v5, v35;
	v27 =	vld [tilespmem:s2+$0x5E0]  }
0x1f1: {  	v7 =	vpsel p0, v22, v7;
	v6 =	vpsel p0, v23, v6;
	v5 =	vpsel p0, v24, v5;
	v22 =	vld [tilespmem:s2+$0x5F0];
	s2 =	sadd.s32 s11, s10  }
0x1f2: {  	v23 =	vmax.f32 v7, v26;
	v24 =	vmax.f32 v6, v29;
	v33 =	vld [tilespmem:s2+$0x180];
	v26 =	vmax.f32 v5, v32  }
0x1f3: {  	v7 =	vpsel p1, v23, v7;
	v6 =	vpsel p1, v24, v6;
	v31 =	vld [tilespmem:s2+$0x190];
	v5 =	vpsel p1, v26, v5  }
0x1f4: {  	v23 =	vmax.f32 v7, v25;
	v24 =	vmax.f32 v6, v28;
	v32 =	vld [tilespmem:s2+$0x1A0];
	v25 =	vmax.f32 v5, v30  }
0x1f5: {  	v7 =	vpsel p2, v23, v7;
	v6 =	vpsel p2, v24, v6;
	v34 =	vld [tilespmem:s2+$0x1B0];
	v5 =	vpsel p2, v25, v5  }
0x1f6: {  	v21 =	vmax.f32 v7, v21;
	v23 =	vmax.f32 v6, v27;
	v28 =	vld [tilespmem:s2+$0x1C0];
	v22 =	vmax.f32 v5, v22  }
0x1f7: {  	v7 =	vpsel p3, v21, v7;
	v6 =	vpsel p3, v23, v6;
	v29 =	vld [tilespmem:s2+$0x1D0];
	v5 =	vpsel p3, v22, v5  }
0x1f8: {  	v30 =	vld [tilespmem:s2+$0x1E0]  }
0x1f9: {  	v25 =	vld [tilespmem:s2+$0x1F0]  }
0x1fa: {  	v26 =	vld [tilespmem:s2+$0x580]  }
0x1fb: {  	v27 =	vld [tilespmem:s2+$0x590]  }
0x1fc: {  	v22 =	vld [tilespmem:s2+$0x5A0]  }
0x1fd: {  	v23 =	vld [tilespmem:s2+$0x5B0]  }
0x1fe: {  	v24 =	vld [tilespmem:s2+$0x5C0]  }
0x1ff: {  	v21 =	vld [tilespmem:s2+$0x5D0]  }
0x200: {  	v35 =	vld [tilespmem:s2+$0x100]  }
0x201: {  	v36 =	vld [tilespmem:s2+$0x110]  }
0x202: {  	v37 =	vld [tilespmem:s2+$0x120]  }
0x203: {  	v38 =	vld [tilespmem:s2+$0x0]  }
0x204: {  	s7 =	sadd.s32 $0x4, s7;
	v39 =	vld [tilespmem:s2+$0x130]  }
0x205: {  	s10 =	sadd.s32 $0xFFFFFFFD, s7;
	v40 =	vld [tilespmem:s2+$0x80]  }
0x206: {  	p0 =	sge.s32 s10, s22;
	p1 =	slt.s32 s10, s21;
	v41 =	vld [tilespmem:s2+$0x140]  }
0x207: {  	s10 =	sadd.s32 $0xFFFFFFFE, s7;
	p0 =	por !p0, !p1;
	v42 =	vld [tilespmem:s2+$0x150]  }
0x208: {  	p1 =	sge.s32 s10, s22;
	p0 =	por !p0, !p0;
	p2 =	slt.s32 s10, s21;
	v38 =	vmax.f32 v19, v38;
	v43 =	vld [tilespmem:s2+$0x90]  }
0x209: {  	s10 =	sadd.s32 $0xFFFFFFFF, s7;
	p1 =	por !p1, !p2;
	v19 =	vpsel p0, v38, v19;
	v38 =	vld [tilespmem:s2+$0x10]  }
0x20a: {  	p2 =	sge.s32 s10, s22;
	p1 =	por !p1, !p1;
	p3 =	slt.s32 s10, s21;
	v44 =	vld [tilespmem:s2+$0x20];
	v40 =	vmax.f32 v19, v40  }
0x20b: {  	p2 =	por !p2, !p3;
	v45 =	vld [tilespmem:s2+$0x30];
	v19 =	vpsel p1, v40, v19  }
0x20c: {  	p5 =	slt.s32 s7, s21;
	p3 =	sge.s32 s7, s22;
	p2 =	por !p2, !p2;
	v40 =	vld [tilespmem:s2+$0xA0];
	v35 =	vmax.f32 v19, v35  }
0x20d: {  	p3 =	por !p3, !p5;
	v46 =	vld [tilespmem:s2+$0xB0];
	v19 =	vpsel p2, v35, v19  }
0x20e: {  	p3 =	por !p3, !p3;
	v35 =	vld [tilespmem:s2+$0x160];
	v33 =	vmax.f32 v19, v33  }
0x20f: {  	v47 =	vld [tilespmem:s2+$0x170];
	v19 =	vpsel p3, v33, v19  }
0x210: {  	v33 =	vmax.f32 v20, v38;
	v38 =	vmax.f32 v18, v44;
	v44 =	vmax.f32 v17, v45;
	v45 =	vld [tilespmem:s2+$0xC0]  }
0x211: {  	v20 =	vpsel p0, v33, v20;
	v18 =	vpsel p0, v38, v18;
	v17 =	vpsel p0, v44, v17;
	v33 =	vld [tilespmem:s2+$0x40]  }
0x212: {  	v43 =	vmax.f32 v20, v43;
	v40 =	vmax.f32 v18, v40;
	v38 =	vld [tilespmem:s2+$0x50];
	v44 =	vmax.f32 v17, v46  }
0x213: {  	v20 =	vpsel p1, v43, v20;
	v18 =	vpsel p1, v40, v18;
	v46 =	vld [tilespmem:s2+$0x60];
	v17 =	vpsel p1, v44, v17  }
0x214: {  	v36 =	vmax.f32 v20, v36;
	v37 =	vmax.f32 v18, v37;
	v40 =	vld [tilespmem:s2+$0xD0];
	v39 =	vmax.f32 v17, v39  }
0x215: {  	v20 =	vpsel p2, v36, v20;
	v18 =	vpsel p2, v37, v18;
	v43 =	vld [tilespmem:s2+$0xE0];
	v17 =	vpsel p2, v39, v17  }
0x216: {  	v31 =	vmax.f32 v20, v31;
	v32 =	vmax.f32 v18, v32;
	v36 =	vld [tilespmem:s2+$0x500];
	v34 =	vmax.f32 v17, v34  }
0x217: {  	v20 =	vpsel p3, v31, v20;
	v18 =	vpsel p3, v32, v18;
	v37 =	vld [tilespmem:s2+$0x510];
	v17 =	vpsel p3, v34, v17  }
0x218: {  	v31 =	vmax.f32 v16, v33;
	v32 =	vmax.f32 v15, v38;
	v33 =	vmax.f32 v14, v46;
	v34 =	vld [tilespmem:s2+$0xF0]  }
0x219: {  	v16 =	vpsel p0, v31, v16;
	v15 =	vpsel p0, v32, v15;
	v14 =	vpsel p0, v33, v14;
	v32 =	vld [tilespmem:s2+$0x70]  }
0x21a: {  	v31 =	vmax.f32 v16, v45;
	v38 =	vmax.f32 v15, v40;
	v33 =	vld [tilespmem:s2+$0x400];
	v39 =	vmax.f32 v14, v43  }
0x21b: {  	v16 =	vpsel p1, v31, v16;
	v15 =	vpsel p1, v38, v15;
	v40 =	vld [tilespmem:s2+$0x410];
	v14 =	vpsel p1, v39, v14  }
0x21c: {  	v31 =	vmax.f32 v16, v41;
	v39 =	vmax.f32 v15, v42;
	v38 =	vld [tilespmem:s2+$0x480];
	v35 =	vmax.f32 v14, v35  }
0x21d: {  	v16 =	vpsel p2, v31, v16;
	v15 =	vpsel p2, v39, v15;
	v41 =	vld [tilespmem:s2+$0x490];
	v14 =	vpsel p2, v35, v14  }
0x21e: {  	v35 =	vmax.f32 v16, v28;
	v29 =	vmax.f32 v15, v29;
	v31 =	vld [tilespmem:s2+$0x520];
	v30 =	vmax.f32 v14, v30  }
0x21f: {  	v16 =	vpsel p3, v35, v16;
	v15 =	vpsel p3, v29, v15;
	v28 =	vld [tilespmem:s2+$0x530];
	v14 =	vpsel p3, v30, v14  }
0x220: {  	v30 =	vmax.f32 v13, v32;
	v32 =	vmax.f32 v11, v33;
	v33 =	vmax.f32 v9, v40;
	v29 =	vld [tilespmem:s2+$0x4A0]  }
0x221: {  	v13 =	vpsel p0, v30, v13;
	v11 =	vpsel p0, v32, v11;
	v9 =	vpsel p0, v33, v9;
	v35 =	vld [tilespmem:s2+$0x420]  }
0x222: {  	v30 =	vmax.f32 v13, v34;
	v32 =	vmax.f32 v11, v38;
	v39 =	vld [tilespmem:s2+$0x430];
	v33 =	vmax.f32 v9, v41  }
0x223: {  	v13 =	vpsel p1, v30, v13;
	v11 =	vpsel p1, v32, v11;
	v38 =	vld [tilespmem:s2+$0x440];
	v9 =	vpsel p1, v33, v9  }
.Ltmp10:
0x224: {  	v30 =	vmax.f32 v13, v47;
	v34 =	vmax.f32 v11, v36;
	v32 =	vld [tilespmem:s2+$0x4B0];
	v36 =	vmax.f32 v9, v37;
	(pc) =	sbr.rel @p4 .LBB2_10-.Ltmp10, $4  }
0x225: {  	v13 =	vpsel p2, v30, v13;
	v11 =	vpsel p2, v34, v11;
	v33 =	vld [tilespmem:s2+$0x4C0];
	v9 =	vpsel p2, v36, v9  }
0x226: {  	v34 =	vmax.f32 v13, v25;
	v26 =	vmax.f32 v11, v26;
	v30 =	vld [tilespmem:s2+$0x540];
	v27 =	vmax.f32 v9, v27  }
0x227: {  	v13 =	vpsel p3, v34, v13;
	v11 =	vpsel p3, v26, v11;
	v25 =	vld [tilespmem:s2+$0x550];
	v9 =	vpsel p3, v27, v9  }
0x228: {  	s8 =	sadd.s32 $0x400, s8;
	v27 =	vmax.f32 v12, v35;
	v34 =	vmax.f32 v10, v39;
	v35 =	vmax.f32 v8, v38;
	v26 =	vld [tilespmem:s2+$0x4D0]  }
0x229: {  	v12 =	vpsel p0, v27, v12;
	v10 =	vpsel p0, v34, v10;
	v8 =	vpsel p0, v35, v8;
	v52 =	vld [tilespmem:s2+$0x450]  }
0x22a: {  	v54 =	vld [tilespmem:s2+$0x470];
	v29 =	vmax.f32 v12, v29;
	v32 =	vmax.f32 v10, v32;
	v33 =	vmax.f32 v8, v33  }
0x22b: {  	v53 =	vld [tilespmem:s2+$0x460];
	v12 =	vpsel p1, v29, v12;
	v10 =	vpsel p1, v32, v10;
	v8 =	vpsel p1, v33, v8  }
0x22c: {  	v55 =	vld [tilespmem:s2+$0x4E0];
	v31 =	vmax.f32 v12, v31;
	v28 =	vmax.f32 v10, v28;
	v30 =	vmax.f32 v8, v30  }
0x22d: {  	v56 =	vld [tilespmem:s2+$0x4F0];
	v12 =	vpsel p2, v31, v12;
	v10 =	vpsel p2, v28, v10;
	v8 =	vpsel p2, v30, v8  }
0x22e: {  	v57 =	vld [tilespmem:s2+$0x560];
	v22 =	vmax.f32 v12, v22;
	v23 =	vmax.f32 v10, v23;
	v24 =	vmax.f32 v8, v24  }
0x22f: {  	v58 =	vld [tilespmem:s2+$0x570];
	v59 =	vmax.f32 v5, v54;
	v12 =	vpsel p3, v22, v12;
	v10 =	vpsel p3, v23, v10  }
0x230: {  	v60 =	vld [tilespmem:s2+$0x5E0];
	v8 =	vpsel p3, v24, v8;
	v22 =	vmax.f32 v7, v52;
	v23 =	vmax.f32 v6, v53  }
0x231: {  	s0 =	sadd.s32 $0x1, s0;
	v5 =	vpsel p0, v59, v5;
	v7 =	vpsel p0, v22, v7;
	v6 =	vpsel p0, v23, v6;
	v22 =	vld [tilespmem:s2+$0x5F0]  }
0x232: {  	v62 =	vmax.f32 v5, v56;
	p0 =	sne.s32 s0, s29;
	v23 =	vmax.f32 v7, v26;
	v61 =	vmax.f32 v6, v55  }
.Ltmp11:
0x233: {  	v5 =	vpsel p1, v62, v5;
	v7 =	vpsel p1, v23, v7;
	v6 =	vpsel p1, v61, v6;
	(pc) =	sbr.rel @p0 .LBB2_9-.Ltmp11, $4  }
.Ltmp12:
0x234: {  	v63 =	vmax.f32 v5, v58;
	v23 =	vmax.f32 v7, v25;
	v24 =	vmax.f32 v6, v57;
	(pc) =	sbr.rel @!p0 .LBB2_12-.Ltmp12, $4  }
0x235: {  	v5 =	vpsel p2, v63, v5;
	v7 =	vpsel p2, v23, v7;
	v6 =	vpsel p2, v24, v6  }
0x236: {  	v21 =	vmax.f32 v7, v21;
	v23 =	vmax.f32 v6, v60;
	v22 =	vmax.f32 v5, v22  }
0x237: {  	s28 =	sadd.s32 $0x10, s28;
	v7 =	vpsel p3, v21, v7;
	v6 =	vpsel p3, v23, v6;
	v5 =	vpsel p3, v22, v5  }
0x238: {  	_ = 	snop  }
.LBB2_16:
0x239: {  	_ =	sfence.sel $0x180000  }
0x23a: {  	[bflag:$0x0] =	sbarrier.arrive $0xFFFF  }
0x23b: {  	_ =	strace $0x90000047  }
0x23c: {  	s0 =	stileid.u32;
	[bflag:$0x2] =	sbarrier.arrive $0xFFFF  }
0x23d: {  	p0 =	sne.s32 s0, $0x0;
	s0 =	rddreg [dreg:$0x4]  }
0x23e: {  	s0 =	sadd.s32 @!p0 $0x100000, s0  }
0x23f: {  	[sflag:s0] =	ssyncadd.tile.s32 @!p0 $0x1;
	_ =	shalt  }
.Lfunc_end2:
_tile_overlayer_lowered:
.L_overlay_start_2:
0x240: {  	(tag) =	ssettag $0x2  }
0x241: {  	s0 =	rddreg [dreg:$0x0];
	s2 =	stileid.u32  }
0x242: {  	s1 =	rddreg [dreg:$0x1];
	p0 =	sne.s32 s2, $0x0  }
0x243: {  	s3 =	rddreg [dreg:$0x2];
	[bflag:$0x3] =	sbarrier.arrive $0xFFFF;
	s2 =	simm.s32 @!p0 $0x1C09  }
0x244: {  	[timem:s3], [sflag:s2] =	dma.local @!p0 [hbm:s0], s1  }
0x245: {  	s0 =	simm.s32 @!p0 $0x9  }
0x246: {  	_ =	swait.ge @!p0 [sflag:s0], s1  }
0x247: {  	s1 =	ssub.s32 @!p0 $0x0, s1;
	[sflag:s0] =	ssyncset.done @!p0 $0x0  }
0x248: {  	[sflag:s0] =	ssyncadd.s32 @!p0 s1  }
0x249: {  	[bflag:$0x3] =	sbarrier.arrive $0xFFFF  }
0x24a: {  	_ =	shalt  }

</sc_bundles>
